<compile_context>
chip_gen: v7x
topology: tpu7x:2x2x1
jax: 0.10.2.dev20260603
libtpu: 0.0.44.dev20260713+nightly
codegen_flags: <defaults>
</compile_context>

<pallas_src>
import math

import jax
import jax.numpy as jnp
from jax import lax
from jax.experimental import pallas as pl
from jax.experimental.pallas import tpu as pltpu
from jax.experimental.pallas import tpu_sc as plsc

E_TOT = 320000
EMB_D = 128
HEADS = 8
CLIP_V = 10.0
NKEY = 100_000_000
KT = NKEY + 128
NC, NS = 2, 16
NW = NC * NS
PW = E_TOT // NW
NCHW = 79
PT = E_TOT // NS
NCHT = 157
SEG_PAD = 327680
DUMMY = E_TOT
ZB = SEG_PAD // NS
BE = 2048



def _hyper_body(pref_ref, f1w, f1b, f2w, f2b, f3w, f3b, wqa, wqb, wka, wkb,
                m_ref):
    pref2 = pref_ref[...].reshape(1, 2)
    h = lax.dot_general(pref2, f1w[...], (((1,), (1,)), ((), ())),
                        preferred_element_type=jnp.float32) + f1b[...][None, :]
    h = lax.dot_general(h, f2w[...], (((1,), (1,)), ((), ())),
                        preferred_element_type=jnp.float32) + f2b[...][None, :]
    mid = lax.dot_general(h, f3w[...], (((1,), (1,)), ((), ())),
                          preferred_element_type=jnp.float32) + f3b[...][None, :]
    wq = wqa[...] * mid[0, 0] + wqb[...] * mid[0, 1]
    wk = wka[...] * mid[0, 2] + wkb[...] * mid[0, 3]
    m_ref[...] = lax.dot_general(wq, wk, (((0,), (0,)), ((), ())),
                                 preferred_element_type=jnp.float32)


def _make_m(pref, fc1_w, fc1_b, fc2_w, fc2_b, fc3_w, fc3_b, Wq_w, Wk_w):
    wqa = Wq_w[:, 0].reshape(EMB_D, EMB_D)
    wqb = Wq_w[:, 1].reshape(EMB_D, EMB_D)
    wka = Wk_w[:, 0].reshape(EMB_D, EMB_D)
    wkb = Wk_w[:, 1].reshape(EMB_D, EMB_D)
    return pl.pallas_call(
        _hyper_body,
        out_shape=jax.ShapeDtypeStruct((EMB_D, EMB_D), jnp.float32),
    )(pref, fc1_w, fc1_b, fc2_w, fc2_b, fc3_w, fc3_b, wqa, wqb, wka, wkb)


def _prep_body(pref_ref, src, dst, d0, d1, emb, m, t_out, d_out, key_out):
    t_out[...] = lax.dot_general(emb[...], m[...], (((1,), (1,)), ((), ())),
                                 preferred_element_type=jnp.float32)
    d_out[...] = pref_ref[0, 0] * d0[...] + pref_ref[0, 1] * d1[...]
    key_out[...] = src[...] * 10000 + dst[...]


def _prep(pref2d, src, dst, d0, d1, emb, m):
    nb = pl.cdiv(E_TOT, BE)
    return pl.pallas_call(
        _prep_body,
        grid=(nb,),
        in_specs=[
            pl.BlockSpec((1, 2), lambda i: (0, 0)),
            pl.BlockSpec((BE,), lambda i: (i,)),
            pl.BlockSpec((BE,), lambda i: (i,)),
            pl.BlockSpec((BE,), lambda i: (i,)),
            pl.BlockSpec((BE,), lambda i: (i,)),
            pl.BlockSpec((BE, EMB_D), lambda i: (i, 0)),
            pl.BlockSpec((EMB_D, EMB_D), lambda i: (0, 0)),
        ],
        out_specs=[
            pl.BlockSpec((BE, EMB_D), lambda i: (i, 0)),
            pl.BlockSpec((BE,), lambda i: (i,)),
            pl.BlockSpec((BE,), lambda i: (i,)),
        ],
        out_shape=[
            jax.ShapeDtypeStruct((E_TOT, EMB_D), jnp.float32),
            jax.ShapeDtypeStruct((E_TOT,), jnp.float32),
            jax.ShapeDtypeStruct((E_TOT,), jnp.int32),
        ],
    )(pref2d, src, dst, d0, d1, emb, m)


def _score_body(qsum, t, cnt, d, ex_out):
    s = jnp.sum(qsum[...] * t[...], axis=1)
    score = s / (cnt[...] * (HEADS * math.sqrt(EMB_D))) \
        - d[...] * (1.0 / math.sqrt(2.0))
    ex_out[...] = jnp.exp(CLIP_V * jnp.tanh(score))


def _score(qsum, t, cnt, d):
    nb = pl.cdiv(E_TOT, BE)
    return pl.pallas_call(
        _score_body,
        grid=(nb,),
        in_specs=[
            pl.BlockSpec((BE, EMB_D), lambda i: (i, 0)),
            pl.BlockSpec((BE, EMB_D), lambda i: (i, 0)),
            pl.BlockSpec((BE,), lambda i: (i,)),
            pl.BlockSpec((BE,), lambda i: (i,)),
        ],
        out_specs=pl.BlockSpec((BE,), lambda i: (i,)),
        out_shape=jax.ShapeDtypeStruct((E_TOT,), jnp.float32),
    )(qsum, t, cnt, d)



def _sc_mesh():
    return plsc.VectorSubcoreMesh(core_axis_name="c", subcore_axis_name="s")


def _stage_rows_w(src_hbm, dst_v, base):
    def ld(j, _):
        pltpu.sync_copy(src_hbm.at[pl.ds(base + j * 128, 128)], dst_v.at[j])
        return 0
    lax.fori_loop(0, NCHW - 1, ld, 0)
    pltpu.sync_copy(src_hbm.at[pl.ds(base + (NCHW - 1) * 128, 16)],
                    dst_v.at[NCHW - 1, pl.ds(0, 16)])


def _rep_scatter_body(keys_hbm, eid_hbm, table_hbm, idx_v, val_v):
    c = lax.axis_index("c")
    s = lax.axis_index("s")
    base = (s * NC + c) * PW
    _stage_rows_w(keys_hbm, idx_v, base)
    _stage_rows_w(eid_hbm, val_v, base)
    for k in range(16, 128, 16):
        idx_v[NCHW - 1, pl.ds(k, 16)] = jnp.full((16,), NKEY, jnp.int32)

    def sc(j, _):
        pltpu.sync_copy(val_v.at[j], table_hbm.at[idx_v.at[j]])
        return 0
    lax.fori_loop(0, NCHW, sc, 0)


def _rep_scatter(keys, eid):
    return pl.kernel(
        _rep_scatter_body,
        out_type=jax.ShapeDtypeStruct((KT,), jnp.int32),
        mesh=_sc_mesh(),
        compiler_params=pltpu.CompilerParams(use_tc_tiling_on_sc=False),
        scratch_types=[
            pltpu.VMEM((NCHW, 128), jnp.int32),
            pltpu.VMEM((NCHW, 128), jnp.int32),
        ],
    )(keys, eid)


def _rep_gather_body(keys_hbm, table_hbm, g_hbm, idx_v, val_v):
    c = lax.axis_index("c")
    s = lax.axis_index("s")
    base = (s * NC + c) * PW
    _stage_rows_w(keys_hbm, idx_v, base)
    for k in range(16, 128, 16):
        idx_v[NCHW - 1, pl.ds(k, 16)] = jnp.full((16,), NKEY, jnp.int32)

    def gt(j, _):
        pltpu.sync_copy(table_hbm.at[idx_v.at[j]], val_v.at[j])
        return 0
    lax.fori_loop(0, NCHW, gt, 0)

    def st(j, _):
        pltpu.sync_copy(val_v.at[j], g_hbm.at[pl.ds(base + j * 128, 128)])
        return 0
    lax.fori_loop(0, NCHW - 1, st, 0)
    pltpu.sync_copy(val_v.at[NCHW - 1, pl.ds(0, 16)],
                    g_hbm.at[pl.ds(base + (NCHW - 1) * 128, 16)])


def _rep_gather(keys, table):
    return pl.kernel(
        _rep_gather_body,
        out_type=jax.ShapeDtypeStruct((E_TOT,), jnp.int32),
        mesh=_sc_mesh(),
        compiler_params=pltpu.CompilerParams(use_tc_tiling_on_sc=False),
        scratch_types=[
            pltpu.VMEM((NCHW, 128), jnp.int32),
            pltpu.VMEM((NCHW, 128), jnp.int32),
        ],
    )(keys, table)


def _stage_g_rows(g_hbm, g_v, tb):
    def ld(j, _):
        pltpu.sync_copy(g_hbm.at[pl.ds(tb + j * 128, 128)], g_v.at[j])
        return 0
    lax.fori_loop(0, NCHT - 1, ld, 0)
    pltpu.sync_copy(g_hbm.at[pl.ds(tb + (NCHT - 1) * 128, 32)],
                    g_v.at[NCHT - 1, pl.ds(0, 32)])
    for k in range(32, 128, 16):
        g_v[NCHT - 1, pl.ds(k, 16)] = jnp.full((16,), DUMMY, jnp.int32)


def _count_body(g_hbm, zeros1_hbm, cnt_hbm, cntfull_hbm, g_v, buf_v, zv, tab):
    c = lax.axis_index("c")
    s = lax.axis_index("s")

    @pl.when(c == 0)
    def _():
        tb = s * PT
        pltpu.sync_copy(zeros1_hbm, zv)
        for m in range(8):
            pltpu.sync_copy(zv, tab.at[pl.ds(s * ZB + m * 2560, 2560)])
        _stage_g_rows(g_hbm, g_v, tb)
        for k in range(0, 128, 16):
            buf_v[0, pl.ds(k, 16)] = jnp.ones((16,), jnp.float32)
        plsc.subcore_barrier()

        def sa(j, _):
            pltpu.sync_copy(buf_v.at[0], tab.at[g_v.at[j]], add=True)
            return 0
        lax.fori_loop(0, NCHT, sa, 0)
        plsc.subcore_barrier()
        for m in range(8):
            pltpu.sync_copy(tab.at[pl.ds(s * ZB + m * 2560, 2560)], zv)
            pltpu.sync_copy(zv, cntfull_hbm.at[pl.ds(s * ZB + m * 2560, 2560)])
        plsc.subcore_barrier()

        def ga(j, _):
            pltpu.sync_copy(cntfull_hbm.at[g_v.at[j]], buf_v.at[j])
            return 0
        lax.fori_loop(0, NCHT, ga, 0)

        def st(j, _):
            pltpu.sync_copy(buf_v.at[j], cnt_hbm.at[pl.ds(tb + j * 128, 128)])
            return 0
        lax.fori_loop(0, NCHT - 1, st, 0)
        pltpu.sync_copy(buf_v.at[NCHT - 1, pl.ds(0, 32)],
                        cnt_hbm.at[pl.ds(tb + (NCHT - 1) * 128, 32)])


def _counts(g, zeros1):
    return pl.kernel(
        _count_body,
        out_type=(jax.ShapeDtypeStruct((E_TOT,), jnp.float32),
                  jax.ShapeDtypeStruct((SEG_PAD,), jnp.float32)),
        mesh=_sc_mesh(),
        compiler_params=pltpu.CompilerParams(use_tc_tiling_on_sc=False),
        scratch_types=[
            pltpu.VMEM((NCHT, 128), jnp.int32),
            pltpu.VMEM((NCHT, 128), jnp.float32),
            pltpu.VMEM((2560,), jnp.float32),
            pltpu.VMEM_SHARED((SEG_PAD,), jnp.float32),
        ],
    )(g, zeros1)


def _segsum_body(g_hbm, embc_hbm, zeros4_hbm, qsum_hbm, tabfull_hbm, g_v,
                 ebuf_v, zbuf_v, tab):
    c = lax.axis_index("c")
    s = lax.axis_index("s")
    tb = s * PT
    _stage_g_rows(g_hbm, g_v, tb)
    pltpu.sync_copy(zeros4_hbm, zbuf_v)

    def chunk_body(cc, _carry):
        ch = cc * NC + c
        for m in range(8):
            pltpu.sync_copy(zbuf_v, tab.at[pl.ds(s * ZB + m * 2560, 2560)])
        plsc.subcore_barrier()

        def sa_blk(b, _):
            pltpu.sync_copy(embc_hbm.at[ch, pl.ds(tb + b * 2048, 2048)],
                            ebuf_v)
            for m in range(16):
                pltpu.sync_copy(ebuf_v.at[pl.ds(m * 128, 128)],
                                tab.at[g_v.at[b * 16 + m]], add=True)
            return 0
        lax.fori_loop(0, 9, sa_blk, 0)
        pltpu.sync_copy(embc_hbm.at[ch, pl.ds(tb + 18432, 1568)],
                        ebuf_v.at[pl.ds(0, 1568)])
        for m in range(13):
            pltpu.sync_copy(ebuf_v.at[pl.ds(m * 128, 128)],
                            tab.at[g_v.at[144 + m]], add=True)
        plsc.subcore_barrier()
        for m in range(10):
            pltpu.sync_copy(tab.at[pl.ds(s * ZB + m * 2048, 2048)], ebuf_v)
            pltpu.sync_copy(ebuf_v,
                            tabfull_hbm.at[c, pl.ds(s * ZB + m * 2048, 2048)])
        plsc.subcore_barrier()

        def ga_blk(b, _):
            for m in range(16):
                pltpu.sync_copy(tabfull_hbm.at[c].at[g_v.at[b * 16 + m]],
                                ebuf_v.at[pl.ds(m * 128, 128)])
            pltpu.sync_copy(ebuf_v,
                            qsum_hbm.at[ch, pl.ds(tb + b * 2048, 2048)])
            return 0
        lax.fori_loop(0, 9, ga_blk, 0)
        for m in range(13):
            pltpu.sync_copy(tabfull_hbm.at[c].at[g_v.at[144 + m]],
                            ebuf_v.at[pl.ds(m * 128, 128)])
        pltpu.sync_copy(ebuf_v.at[pl.ds(0, 1568)],
                        qsum_hbm.at[ch, pl.ds(tb + 18432, 1568)])
        plsc.subcore_barrier()
        return 0

    lax.fori_loop(0, 32, chunk_body, 0)


def _segsum(g, embc, zeros4):
    return pl.kernel(
        _segsum_body,
        out_type=(jax.ShapeDtypeStruct((64, E_TOT, 2), jnp.float32),
                  jax.ShapeDtypeStruct((NC, SEG_PAD, 2), jnp.float32)),
        mesh=_sc_mesh(),
        compiler_params=pltpu.CompilerParams(use_tc_tiling_on_sc=False),
        scratch_types=[
            pltpu.VMEM((NCHT, 128), jnp.int32),
            pltpu.VMEM((2048, 2), jnp.float32),
            pltpu.VMEM((2560, 2), jnp.float32),
            pltpu.VMEM_SHARED((SEG_PAD, 2), jnp.float32),
        ],
    )(g, embc, zeros4)


def _norm_body(g_hbm, ex_hbm, zeros1_hbm, probs_hbm, denfull_hbm, g_v, exb_v,
               dnb_v, zv, tab):
    c = lax.axis_index("c")
    s = lax.axis_index("s")

    @pl.when(c == 0)
    def _():
        tb = s * PT
        pltpu.sync_copy(zeros1_hbm, zv)
        for m in range(8):
            pltpu.sync_copy(zv, tab.at[pl.ds(s * ZB + m * 2560, 2560)])
        _stage_g_rows(g_hbm, g_v, tb)

        def lde(j, _):
            pltpu.sync_copy(ex_hbm.at[pl.ds(tb + j * 128, 128)], exb_v.at[j])
            return 0
        lax.fori_loop(0, NCHT - 1, lde, 0)
        pltpu.sync_copy(ex_hbm.at[pl.ds(tb + (NCHT - 1) * 128, 32)],
                        exb_v.at[NCHT - 1, pl.ds(0, 32)])
        plsc.subcore_barrier()

        def sa(j, _):
            pltpu.sync_copy(exb_v.at[j], tab.at[g_v.at[j]], add=True)
            return 0
        lax.fori_loop(0, NCHT, sa, 0)
        plsc.subcore_barrier()
        for m in range(8):
            pltpu.sync_copy(tab.at[pl.ds(s * ZB + m * 2560, 2560)], zv)
            pltpu.sync_copy(zv, denfull_hbm.at[pl.ds(s * ZB + m * 2560, 2560)])
        plsc.subcore_barrier()

        def ga(j, _):
            pltpu.sync_copy(denfull_hbm.at[g_v.at[j]], dnb_v.at[j])
            return 0
        lax.fori_loop(0, NCHT, ga, 0)

        def dv(j, _):
            for k in range(0, 128, 16):
                dnb_v[j, pl.ds(k, 16)] = (exb_v[j, pl.ds(k, 16)]
                                          / dnb_v[j, pl.ds(k, 16)])
            return 0
        lax.fori_loop(0, NCHT, dv, 0)

        def st(j, _):
            pltpu.sync_copy(dnb_v.at[j], probs_hbm.at[pl.ds(tb + j * 128, 128)])
            return 0
        lax.fori_loop(0, NCHT - 1, st, 0)
        pltpu.sync_copy(dnb_v.at[NCHT - 1, pl.ds(0, 32)],
                        probs_hbm.at[pl.ds(tb + (NCHT - 1) * 128, 32)])


def _norm(g, ex, zeros1):
    return pl.kernel(
        _norm_body,
        out_type=(jax.ShapeDtypeStruct((E_TOT,), jnp.float32),
                  jax.ShapeDtypeStruct((SEG_PAD,), jnp.float32)),
        mesh=_sc_mesh(),
        compiler_params=pltpu.CompilerParams(use_tc_tiling_on_sc=False),
        scratch_types=[
            pltpu.VMEM((NCHT, 128), jnp.int32),
            pltpu.VMEM((NCHT, 128), jnp.float32),
            pltpu.VMEM((NCHT, 128), jnp.float32),
            pltpu.VMEM((2560,), jnp.float32),
            pltpu.VMEM_SHARED((SEG_PAD,), jnp.float32),
        ],
    )(g, ex, zeros1)



def kernel(pref, dists, edge_emb, edge_indices, fc1_w, fc1_b, fc2_w, fc2_b,
           fc3_w, fc3_b, Wq_w, Wk_w):
    m = _make_m(pref, fc1_w, fc1_b, fc2_w, fc2_b, fc3_w, fc3_b, Wq_w, Wk_w)

    src = edge_indices[0]
    dst = edge_indices[1]
    d0 = dists[:, 0]
    d1 = dists[:, 1]
    t, d, keys = _prep(pref.reshape(1, 2), src, dst, d0, d1, edge_emb, m)

    eid = jnp.arange(E_TOT, dtype=jnp.int32)
    table = _rep_scatter(keys, eid)
    g = _rep_gather(keys, table)

    zeros1 = jnp.zeros((2560,), jnp.float32)
    zeros4 = jnp.zeros((2560, 2), jnp.float32)
    cnt, _ = _counts(g, zeros1)

    qsum = jax.ops.segment_sum(edge_emb, g, num_segments=E_TOT)[g]

    ex = _score(qsum, t, cnt, d)
    probs, _ = _norm(g, ex, zeros1)
    return probs[:, None]

# --- scband reference (transcript-rebuilt; emitter-appended) ---
"""Pipeline reference for scband-pruning-decoder-83434034692202 (READ-ONLY COPY).

The authoritative reference and input builder live on the scoring server;
editing this copy changes nothing except your own understanding.
"""

import math
import jax, jax.numpy as jnp
import numpy as np

E = 320000
N_NODES = 10000
EMB = 128
QKV = 16
H = 8
CLIP = 10.0
HID = 256
ED = 2


def _linear_init(key, out_f, in_f, bias=True):
    s = 1.0 / math.sqrt(in_f)
    k1, k2 = jax.random.split(key)
    w = jax.random.uniform(k1, (out_f, in_f), minval=-s, maxval=s, dtype=jnp.float32)
    if bias:
        b = jax.random.uniform(k2, (out_f,), minval=-s, maxval=s, dtype=jnp.float32)
        return w, b
    return w


def setup_inputs(seed: int = 0):
    key = jax.random.key(seed)
    ks = jax.random.split(key, 10)
    pref = jax.random.uniform(ks[0], (2,), dtype=jnp.float32)
    dists = jax.random.uniform(ks[1], (E, 2), dtype=jnp.float32)
    edge_emb = jax.random.normal(ks[2], (E, EMB), dtype=jnp.float32)
    edge_indices = jax.random.randint(ks[3], (2, E), 0, N_NODES, dtype=jnp.int32)
    fc1_w, fc1_b = _linear_init(ks[4], HID, 2)
    fc2_w, fc2_b = _linear_init(ks[5], HID, HID)
    fc3_w, fc3_b = _linear_init(ks[6], 2 * ED, HID)
    Wq_w = _linear_init(ks[7], EMB * H * QKV, ED, bias=False)
    Wk_w = _linear_init(ks[8], EMB * H * QKV, ED, bias=False)
    return {"pref": pref, "dists": dists, "edge_emb": edge_emb, "edge_indices": edge_indices,
            "fc1_w": fc1_w, "fc1_b": fc1_b, "fc2_w": fc2_w, "fc2_b": fc2_b,
            "fc3_w": fc3_w, "fc3_b": fc3_b, "Wq_w": Wq_w, "Wk_w": Wk_w}


def reference(pref, dists, edge_emb, edge_indices, fc1_w, fc1_b, fc2_w, fc2_b, fc3_w, fc3_b, Wq_w, Wk_w):
    # assign(pref): hypernetwork producing Wq, Wk
    h = pref @ fc1_w.T + fc1_b
    h = h @ fc2_w.T + fc2_b
    mid = h @ fc3_w.T + fc3_b
    Wq = (mid[:ED] @ Wq_w.T).reshape(EMB, H * QKV)
    Wk = (mid[ED:2 * ED] @ Wk_w.T).reshape(EMB, H * QKV)
    # reset(dists, edge_emb, edge_indices)
    d = pref[0] * dists[:, 0] + pref[1] * dists[:, 1]
    n_seg = edge_indices.shape[1]
    uniq, shared = jnp.unique(edge_indices, axis=1, return_inverse=True, size=n_seg)
    shared = shared.reshape(-1)
    group_sums = jax.ops.segment_sum(edge_emb, shared, num_segments=n_seg)
    counts = jnp.clip(jnp.bincount(shared, length=n_seg), 1, None).astype(jnp.float32)[:, None]
    group_means = group_sums / counts
    q = group_means[shared]
    # forward()
    final_q = (q @ Wq.T).reshape(-1, H, QKV)
    logits_k = (edge_emb @ Wk.T).reshape(-1, H, QKV)
    score = (final_q * logits_k).sum(axis=2).mean(axis=1) / math.sqrt(EMB) - d / math.sqrt(2.0)
    score = CLIP * jnp.tanh(score)
    # segment (scatter) softmax over shared_nodes groups
    seg_max = jax.ops.segment_max(score, shared, num_segments=n_seg)
    ex = jnp.exp(score - seg_max[shared])
    denom = jax.ops.segment_sum(ex, shared, num_segments=n_seg)
    probs = ex / denom[shared]
    return probs[:, None]

if __name__ == "__main__":
    import jax
    _d = setup_inputs()
    print(jax.jit(kernel)(*tuple(_d.values())))

</pallas_src>

<mosaic_0001>
#map = affine_map<(d0, d1) -> (0)>
module attributes {stable_mosaic.version = 14 : i64} {
  func.func @_rep_gather_body(%arg0: i32, %arg1: i32, %arg2: memref<320000xi32, #tpu.memory_space<hbm>>, %arg3: memref<100000128xi32, #tpu.memory_space<hbm>>, %arg4: memref<320000xi32, #tpu.memory_space<hbm>>, %arg5: memref<79x128xi32, #tpu.memory_space<vmem>>, %arg6: memref<79x128xi32, #tpu.memory_space<vmem>>) attributes {dimension_semantics = [#tpu.dimension_semantics<core_parallel>, #tpu.dimension_semantics<subcore_parallel>], iteration_bounds = array<i64: 2, 16>, scalar_prefetch = 0 : i64, scratch_operands = 2 : i64, tpu.core_type = #tpu.core_type<sc_vector_subcore>, window_params = [{transform_indices = #map}, {transform_indices = #map}, {transform_indices = #map}]} {
    %mul3A = arith.constant 2 : i32
    %mul3A_0 = arith.muli %arg1, %mul3A : i32
    %add3A = arith.addi %mul3A_0, %arg0 : i32
    %mul3A_1 = arith.constant 10000 : i32
    %mul3A_2 = arith.muli %add3A, %mul3A_1 : i32
    %scan3A = arith.constant 0 : i32
    %scan3A_3 = arith.constant 0 : i32
    %scan3A_4 = arith.constant 78 : i32
    %scan3A_5 = arith.addi %scan3A_3, %scan3A_4 : i32
    %scan3A_6 = arith.constant 1 : i32
    %scan3A_7 = scf.for %scan3A_82 = %scan3A_3 to %scan3A_5 step %scan3A_6 iter_args(%scan3A_83 = %scan3A) -> (i32)  : i32 {
      %mul3A_84 = arith.constant 128 : i32
      %mul3A_85 = arith.muli %scan3A_82, %mul3A_84 : i32
      %add3A_86 = arith.addi %mul3A_2, %mul3A_85 : i32
      "tpu.region"() ({
        %run_scoped3A_88 = tpu.sem_alloc : memref<!tpu.dma_semaphore, #tpu.memory_space<semaphore_mem>>
        %dma_start3A = arith.constant 0 : i32
        %dma_start3A_89 = tpu.memref_slice %arg5[%scan3A_82, %dma_start3A] : memref<79x128xi32, #tpu.memory_space<vmem>> -> memref<1x128xi32, #tpu.memory_space<vmem>>
        %dma_start3A_90 = tpu.memref_squeeze %dma_start3A_89 : memref<1x128xi32, #tpu.memory_space<vmem>> -> memref<128xi32, #tpu.memory_space<vmem>>
        %dma_start3A_91 = tpu.memref_slice %arg2[%add3A_86] : memref<320000xi32, #tpu.memory_space<hbm>> -> memref<128xi32, #tpu.memory_space<hbm>>
        %dma_start3A_92 = arith.constant 0 : i32
        %dma_start3A_93 = tpu.memref_slice %arg5[%scan3A_82, %dma_start3A_92] : memref<79x128xi32, #tpu.memory_space<vmem>> -> memref<1x128xi32, #tpu.memory_space<vmem>>
        %dma_start3A_94 = tpu.memref_squeeze %dma_start3A_93 : memref<1x128xi32, #tpu.memory_space<vmem>> -> memref<128xi32, #tpu.memory_space<vmem>>
        %dma_start3A_95 = tpu.memref_slice %arg2[%add3A_86] : memref<320000xi32, #tpu.memory_space<hbm>> -> memref<128xi32, #tpu.memory_space<hbm>>
        tpu.enqueue_dma source(%dma_start3A_95 : memref<128xi32, #tpu.memory_space<hbm>>) target(%dma_start3A_94 : memref<128xi32, #tpu.memory_space<vmem>>) target_semaphore(%run_scoped3A_88 : memref<!tpu.dma_semaphore, #tpu.memory_space<semaphore_mem>>)
        %dma_wait3A = arith.constant 0 : i32
        %dma_wait3A_96 = tpu.memref_slice %arg5[%scan3A_82, %dma_wait3A] : memref<79x128xi32, #tpu.memory_space<vmem>> -> memref<1x128xi32, #tpu.memory_space<vmem>>
        %dma_wait3A_97 = tpu.memref_squeeze %dma_wait3A_96 : memref<1x128xi32, #tpu.memory_space<vmem>> -> memref<128xi32, #tpu.memory_space<vmem>>
        %dma_wait3A_98 = tpu.memref_slice %arg2[%add3A_86] : memref<320000xi32, #tpu.memory_space<hbm>> -> memref<128xi32, #tpu.memory_space<hbm>>
        %dma_wait3A_99 = arith.constant 0 : i32
        %dma_wait3A_100 = tpu.memref_slice %arg5[%scan3A_82, %dma_wait3A_99] : memref<79x128xi32, #tpu.memory_space<vmem>> -> memref<1x128xi32, #tpu.memory_space<vmem>>
        %dma_wait3A_101 = tpu.memref_squeeze %dma_wait3A_100 : memref<1x128xi32, #tpu.memory_space<vmem>> -> memref<128xi32, #tpu.memory_space<vmem>>
        %dma_wait3A_102 = tpu.memref_slice %arg2[%add3A_86] : memref<320000xi32, #tpu.memory_space<hbm>> -> memref<128xi32, #tpu.memory_space<hbm>>
        tpu.wait_dma2 semaphore(%run_scoped3A_88 : memref<!tpu.dma_semaphore, #tpu.memory_space<semaphore_mem>>) src(%dma_wait3A_102 : memref<128xi32, #tpu.memory_space<hbm>>) dst(%dma_wait3A_101 : memref<128xi32, #tpu.memory_space<vmem>>)
        tpu.yield
      }) : () -> ()
      %scan3A_87 = arith.constant 0 : i32
      scf.yield %scan3A_87 : i32
    }
    %scan3A_8 = arith.constant 78 : i32
    %add3A_9 = arith.constant 9984 : i32
    %add3A_10 = arith.addi %mul3A_2, %add3A_9 : i32
    %run_scoped3A = arith.constant 78 : i32
    "tpu.region"() ({
      %run_scoped3A_82 = tpu.sem_alloc : memref<!tpu.dma_semaphore, #tpu.memory_space<semaphore_mem>>
      %dma_start3A = arith.constant 0 : i32
      %dma_start3A_83 = tpu.memref_slice %arg5[%run_scoped3A, %dma_start3A] : memref<79x128xi32, #tpu.memory_space<vmem>> -> memref<1x16xi32, #tpu.memory_space<vmem>>
      %dma_start3A_84 = tpu.memref_squeeze %dma_start3A_83 : memref<1x16xi32, #tpu.memory_space<vmem>> -> memref<16xi32, #tpu.memory_space<vmem>>
      %dma_start3A_85 = tpu.memref_slice %arg2[%add3A_10] : memref<320000xi32, #tpu.memory_space<hbm>> -> memref<16xi32, #tpu.memory_space<hbm>>
      %dma_start3A_86 = arith.constant 0 : i32
      %dma_start3A_87 = tpu.memref_slice %arg5[%run_scoped3A, %dma_start3A_86] : memref<79x128xi32, #tpu.memory_space<vmem>> -> memref<1x16xi32, #tpu.memory_space<vmem>>
      %dma_start3A_88 = tpu.memref_squeeze %dma_start3A_87 : memref<1x16xi32, #tpu.memory_space<vmem>> -> memref<16xi32, #tpu.memory_space<vmem>>
      %dma_start3A_89 = tpu.memref_slice %arg2[%add3A_10] : memref<320000xi32, #tpu.memory_space<hbm>> -> memref<16xi32, #tpu.memory_space<hbm>>
      tpu.enqueue_dma source(%dma_start3A_89 : memref<16xi32, #tpu.memory_space<hbm>>) target(%dma_start3A_88 : memref<16xi32, #tpu.memory_space<vmem>>) target_semaphore(%run_scoped3A_82 : memref<!tpu.dma_semaphore, #tpu.memory_space<semaphore_mem>>)
      %dma_wait3A = arith.constant 0 : i32
      %dma_wait3A_90 = tpu.memref_slice %arg5[%run_scoped3A, %dma_wait3A] : memref<79x128xi32, #tpu.memory_space<vmem>> -> memref<1x16xi32, #tpu.memory_space<vmem>>
      %dma_wait3A_91 = tpu.memref_squeeze %dma_wait3A_90 : memref<1x16xi32, #tpu.memory_space<vmem>> -> memref<16xi32, #tpu.memory_space<vmem>>
      %dma_wait3A_92 = tpu.memref_slice %arg2[%add3A_10] : memref<320000xi32, #tpu.memory_space<hbm>> -> memref<16xi32, #tpu.memory_space<hbm>>
      %dma_wait3A_93 = arith.constant 0 : i32
      %dma_wait3A_94 = tpu.memref_slice %arg5[%run_scoped3A, %dma_wait3A_93] : memref<79x128xi32, #tpu.memory_space<vmem>> -> memref<1x16xi32, #tpu.memory_space<vmem>>
      %dma_wait3A_95 = tpu.memref_squeeze %dma_wait3A_94 : memref<1x16xi32, #tpu.memory_space<vmem>> -> memref<16xi32, #tpu.memory_space<vmem>>
      %dma_wait3A_96 = tpu.memref_slice %arg2[%add3A_10] : memref<320000xi32, #tpu.memory_space<hbm>> -> memref<16xi32, #tpu.memory_space<hbm>>
      tpu.wait_dma2 semaphore(%run_scoped3A_82 : memref<!tpu.dma_semaphore, #tpu.memory_space<semaphore_mem>>) src(%dma_wait3A_96 : memref<16xi32, #tpu.memory_space<hbm>>) dst(%dma_wait3A_95 : memref<16xi32, #tpu.memory_space<vmem>>)
      tpu.yield
    }) : () -> ()
    %broadcast_in_dim3A = arith.constant 100000000 : i32
    %broadcast_in_dim3A_11 = vector.broadcast %broadcast_in_dim3A : i32 to vector<16xi32>
    %swap3A = arith.constant 78 : i32
    %swap3A_12 = arith.index_cast %swap3A : i32 to index
    %swap3A_13 = arith.constant 16 : index
    %swap3A_14 = tpu.vector_load %arg5[%swap3A_12, %swap3A_13] {strides = array<i32>} : memref<79x128xi32, #tpu.memory_space<vmem>>, vector<1x16xi32>,
    %swap3A_15 = vector.shape_cast %swap3A_14 : vector<1x16xi32> to vector<16xi32>
    %swap3A_16 = vector.shape_cast %broadcast_in_dim3A_11 : vector<16xi32> to vector<1x16xi32>
    tpu.vector_store %arg5[%swap3A_12, %swap3A_13], %swap3A_16 {strides = array<i32>} : memref<79x128xi32, #tpu.memory_space<vmem>>, vector<1x16xi32>,
    %broadcast_in_dim3A_17 = arith.constant 100000000 : i32
    %broadcast_in_dim3A_18 = vector.broadcast %broadcast_in_dim3A_17 : i32 to vector<16xi32>
    %swap3A_19 = arith.constant 78 : i32
    %swap3A_20 = arith.index_cast %swap3A_19 : i32 to index
    %swap3A_21 = arith.constant 32 : index
    %swap3A_22 = tpu.vector_load %arg5[%swap3A_20, %swap3A_21] {strides = array<i32>} : memref<79x128xi32, #tpu.memory_space<vmem>>, vector<1x16xi32>,
    %swap3A_23 = vector.shape_cast %swap3A_22 : vector<1x16xi32> to vector<16xi32>
    %swap3A_24 = vector.shape_cast %broadcast_in_dim3A_18 : vector<16xi32> to vector<1x16xi32>
    tpu.vector_store %arg5[%swap3A_20, %swap3A_21], %swap3A_24 {strides = array<i32>} : memref<79x128xi32, #tpu.memory_space<vmem>>, vector<1x16xi32>,
    %broadcast_in_dim3A_25 = arith.constant 100000000 : i32
    %broadcast_in_dim3A_26 = vector.broadcast %broadcast_in_dim3A_25 : i32 to vector<16xi32>
    %swap3A_27 = arith.constant 78 : i32
    %swap3A_28 = arith.index_cast %swap3A_27 : i32 to index
    %swap3A_29 = arith.constant 48 : index
    %swap3A_30 = tpu.vector_load %arg5[%swap3A_28, %swap3A_29] {strides = array<i32>} : memref<79x128xi32, #tpu.memory_space<vmem>>, vector<1x16xi32>,
    %swap3A_31 = vector.shape_cast %swap3A_30 : vector<1x16xi32> to vector<16xi32>
    %swap3A_32 = vector.shape_cast %broadcast_in_dim3A_26 : vector<16xi32> to vector<1x16xi32>
    tpu.vector_store %arg5[%swap3A_28, %swap3A_29], %swap3A_32 {strides = array<i32>} : memref<79x128xi32, #tpu.memory_space<vmem>>, vector<1x16xi32>,
    %broadcast_in_dim3A_33 = arith.constant 100000000 : i32
    %broadcast_in_dim3A_34 = vector.broadcast %broadcast_in_dim3A_33 : i32 to vector<16xi32>
    %swap3A_35 = arith.constant 78 : i32
    %swap3A_36 = arith.index_cast %swap3A_35 : i32 to index
    %swap3A_37 = arith.constant 64 : index
    %swap3A_38 = tpu.vector_load %arg5[%swap3A_36, %swap3A_37] {strides = array<i32>} : memref<79x128xi32, #tpu.memory_space<vmem>>, vector<1x16xi32>,
    %swap3A_39 = vector.shape_cast %swap3A_38 : vector<1x16xi32> to vector<16xi32>
    %swap3A_40 = vector.shape_cast %broadcast_in_dim3A_34 : vector<16xi32> to vector<1x16xi32>
    tpu.vector_store %arg5[%swap3A_36, %swap3A_37], %swap3A_40 {strides = array<i32>} : memref<79x128xi32, #tpu.memory_space<vmem>>, vector<1x16xi32>,
    %broadcast_in_dim3A_41 = arith.constant 100000000 : i32
    %broadcast_in_dim3A_42 = vector.broadcast %broadcast_in_dim3A_41 : i32 to vector<16xi32>
    %swap3A_43 = arith.constant 78 : i32
    %swap3A_44 = arith.index_cast %swap3A_43 : i32 to index
    %swap3A_45 = arith.constant 80 : index
    %swap3A_46 = tpu.vector_load %arg5[%swap3A_44, %swap3A_45] {strides = array<i32>} : memref<79x128xi32, #tpu.memory_space<vmem>>, vector<1x16xi32>,
    %swap3A_47 = vector.shape_cast %swap3A_46 : vector<1x16xi32> to vector<16xi32>
    %swap3A_48 = vector.shape_cast %broadcast_in_dim3A_42 : vector<16xi32> to vector<1x16xi32>
    tpu.vector_store %arg5[%swap3A_44, %swap3A_45], %swap3A_48 {strides = array<i32>} : memref<79x128xi32, #tpu.memory_space<vmem>>, vector<1x16xi32>,
    %broadcast_in_dim3A_49 = arith.constant 100000000 : i32
    %broadcast_in_dim3A_50 = vector.broadcast %broadcast_in_dim3A_49 : i32 to vector<16xi32>
    %swap3A_51 = arith.constant 78 : i32
    %swap3A_52 = arith.index_cast %swap3A_51 : i32 to index
    %swap3A_53 = arith.constant 96 : index
    %swap3A_54 = tpu.vector_load %arg5[%swap3A_52, %swap3A_53] {strides = array<i32>} : memref<79x128xi32, #tpu.memory_space<vmem>>, vector<1x16xi32>,
    %swap3A_55 = vector.shape_cast %swap3A_54 : vector<1x16xi32> to vector<16xi32>
    %swap3A_56 = vector.shape_cast %broadcast_in_dim3A_50 : vector<16xi32> to vector<1x16xi32>
    tpu.vector_store %arg5[%swap3A_52, %swap3A_53], %swap3A_56 {strides = array<i32>} : memref<79x128xi32, #tpu.memory_space<vmem>>, vector<1x16xi32>,
    %broadcast_in_dim3A_57 = arith.constant 100000000 : i32
    %broadcast_in_dim3A_58 = vector.broadcast %broadcast_in_dim3A_57 : i32 to vector<16xi32>
    %swap3A_59 = arith.constant 78 : i32
    %swap3A_60 = arith.index_cast %swap3A_59 : i32 to index
    %swap3A_61 = arith.constant 112 : index
    %swap3A_62 = tpu.vector_load %arg5[%swap3A_60, %swap3A_61] {strides = array<i32>} : memref<79x128xi32, #tpu.memory_space<vmem>>, vector<1x16xi32>,
    %swap3A_63 = vector.shape_cast %swap3A_62 : vector<1x16xi32> to vector<16xi32>
    %swap3A_64 = vector.shape_cast %broadcast_in_dim3A_58 : vector<16xi32> to vector<1x16xi32>
    tpu.vector_store %arg5[%swap3A_60, %swap3A_61], %swap3A_64 {strides = array<i32>} : memref<79x128xi32, #tpu.memory_space<vmem>>, vector<1x16xi32>,
    %scan3A_65 = arith.constant 0 : i32
    %scan3A_66 = arith.constant 0 : i32
    %scan3A_67 = arith.constant 79 : i32
    %scan3A_68 = arith.addi %scan3A_66, %scan3A_67 : i32
    %scan3A_69 = arith.constant 1 : i32
    %scan3A_70 = scf.for %scan3A_82 = %scan3A_66 to %scan3A_68 step %scan3A_69 iter_args(%scan3A_83 = %scan3A_65) -> (i32)  : i32 {
      "tpu.region"() ({
        %run_scoped3A_85 = tpu.sem_alloc : memref<!tpu.dma_semaphore, #tpu.memory_space<semaphore_mem>>
        %dma_start3A = arith.constant 0 : i32
        %dma_start3A_86 = tpu.memref_slice %arg6[%scan3A_82, %dma_start3A] : memref<79x128xi32, #tpu.memory_space<vmem>> -> memref<1x128xi32, #tpu.memory_space<vmem>>
        %dma_start3A_87 = tpu.memref_squeeze %dma_start3A_86 : memref<1x128xi32, #tpu.memory_space<vmem>> -> memref<128xi32, #tpu.memory_space<vmem>>
        %dma_start3A_88 = arith.constant 0 : i32
        %dma_start3A_89 = tpu.memref_slice %arg5[%scan3A_82, %dma_start3A_88] : memref<79x128xi32, #tpu.memory_space<vmem>> -> memref<1x128xi32, #tpu.memory_space<vmem>>
        %dma_start3A_90 = tpu.memref_squeeze %dma_start3A_89 : memref<1x128xi32, #tpu.memory_space<vmem>> -> memref<128xi32, #tpu.memory_space<vmem>>
        %dma_start3A_91 = arith.constant 0 : i32
        %dma_start3A_92 = tpu.memref_slice %arg3[%dma_start3A_91] : memref<100000128xi32, #tpu.memory_space<hbm>> -> memref<100000128xi32, #tpu.memory_space<hbm>>
        tpu.enqueue_indirect_dma source(%dma_start3A_92 : memref<100000128xi32, #tpu.memory_space<hbm>>) target(%dma_start3A_87 : memref<128xi32, #tpu.memory_space<vmem>>) offsets(%dma_start3A_90 : memref<128xi32, #tpu.memory_space<vmem>>) semaphore(%run_scoped3A_85 : memref<!tpu.dma_semaphore, #tpu.memory_space<semaphore_mem>>)
        %dma_wait3A = arith.constant 0 : i32
        %dma_wait3A_93 = tpu.memref_slice %arg6[%scan3A_82, %dma_wait3A] : memref<79x128xi32, #tpu.memory_space<vmem>> -> memref<1x128xi32, #tpu.memory_space<vmem>>
        %dma_wait3A_94 = tpu.memref_squeeze %dma_wait3A_93 : memref<1x128xi32, #tpu.memory_space<vmem>> -> memref<128xi32, #tpu.memory_space<vmem>>
        %dma_wait3A_95 = arith.constant 0 : i32
        %dma_wait3A_96 = tpu.memref_slice %arg5[%scan3A_82, %dma_wait3A_95] : memref<79x128xi32, #tpu.memory_space<vmem>> -> memref<1x128xi32, #tpu.memory_space<vmem>>
        %dma_wait3A_97 = tpu.memref_squeeze %dma_wait3A_96 : memref<1x128xi32, #tpu.memory_space<vmem>> -> memref<128xi32, #tpu.memory_space<vmem>>
        %dma_wait3A_98 = arith.constant 0 : i32
        %dma_wait3A_99 = tpu.memref_slice %arg3[%dma_wait3A_98] : memref<100000128xi32, #tpu.memory_space<hbm>> -> memref<100000128xi32, #tpu.memory_space<hbm>>
        tpu.wait_indirect_dma semaphore(%run_scoped3A_85 : memref<!tpu.dma_semaphore, #tpu.memory_space<semaphore_mem>>) src(%dma_wait3A_99 : memref<100000128xi32, #tpu.memory_space<hbm>>) dst(%dma_wait3A_94 : memref<128xi32, #tpu.memory_space<vmem>>)
        tpu.yield
      }) : () -> ()
      %scan3A_84 = arith.constant 0 : i32
      scf.yield %scan3A_84 : i32
    }
    %scan3A_71 = arith.constant 79 : i32
    %scan3A_72 = arith.constant 0 : i32
    %scan3A_73 = arith.constant 0 : i32
    %scan3A_74 = arith.constant 78 : i32
    %scan3A_75 = arith.addi %scan3A_73, %scan3A_74 : i32
    %scan3A_76 = arith.constant 1 : i32
    %scan3A_77 = scf.for %scan3A_82 = %scan3A_73 to %scan3A_75 step %scan3A_76 iter_args(%scan3A_83 = %scan3A_72) -> (i32)  : i32 {
      %mul3A_84 = arith.constant 128 : i32
      %mul3A_85 = arith.muli %scan3A_82, %mul3A_84 : i32
      %add3A_86 = arith.addi %mul3A_2, %mul3A_85 : i32
      "tpu.region"() ({
        %run_scoped3A_88 = tpu.sem_alloc : memref<!tpu.dma_semaphore, #tpu.memory_space<semaphore_mem>>
        %dma_start3A = arith.constant 0 : i32
        %dma_start3A_89 = tpu.memref_slice %arg6[%scan3A_82, %dma_start3A] : memref<79x128xi32, #tpu.memory_space<vmem>> -> memref<1x128xi32, #tpu.memory_space<vmem>>
        %dma_start3A_90 = tpu.memref_squeeze %dma_start3A_89 : memref<1x128xi32, #tpu.memory_space<vmem>> -> memref<128xi32, #tpu.memory_space<vmem>>
        %dma_start3A_91 = tpu.memref_slice %arg4[%add3A_86] : memref<320000xi32, #tpu.memory_space<hbm>> -> memref<128xi32, #tpu.memory_space<hbm>>
        %dma_start3A_92 = tpu.memref_slice %arg4[%add3A_86] : memref<320000xi32, #tpu.memory_space<hbm>> -> memref<128xi32, #tpu.memory_space<hbm>>
        %dma_start3A_93 = arith.constant 0 : i32
        %dma_start3A_94 = tpu.memref_slice %arg6[%scan3A_82, %dma_start3A_93] : memref<79x128xi32, #tpu.memory_space<vmem>> -> memref<1x128xi32, #tpu.memory_space<vmem>>
        %dma_start3A_95 = tpu.memref_squeeze %dma_start3A_94 : memref<1x128xi32, #tpu.memory_space<vmem>> -> memref<128xi32, #tpu.memory_space<vmem>>
        tpu.enqueue_dma source(%dma_start3A_95 : memref<128xi32, #tpu.memory_space<vmem>>) target(%dma_start3A_92 : memref<128xi32, #tpu.memory_space<hbm>>) target_semaphore(%run_scoped3A_88 : memref<!tpu.dma_semaphore, #tpu.memory_space<semaphore_mem>>)
        %dma_wait3A = arith.constant 0 : i32
        %dma_wait3A_96 = tpu.memref_slice %arg6[%scan3A_82, %dma_wait3A] : memref<79x128xi32, #tpu.memory_space<vmem>> -> memref<1x128xi32, #tpu.memory_space<vmem>>
        %dma_wait3A_97 = tpu.memref_squeeze %dma_wait3A_96 : memref<1x128xi32, #tpu.memory_space<vmem>> -> memref<128xi32, #tpu.memory_space<vmem>>
        %dma_wait3A_98 = tpu.memref_slice %arg4[%add3A_86] : memref<320000xi32, #tpu.memory_space<hbm>> -> memref<128xi32, #tpu.memory_space<hbm>>
        %dma_wait3A_99 = tpu.memref_slice %arg4[%add3A_86] : memref<320000xi32, #tpu.memory_space<hbm>> -> memref<128xi32, #tpu.memory_space<hbm>>
        %dma_wait3A_100 = arith.constant 0 : i32
        %dma_wait3A_101 = tpu.memref_slice %arg6[%scan3A_82, %dma_wait3A_100] : memref<79x128xi32, #tpu.memory_space<vmem>> -> memref<1x128xi32, #tpu.memory_space<vmem>>
        %dma_wait3A_102 = tpu.memref_squeeze %dma_wait3A_101 : memref<1x128xi32, #tpu.memory_space<vmem>> -> memref<128xi32, #tpu.memory_space<vmem>>
        tpu.wait_dma2 semaphore(%run_scoped3A_88 : memref<!tpu.dma_semaphore, #tpu.memory_space<semaphore_mem>>) src(%dma_wait3A_102 : memref<128xi32, #tpu.memory_space<vmem>>) dst(%dma_wait3A_99 : memref<128xi32, #tpu.memory_space<hbm>>)
        tpu.yield
      }) : () -> ()
      %scan3A_87 = arith.constant 0 : i32
      scf.yield %scan3A_87 : i32
    }
    %scan3A_78 = arith.constant 78 : i32
    %add3A_79 = arith.constant 9984 : i32
    %add3A_80 = arith.addi %mul3A_2, %add3A_79 : i32
    %run_scoped3A_81 = arith.constant 78 : i32
    "tpu.region"() ({
      %run_scoped3A_82 = tpu.sem_alloc : memref<!tpu.dma_semaphore, #tpu.memory_space<semaphore_mem>>
      %dma_start3A = arith.constant 0 : i32
      %dma_start3A_83 = tpu.memref_slice %arg6[%run_scoped3A_81, %dma_start3A] : memref<79x128xi32, #tpu.memory_space<vmem>> -> memref<1x16xi32, #tpu.memory_space<vmem>>
      %dma_start3A_84 = tpu.memref_squeeze %dma_start3A_83 : memref<1x16xi32, #tpu.memory_space<vmem>> -> memref<16xi32, #tpu.memory_space<vmem>>
      %dma_start3A_85 = tpu.memref_slice %arg4[%add3A_80] : memref<320000xi32, #tpu.memory_space<hbm>> -> memref<16xi32, #tpu.memory_space<hbm>>
      %dma_start3A_86 = tpu.memref_slice %arg4[%add3A_80] : memref<320000xi32, #tpu.memory_space<hbm>> -> memref<16xi32, #tpu.memory_space<hbm>>
      %dma_start3A_87 = arith.constant 0 : i32
      %dma_start3A_88 = tpu.memref_slice %arg6[%run_scoped3A_81, %dma_start3A_87] : memref<79x128xi32, #tpu.memory_space<vmem>> -> memref<1x16xi32, #tpu.memory_space<vmem>>
      %dma_start3A_89 = tpu.memref_squeeze %dma_start3A_88 : memref<1x16xi32, #tpu.memory_space<vmem>> -> memref<16xi32, #tpu.memory_space<vmem>>
      tpu.enqueue_dma source(%dma_start3A_89 : memref<16xi32, #tpu.memory_space<vmem>>) target(%dma_start3A_86 : memref<16xi32, #tpu.memory_space<hbm>>) target_semaphore(%run_scoped3A_82 : memref<!tpu.dma_semaphore, #tpu.memory_space<semaphore_mem>>)
      %dma_wait3A = arith.constant 0 : i32
      %dma_wait3A_90 = tpu.memref_slice %arg6[%run_scoped3A_81, %dma_wait3A] : memref<79x128xi32, #tpu.memory_space<vmem>> -> memref<1x16xi32, #tpu.memory_space<vmem>>
      %dma_wait3A_91 = tpu.memref_squeeze %dma_wait3A_90 : memref<1x16xi32, #tpu.memory_space<vmem>> -> memref<16xi32, #tpu.memory_space<vmem>>
      %dma_wait3A_92 = tpu.memref_slice %arg4[%add3A_80] : memref<320000xi32, #tpu.memory_space<hbm>> -> memref<16xi32, #tpu.memory_space<hbm>>
      %dma_wait3A_93 = tpu.memref_slice %arg4[%add3A_80] : memref<320000xi32, #tpu.memory_space<hbm>> -> memref<16xi32, #tpu.memory_space<hbm>>
      %dma_wait3A_94 = arith.constant 0 : i32
      %dma_wait3A_95 = tpu.memref_slice %arg6[%run_scoped3A_81, %dma_wait3A_94] : memref<79x128xi32, #tpu.memory_space<vmem>> -> memref<1x16xi32, #tpu.memory_space<vmem>>
      %dma_wait3A_96 = tpu.memref_squeeze %dma_wait3A_95 : memref<1x16xi32, #tpu.memory_space<vmem>> -> memref<16xi32, #tpu.memory_space<vmem>>
      tpu.wait_dma2 semaphore(%run_scoped3A_82 : memref<!tpu.dma_semaphore, #tpu.memory_space<semaphore_mem>>) src(%dma_wait3A_96 : memref<16xi32, #tpu.memory_space<vmem>>) dst(%dma_wait3A_93 : memref<16xi32, #tpu.memory_space<hbm>>)
      tpu.yield
    }) : () -> ()
    return
  }
}

#map = affine_map<(d0, d1) -> (0)>
module attributes {stable_mosaic.version = 14 : i64} {
  func.func @_rep_scatter_body(%arg0: i32, %arg1: i32, %arg2: memref<320000xi32, #tpu.memory_space<hbm>>, %arg3: memref<320000xi32, #tpu.memory_space<hbm>>, %arg4: memref<100000128xi32, #tpu.memory_space<hbm>>, %arg5: memref<79x128xi32, #tpu.memory_space<vmem>>, %arg6: memref<79x128xi32, #tpu.memory_space<vmem>>) attributes {dimension_semantics = [#tpu.dimension_semantics<core_parallel>, #tpu.dimension_semantics<subcore_parallel>], iteration_bounds = array<i64: 2, 16>, scalar_prefetch = 0 : i64, scratch_operands = 2 : i64, tpu.core_type = #tpu.core_type<sc_vector_subcore>, window_params = [{transform_indices = #map}, {transform_indices = #map}, {transform_indices = #map}]} {
    %mul3A = arith.constant 2 : i32
    %mul3A_0 = arith.muli %arg1, %mul3A : i32
    %add3A = arith.addi %mul3A_0, %arg0 : i32
    %mul3A_1 = arith.constant 10000 : i32
    %mul3A_2 = arith.muli %add3A, %mul3A_1 : i32
    %scan3A = arith.constant 0 : i32
    %scan3A_3 = arith.constant 0 : i32
    %scan3A_4 = arith.constant 78 : i32
    %scan3A_5 = arith.addi %scan3A_3, %scan3A_4 : i32
    %scan3A_6 = arith.constant 1 : i32
    %scan3A_7 = scf.for %scan3A_82 = %scan3A_3 to %scan3A_5 step %scan3A_6 iter_args(%scan3A_83 = %scan3A) -> (i32)  : i32 {
      %mul3A_84 = arith.constant 128 : i32
      %mul3A_85 = arith.muli %scan3A_82, %mul3A_84 : i32
      %add3A_86 = arith.addi %mul3A_2, %mul3A_85 : i32
      "tpu.region"() ({
        %run_scoped3A_88 = tpu.sem_alloc : memref<!tpu.dma_semaphore, #tpu.memory_space<semaphore_mem>>
        %dma_start3A = arith.constant 0 : i32
        %dma_start3A_89 = tpu.memref_slice %arg5[%scan3A_82, %dma_start3A] : memref<79x128xi32, #tpu.memory_space<vmem>> -> memref<1x128xi32, #tpu.memory_space<vmem>>
        %dma_start3A_90 = tpu.memref_squeeze %dma_start3A_89 : memref<1x128xi32, #tpu.memory_space<vmem>> -> memref<128xi32, #tpu.memory_space<vmem>>
        %dma_start3A_91 = tpu.memref_slice %arg2[%add3A_86] : memref<320000xi32, #tpu.memory_space<hbm>> -> memref<128xi32, #tpu.memory_space<hbm>>
        %dma_start3A_92 = arith.constant 0 : i32
        %dma_start3A_93 = tpu.memref_slice %arg5[%scan3A_82, %dma_start3A_92] : memref<79x128xi32, #tpu.memory_space<vmem>> -> memref<1x128xi32, #tpu.memory_space<vmem>>
        %dma_start3A_94 = tpu.memref_squeeze %dma_start3A_93 : memref<1x128xi32, #tpu.memory_space<vmem>> -> memref<128xi32, #tpu.memory_space<vmem>>
        %dma_start3A_95 = tpu.memref_slice %arg2[%add3A_86] : memref<320000xi32, #tpu.memory_space<hbm>> -> memref<128xi32, #tpu.memory_space<hbm>>
        tpu.enqueue_dma source(%dma_start3A_95 : memref<128xi32, #tpu.memory_space<hbm>>) target(%dma_start3A_94 : memref<128xi32, #tpu.memory_space<vmem>>) target_semaphore(%run_scoped3A_88 : memref<!tpu.dma_semaphore, #tpu.memory_space<semaphore_mem>>)
        %dma_wait3A = arith.constant 0 : i32
        %dma_wait3A_96 = tpu.memref_slice %arg5[%scan3A_82, %dma_wait3A] : memref<79x128xi32, #tpu.memory_space<vmem>> -> memref<1x128xi32, #tpu.memory_space<vmem>>
        %dma_wait3A_97 = tpu.memref_squeeze %dma_wait3A_96 : memref<1x128xi32, #tpu.memory_space<vmem>> -> memref<128xi32, #tpu.memory_space<vmem>>
        %dma_wait3A_98 = tpu.memref_slice %arg2[%add3A_86] : memref<320000xi32, #tpu.memory_space<hbm>> -> memref<128xi32, #tpu.memory_space<hbm>>
        %dma_wait3A_99 = arith.constant 0 : i32
        %dma_wait3A_100 = tpu.memref_slice %arg5[%scan3A_82, %dma_wait3A_99] : memref<79x128xi32, #tpu.memory_space<vmem>> -> memref<1x128xi32, #tpu.memory_space<vmem>>
        %dma_wait3A_101 = tpu.memref_squeeze %dma_wait3A_100 : memref<1x128xi32, #tpu.memory_space<vmem>> -> memref<128xi32, #tpu.memory_space<vmem>>
        %dma_wait3A_102 = tpu.memref_slice %arg2[%add3A_86] : memref<320000xi32, #tpu.memory_space<hbm>> -> memref<128xi32, #tpu.memory_space<hbm>>
        tpu.wait_dma2 semaphore(%run_scoped3A_88 : memref<!tpu.dma_semaphore, #tpu.memory_space<semaphore_mem>>) src(%dma_wait3A_102 : memref<128xi32, #tpu.memory_space<hbm>>) dst(%dma_wait3A_101 : memref<128xi32, #tpu.memory_space<vmem>>)
        tpu.yield
      }) : () -> ()
      %scan3A_87 = arith.constant 0 : i32
      scf.yield %scan3A_87 : i32
    }
    %scan3A_8 = arith.constant 78 : i32
    %add3A_9 = arith.constant 9984 : i32
    %add3A_10 = arith.addi %mul3A_2, %add3A_9 : i32
    %run_scoped3A = arith.constant 78 : i32
    "tpu.region"() ({
      %run_scoped3A_82 = tpu.sem_alloc : memref<!tpu.dma_semaphore, #tpu.memory_space<semaphore_mem>>
      %dma_start3A = arith.constant 0 : i32
      %dma_start3A_83 = tpu.memref_slice %arg5[%run_scoped3A, %dma_start3A] : memref<79x128xi32, #tpu.memory_space<vmem>> -> memref<1x16xi32, #tpu.memory_space<vmem>>
      %dma_start3A_84 = tpu.memref_squeeze %dma_start3A_83 : memref<1x16xi32, #tpu.memory_space<vmem>> -> memref<16xi32, #tpu.memory_space<vmem>>
      %dma_start3A_85 = tpu.memref_slice %arg2[%add3A_10] : memref<320000xi32, #tpu.memory_space<hbm>> -> memref<16xi32, #tpu.memory_space<hbm>>
      %dma_start3A_86 = arith.constant 0 : i32
      %dma_start3A_87 = tpu.memref_slice %arg5[%run_scoped3A, %dma_start3A_86] : memref<79x128xi32, #tpu.memory_space<vmem>> -> memref<1x16xi32, #tpu.memory_space<vmem>>
      %dma_start3A_88 = tpu.memref_squeeze %dma_start3A_87 : memref<1x16xi32, #tpu.memory_space<vmem>> -> memref<16xi32, #tpu.memory_space<vmem>>
      %dma_start3A_89 = tpu.memref_slice %arg2[%add3A_10] : memref<320000xi32, #tpu.memory_space<hbm>> -> memref<16xi32, #tpu.memory_space<hbm>>
      tpu.enqueue_dma source(%dma_start3A_89 : memref<16xi32, #tpu.memory_space<hbm>>) target(%dma_start3A_88 : memref<16xi32, #tpu.memory_space<vmem>>) target_semaphore(%run_scoped3A_82 : memref<!tpu.dma_semaphore, #tpu.memory_space<semaphore_mem>>)
      %dma_wait3A = arith.constant 0 : i32
      %dma_wait3A_90 = tpu.memref_slice %arg5[%run_scoped3A, %dma_wait3A] : memref<79x128xi32, #tpu.memory_space<vmem>> -> memref<1x16xi32, #tpu.memory_space<vmem>>
      %dma_wait3A_91 = tpu.memref_squeeze %dma_wait3A_90 : memref<1x16xi32, #tpu.memory_space<vmem>> -> memref<16xi32, #tpu.memory_space<vmem>>
      %dma_wait3A_92 = tpu.memref_slice %arg2[%add3A_10] : memref<320000xi32, #tpu.memory_space<hbm>> -> memref<16xi32, #tpu.memory_space<hbm>>
      %dma_wait3A_93 = arith.constant 0 : i32
      %dma_wait3A_94 = tpu.memref_slice %arg5[%run_scoped3A, %dma_wait3A_93] : memref<79x128xi32, #tpu.memory_space<vmem>> -> memref<1x16xi32, #tpu.memory_space<vmem>>
      %dma_wait3A_95 = tpu.memref_squeeze %dma_wait3A_94 : memref<1x16xi32, #tpu.memory_space<vmem>> -> memref<16xi32, #tpu.memory_space<vmem>>
      %dma_wait3A_96 = tpu.memref_slice %arg2[%add3A_10] : memref<320000xi32, #tpu.memory_space<hbm>> -> memref<16xi32, #tpu.memory_space<hbm>>
      tpu.wait_dma2 semaphore(%run_scoped3A_82 : memref<!tpu.dma_semaphore, #tpu.memory_space<semaphore_mem>>) src(%dma_wait3A_96 : memref<16xi32, #tpu.memory_space<hbm>>) dst(%dma_wait3A_95 : memref<16xi32, #tpu.memory_space<vmem>>)
      tpu.yield
    }) : () -> ()
    %scan3A_11 = arith.constant 0 : i32
    %scan3A_12 = arith.constant 0 : i32
    %scan3A_13 = arith.constant 78 : i32
    %scan3A_14 = arith.addi %scan3A_12, %scan3A_13 : i32
    %scan3A_15 = arith.constant 1 : i32
    %scan3A_16 = scf.for %scan3A_82 = %scan3A_12 to %scan3A_14 step %scan3A_15 iter_args(%scan3A_83 = %scan3A_11) -> (i32)  : i32 {
      %mul3A_84 = arith.constant 128 : i32
      %mul3A_85 = arith.muli %scan3A_82, %mul3A_84 : i32
      %add3A_86 = arith.addi %mul3A_2, %mul3A_85 : i32
      "tpu.region"() ({
        %run_scoped3A_88 = tpu.sem_alloc : memref<!tpu.dma_semaphore, #tpu.memory_space<semaphore_mem>>
        %dma_start3A = arith.constant 0 : i32
        %dma_start3A_89 = tpu.memref_slice %arg6[%scan3A_82, %dma_start3A] : memref<79x128xi32, #tpu.memory_space<vmem>> -> memref<1x128xi32, #tpu.memory_space<vmem>>
        %dma_start3A_90 = tpu.memref_squeeze %dma_start3A_89 : memref<1x128xi32, #tpu.memory_space<vmem>> -> memref<128xi32, #tpu.memory_space<vmem>>
        %dma_start3A_91 = tpu.memref_slice %arg3[%add3A_86] : memref<320000xi32, #tpu.memory_space<hbm>> -> memref<128xi32, #tpu.memory_space<hbm>>
        %dma_start3A_92 = arith.constant 0 : i32
        %dma_start3A_93 = tpu.memref_slice %arg6[%scan3A_82, %dma_start3A_92] : memref<79x128xi32, #tpu.memory_space<vmem>> -> memref<1x128xi32, #tpu.memory_space<vmem>>
        %dma_start3A_94 = tpu.memref_squeeze %dma_start3A_93 : memref<1x128xi32, #tpu.memory_space<vmem>> -> memref<128xi32, #tpu.memory_space<vmem>>
        %dma_start3A_95 = tpu.memref_slice %arg3[%add3A_86] : memref<320000xi32, #tpu.memory_space<hbm>> -> memref<128xi32, #tpu.memory_space<hbm>>
        tpu.enqueue_dma source(%dma_start3A_95 : memref<128xi32, #tpu.memory_space<hbm>>) target(%dma_start3A_94 : memref<128xi32, #tpu.memory_space<vmem>>) target_semaphore(%run_scoped3A_88 : memref<!tpu.dma_semaphore, #tpu.memory_space<semaphore_mem>>)
        %dma_wait3A = arith.constant 0 : i32
        %dma_wait3A_96 = tpu.memref_slice %arg6[%scan3A_82, %dma_wait3A] : memref<79x128xi32, #tpu.memory_space<vmem>> -> memref<1x128xi32, #tpu.memory_space<vmem>>
        %dma_wait3A_97 = tpu.memref_squeeze %dma_wait3A_96 : memref<1x128xi32, #tpu.memory_space<vmem>> -> memref<128xi32, #tpu.memory_space<vmem>>
        %dma_wait3A_98 = tpu.memref_slice %arg3[%add3A_86] : memref<320000xi32, #tpu.memory_space<hbm>> -> memref<128xi32, #tpu.memory_space<hbm>>
        %dma_wait3A_99 = arith.constant 0 : i32
        %dma_wait3A_100 = tpu.memref_slice %arg6[%scan3A_82, %dma_wait3A_99] : memref<79x128xi32, #tpu.memory_space<vmem>> -> memref<1x128xi32, #tpu.memory_space<vmem>>
        %dma_wait3A_101 = tpu.memref_squeeze %dma_wait3A_100 : memref<1x128xi32, #tpu.memory_space<vmem>> -> memref<128xi32, #tpu.memory_space<vmem>>
        %dma_wait3A_102 = tpu.memref_slice %arg3[%add3A_86] : memref<320000xi32, #tpu.memory_space<hbm>> -> memref<128xi32, #tpu.memory_space<hbm>>
        tpu.wait_dma2 semaphore(%run_scoped3A_88 : memref<!tpu.dma_semaphore, #tpu.memory_space<semaphore_mem>>) src(%dma_wait3A_102 : memref<128xi32, #tpu.memory_space<hbm>>) dst(%dma_wait3A_101 : memref<128xi32, #tpu.memory_space<vmem>>)
        tpu.yield
      }) : () -> ()
      %scan3A_87 = arith.constant 0 : i32
      scf.yield %scan3A_87 : i32
    }
    %scan3A_17 = arith.constant 78 : i32
    %add3A_18 = arith.constant 9984 : i32
    %add3A_19 = arith.addi %mul3A_2, %add3A_18 : i32
    %run_scoped3A_20 = arith.constant 78 : i32
    "tpu.region"() ({
      %run_scoped3A_82 = tpu.sem_alloc : memref<!tpu.dma_semaphore, #tpu.memory_space<semaphore_mem>>
      %dma_start3A = arith.constant 0 : i32
      %dma_start3A_83 = tpu.memref_slice %arg6[%run_scoped3A_20, %dma_start3A] : memref<79x128xi32, #tpu.memory_space<vmem>> -> memref<1x16xi32, #tpu.memory_space<vmem>>
      %dma_start3A_84 = tpu.memref_squeeze %dma_start3A_83 : memref<1x16xi32, #tpu.memory_space<vmem>> -> memref<16xi32, #tpu.memory_space<vmem>>
      %dma_start3A_85 = tpu.memref_slice %arg3[%add3A_19] : memref<320000xi32, #tpu.memory_space<hbm>> -> memref<16xi32, #tpu.memory_space<hbm>>
      %dma_start3A_86 = arith.constant 0 : i32
      %dma_start3A_87 = tpu.memref_slice %arg6[%run_scoped3A_20, %dma_start3A_86] : memref<79x128xi32, #tpu.memory_space<vmem>> -> memref<1x16xi32, #tpu.memory_space<vmem>>
      %dma_start3A_88 = tpu.memref_squeeze %dma_start3A_87 : memref<1x16xi32, #tpu.memory_space<vmem>> -> memref<16xi32, #tpu.memory_space<vmem>>
      %dma_start3A_89 = tpu.memref_slice %arg3[%add3A_19] : memref<320000xi32, #tpu.memory_space<hbm>> -> memref<16xi32, #tpu.memory_space<hbm>>
      tpu.enqueue_dma source(%dma_start3A_89 : memref<16xi32, #tpu.memory_space<hbm>>) target(%dma_start3A_88 : memref<16xi32, #tpu.memory_space<vmem>>) target_semaphore(%run_scoped3A_82 : memref<!tpu.dma_semaphore, #tpu.memory_space<semaphore_mem>>)
      %dma_wait3A = arith.constant 0 : i32
      %dma_wait3A_90 = tpu.memref_slice %arg6[%run_scoped3A_20, %dma_wait3A] : memref<79x128xi32, #tpu.memory_space<vmem>> -> memref<1x16xi32, #tpu.memory_space<vmem>>
      %dma_wait3A_91 = tpu.memref_squeeze %dma_wait3A_90 : memref<1x16xi32, #tpu.memory_space<vmem>> -> memref<16xi32, #tpu.memory_space<vmem>>
      %dma_wait3A_92 = tpu.memref_slice %arg3[%add3A_19] : memref<320000xi32, #tpu.memory_space<hbm>> -> memref<16xi32, #tpu.memory_space<hbm>>
      %dma_wait3A_93 = arith.constant 0 : i32
      %dma_wait3A_94 = tpu.memref_slice %arg6[%run_scoped3A_20, %dma_wait3A_93] : memref<79x128xi32, #tpu.memory_space<vmem>> -> memref<1x16xi32, #tpu.memory_space<vmem>>
      %dma_wait3A_95 = tpu.memref_squeeze %dma_wait3A_94 : memref<1x16xi32, #tpu.memory_space<vmem>> -> memref<16xi32, #tpu.memory_space<vmem>>
      %dma_wait3A_96 = tpu.memref_slice %arg3[%add3A_19] : memref<320000xi32, #tpu.memory_space<hbm>> -> memref<16xi32, #tpu.memory_space<hbm>>
      tpu.wait_dma2 semaphore(%run_scoped3A_82 : memref<!tpu.dma_semaphore, #tpu.memory_space<semaphore_mem>>) src(%dma_wait3A_96 : memref<16xi32, #tpu.memory_space<hbm>>) dst(%dma_wait3A_95 : memref<16xi32, #tpu.memory_space<vmem>>)
      tpu.yield
    }) : () -> ()
    %broadcast_in_dim3A = arith.constant 100000000 : i32
    %broadcast_in_dim3A_21 = vector.broadcast %broadcast_in_dim3A : i32 to vector<16xi32>
    %swap3A = arith.constant 78 : i32
    %swap3A_22 = arith.index_cast %swap3A : i32 to index
    %swap3A_23 = arith.constant 16 : index
    %swap3A_24 = tpu.vector_load %arg5[%swap3A_22, %swap3A_23] {strides = array<i32>} : memref<79x128xi32, #tpu.memory_space<vmem>>, vector<1x16xi32>,
    %swap3A_25 = vector.shape_cast %swap3A_24 : vector<1x16xi32> to vector<16xi32>
    %swap3A_26 = vector.shape_cast %broadcast_in_dim3A_21 : vector<16xi32> to vector<1x16xi32>
    tpu.vector_store %arg5[%swap3A_22, %swap3A_23], %swap3A_26 {strides = array<i32>} : memref<79x128xi32, #tpu.memory_space<vmem>>, vector<1x16xi32>,
    %broadcast_in_dim3A_27 = arith.constant 100000000 : i32
    %broadcast_in_dim3A_28 = vector.broadcast %broadcast_in_dim3A_27 : i32 to vector<16xi32>
    %swap3A_29 = arith.constant 78 : i32
    %swap3A_30 = arith.index_cast %swap3A_29 : i32 to index
    %swap3A_31 = arith.constant 32 : index
    %swap3A_32 = tpu.vector_load %arg5[%swap3A_30, %swap3A_31] {strides = array<i32>} : memref<79x128xi32, #tpu.memory_space<vmem>>, vector<1x16xi32>,
    %swap3A_33 = vector.shape_cast %swap3A_32 : vector<1x16xi32> to vector<16xi32>
    %swap3A_34 = vector.shape_cast %broadcast_in_dim3A_28 : vector<16xi32> to vector<1x16xi32>
    tpu.vector_store %arg5[%swap3A_30, %swap3A_31], %swap3A_34 {strides = array<i32>} : memref<79x128xi32, #tpu.memory_space<vmem>>, vector<1x16xi32>,
    %broadcast_in_dim3A_35 = arith.constant 100000000 : i32
    %broadcast_in_dim3A_36 = vector.broadcast %broadcast_in_dim3A_35 : i32 to vector<16xi32>
    %swap3A_37 = arith.constant 78 : i32
    %swap3A_38 = arith.index_cast %swap3A_37 : i32 to index
    %swap3A_39 = arith.constant 48 : index
    %swap3A_40 = tpu.vector_load %arg5[%swap3A_38, %swap3A_39] {strides = array<i32>} : memref<79x128xi32, #tpu.memory_space<vmem>>, vector<1x16xi32>,
    %swap3A_41 = vector.shape_cast %swap3A_40 : vector<1x16xi32> to vector<16xi32>
    %swap3A_42 = vector.shape_cast %broadcast_in_dim3A_36 : vector<16xi32> to vector<1x16xi32>
    tpu.vector_store %arg5[%swap3A_38, %swap3A_39], %swap3A_42 {strides = array<i32>} : memref<79x128xi32, #tpu.memory_space<vmem>>, vector<1x16xi32>,
    %broadcast_in_dim3A_43 = arith.constant 100000000 : i32
    %broadcast_in_dim3A_44 = vector.broadcast %broadcast_in_dim3A_43 : i32 to vector<16xi32>
    %swap3A_45 = arith.constant 78 : i32
    %swap3A_46 = arith.index_cast %swap3A_45 : i32 to index
    %swap3A_47 = arith.constant 64 : index
    %swap3A_48 = tpu.vector_load %arg5[%swap3A_46, %swap3A_47] {strides = array<i32>} : memref<79x128xi32, #tpu.memory_space<vmem>>, vector<1x16xi32>,
    %swap3A_49 = vector.shape_cast %swap3A_48 : vector<1x16xi32> to vector<16xi32>
    %swap3A_50 = vector.shape_cast %broadcast_in_dim3A_44 : vector<16xi32> to vector<1x16xi32>
    tpu.vector_store %arg5[%swap3A_46, %swap3A_47], %swap3A_50 {strides = array<i32>} : memref<79x128xi32, #tpu.memory_space<vmem>>, vector<1x16xi32>,
    %broadcast_in_dim3A_51 = arith.constant 100000000 : i32
    %broadcast_in_dim3A_52 = vector.broadcast %broadcast_in_dim3A_51 : i32 to vector<16xi32>
    %swap3A_53 = arith.constant 78 : i32
    %swap3A_54 = arith.index_cast %swap3A_53 : i32 to index
    %swap3A_55 = arith.constant 80 : index
    %swap3A_56 = tpu.vector_load %arg5[%swap3A_54, %swap3A_55] {strides = array<i32>} : memref<79x128xi32, #tpu.memory_space<vmem>>, vector<1x16xi32>,
    %swap3A_57 = vector.shape_cast %swap3A_56 : vector<1x16xi32> to vector<16xi32>
    %swap3A_58 = vector.shape_cast %broadcast_in_dim3A_52 : vector<16xi32> to vector<1x16xi32>
    tpu.vector_store %arg5[%swap3A_54, %swap3A_55], %swap3A_58 {strides = array<i32>} : memref<79x128xi32, #tpu.memory_space<vmem>>, vector<1x16xi32>,
    %broadcast_in_dim3A_59 = arith.constant 100000000 : i32
    %broadcast_in_dim3A_60 = vector.broadcast %broadcast_in_dim3A_59 : i32 to vector<16xi32>
    %swap3A_61 = arith.constant 78 : i32
    %swap3A_62 = arith.index_cast %swap3A_61 : i32 to index
    %swap3A_63 = arith.constant 96 : index
    %swap3A_64 = tpu.vector_load %arg5[%swap3A_62, %swap3A_63] {strides = array<i32>} : memref<79x128xi32, #tpu.memory_space<vmem>>, vector<1x16xi32>,
    %swap3A_65 = vector.shape_cast %swap3A_64 : vector<1x16xi32> to vector<16xi32>
    %swap3A_66 = vector.shape_cast %broadcast_in_dim3A_60 : vector<16xi32> to vector<1x16xi32>
    tpu.vector_store %arg5[%swap3A_62, %swap3A_63], %swap3A_66 {strides = array<i32>} : memref<79x128xi32, #tpu.memory_space<vmem>>, vector<1x16xi32>,
    %broadcast_in_dim3A_67 = arith.constant 100000000 : i32
    %broadcast_in_dim3A_68 = vector.broadcast %broadcast_in_dim3A_67 : i32 to vector<16xi32>
    %swap3A_69 = arith.constant 78 : i32
    %swap3A_70 = arith.index_cast %swap3A_69 : i32 to index
    %swap3A_71 = arith.constant 112 : index
    %swap3A_72 = tpu.vector_load %arg5[%swap3A_70, %swap3A_71] {strides = array<i32>} : memref<79x128xi32, #tpu.memory_space<vmem>>, vector<1x16xi32>,
    %swap3A_73 = vector.shape_cast %swap3A_72 : vector<1x16xi32> to vector<16xi32>
    %swap3A_74 = vector.shape_cast %broadcast_in_dim3A_68 : vector<16xi32> to vector<1x16xi32>
    tpu.vector_store %arg5[%swap3A_70, %swap3A_71], %swap3A_74 {strides = array<i32>} : memref<79x128xi32, #tpu.memory_space<vmem>>, vector<1x16xi32>,
    %scan3A_75 = arith.constant 0 : i32
    %scan3A_76 = arith.constant 0 : i32
    %scan3A_77 = arith.constant 79 : i32
    %scan3A_78 = arith.addi %scan3A_76, %scan3A_77 : i32
    %scan3A_79 = arith.constant 1 : i32
    %scan3A_80 = scf.for %scan3A_82 = %scan3A_76 to %scan3A_78 step %scan3A_79 iter_args(%scan3A_83 = %scan3A_75) -> (i32)  : i32 {
      "tpu.region"() ({
        %run_scoped3A_85 = tpu.sem_alloc : memref<!tpu.dma_semaphore, #tpu.memory_space<semaphore_mem>>
        %dma_start3A = arith.constant 0 : i32
        %dma_start3A_86 = tpu.memref_slice %arg6[%scan3A_82, %dma_start3A] : memref<79x128xi32, #tpu.memory_space<vmem>> -> memref<1x128xi32, #tpu.memory_space<vmem>>
        %dma_start3A_87 = tpu.memref_squeeze %dma_start3A_86 : memref<1x128xi32, #tpu.memory_space<vmem>> -> memref<128xi32, #tpu.memory_space<vmem>>
        %dma_start3A_88 = arith.constant 0 : i32
        %dma_start3A_89 = tpu.memref_slice %arg5[%scan3A_82, %dma_start3A_88] : memref<79x128xi32, #tpu.memory_space<vmem>> -> memref<1x128xi32, #tpu.memory_space<vmem>>
        %dma_start3A_90 = tpu.memref_squeeze %dma_start3A_89 : memref<1x128xi32, #tpu.memory_space<vmem>> -> memref<128xi32, #tpu.memory_space<vmem>>
        %dma_start3A_91 = arith.constant 0 : i32
        %dma_start3A_92 = tpu.memref_slice %arg4[%dma_start3A_91] : memref<100000128xi32, #tpu.memory_space<hbm>> -> memref<100000128xi32, #tpu.memory_space<hbm>>
        tpu.enqueue_indirect_dma source(%dma_start3A_87 : memref<128xi32, #tpu.memory_space<vmem>>) target(%dma_start3A_92 : memref<100000128xi32, #tpu.memory_space<hbm>>) offsets(%dma_start3A_90 : memref<128xi32, #tpu.memory_space<vmem>>) semaphore(%run_scoped3A_85 : memref<!tpu.dma_semaphore, #tpu.memory_space<semaphore_mem>>)
        %dma_wait3A = arith.constant 0 : i32
        %dma_wait3A_93 = tpu.memref_slice %arg6[%scan3A_82, %dma_wait3A] : memref<79x128xi32, #tpu.memory_space<vmem>> -> memref<1x128xi32, #tpu.memory_space<vmem>>
        %dma_wait3A_94 = tpu.memref_squeeze %dma_wait3A_93 : memref<1x128xi32, #tpu.memory_space<vmem>> -> memref<128xi32, #tpu.memory_space<vmem>>
        %dma_wait3A_95 = arith.constant 0 : i32
        %dma_wait3A_96 = tpu.memref_slice %arg5[%scan3A_82, %dma_wait3A_95] : memref<79x128xi32, #tpu.memory_space<vmem>> -> memref<1x128xi32, #tpu.memory_space<vmem>>
        %dma_wait3A_97 = tpu.memref_squeeze %dma_wait3A_96 : memref<1x128xi32, #tpu.memory_space<vmem>> -> memref<128xi32, #tpu.memory_space<vmem>>
        %dma_wait3A_98 = arith.constant 0 : i32
        %dma_wait3A_99 = tpu.memref_slice %arg4[%dma_wait3A_98] : memref<100000128xi32, #tpu.memory_space<hbm>> -> memref<100000128xi32, #tpu.memory_space<hbm>>
        tpu.wait_indirect_dma semaphore(%run_scoped3A_85 : memref<!tpu.dma_semaphore, #tpu.memory_space<semaphore_mem>>) src(%dma_wait3A_94 : memref<128xi32, #tpu.memory_space<vmem>>) dst(%dma_wait3A_99 : memref<100000128xi32, #tpu.memory_space<hbm>>)
        tpu.yield
      }) : () -> ()
      %scan3A_84 = arith.constant 0 : i32
      scf.yield %scan3A_84 : i32
    }
    %scan3A_81 = arith.constant 79 : i32
    return
  }
}

#map = affine_map<(d0, d1) -> (0)>
module attributes {stable_mosaic.version = 14 : i64} {
  func.func @_count_body(%arg0: i32, %arg1: i32, %arg2: memref<320000xi32, #tpu.memory_space<hbm>>, %arg3: memref<2560xf32, #tpu.memory_space<hbm>>, %arg4: memref<320000xf32, #tpu.memory_space<hbm>>, %arg5: memref<327680xf32, #tpu.memory_space<hbm>>, %arg6: memref<157x128xi32, #tpu.memory_space<vmem>>, %arg7: memref<157x128xf32, #tpu.memory_space<vmem>>, %arg8: memref<2560xf32, #tpu.memory_space<vmem>>, %arg9: memref<327680xf32, #tpu.memory_space<vmem_shared>>) attributes {dimension_semantics = [#tpu.dimension_semantics<core_parallel>, #tpu.dimension_semantics<subcore_parallel>], iteration_bounds = array<i64: 2, 16>, scalar_prefetch = 0 : i64, scratch_operands = 4 : i64, tpu.core_type = #tpu.core_type<sc_vector_subcore>, window_params = [{transform_indices = #map}, {transform_indices = #map}, {transform_indices = #map}, {transform_indices = #map}]} {
    %eq3A = arith.constant 0 : i32
    %eq3A_0 = arith.cmpi eq, %arg0, %eq3A : i32
    %convert_element_type3A = arith.extui %eq3A_0 : i1 to i32
    %cond3A = arith.constant 0 : i32
    %cond3A_1 = arith.cmpi ne, %convert_element_type3A, %cond3A : i32
    scf.if %cond3A_1 {
      %mul3A = arith.constant 20000 : i32
      %mul3A_2 = arith.muli %arg1, %mul3A : i32
      "tpu.region"() ({
        %run_scoped3A_242 = tpu.sem_alloc : memref<!tpu.dma_semaphore, #tpu.memory_space<semaphore_mem>>
        tpu.enqueue_dma source(%arg3 : memref<2560xf32, #tpu.memory_space<hbm>>) target(%arg8 : memref<2560xf32, #tpu.memory_space<vmem>>) target_semaphore(%run_scoped3A_242 : memref<!tpu.dma_semaphore, #tpu.memory_space<semaphore_mem>>)
        tpu.wait_dma2 semaphore(%run_scoped3A_242 : memref<!tpu.dma_semaphore, #tpu.memory_space<semaphore_mem>>) src(%arg3 : memref<2560xf32, #tpu.memory_space<hbm>>) dst(%arg8 : memref<2560xf32, #tpu.memory_space<vmem>>)
        tpu.yield
      }) : () -> ()
      %mul3A_3 = arith.constant 20480 : i32
      %mul3A_4 = arith.muli %arg1, %mul3A_3 : i32
      %add3A = arith.constant 0 : i32
      %add3A_5 = arith.addi %mul3A_4, %add3A : i32
      "tpu.region"() ({
        %run_scoped3A_242 = tpu.sem_alloc : memref<!tpu.dma_semaphore, #tpu.memory_space<semaphore_mem>>
        %dma_start3A = tpu.memref_slice %arg9[%add3A_5] : memref<327680xf32, #tpu.memory_space<vmem_shared>> -> memref<2560xf32, #tpu.memory_space<vmem_shared>>
        %dma_start3A_243 = tpu.memref_slice %arg9[%add3A_5] : memref<327680xf32, #tpu.memory_space<vmem_shared>> -> memref<2560xf32, #tpu.memory_space<vmem_shared>>
        tpu.enqueue_dma source(%arg8 : memref<2560xf32, #tpu.memory_space<vmem>>) target(%dma_start3A_243 : memref<2560xf32, #tpu.memory_space<vmem_shared>>) target_semaphore(%run_scoped3A_242 : memref<!tpu.dma_semaphore, #tpu.memory_space<semaphore_mem>>)
        %dma_wait3A = tpu.memref_slice %arg9[%add3A_5] : memref<327680xf32, #tpu.memory_space<vmem_shared>> -> memref<2560xf32, #tpu.memory_space<vmem_shared>>
        %dma_wait3A_244 = tpu.memref_slice %arg9[%add3A_5] : memref<327680xf32, #tpu.memory_space<vmem_shared>> -> memref<2560xf32, #tpu.memory_space<vmem_shared>>
        tpu.wait_dma2 semaphore(%run_scoped3A_242 : memref<!tpu.dma_semaphore, #tpu.memory_space<semaphore_mem>>) src(%arg8 : memref<2560xf32, #tpu.memory_space<vmem>>) dst(%dma_wait3A_244 : memref<2560xf32, #tpu.memory_space<vmem_shared>>)
        tpu.yield
      }) : () -> ()
      %mul3A_6 = arith.constant 20480 : i32
      %mul3A_7 = arith.muli %arg1, %mul3A_6 : i32
      %add3A_8 = arith.constant 2560 : i32
      %add3A_9 = arith.addi %mul3A_7, %add3A_8 : i32
      "tpu.region"() ({
        %run_scoped3A_242 = tpu.sem_alloc : memref<!tpu.dma_semaphore, #tpu.memory_space<semaphore_mem>>
        %dma_start3A = tpu.memref_slice %arg9[%add3A_9] : memref<327680xf32, #tpu.memory_space<vmem_shared>> -> memref<2560xf32, #tpu.memory_space<vmem_shared>>
        %dma_start3A_243 = tpu.memref_slice %arg9[%add3A_9] : memref<327680xf32, #tpu.memory_space<vmem_shared>> -> memref<2560xf32, #tpu.memory_space<vmem_shared>>
        tpu.enqueue_dma source(%arg8 : memref<2560xf32, #tpu.memory_space<vmem>>) target(%dma_start3A_243 : memref<2560xf32, #tpu.memory_space<vmem_shared>>) target_semaphore(%run_scoped3A_242 : memref<!tpu.dma_semaphore, #tpu.memory_space<semaphore_mem>>)
        %dma_wait3A = tpu.memref_slice %arg9[%add3A_9] : memref<327680xf32, #tpu.memory_space<vmem_shared>> -> memref<2560xf32, #tpu.memory_space<vmem_shared>>
        %dma_wait3A_244 = tpu.memref_slice %arg9[%add3A_9] : memref<327680xf32, #tpu.memory_space<vmem_shared>> -> memref<2560xf32, #tpu.memory_space<vmem_shared>>
        tpu.wait_dma2 semaphore(%run_scoped3A_242 : memref<!tpu.dma_semaphore, #tpu.memory_space<semaphore_mem>>) src(%arg8 : memref<2560xf32, #tpu.memory_space<vmem>>) dst(%dma_wait3A_244 : memref<2560xf32, #tpu.memory_space<vmem_shared>>)
        tpu.yield
      }) : () -> ()
      %mul3A_10 = arith.constant 20480 : i32
      %mul3A_11 = arith.muli %arg1, %mul3A_10 : i32
      %add3A_12 = arith.constant 5120 : i32
      %add3A_13 = arith.addi %mul3A_11, %add3A_12 : i32
      "tpu.region"() ({
        %run_scoped3A_242 = tpu.sem_alloc : memref<!tpu.dma_semaphore, #tpu.memory_space<semaphore_mem>>
        %dma_start3A = tpu.memref_slice %arg9[%add3A_13] : memref<327680xf32, #tpu.memory_space<vmem_shared>> -> memref<2560xf32, #tpu.memory_space<vmem_shared>>
        %dma_start3A_243 = tpu.memref_slice %arg9[%add3A_13] : memref<327680xf32, #tpu.memory_space<vmem_shared>> -> memref<2560xf32, #tpu.memory_space<vmem_shared>>
        tpu.enqueue_dma source(%arg8 : memref<2560xf32, #tpu.memory_space<vmem>>) target(%dma_start3A_243 : memref<2560xf32, #tpu.memory_space<vmem_shared>>) target_semaphore(%run_scoped3A_242 : memref<!tpu.dma_semaphore, #tpu.memory_space<semaphore_mem>>)
        %dma_wait3A = tpu.memref_slice %arg9[%add3A_13] : memref<327680xf32, #tpu.memory_space<vmem_shared>> -> memref<2560xf32, #tpu.memory_space<vmem_shared>>
        %dma_wait3A_244 = tpu.memref_slice %arg9[%add3A_13] : memref<327680xf32, #tpu.memory_space<vmem_shared>> -> memref<2560xf32, #tpu.memory_space<vmem_shared>>
        tpu.wait_dma2 semaphore(%run_scoped3A_242 : memref<!tpu.dma_semaphore, #tpu.memory_space<semaphore_mem>>) src(%arg8 : memref<2560xf32, #tpu.memory_space<vmem>>) dst(%dma_wait3A_244 : memref<2560xf32, #tpu.memory_space<vmem_shared>>)
        tpu.yield
      }) : () -> ()
      %mul3A_14 = arith.constant 20480 : i32
      %mul3A_15 = arith.muli %arg1, %mul3A_14 : i32
      %add3A_16 = arith.constant 7680 : i32
      %add3A_17 = arith.addi %mul3A_15, %add3A_16 : i32
      "tpu.region"() ({
        %run_scoped3A_242 = tpu.sem_alloc : memref<!tpu.dma_semaphore, #tpu.memory_space<semaphore_mem>>
        %dma_start3A = tpu.memref_slice %arg9[%add3A_17] : memref<327680xf32, #tpu.memory_space<vmem_shared>> -> memref<2560xf32, #tpu.memory_space<vmem_shared>>
        %dma_start3A_243 = tpu.memref_slice %arg9[%add3A_17] : memref<327680xf32, #tpu.memory_space<vmem_shared>> -> memref<2560xf32, #tpu.memory_space<vmem_shared>>
        tpu.enqueue_dma source(%arg8 : memref<2560xf32, #tpu.memory_space<vmem>>) target(%dma_start3A_243 : memref<2560xf32, #tpu.memory_space<vmem_shared>>) target_semaphore(%run_scoped3A_242 : memref<!tpu.dma_semaphore, #tpu.memory_space<semaphore_mem>>)
        %dma_wait3A = tpu.memref_slice %arg9[%add3A_17] : memref<327680xf32, #tpu.memory_space<vmem_shared>> -> memref<2560xf32, #tpu.memory_space<vmem_shared>>
        %dma_wait3A_244 = tpu.memref_slice %arg9[%add3A_17] : memref<327680xf32, #tpu.memory_space<vmem_shared>> -> memref<2560xf32, #tpu.memory_space<vmem_shared>>
        tpu.wait_dma2 semaphore(%run_scoped3A_242 : memref<!tpu.dma_semaphore, #tpu.memory_space<semaphore_mem>>) src(%arg8 : memref<2560xf32, #tpu.memory_space<vmem>>) dst(%dma_wait3A_244 : memref<2560xf32, #tpu.memory_space<vmem_shared>>)
        tpu.yield
      }) : () -> ()
      %mul3A_18 = arith.constant 20480 : i32
      %mul3A_19 = arith.muli %arg1, %mul3A_18 : i32
      %add3A_20 = arith.constant 10240 : i32
      %add3A_21 = arith.addi %mul3A_19, %add3A_20 : i32
      "tpu.region"() ({
        %run_scoped3A_242 = tpu.sem_alloc : memref<!tpu.dma_semaphore, #tpu.memory_space<semaphore_mem>>
        %dma_start3A = tpu.memref_slice %arg9[%add3A_21] : memref<327680xf32, #tpu.memory_space<vmem_shared>> -> memref<2560xf32, #tpu.memory_space<vmem_shared>>
        %dma_start3A_243 = tpu.memref_slice %arg9[%add3A_21] : memref<327680xf32, #tpu.memory_space<vmem_shared>> -> memref<2560xf32, #tpu.memory_space<vmem_shared>>
        tpu.enqueue_dma source(%arg8 : memref<2560xf32, #tpu.memory_space<vmem>>) target(%dma_start3A_243 : memref<2560xf32, #tpu.memory_space<vmem_shared>>) target_semaphore(%run_scoped3A_242 : memref<!tpu.dma_semaphore, #tpu.memory_space<semaphore_mem>>)
        %dma_wait3A = tpu.memref_slice %arg9[%add3A_21] : memref<327680xf32, #tpu.memory_space<vmem_shared>> -> memref<2560xf32, #tpu.memory_space<vmem_shared>>
        %dma_wait3A_244 = tpu.memref_slice %arg9[%add3A_21] : memref<327680xf32, #tpu.memory_space<vmem_shared>> -> memref<2560xf32, #tpu.memory_space<vmem_shared>>
        tpu.wait_dma2 semaphore(%run_scoped3A_242 : memref<!tpu.dma_semaphore, #tpu.memory_space<semaphore_mem>>) src(%arg8 : memref<2560xf32, #tpu.memory_space<vmem>>) dst(%dma_wait3A_244 : memref<2560xf32, #tpu.memory_space<vmem_shared>>)
        tpu.yield
      }) : () -> ()
      %mul3A_22 = arith.constant 20480 : i32
      %mul3A_23 = arith.muli %arg1, %mul3A_22 : i32
      %add3A_24 = arith.constant 12800 : i32
      %add3A_25 = arith.addi %mul3A_23, %add3A_24 : i32
      "tpu.region"() ({
        %run_scoped3A_242 = tpu.sem_alloc : memref<!tpu.dma_semaphore, #tpu.memory_space<semaphore_mem>>
        %dma_start3A = tpu.memref_slice %arg9[%add3A_25] : memref<327680xf32, #tpu.memory_space<vmem_shared>> -> memref<2560xf32, #tpu.memory_space<vmem_shared>>
        %dma_start3A_243 = tpu.memref_slice %arg9[%add3A_25] : memref<327680xf32, #tpu.memory_space<vmem_shared>> -> memref<2560xf32, #tpu.memory_space<vmem_shared>>
        tpu.enqueue_dma source(%arg8 : memref<2560xf32, #tpu.memory_space<vmem>>) target(%dma_start3A_243 : memref<2560xf32, #tpu.memory_space<vmem_shared>>) target_semaphore(%run_scoped3A_242 : memref<!tpu.dma_semaphore, #tpu.memory_space<semaphore_mem>>)
        %dma_wait3A = tpu.memref_slice %arg9[%add3A_25] : memref<327680xf32, #tpu.memory_space<vmem_shared>> -> memref<2560xf32, #tpu.memory_space<vmem_shared>>
        %dma_wait3A_244 = tpu.memref_slice %arg9[%add3A_25] : memref<327680xf32, #tpu.memory_space<vmem_shared>> -> memref<2560xf32, #tpu.memory_space<vmem_shared>>
        tpu.wait_dma2 semaphore(%run_scoped3A_242 : memref<!tpu.dma_semaphore, #tpu.memory_space<semaphore_mem>>) src(%arg8 : memref<2560xf32, #tpu.memory_space<vmem>>) dst(%dma_wait3A_244 : memref<2560xf32, #tpu.memory_space<vmem_shared>>)
        tpu.yield
      }) : () -> ()
      %mul3A_26 = arith.constant 20480 : i32
      %mul3A_27 = arith.muli %arg1, %mul3A_26 : i32
      %add3A_28 = arith.constant 15360 : i32
      %add3A_29 = arith.addi %mul3A_27, %add3A_28 : i32
      "tpu.region"() ({
        %run_scoped3A_242 = tpu.sem_alloc : memref<!tpu.dma_semaphore, #tpu.memory_space<semaphore_mem>>
        %dma_start3A = tpu.memref_slice %arg9[%add3A_29] : memref<327680xf32, #tpu.memory_space<vmem_shared>> -> memref<2560xf32, #tpu.memory_space<vmem_shared>>
        %dma_start3A_243 = tpu.memref_slice %arg9[%add3A_29] : memref<327680xf32, #tpu.memory_space<vmem_shared>> -> memref<2560xf32, #tpu.memory_space<vmem_shared>>
        tpu.enqueue_dma source(%arg8 : memref<2560xf32, #tpu.memory_space<vmem>>) target(%dma_start3A_243 : memref<2560xf32, #tpu.memory_space<vmem_shared>>) target_semaphore(%run_scoped3A_242 : memref<!tpu.dma_semaphore, #tpu.memory_space<semaphore_mem>>)
        %dma_wait3A = tpu.memref_slice %arg9[%add3A_29] : memref<327680xf32, #tpu.memory_space<vmem_shared>> -> memref<2560xf32, #tpu.memory_space<vmem_shared>>
        %dma_wait3A_244 = tpu.memref_slice %arg9[%add3A_29] : memref<327680xf32, #tpu.memory_space<vmem_shared>> -> memref<2560xf32, #tpu.memory_space<vmem_shared>>
        tpu.wait_dma2 semaphore(%run_scoped3A_242 : memref<!tpu.dma_semaphore, #tpu.memory_space<semaphore_mem>>) src(%arg8 : memref<2560xf32, #tpu.memory_space<vmem>>) dst(%dma_wait3A_244 : memref<2560xf32, #tpu.memory_space<vmem_shared>>)
        tpu.yield
      }) : () -> ()
      %mul3A_30 = arith.constant 20480 : i32
      %mul3A_31 = arith.muli %arg1, %mul3A_30 : i32
      %add3A_32 = arith.constant 17920 : i32
      %add3A_33 = arith.addi %mul3A_31, %add3A_32 : i32
      "tpu.region"() ({
        %run_scoped3A_242 = tpu.sem_alloc : memref<!tpu.dma_semaphore, #tpu.memory_space<semaphore_mem>>
        %dma_start3A = tpu.memref_slice %arg9[%add3A_33] : memref<327680xf32, #tpu.memory_space<vmem_shared>> -> memref<2560xf32, #tpu.memory_space<vmem_shared>>
        %dma_start3A_243 = tpu.memref_slice %arg9[%add3A_33] : memref<327680xf32, #tpu.memory_space<vmem_shared>> -> memref<2560xf32, #tpu.memory_space<vmem_shared>>
        tpu.enqueue_dma source(%arg8 : memref<2560xf32, #tpu.memory_space<vmem>>) target(%dma_start3A_243 : memref<2560xf32, #tpu.memory_space<vmem_shared>>) target_semaphore(%run_scoped3A_242 : memref<!tpu.dma_semaphore, #tpu.memory_space<semaphore_mem>>)
        %dma_wait3A = tpu.memref_slice %arg9[%add3A_33] : memref<327680xf32, #tpu.memory_space<vmem_shared>> -> memref<2560xf32, #tpu.memory_space<vmem_shared>>
        %dma_wait3A_244 = tpu.memref_slice %arg9[%add3A_33] : memref<327680xf32, #tpu.memory_space<vmem_shared>> -> memref<2560xf32, #tpu.memory_space<vmem_shared>>
        tpu.wait_dma2 semaphore(%run_scoped3A_242 : memref<!tpu.dma_semaphore, #tpu.memory_space<semaphore_mem>>) src(%arg8 : memref<2560xf32, #tpu.memory_space<vmem>>) dst(%dma_wait3A_244 : memref<2560xf32, #tpu.memory_space<vmem_shared>>)
        tpu.yield
      }) : () -> ()
      %scan3A = arith.constant 0 : i32
      %scan3A_34 = arith.constant 0 : i32
      %scan3A_35 = arith.constant 156 : i32
      %scan3A_36 = arith.addi %scan3A_34, %scan3A_35 : i32
      %scan3A_37 = arith.constant 1 : i32
      %scan3A_38 = scf.for %scan3A_242 = %scan3A_34 to %scan3A_36 step %scan3A_37 iter_args(%scan3A_243 = %scan3A) -> (i32)  : i32 {
        %mul3A_244 = arith.constant 128 : i32
        %mul3A_245 = arith.muli %scan3A_242, %mul3A_244 : i32
        %add3A_246 = arith.addi %mul3A_2, %mul3A_245 : i32
        "tpu.region"() ({
          %run_scoped3A_248 = tpu.sem_alloc : memref<!tpu.dma_semaphore, #tpu.memory_space<semaphore_mem>>
          %dma_start3A = arith.constant 0 : i32
          %dma_start3A_249 = tpu.memref_slice %arg6[%scan3A_242, %dma_start3A] : memref<157x128xi32, #tpu.memory_space<vmem>> -> memref<1x128xi32, #tpu.memory_space<vmem>>
          %dma_start3A_250 = tpu.memref_squeeze %dma_start3A_249 : memref<1x128xi32, #tpu.memory_space<vmem>> -> memref<128xi32, #tpu.memory_space<vmem>>
          %dma_start3A_251 = tpu.memref_slice %arg2[%add3A_246] : memref<320000xi32, #tpu.memory_space<hbm>> -> memref<128xi32, #tpu.memory_space<hbm>>
          %dma_start3A_252 = arith.constant 0 : i32
          %dma_start3A_253 = tpu.memref_slice %arg6[%scan3A_242, %dma_start3A_252] : memref<157x128xi32, #tpu.memory_space<vmem>> -> memref<1x128xi32, #tpu.memory_space<vmem>>
          %dma_start3A_254 = tpu.memref_squeeze %dma_start3A_253 : memref<1x128xi32, #tpu.memory_space<vmem>> -> memref<128xi32, #tpu.memory_space<vmem>>
          %dma_start3A_255 = tpu.memref_slice %arg2[%add3A_246] : memref<320000xi32, #tpu.memory_space<hbm>> -> memref<128xi32, #tpu.memory_space<hbm>>
          tpu.enqueue_dma source(%dma_start3A_255 : memref<128xi32, #tpu.memory_space<hbm>>) target(%dma_start3A_254 : memref<128xi32, #tpu.memory_space<vmem>>) target_semaphore(%run_scoped3A_248 : memref<!tpu.dma_semaphore, #tpu.memory_space<semaphore_mem>>)
          %dma_wait3A = arith.constant 0 : i32
          %dma_wait3A_256 = tpu.memref_slice %arg6[%scan3A_242, %dma_wait3A] : memref<157x128xi32, #tpu.memory_space<vmem>> -> memref<1x128xi32, #tpu.memory_space<vmem>>
          %dma_wait3A_257 = tpu.memref_squeeze %dma_wait3A_256 : memref<1x128xi32, #tpu.memory_space<vmem>> -> memref<128xi32, #tpu.memory_space<vmem>>
          %dma_wait3A_258 = tpu.memref_slice %arg2[%add3A_246] : memref<320000xi32, #tpu.memory_space<hbm>> -> memref<128xi32, #tpu.memory_space<hbm>>
          %dma_wait3A_259 = arith.constant 0 : i32
          %dma_wait3A_260 = tpu.memref_slice %arg6[%scan3A_242, %dma_wait3A_259] : memref<157x128xi32, #tpu.memory_space<vmem>> -> memref<1x128xi32, #tpu.memory_space<vmem>>
          %dma_wait3A_261 = tpu.memref_squeeze %dma_wait3A_260 : memref<1x128xi32, #tpu.memory_space<vmem>> -> memref<128xi32, #tpu.memory_space<vmem>>
          %dma_wait3A_262 = tpu.memref_slice %arg2[%add3A_246] : memref<320000xi32, #tpu.memory_space<hbm>> -> memref<128xi32, #tpu.memory_space<hbm>>
          tpu.wait_dma2 semaphore(%run_scoped3A_248 : memref<!tpu.dma_semaphore, #tpu.memory_space<semaphore_mem>>) src(%dma_wait3A_262 : memref<128xi32, #tpu.memory_space<hbm>>) dst(%dma_wait3A_261 : memref<128xi32, #tpu.memory_space<vmem>>)
          tpu.yield
        }) : () -> ()
        %scan3A_247 = arith.constant 0 : i32
        scf.yield %scan3A_247 : i32
      }
      %scan3A_39 = arith.constant 156 : i32
      %add3A_40 = arith.constant 19968 : i32
      %add3A_41 = arith.addi %mul3A_2, %add3A_40 : i32
      %run_scoped3A = arith.constant 156 : i32
      "tpu.region"() ({
        %run_scoped3A_242 = tpu.sem_alloc : memref<!tpu.dma_semaphore, #tpu.memory_space<semaphore_mem>>
        %dma_start3A = arith.constant 0 : i32
        %dma_start3A_243 = tpu.memref_slice %arg6[%run_scoped3A, %dma_start3A] : memref<157x128xi32, #tpu.memory_space<vmem>> -> memref<1x32xi32, #tpu.memory_space<vmem>>
        %dma_start3A_244 = tpu.memref_squeeze %dma_start3A_243 : memref<1x32xi32, #tpu.memory_space<vmem>> -> memref<32xi32, #tpu.memory_space<vmem>>
        %dma_start3A_245 = tpu.memref_slice %arg2[%add3A_41] : memref<320000xi32, #tpu.memory_space<hbm>> -> memref<32xi32, #tpu.memory_space<hbm>>
        %dma_start3A_246 = arith.constant 0 : i32
        %dma_start3A_247 = tpu.memref_slice %arg6[%run_scoped3A, %dma_start3A_246] : memref<157x128xi32, #tpu.memory_space<vmem>> -> memref<1x32xi32, #tpu.memory_space<vmem>>
        %dma_start3A_248 = tpu.memref_squeeze %dma_start3A_247 : memref<1x32xi32, #tpu.memory_space<vmem>> -> memref<32xi32, #tpu.memory_space<vmem>>
        %dma_start3A_249 = tpu.memref_slice %arg2[%add3A_41] : memref<320000xi32, #tpu.memory_space<hbm>> -> memref<32xi32, #tpu.memory_space<hbm>>
        tpu.enqueue_dma source(%dma_start3A_249 : memref<32xi32, #tpu.memory_space<hbm>>) target(%dma_start3A_248 : memref<32xi32, #tpu.memory_space<vmem>>) target_semaphore(%run_scoped3A_242 : memref<!tpu.dma_semaphore, #tpu.memory_space<semaphore_mem>>)
        %dma_wait3A = arith.constant 0 : i32
        %dma_wait3A_250 = tpu.memref_slice %arg6[%run_scoped3A, %dma_wait3A] : memref<157x128xi32, #tpu.memory_space<vmem>> -> memref<1x32xi32, #tpu.memory_space<vmem>>
        %dma_wait3A_251 = tpu.memref_squeeze %dma_wait3A_250 : memref<1x32xi32, #tpu.memory_space<vmem>> -> memref<32xi32, #tpu.memory_space<vmem>>
        %dma_wait3A_252 = tpu.memref_slice %arg2[%add3A_41] : memref<320000xi32, #tpu.memory_space<hbm>> -> memref<32xi32, #tpu.memory_space<hbm>>
        %dma_wait3A_253 = arith.constant 0 : i32
        %dma_wait3A_254 = tpu.memref_slice %arg6[%run_scoped3A, %dma_wait3A_253] : memref<157x128xi32, #tpu.memory_space<vmem>> -> memref<1x32xi32, #tpu.memory_space<vmem>>
        %dma_wait3A_255 = tpu.memref_squeeze %dma_wait3A_254 : memref<1x32xi32, #tpu.memory_space<vmem>> -> memref<32xi32, #tpu.memory_space<vmem>>
        %dma_wait3A_256 = tpu.memref_slice %arg2[%add3A_41] : memref<320000xi32, #tpu.memory_space<hbm>> -> memref<32xi32, #tpu.memory_space<hbm>>
        tpu.wait_dma2 semaphore(%run_scoped3A_242 : memref<!tpu.dma_semaphore, #tpu.memory_space<semaphore_mem>>) src(%dma_wait3A_256 : memref<32xi32, #tpu.memory_space<hbm>>) dst(%dma_wait3A_255 : memref<32xi32, #tpu.memory_space<vmem>>)
        tpu.yield
      }) : () -> ()
      %broadcast_in_dim3A = arith.constant 320000 : i32
      %broadcast_in_dim3A_42 = vector.broadcast %broadcast_in_dim3A : i32 to vector<16xi32>
      %swap3A = arith.constant 156 : i32
      %swap3A_43 = arith.index_cast %swap3A : i32 to index
      %swap3A_44 = arith.constant 32 : index
      %swap3A_45 = tpu.vector_load %arg6[%swap3A_43, %swap3A_44] {strides = array<i32>} : memref<157x128xi32, #tpu.memory_space<vmem>>, vector<1x16xi32>,
      %swap3A_46 = vector.shape_cast %swap3A_45 : vector<1x16xi32> to vector<16xi32>
      %swap3A_47 = vector.shape_cast %broadcast_in_dim3A_42 : vector<16xi32> to vector<1x16xi32>
      tpu.vector_store %arg6[%swap3A_43, %swap3A_44], %swap3A_47 {strides = array<i32>} : memref<157x128xi32, #tpu.memory_space<vmem>>, vector<1x16xi32>,
      %broadcast_in_dim3A_48 = arith.constant 320000 : i32
      %broadcast_in_dim3A_49 = vector.broadcast %broadcast_in_dim3A_48 : i32 to vector<16xi32>
      %swap3A_50 = arith.constant 156 : i32
      %swap3A_51 = arith.index_cast %swap3A_50 : i32 to index
      %swap3A_52 = arith.constant 48 : index
      %swap3A_53 = tpu.vector_load %arg6[%swap3A_51, %swap3A_52] {strides = array<i32>} : memref<157x128xi32, #tpu.memory_space<vmem>>, vector<1x16xi32>,
      %swap3A_54 = vector.shape_cast %swap3A_53 : vector<1x16xi32> to vector<16xi32>
      %swap3A_55 = vector.shape_cast %broadcast_in_dim3A_49 : vector<16xi32> to vector<1x16xi32>
      tpu.vector_store %arg6[%swap3A_51, %swap3A_52], %swap3A_55 {strides = array<i32>} : memref<157x128xi32, #tpu.memory_space<vmem>>, vector<1x16xi32>,
      %broadcast_in_dim3A_56 = arith.constant 320000 : i32
      %broadcast_in_dim3A_57 = vector.broadcast %broadcast_in_dim3A_56 : i32 to vector<16xi32>
      %swap3A_58 = arith.constant 156 : i32
      %swap3A_59 = arith.index_cast %swap3A_58 : i32 to index
      %swap3A_60 = arith.constant 64 : index
      %swap3A_61 = tpu.vector_load %arg6[%swap3A_59, %swap3A_60] {strides = array<i32>} : memref<157x128xi32, #tpu.memory_space<vmem>>, vector<1x16xi32>,
      %swap3A_62 = vector.shape_cast %swap3A_61 : vector<1x16xi32> to vector<16xi32>
      %swap3A_63 = vector.shape_cast %broadcast_in_dim3A_57 : vector<16xi32> to vector<1x16xi32>
      tpu.vector_store %arg6[%swap3A_59, %swap3A_60], %swap3A_63 {strides = array<i32>} : memref<157x128xi32, #tpu.memory_space<vmem>>, vector<1x16xi32>,
      %broadcast_in_dim3A_64 = arith.constant 320000 : i32
      %broadcast_in_dim3A_65 = vector.broadcast %broadcast_in_dim3A_64 : i32 to vector<16xi32>
      %swap3A_66 = arith.constant 156 : i32
      %swap3A_67 = arith.index_cast %swap3A_66 : i32 to index
      %swap3A_68 = arith.constant 80 : index
      %swap3A_69 = tpu.vector_load %arg6[%swap3A_67, %swap3A_68] {strides = array<i32>} : memref<157x128xi32, #tpu.memory_space<vmem>>, vector<1x16xi32>,
      %swap3A_70 = vector.shape_cast %swap3A_69 : vector<1x16xi32> to vector<16xi32>
      %swap3A_71 = vector.shape_cast %broadcast_in_dim3A_65 : vector<16xi32> to vector<1x16xi32>
      tpu.vector_store %arg6[%swap3A_67, %swap3A_68], %swap3A_71 {strides = array<i32>} : memref<157x128xi32, #tpu.memory_space<vmem>>, vector<1x16xi32>,
      %broadcast_in_dim3A_72 = arith.constant 320000 : i32
      %broadcast_in_dim3A_73 = vector.broadcast %broadcast_in_dim3A_72 : i32 to vector<16xi32>
      %swap3A_74 = arith.constant 156 : i32
      %swap3A_75 = arith.index_cast %swap3A_74 : i32 to index
      %swap3A_76 = arith.constant 96 : index
      %swap3A_77 = tpu.vector_load %arg6[%swap3A_75, %swap3A_76] {strides = array<i32>} : memref<157x128xi32, #tpu.memory_space<vmem>>, vector<1x16xi32>,
      %swap3A_78 = vector.shape_cast %swap3A_77 : vector<1x16xi32> to vector<16xi32>
      %swap3A_79 = vector.shape_cast %broadcast_in_dim3A_73 : vector<16xi32> to vector<1x16xi32>
      tpu.vector_store %arg6[%swap3A_75, %swap3A_76], %swap3A_79 {strides = array<i32>} : memref<157x128xi32, #tpu.memory_space<vmem>>, vector<1x16xi32>,
      %broadcast_in_dim3A_80 = arith.constant 320000 : i32
      %broadcast_in_dim3A_81 = vector.broadcast %broadcast_in_dim3A_80 : i32 to vector<16xi32>
      %swap3A_82 = arith.constant 156 : i32
      %swap3A_83 = arith.index_cast %swap3A_82 : i32 to index
      %swap3A_84 = arith.constant 112 : index
      %swap3A_85 = tpu.vector_load %arg6[%swap3A_83, %swap3A_84] {strides = array<i32>} : memref<157x128xi32, #tpu.memory_space<vmem>>, vector<1x16xi32>,
      %swap3A_86 = vector.shape_cast %swap3A_85 : vector<1x16xi32> to vector<16xi32>
      %swap3A_87 = vector.shape_cast %broadcast_in_dim3A_81 : vector<16xi32> to vector<1x16xi32>
      tpu.vector_store %arg6[%swap3A_83, %swap3A_84], %swap3A_87 {strides = array<i32>} : memref<157x128xi32, #tpu.memory_space<vmem>>, vector<1x16xi32>,
      %broadcast_in_dim3A_88 = arith.constant 1.000000e+00 : f32
      %broadcast_in_dim3A_89 = vector.broadcast %broadcast_in_dim3A_88 : f32 to vector<16xf32>
      %swap3A_90 = arith.constant 0 : i32
      %swap3A_91 = arith.index_cast %swap3A_90 : i32 to index
      %swap3A_92 = arith.constant 0 : index
      %swap3A_93 = tpu.vector_load %arg7[%swap3A_91, %swap3A_92] {strides = array<i32>} : memref<157x128xf32, #tpu.memory_space<vmem>>, vector<1x16xf32>,
      %swap3A_94 = vector.shape_cast %swap3A_93 : vector<1x16xf32> to vector<16xf32>
      %swap3A_95 = vector.shape_cast %broadcast_in_dim3A_89 : vector<16xf32> to vector<1x16xf32>
      tpu.vector_store %arg7[%swap3A_91, %swap3A_92], %swap3A_95 {strides = array<i32>} : memref<157x128xf32, #tpu.memory_space<vmem>>, vector<1x16xf32>,
      %broadcast_in_dim3A_96 = arith.constant 1.000000e+00 : f32
      %broadcast_in_dim3A_97 = vector.broadcast %broadcast_in_dim3A_96 : f32 to vector<16xf32>
      %swap3A_98 = arith.constant 0 : i32
      %swap3A_99 = arith.index_cast %swap3A_98 : i32 to index
      %swap3A_100 = arith.constant 16 : index
      %swap3A_101 = tpu.vector_load %arg7[%swap3A_99, %swap3A_100] {strides = array<i32>} : memref<157x128xf32, #tpu.memory_space<vmem>>, vector<1x16xf32>,
      %swap3A_102 = vector.shape_cast %swap3A_101 : vector<1x16xf32> to vector<16xf32>
      %swap3A_103 = vector.shape_cast %broadcast_in_dim3A_97 : vector<16xf32> to vector<1x16xf32>
      tpu.vector_store %arg7[%swap3A_99, %swap3A_100], %swap3A_103 {strides = array<i32>} : memref<157x128xf32, #tpu.memory_space<vmem>>, vector<1x16xf32>,
      %broadcast_in_dim3A_104 = arith.constant 1.000000e+00 : f32
      %broadcast_in_dim3A_105 = vector.broadcast %broadcast_in_dim3A_104 : f32 to vector<16xf32>
      %swap3A_106 = arith.constant 0 : i32
      %swap3A_107 = arith.index_cast %swap3A_106 : i32 to index
      %swap3A_108 = arith.constant 32 : index
      %swap3A_109 = tpu.vector_load %arg7[%swap3A_107, %swap3A_108] {strides = array<i32>} : memref<157x128xf32, #tpu.memory_space<vmem>>, vector<1x16xf32>,
      %swap3A_110 = vector.shape_cast %swap3A_109 : vector<1x16xf32> to vector<16xf32>
      %swap3A_111 = vector.shape_cast %broadcast_in_dim3A_105 : vector<16xf32> to vector<1x16xf32>
      tpu.vector_store %arg7[%swap3A_107, %swap3A_108], %swap3A_111 {strides = array<i32>} : memref<157x128xf32, #tpu.memory_space<vmem>>, vector<1x16xf32>,
      %broadcast_in_dim3A_112 = arith.constant 1.000000e+00 : f32
      %broadcast_in_dim3A_113 = vector.broadcast %broadcast_in_dim3A_112 : f32 to vector<16xf32>
      %swap3A_114 = arith.constant 0 : i32
      %swap3A_115 = arith.index_cast %swap3A_114 : i32 to index
      %swap3A_116 = arith.constant 48 : index
      %swap3A_117 = tpu.vector_load %arg7[%swap3A_115, %swap3A_116] {strides = array<i32>} : memref<157x128xf32, #tpu.memory_space<vmem>>, vector<1x16xf32>,
      %swap3A_118 = vector.shape_cast %swap3A_117 : vector<1x16xf32> to vector<16xf32>
      %swap3A_119 = vector.shape_cast %broadcast_in_dim3A_113 : vector<16xf32> to vector<1x16xf32>
      tpu.vector_store %arg7[%swap3A_115, %swap3A_116], %swap3A_119 {strides = array<i32>} : memref<157x128xf32, #tpu.memory_space<vmem>>, vector<1x16xf32>,
      %broadcast_in_dim3A_120 = arith.constant 1.000000e+00 : f32
      %broadcast_in_dim3A_121 = vector.broadcast %broadcast_in_dim3A_120 : f32 to vector<16xf32>
      %swap3A_122 = arith.constant 0 : i32
      %swap3A_123 = arith.index_cast %swap3A_122 : i32 to index
      %swap3A_124 = arith.constant 64 : index
      %swap3A_125 = tpu.vector_load %arg7[%swap3A_123, %swap3A_124] {strides = array<i32>} : memref<157x128xf32, #tpu.memory_space<vmem>>, vector<1x16xf32>,
      %swap3A_126 = vector.shape_cast %swap3A_125 : vector<1x16xf32> to vector<16xf32>
      %swap3A_127 = vector.shape_cast %broadcast_in_dim3A_121 : vector<16xf32> to vector<1x16xf32>
      tpu.vector_store %arg7[%swap3A_123, %swap3A_124], %swap3A_127 {strides = array<i32>} : memref<157x128xf32, #tpu.memory_space<vmem>>, vector<1x16xf32>,
      %broadcast_in_dim3A_128 = arith.constant 1.000000e+00 : f32
      %broadcast_in_dim3A_129 = vector.broadcast %broadcast_in_dim3A_128 : f32 to vector<16xf32>
      %swap3A_130 = arith.constant 0 : i32
      %swap3A_131 = arith.index_cast %swap3A_130 : i32 to index
      %swap3A_132 = arith.constant 80 : index
      %swap3A_133 = tpu.vector_load %arg7[%swap3A_131, %swap3A_132] {strides = array<i32>} : memref<157x128xf32, #tpu.memory_space<vmem>>, vector<1x16xf32>,
      %swap3A_134 = vector.shape_cast %swap3A_133 : vector<1x16xf32> to vector<16xf32>
      %swap3A_135 = vector.shape_cast %broadcast_in_dim3A_129 : vector<16xf32> to vector<1x16xf32>
      tpu.vector_store %arg7[%swap3A_131, %swap3A_132], %swap3A_135 {strides = array<i32>} : memref<157x128xf32, #tpu.memory_space<vmem>>, vector<1x16xf32>,
      %broadcast_in_dim3A_136 = arith.constant 1.000000e+00 : f32
      %broadcast_in_dim3A_137 = vector.broadcast %broadcast_in_dim3A_136 : f32 to vector<16xf32>
      %swap3A_138 = arith.constant 0 : i32
      %swap3A_139 = arith.index_cast %swap3A_138 : i32 to index
      %swap3A_140 = arith.constant 96 : index
      %swap3A_141 = tpu.vector_load %arg7[%swap3A_139, %swap3A_140] {strides = array<i32>} : memref<157x128xf32, #tpu.memory_space<vmem>>, vector<1x16xf32>,
      %swap3A_142 = vector.shape_cast %swap3A_141 : vector<1x16xf32> to vector<16xf32>
      %swap3A_143 = vector.shape_cast %broadcast_in_dim3A_137 : vector<16xf32> to vector<1x16xf32>
      tpu.vector_store %arg7[%swap3A_139, %swap3A_140], %swap3A_143 {strides = array<i32>} : memref<157x128xf32, #tpu.memory_space<vmem>>, vector<1x16xf32>,
      %broadcast_in_dim3A_144 = arith.constant 1.000000e+00 : f32
      %broadcast_in_dim3A_145 = vector.broadcast %broadcast_in_dim3A_144 : f32 to vector<16xf32>
      %swap3A_146 = arith.constant 0 : i32
      %swap3A_147 = arith.index_cast %swap3A_146 : i32 to index
      %swap3A_148 = arith.constant 112 : index
      %swap3A_149 = tpu.vector_load %arg7[%swap3A_147, %swap3A_148] {strides = array<i32>} : memref<157x128xf32, #tpu.memory_space<vmem>>, vector<1x16xf32>,
      %swap3A_150 = vector.shape_cast %swap3A_149 : vector<1x16xf32> to vector<16xf32>
      %swap3A_151 = vector.shape_cast %broadcast_in_dim3A_145 : vector<16xf32> to vector<1x16xf32>
      tpu.vector_store %arg7[%swap3A_147, %swap3A_148], %swap3A_151 {strides = array<i32>} : memref<157x128xf32, #tpu.memory_space<vmem>>, vector<1x16xf32>,
      %barrier3A = arith.constant 0 : index
      tpu.barrier barrier_id(%barrier3A)
      %scan3A_152 = arith.constant 0 : i32
      %scan3A_153 = arith.constant 0 : i32
      %scan3A_154 = arith.constant 157 : i32
      %scan3A_155 = arith.addi %scan3A_153, %scan3A_154 : i32
      %scan3A_156 = arith.constant 1 : i32
      %scan3A_157 = scf.for %scan3A_242 = %scan3A_153 to %scan3A_155 step %scan3A_156 iter_args(%scan3A_243 = %scan3A_152) -> (i32)  : i32 {
        %run_scoped3A_244 = arith.constant 0 : i32
        "tpu.region"() ({
          %run_scoped3A_246 = tpu.sem_alloc : memref<!tpu.dma_semaphore, #tpu.memory_space<semaphore_mem>>
          %dma_start3A = arith.constant 0 : i32
          %dma_start3A_247 = tpu.memref_slice %arg7[%run_scoped3A_244, %dma_start3A] : memref<157x128xf32, #tpu.memory_space<vmem>> -> memref<1x128xf32, #tpu.memory_space<vmem>>
          %dma_start3A_248 = tpu.memref_squeeze %dma_start3A_247 : memref<1x128xf32, #tpu.memory_space<vmem>> -> memref<128xf32, #tpu.memory_space<vmem>>
          %dma_start3A_249 = arith.constant 0 : i32
          %dma_start3A_250 = tpu.memref_slice %arg6[%scan3A_242, %dma_start3A_249] : memref<157x128xi32, #tpu.memory_space<vmem>> -> memref<1x128xi32, #tpu.memory_space<vmem>>
          %dma_start3A_251 = tpu.memref_squeeze %dma_start3A_250 : memref<1x128xi32, #tpu.memory_space<vmem>> -> memref<128xi32, #tpu.memory_space<vmem>>
          %dma_start3A_252 = arith.constant 0 : i32
          %dma_start3A_253 = tpu.memref_slice %arg9[%dma_start3A_252] : memref<327680xf32, #tpu.memory_space<vmem_shared>> -> memref<327680xf32, #tpu.memory_space<vmem_shared>>
          tpu.enqueue_indirect_dma source(%dma_start3A_248 : memref<128xf32, #tpu.memory_space<vmem>>) target(%dma_start3A_253 : memref<327680xf32, #tpu.memory_space<vmem_shared>>) offsets(%dma_start3A_251 : memref<128xi32, #tpu.memory_space<vmem>>) semaphore(%run_scoped3A_246 : memref<!tpu.dma_semaphore, #tpu.memory_space<semaphore_mem>>) {add = true}
          %dma_wait3A = arith.constant 0 : i32
          %dma_wait3A_254 = tpu.memref_slice %arg7[%run_scoped3A_244, %dma_wait3A] : memref<157x128xf32, #tpu.memory_space<vmem>> -> memref<1x128xf32, #tpu.memory_space<vmem>>
          %dma_wait3A_255 = tpu.memref_squeeze %dma_wait3A_254 : memref<1x128xf32, #tpu.memory_space<vmem>> -> memref<128xf32, #tpu.memory_space<vmem>>
          %dma_wait3A_256 = arith.constant 0 : i32
          %dma_wait3A_257 = tpu.memref_slice %arg6[%scan3A_242, %dma_wait3A_256] : memref<157x128xi32, #tpu.memory_space<vmem>> -> memref<1x128xi32, #tpu.memory_space<vmem>>
          %dma_wait3A_258 = tpu.memref_squeeze %dma_wait3A_257 : memref<1x128xi32, #tpu.memory_space<vmem>> -> memref<128xi32, #tpu.memory_space<vmem>>
          %dma_wait3A_259 = arith.constant 0 : i32
          %dma_wait3A_260 = tpu.memref_slice %arg9[%dma_wait3A_259] : memref<327680xf32, #tpu.memory_space<vmem_shared>> -> memref<327680xf32, #tpu.memory_space<vmem_shared>>
          tpu.wait_indirect_dma semaphore(%run_scoped3A_246 : memref<!tpu.dma_semaphore, #tpu.memory_space<semaphore_mem>>) src(%dma_wait3A_255 : memref<128xf32, #tpu.memory_space<vmem>>) dst(%dma_wait3A_260 : memref<327680xf32, #tpu.memory_space<vmem_shared>>)
          tpu.yield
        }) : () -> ()
        %scan3A_245 = arith.constant 0 : i32
        scf.yield %scan3A_245 : i32
      }
      %scan3A_158 = arith.constant 157 : i32
      %barrier3A_159 = arith.constant 0 : index
      tpu.barrier barrier_id(%barrier3A_159)
      %mul3A_160 = arith.constant 20480 : i32
      %mul3A_161 = arith.muli %arg1, %mul3A_160 : i32
      %add3A_162 = arith.constant 0 : i32
      %add3A_163 = arith.addi %mul3A_161, %add3A_162 : i32
      "tpu.region"() ({
        %run_scoped3A_242 = tpu.sem_alloc : memref<!tpu.dma_semaphore, #tpu.memory_space<semaphore_mem>>
        %dma_start3A = tpu.memref_slice %arg9[%add3A_163] : memref<327680xf32, #tpu.memory_space<vmem_shared>> -> memref<2560xf32, #tpu.memory_space<vmem_shared>>
        %dma_start3A_243 = tpu.memref_slice %arg9[%add3A_163] : memref<327680xf32, #tpu.memory_space<vmem_shared>> -> memref<2560xf32, #tpu.memory_space<vmem_shared>>
        tpu.enqueue_dma source(%dma_start3A_243 : memref<2560xf32, #tpu.memory_space<vmem_shared>>) target(%arg8 : memref<2560xf32, #tpu.memory_space<vmem>>) target_semaphore(%run_scoped3A_242 : memref<!tpu.dma_semaphore, #tpu.memory_space<semaphore_mem>>)
        %dma_wait3A = tpu.memref_slice %arg9[%add3A_163] : memref<327680xf32, #tpu.memory_space<vmem_shared>> -> memref<2560xf32, #tpu.memory_space<vmem_shared>>
        %dma_wait3A_244 = tpu.memref_slice %arg9[%add3A_163] : memref<327680xf32, #tpu.memory_space<vmem_shared>> -> memref<2560xf32, #tpu.memory_space<vmem_shared>>
        tpu.wait_dma2 semaphore(%run_scoped3A_242 : memref<!tpu.dma_semaphore, #tpu.memory_space<semaphore_mem>>) src(%dma_wait3A_244 : memref<2560xf32, #tpu.memory_space<vmem_shared>>) dst(%arg8 : memref<2560xf32, #tpu.memory_space<vmem>>)
        tpu.yield
      }) : () -> ()
      %mul3A_164 = arith.constant 20480 : i32
      %mul3A_165 = arith.muli %arg1, %mul3A_164 : i32
      %add3A_166 = arith.constant 0 : i32
      %add3A_167 = arith.addi %mul3A_165, %add3A_166 : i32
      "tpu.region"() ({
        %run_scoped3A_242 = tpu.sem_alloc : memref<!tpu.dma_semaphore, #tpu.memory_space<semaphore_mem>>
        %dma_start3A = tpu.memref_slice %arg5[%add3A_167] : memref<327680xf32, #tpu.memory_space<hbm>> -> memref<2560xf32, #tpu.memory_space<hbm>>
        %dma_start3A_243 = tpu.memref_slice %arg5[%add3A_167] : memref<327680xf32, #tpu.memory_space<hbm>> -> memref<2560xf32, #tpu.memory_space<hbm>>
        tpu.enqueue_dma source(%arg8 : memref<2560xf32, #tpu.memory_space<vmem>>) target(%dma_start3A_243 : memref<2560xf32, #tpu.memory_space<hbm>>) target_semaphore(%run_scoped3A_242 : memref<!tpu.dma_semaphore, #tpu.memory_space<semaphore_mem>>)
        %dma_wait3A = tpu.memref_slice %arg5[%add3A_167] : memref<327680xf32, #tpu.memory_space<hbm>> -> memref<2560xf32, #tpu.memory_space<hbm>>
        %dma_wait3A_244 = tpu.memref_slice %arg5[%add3A_167] : memref<327680xf32, #tpu.memory_space<hbm>> -> memref<2560xf32, #tpu.memory_space<hbm>>
        tpu.wait_dma2 semaphore(%run_scoped3A_242 : memref<!tpu.dma_semaphore, #tpu.memory_space<semaphore_mem>>) src(%arg8 : memref<2560xf32, #tpu.memory_space<vmem>>) dst(%dma_wait3A_244 : memref<2560xf32, #tpu.memory_space<hbm>>)
        tpu.yield
      }) : () -> ()
      %mul3A_168 = arith.constant 20480 : i32
      %mul3A_169 = arith.muli %arg1, %mul3A_168 : i32
      %add3A_170 = arith.constant 2560 : i32
      %add3A_171 = arith.addi %mul3A_169, %add3A_170 : i32
      "tpu.region"() ({
        %run_scoped3A_242 = tpu.sem_alloc : memref<!tpu.dma_semaphore, #tpu.memory_space<semaphore_mem>>
        %dma_start3A = tpu.memref_slice %arg9[%add3A_171] : memref<327680xf32, #tpu.memory_space<vmem_shared>> -> memref<2560xf32, #tpu.memory_space<vmem_shared>>
        %dma_start3A_243 = tpu.memref_slice %arg9[%add3A_171] : memref<327680xf32, #tpu.memory_space<vmem_shared>> -> memref<2560xf32, #tpu.memory_space<vmem_shared>>
        tpu.enqueue_dma source(%dma_start3A_243 : memref<2560xf32, #tpu.memory_space<vmem_shared>>) target(%arg8 : memref<2560xf32, #tpu.memory_space<vmem>>) target_semaphore(%run_scoped3A_242 : memref<!tpu.dma_semaphore, #tpu.memory_space<semaphore_mem>>)
        %dma_wait3A = tpu.memref_slice %arg9[%add3A_171] : memref<327680xf32, #tpu.memory_space<vmem_shared>> -> memref<2560xf32, #tpu.memory_space<vmem_shared>>
        %dma_wait3A_244 = tpu.memref_slice %arg9[%add3A_171] : memref<327680xf32, #tpu.memory_space<vmem_shared>> -> memref<2560xf32, #tpu.memory_space<vmem_shared>>
        tpu.wait_dma2 semaphore(%run_scoped3A_242 : memref<!tpu.dma_semaphore, #tpu.memory_space<semaphore_mem>>) src(%dma_wait3A_244 : memref<2560xf32, #tpu.memory_space<vmem_shared>>) dst(%arg8 : memref<2560xf32, #tpu.memory_space<vmem>>)
        tpu.yield
      }) : () -> ()
      %mul3A_172 = arith.constant 20480 : i32
      %mul3A_173 = arith.muli %arg1, %mul3A_172 : i32
      %add3A_174 = arith.constant 2560 : i32
      %add3A_175 = arith.addi %mul3A_173, %add3A_174 : i32
      "tpu.region"() ({
        %run_scoped3A_242 = tpu.sem_alloc : memref<!tpu.dma_semaphore, #tpu.memory_space<semaphore_mem>>
        %dma_start3A = tpu.memref_slice %arg5[%add3A_175] : memref<327680xf32, #tpu.memory_space<hbm>> -> memref<2560xf32, #tpu.memory_space<hbm>>
        %dma_start3A_243 = tpu.memref_slice %arg5[%add3A_175] : memref<327680xf32, #tpu.memory_space<hbm>> -> memref<2560xf32, #tpu.memory_space<hbm>>
        tpu.enqueue_dma source(%arg8 : memref<2560xf32, #tpu.memory_space<vmem>>) target(%dma_start3A_243 : memref<2560xf32, #tpu.memory_space<hbm>>) target_semaphore(%run_scoped3A_242 : memref<!tpu.dma_semaphore, #tpu.memory_space<semaphore_mem>>)
        %dma_wait3A = tpu.memref_slice %arg5[%add3A_175] : memref<327680xf32, #tpu.memory_space<hbm>> -> memref<2560xf32, #tpu.memory_space<hbm>>
        %dma_wait3A_244 = tpu.memref_slice %arg5[%add3A_175] : memref<327680xf32, #tpu.memory_space<hbm>> -> memref<2560xf32, #tpu.memory_space<hbm>>
        tpu.wait_dma2 semaphore(%run_scoped3A_242 : memref<!tpu.dma_semaphore, #tpu.memory_space<semaphore_mem>>) src(%arg8 : memref<2560xf32, #tpu.memory_space<vmem>>) dst(%dma_wait3A_244 : memref<2560xf32, #tpu.memory_space<hbm>>)
        tpu.yield
      }) : () -> ()
      %mul3A_176 = arith.constant 20480 : i32
      %mul3A_177 = arith.muli %arg1, %mul3A_176 : i32
      %add3A_178 = arith.constant 5120 : i32
      %add3A_179 = arith.addi %mul3A_177, %add3A_178 : i32
      "tpu.region"() ({
        %run_scoped3A_242 = tpu.sem_alloc : memref<!tpu.dma_semaphore, #tpu.memory_space<semaphore_mem>>
        %dma_start3A = tpu.memref_slice %arg9[%add3A_179] : memref<327680xf32, #tpu.memory_space<vmem_shared>> -> memref<2560xf32, #tpu.memory_space<vmem_shared>>
        %dma_start3A_243 = tpu.memref_slice %arg9[%add3A_179] : memref<327680xf32, #tpu.memory_space<vmem_shared>> -> memref<2560xf32, #tpu.memory_space<vmem_shared>>
        tpu.enqueue_dma source(%dma_start3A_243 : memref<2560xf32, #tpu.memory_space<vmem_shared>>) target(%arg8 : memref<2560xf32, #tpu.memory_space<vmem>>) target_semaphore(%run_scoped3A_242 : memref<!tpu.dma_semaphore, #tpu.memory_space<semaphore_mem>>)
        %dma_wait3A = tpu.memref_slice %arg9[%add3A_179] : memref<327680xf32, #tpu.memory_space<vmem_shared>> -> memref<2560xf32, #tpu.memory_space<vmem_shared>>
        %dma_wait3A_244 = tpu.memref_slice %arg9[%add3A_179] : memref<327680xf32, #tpu.memory_space<vmem_shared>> -> memref<2560xf32, #tpu.memory_space<vmem_shared>>
        tpu.wait_dma2 semaphore(%run_scoped3A_242 : memref<!tpu.dma_semaphore, #tpu.memory_space<semaphore_mem>>) src(%dma_wait3A_244 : memref<2560xf32, #tpu.memory_space<vmem_shared>>) dst(%arg8 : memref<2560xf32, #tpu.memory_space<vmem>>)
        tpu.yield
      }) : () -> ()
      %mul3A_180 = arith.constant 20480 : i32
      %mul3A_181 = arith.muli %arg1, %mul3A_180 : i32
      %add3A_182 = arith.constant 5120 : i32
      %add3A_183 = arith.addi %mul3A_181, %add3A_182 : i32
      "tpu.region"() ({
        %run_scoped3A_242 = tpu.sem_alloc : memref<!tpu.dma_semaphore, #tpu.memory_space<semaphore_mem>>
        %dma_start3A = tpu.memref_slice %arg5[%add3A_183] : memref<327680xf32, #tpu.memory_space<hbm>> -> memref<2560xf32, #tpu.memory_space<hbm>>
        %dma_start3A_243 = tpu.memref_slice %arg5[%add3A_183] : memref<327680xf32, #tpu.memory_space<hbm>> -> memref<2560xf32, #tpu.memory_space<hbm>>
        tpu.enqueue_dma source(%arg8 : memref<2560xf32, #tpu.memory_space<vmem>>) target(%dma_start3A_243 : memref<2560xf32, #tpu.memory_space<hbm>>) target_semaphore(%run_scoped3A_242 : memref<!tpu.dma_semaphore, #tpu.memory_space<semaphore_mem>>)
        %dma_wait3A = tpu.memref_slice %arg5[%add3A_183] : memref<327680xf32, #tpu.memory_space<hbm>> -> memref<2560xf32, #tpu.memory_space<hbm>>
        %dma_wait3A_244 = tpu.memref_slice %arg5[%add3A_183] : memref<327680xf32, #tpu.memory_space<hbm>> -> memref<2560xf32, #tpu.memory_space<hbm>>
        tpu.wait_dma2 semaphore(%run_scoped3A_242 : memref<!tpu.dma_semaphore, #tpu.memory_space<semaphore_mem>>) src(%arg8 : memref<2560xf32, #tpu.memory_space<vmem>>) dst(%dma_wait3A_244 : memref<2560xf32, #tpu.memory_space<hbm>>)
        tpu.yield
      }) : () -> ()
      %mul3A_184 = arith.constant 20480 : i32
      %mul3A_185 = arith.muli %arg1, %mul3A_184 : i32
      %add3A_186 = arith.constant 7680 : i32
      %add3A_187 = arith.addi %mul3A_185, %add3A_186 : i32
      "tpu.region"() ({
        %run_scoped3A_242 = tpu.sem_alloc : memref<!tpu.dma_semaphore, #tpu.memory_space<semaphore_mem>>
        %dma_start3A = tpu.memref_slice %arg9[%add3A_187] : memref<327680xf32, #tpu.memory_space<vmem_shared>> -> memref<2560xf32, #tpu.memory_space<vmem_shared>>
        %dma_start3A_243 = tpu.memref_slice %arg9[%add3A_187] : memref<327680xf32, #tpu.memory_space<vmem_shared>> -> memref<2560xf32, #tpu.memory_space<vmem_shared>>
        tpu.enqueue_dma source(%dma_start3A_243 : memref<2560xf32, #tpu.memory_space<vmem_shared>>) target(%arg8 : memref<2560xf32, #tpu.memory_space<vmem>>) target_semaphore(%run_scoped3A_242 : memref<!tpu.dma_semaphore, #tpu.memory_space<semaphore_mem>>)
        %dma_wait3A = tpu.memref_slice %arg9[%add3A_187] : memref<327680xf32, #tpu.memory_space<vmem_shared>> -> memref<2560xf32, #tpu.memory_space<vmem_shared>>
        %dma_wait3A_244 = tpu.memref_slice %arg9[%add3A_187] : memref<327680xf32, #tpu.memory_space<vmem_shared>> -> memref<2560xf32, #tpu.memory_space<vmem_shared>>
        tpu.wait_dma2 semaphore(%run_scoped3A_242 : memref<!tpu.dma_semaphore, #tpu.memory_space<semaphore_mem>>) src(%dma_wait3A_244 : memref<2560xf32, #tpu.memory_space<vmem_shared>>) dst(%arg8 : memref<2560xf32, #tpu.memory_space<vmem>>)
        tpu.yield
      }) : () -> ()
      %mul3A_188 = arith.constant 20480 : i32
      %mul3A_189 = arith.muli %arg1, %mul3A_188 : i32
      %add3A_190 = arith.constant 7680 : i32
      %add3A_191 = arith.addi %mul3A_189, %add3A_190 : i32
      "tpu.region"() ({
        %run_scoped3A_242 = tpu.sem_alloc : memref<!tpu.dma_semaphore, #tpu.memory_space<semaphore_mem>>
        %dma_start3A = tpu.memref_slice %arg5[%add3A_191] : memref<327680xf32, #tpu.memory_space<hbm>> -> memref<2560xf32, #tpu.memory_space<hbm>>
        %dma_start3A_243 = tpu.memref_slice %arg5[%add3A_191] : memref<327680xf32, #tpu.memory_space<hbm>> -> memref<2560xf32, #tpu.memory_space<hbm>>
        tpu.enqueue_dma source(%arg8 : memref<2560xf32, #tpu.memory_space<vmem>>) target(%dma_start3A_243 : memref<2560xf32, #tpu.memory_space<hbm>>) target_semaphore(%run_scoped3A_242 : memref<!tpu.dma_semaphore, #tpu.memory_space<semaphore_mem>>)
        %dma_wait3A = tpu.memref_slice %arg5[%add3A_191] : memref<327680xf32, #tpu.memory_space<hbm>> -> memref<2560xf32, #tpu.memory_space<hbm>>
        %dma_wait3A_244 = tpu.memref_slice %arg5[%add3A_191] : memref<327680xf32, #tpu.memory_space<hbm>> -> memref<2560xf32, #tpu.memory_space<hbm>>
        tpu.wait_dma2 semaphore(%run_scoped3A_242 : memref<!tpu.dma_semaphore, #tpu.memory_space<semaphore_mem>>) src(%arg8 : memref<2560xf32, #tpu.memory_space<vmem>>) dst(%dma_wait3A_244 : memref<2560xf32, #tpu.memory_space<hbm>>)
        tpu.yield
      }) : () -> ()
      %mul3A_192 = arith.constant 20480 : i32
      %mul3A_193 = arith.muli %arg1, %mul3A_192 : i32
      %add3A_194 = arith.constant 10240 : i32
      %add3A_195 = arith.addi %mul3A_193, %add3A_194 : i32
      "tpu.region"() ({
        %run_scoped3A_242 = tpu.sem_alloc : memref<!tpu.dma_semaphore, #tpu.memory_space<semaphore_mem>>
        %dma_start3A = tpu.memref_slice %arg9[%add3A_195] : memref<327680xf32, #tpu.memory_space<vmem_shared>> -> memref<2560xf32, #tpu.memory_space<vmem_shared>>
        %dma_start3A_243 = tpu.memref_slice %arg9[%add3A_195] : memref<327680xf32, #tpu.memory_space<vmem_shared>> -> memref<2560xf32, #tpu.memory_space<vmem_shared>>
        tpu.enqueue_dma source(%dma_start3A_243 : memref<2560xf32, #tpu.memory_space<vmem_shared>>) target(%arg8 : memref<2560xf32, #tpu.memory_space<vmem>>) target_semaphore(%run_scoped3A_242 : memref<!tpu.dma_semaphore, #tpu.memory_space<semaphore_mem>>)
        %dma_wait3A = tpu.memref_slice %arg9[%add3A_195] : memref<327680xf32, #tpu.memory_space<vmem_shared>> -> memref<2560xf32, #tpu.memory_space<vmem_shared>>
        %dma_wait3A_244 = tpu.memref_slice %arg9[%add3A_195] : memref<327680xf32, #tpu.memory_space<vmem_shared>> -> memref<2560xf32, #tpu.memory_space<vmem_shared>>
        tpu.wait_dma2 semaphore(%run_scoped3A_242 : memref<!tpu.dma_semaphore, #tpu.memory_space<semaphore_mem>>) src(%dma_wait3A_244 : memref<2560xf32, #tpu.memory_space<vmem_shared>>) dst(%arg8 : memref<2560xf32, #tpu.memory_space<vmem>>)
        tpu.yield
      }) : () -> ()
      %mul3A_196 = arith.constant 20480 : i32
      %mul3A_197 = arith.muli %arg1, %mul3A_196 : i32
      %add3A_198 = arith.constant 10240 : i32
      %add3A_199 = arith.addi %mul3A_197, %add3A_198 : i32
      "tpu.region"() ({
        %run_scoped3A_242 = tpu.sem_alloc : memref<!tpu.dma_semaphore, #tpu.memory_space<semaphore_mem>>
        %dma_start3A = tpu.memref_slice %arg5[%add3A_199] : memref<327680xf32, #tpu.memory_space<hbm>> -> memref<2560xf32, #tpu.memory_space<hbm>>
        %dma_start3A_243 = tpu.memref_slice %arg5[%add3A_199] : memref<327680xf32, #tpu.memory_space<hbm>> -> memref<2560xf32, #tpu.memory_space<hbm>>
        tpu.enqueue_dma source(%arg8 : memref<2560xf32, #tpu.memory_space<vmem>>) target(%dma_start3A_243 : memref<2560xf32, #tpu.memory_space<hbm>>) target_semaphore(%run_scoped3A_242 : memref<!tpu.dma_semaphore, #tpu.memory_space<semaphore_mem>>)
        %dma_wait3A = tpu.memref_slice %arg5[%add3A_199] : memref<327680xf32, #tpu.memory_space<hbm>> -> memref<2560xf32, #tpu.memory_space<hbm>>
        %dma_wait3A_244 = tpu.memref_slice %arg5[%add3A_199] : memref<327680xf32, #tpu.memory_space<hbm>> -> memref<2560xf32, #tpu.memory_space<hbm>>
        tpu.wait_dma2 semaphore(%run_scoped3A_242 : memref<!tpu.dma_semaphore, #tpu.memory_space<semaphore_mem>>) src(%arg8 : memref<2560xf32, #tpu.memory_space<vmem>>) dst(%dma_wait3A_244 : memref<2560xf32, #tpu.memory_space<hbm>>)
        tpu.yield
      }) : () -> ()
      %mul3A_200 = arith.constant 20480 : i32
      %mul3A_201 = arith.muli %arg1, %mul3A_200 : i32
      %add3A_202 = arith.constant 12800 : i32
      %add3A_203 = arith.addi %mul3A_201, %add3A_202 : i32
      "tpu.region"() ({
        %run_scoped3A_242 = tpu.sem_alloc : memref<!tpu.dma_semaphore, #tpu.memory_space<semaphore_mem>>
        %dma_start3A = tpu.memref_slice %arg9[%add3A_203] : memref<327680xf32, #tpu.memory_space<vmem_shared>> -> memref<2560xf32, #tpu.memory_space<vmem_shared>>
        %dma_start3A_243 = tpu.memref_slice %arg9[%add3A_203] : memref<327680xf32, #tpu.memory_space<vmem_shared>> -> memref<2560xf32, #tpu.memory_space<vmem_shared>>
        tpu.enqueue_dma source(%dma_start3A_243 : memref<2560xf32, #tpu.memory_space<vmem_shared>>) target(%arg8 : memref<2560xf32, #tpu.memory_space<vmem>>) target_semaphore(%run_scoped3A_242 : memref<!tpu.dma_semaphore, #tpu.memory_space<semaphore_mem>>)
        %dma_wait3A = tpu.memref_slice %arg9[%add3A_203] : memref<327680xf32, #tpu.memory_space<vmem_shared>> -> memref<2560xf32, #tpu.memory_space<vmem_shared>>
        %dma_wait3A_244 = tpu.memref_slice %arg9[%add3A_203] : memref<327680xf32, #tpu.memory_space<vmem_shared>> -> memref<2560xf32, #tpu.memory_space<vmem_shared>>
        tpu.wait_dma2 semaphore(%run_scoped3A_242 : memref<!tpu.dma_semaphore, #tpu.memory_space<semaphore_mem>>) src(%dma_wait3A_244 : memref<2560xf32, #tpu.memory_space<vmem_shared>>) dst(%arg8 : memref<2560xf32, #tpu.memory_space<vmem>>)
        tpu.yield
      }) : () -> ()
      %mul3A_204 = arith.constant 20480 : i32
      %mul3A_205 = arith.muli %arg1, %mul3A_204 : i32
      %add3A_206 = arith.constant 12800 : i32
      %add3A_207 = arith.addi %mul3A_205, %add3A_206 : i32
      "tpu.region"() ({
        %run_scoped3A_242 = tpu.sem_alloc : memref<!tpu.dma_semaphore, #tpu.memory_space<semaphore_mem>>
        %dma_start3A = tpu.memref_slice %arg5[%add3A_207] : memref<327680xf32, #tpu.memory_space<hbm>> -> memref<2560xf32, #tpu.memory_space<hbm>>
        %dma_start3A_243 = tpu.memref_slice %arg5[%add3A_207] : memref<327680xf32, #tpu.memory_space<hbm>> -> memref<2560xf32, #tpu.memory_space<hbm>>
        tpu.enqueue_dma source(%arg8 : memref<2560xf32, #tpu.memory_space<vmem>>) target(%dma_start3A_243 : memref<2560xf32, #tpu.memory_space<hbm>>) target_semaphore(%run_scoped3A_242 : memref<!tpu.dma_semaphore, #tpu.memory_space<semaphore_mem>>)
        %dma_wait3A = tpu.memref_slice %arg5[%add3A_207] : memref<327680xf32, #tpu.memory_space<hbm>> -> memref<2560xf32, #tpu.memory_space<hbm>>
        %dma_wait3A_244 = tpu.memref_slice %arg5[%add3A_207] : memref<327680xf32, #tpu.memory_space<hbm>> -> memref<2560xf32, #tpu.memory_space<hbm>>
        tpu.wait_dma2 semaphore(%run_scoped3A_242 : memref<!tpu.dma_semaphore, #tpu.memory_space<semaphore_mem>>) src(%arg8 : memref<2560xf32, #tpu.memory_space<vmem>>) dst(%dma_wait3A_244 : memref<2560xf32, #tpu.memory_space<hbm>>)
        tpu.yield
      }) : () -> ()
      %mul3A_208 = arith.constant 20480 : i32
      %mul3A_209 = arith.muli %arg1, %mul3A_208 : i32
      %add3A_210 = arith.constant 15360 : i32
      %add3A_211 = arith.addi %mul3A_209, %add3A_210 : i32
      "tpu.region"() ({
        %run_scoped3A_242 = tpu.sem_alloc : memref<!tpu.dma_semaphore, #tpu.memory_space<semaphore_mem>>
        %dma_start3A = tpu.memref_slice %arg9[%add3A_211] : memref<327680xf32, #tpu.memory_space<vmem_shared>> -> memref<2560xf32, #tpu.memory_space<vmem_shared>>
        %dma_start3A_243 = tpu.memref_slice %arg9[%add3A_211] : memref<327680xf32, #tpu.memory_space<vmem_shared>> -> memref<2560xf32, #tpu.memory_space<vmem_shared>>
        tpu.enqueue_dma source(%dma_start3A_243 : memref<2560xf32, #tpu.memory_space<vmem_shared>>) target(%arg8 : memref<2560xf32, #tpu.memory_space<vmem>>) target_semaphore(%run_scoped3A_242 : memref<!tpu.dma_semaphore, #tpu.memory_space<semaphore_mem>>)
        %dma_wait3A = tpu.memref_slice %arg9[%add3A_211] : memref<327680xf32, #tpu.memory_space<vmem_shared>> -> memref<2560xf32, #tpu.memory_space<vmem_shared>>
        %dma_wait3A_244 = tpu.memref_slice %arg9[%add3A_211] : memref<327680xf32, #tpu.memory_space<vmem_shared>> -> memref<2560xf32, #tpu.memory_space<vmem_shared>>
        tpu.wait_dma2 semaphore(%run_scoped3A_242 : memref<!tpu.dma_semaphore, #tpu.memory_space<semaphore_mem>>) src(%dma_wait3A_244 : memref<2560xf32, #tpu.memory_space<vmem_shared>>) dst(%arg8 : memref<2560xf32, #tpu.memory_space<vmem>>)
        tpu.yield
      }) : () -> ()
      %mul3A_212 = arith.constant 20480 : i32
      %mul3A_213 = arith.muli %arg1, %mul3A_212 : i32
      %add3A_214 = arith.constant 15360 : i32
      %add3A_215 = arith.addi %mul3A_213, %add3A_214 : i32
      "tpu.region"() ({
        %run_scoped3A_242 = tpu.sem_alloc : memref<!tpu.dma_semaphore, #tpu.memory_space<semaphore_mem>>
        %dma_start3A = tpu.memref_slice %arg5[%add3A_215] : memref<327680xf32, #tpu.memory_space<hbm>> -> memref<2560xf32, #tpu.memory_space<hbm>>
        %dma_start3A_243 = tpu.memref_slice %arg5[%add3A_215] : memref<327680xf32, #tpu.memory_space<hbm>> -> memref<2560xf32, #tpu.memory_space<hbm>>
        tpu.enqueue_dma source(%arg8 : memref<2560xf32, #tpu.memory_space<vmem>>) target(%dma_start3A_243 : memref<2560xf32, #tpu.memory_space<hbm>>) target_semaphore(%run_scoped3A_242 : memref<!tpu.dma_semaphore, #tpu.memory_space<semaphore_mem>>)
        %dma_wait3A = tpu.memref_slice %arg5[%add3A_215] : memref<327680xf32, #tpu.memory_space<hbm>> -> memref<2560xf32, #tpu.memory_space<hbm>>
        %dma_wait3A_244 = tpu.memref_slice %arg5[%add3A_215] : memref<327680xf32, #tpu.memory_space<hbm>> -> memref<2560xf32, #tpu.memory_space<hbm>>
        tpu.wait_dma2 semaphore(%run_scoped3A_242 : memref<!tpu.dma_semaphore, #tpu.memory_space<semaphore_mem>>) src(%arg8 : memref<2560xf32, #tpu.memory_space<vmem>>) dst(%dma_wait3A_244 : memref<2560xf32, #tpu.memory_space<hbm>>)
        tpu.yield
      }) : () -> ()
      %mul3A_216 = arith.constant 20480 : i32
      %mul3A_217 = arith.muli %arg1, %mul3A_216 : i32
      %add3A_218 = arith.constant 17920 : i32
      %add3A_219 = arith.addi %mul3A_217, %add3A_218 : i32
      "tpu.region"() ({
        %run_scoped3A_242 = tpu.sem_alloc : memref<!tpu.dma_semaphore, #tpu.memory_space<semaphore_mem>>
        %dma_start3A = tpu.memref_slice %arg9[%add3A_219] : memref<327680xf32, #tpu.memory_space<vmem_shared>> -> memref<2560xf32, #tpu.memory_space<vmem_shared>>
        %dma_start3A_243 = tpu.memref_slice %arg9[%add3A_219] : memref<327680xf32, #tpu.memory_space<vmem_shared>> -> memref<2560xf32, #tpu.memory_space<vmem_shared>>
        tpu.enqueue_dma source(%dma_start3A_243 : memref<2560xf32, #tpu.memory_space<vmem_shared>>) target(%arg8 : memref<2560xf32, #tpu.memory_space<vmem>>) target_semaphore(%run_scoped3A_242 : memref<!tpu.dma_semaphore, #tpu.memory_space<semaphore_mem>>)
        %dma_wait3A = tpu.memref_slice %arg9[%add3A_219] : memref<327680xf32, #tpu.memory_space<vmem_shared>> -> memref<2560xf32, #tpu.memory_space<vmem_shared>>
        %dma_wait3A_244 = tpu.memref_slice %arg9[%add3A_219] : memref<327680xf32, #tpu.memory_space<vmem_shared>> -> memref<2560xf32, #tpu.memory_space<vmem_shared>>
        tpu.wait_dma2 semaphore(%run_scoped3A_242 : memref<!tpu.dma_semaphore, #tpu.memory_space<semaphore_mem>>) src(%dma_wait3A_244 : memref<2560xf32, #tpu.memory_space<vmem_shared>>) dst(%arg8 : memref<2560xf32, #tpu.memory_space<vmem>>)
        tpu.yield
      }) : () -> ()
      %mul3A_220 = arith.constant 20480 : i32
      %mul3A_221 = arith.muli %arg1, %mul3A_220 : i32
      %add3A_222 = arith.constant 17920 : i32
      %add3A_223 = arith.addi %mul3A_221, %add3A_222 : i32
      "tpu.region"() ({
        %run_scoped3A_242 = tpu.sem_alloc : memref<!tpu.dma_semaphore, #tpu.memory_space<semaphore_mem>>
        %dma_start3A = tpu.memref_slice %arg5[%add3A_223] : memref<327680xf32, #tpu.memory_space<hbm>> -> memref<2560xf32, #tpu.memory_space<hbm>>
        %dma_start3A_243 = tpu.memref_slice %arg5[%add3A_223] : memref<327680xf32, #tpu.memory_space<hbm>> -> memref<2560xf32, #tpu.memory_space<hbm>>
        tpu.enqueue_dma source(%arg8 : memref<2560xf32, #tpu.memory_space<vmem>>) target(%dma_start3A_243 : memref<2560xf32, #tpu.memory_space<hbm>>) target_semaphore(%run_scoped3A_242 : memref<!tpu.dma_semaphore, #tpu.memory_space<semaphore_mem>>)
        %dma_wait3A = tpu.memref_slice %arg5[%add3A_223] : memref<327680xf32, #tpu.memory_space<hbm>> -> memref<2560xf32, #tpu.memory_space<hbm>>
        %dma_wait3A_244 = tpu.memref_slice %arg5[%add3A_223] : memref<327680xf32, #tpu.memory_space<hbm>> -> memref<2560xf32, #tpu.memory_space<hbm>>
        tpu.wait_dma2 semaphore(%run_scoped3A_242 : memref<!tpu.dma_semaphore, #tpu.memory_space<semaphore_mem>>) src(%arg8 : memref<2560xf32, #tpu.memory_space<vmem>>) dst(%dma_wait3A_244 : memref<2560xf32, #tpu.memory_space<hbm>>)
        tpu.yield
      }) : () -> ()
      %barrier3A_224 = arith.constant 0 : index
      tpu.barrier barrier_id(%barrier3A_224)
      %scan3A_225 = arith.constant 0 : i32
      %scan3A_226 = arith.constant 0 : i32
      %scan3A_227 = arith.constant 157 : i32
      %scan3A_228 = arith.addi %scan3A_226, %scan3A_227 : i32
      %scan3A_229 = arith.constant 1 : i32
      %scan3A_230 = scf.for %scan3A_242 = %scan3A_226 to %scan3A_228 step %scan3A_229 iter_args(%scan3A_243 = %scan3A_225) -> (i32)  : i32 {
        "tpu.region"() ({
          %run_scoped3A_245 = tpu.sem_alloc : memref<!tpu.dma_semaphore, #tpu.memory_space<semaphore_mem>>
          %dma_start3A = arith.constant 0 : i32
          %dma_start3A_246 = tpu.memref_slice %arg7[%scan3A_242, %dma_start3A] : memref<157x128xf32, #tpu.memory_space<vmem>> -> memref<1x128xf32, #tpu.memory_space<vmem>>
          %dma_start3A_247 = tpu.memref_squeeze %dma_start3A_246 : memref<1x128xf32, #tpu.memory_space<vmem>> -> memref<128xf32, #tpu.memory_space<vmem>>
          %dma_start3A_248 = arith.constant 0 : i32
          %dma_start3A_249 = tpu.memref_slice %arg6[%scan3A_242, %dma_start3A_248] : memref<157x128xi32, #tpu.memory_space<vmem>> -> memref<1x128xi32, #tpu.memory_space<vmem>>
          %dma_start3A_250 = tpu.memref_squeeze %dma_start3A_249 : memref<1x128xi32, #tpu.memory_space<vmem>> -> memref<128xi32, #tpu.memory_space<vmem>>
          %dma_start3A_251 = arith.constant 0 : i32
          %dma_start3A_252 = tpu.memref_slice %arg5[%dma_start3A_251] : memref<327680xf32, #tpu.memory_space<hbm>> -> memref<327680xf32, #tpu.memory_space<hbm>>
          tpu.enqueue_indirect_dma source(%dma_start3A_252 : memref<327680xf32, #tpu.memory_space<hbm>>) target(%dma_start3A_247 : memref<128xf32, #tpu.memory_space<vmem>>) offsets(%dma_start3A_250 : memref<128xi32, #tpu.memory_space<vmem>>) semaphore(%run_scoped3A_245 : memref<!tpu.dma_semaphore, #tpu.memory_space<semaphore_mem>>)
          %dma_wait3A = arith.constant 0 : i32
          %dma_wait3A_253 = tpu.memref_slice %arg7[%scan3A_242, %dma_wait3A] : memref<157x128xf32, #tpu.memory_space<vmem>> -> memref<1x128xf32, #tpu.memory_space<vmem>>
          %dma_wait3A_254 = tpu.memref_squeeze %dma_wait3A_253 : memref<1x128xf32, #tpu.memory_space<vmem>> -> memref<128xf32, #tpu.memory_space<vmem>>
          %dma_wait3A_255 = arith.constant 0 : i32
          %dma_wait3A_256 = tpu.memref_slice %arg6[%scan3A_242, %dma_wait3A_255] : memref<157x128xi32, #tpu.memory_space<vmem>> -> memref<1x128xi32, #tpu.memory_space<vmem>>
          %dma_wait3A_257 = tpu.memref_squeeze %dma_wait3A_256 : memref<1x128xi32, #tpu.memory_space<vmem>> -> memref<128xi32, #tpu.memory_space<vmem>>
          %dma_wait3A_258 = arith.constant 0 : i32
          %dma_wait3A_259 = tpu.memref_slice %arg5[%dma_wait3A_258] : memref<327680xf32, #tpu.memory_space<hbm>> -> memref<327680xf32, #tpu.memory_space<hbm>>
          tpu.wait_indirect_dma semaphore(%run_scoped3A_245 : memref<!tpu.dma_semaphore, #tpu.memory_space<semaphore_mem>>) src(%dma_wait3A_259 : memref<327680xf32, #tpu.memory_space<hbm>>) dst(%dma_wait3A_254 : memref<128xf32, #tpu.memory_space<vmem>>)
          tpu.yield
        }) : () -> ()
        %scan3A_244 = arith.constant 0 : i32
        scf.yield %scan3A_244 : i32
      }
      %scan3A_231 = arith.constant 157 : i32
      %scan3A_232 = arith.constant 0 : i32
      %scan3A_233 = arith.constant 0 : i32
      %scan3A_234 = arith.constant 156 : i32
      %scan3A_235 = arith.addi %scan3A_233, %scan3A_234 : i32
      %scan3A_236 = arith.constant 1 : i32
      %scan3A_237 = scf.for %scan3A_242 = %scan3A_233 to %scan3A_235 step %scan3A_236 iter_args(%scan3A_243 = %scan3A_232) -> (i32)  : i32 {
        %mul3A_244 = arith.constant 128 : i32
        %mul3A_245 = arith.muli %scan3A_242, %mul3A_244 : i32
        %add3A_246 = arith.addi %mul3A_2, %mul3A_245 : i32
        "tpu.region"() ({
          %run_scoped3A_248 = tpu.sem_alloc : memref<!tpu.dma_semaphore, #tpu.memory_space<semaphore_mem>>
          %dma_start3A = arith.constant 0 : i32
          %dma_start3A_249 = tpu.memref_slice %arg7[%scan3A_242, %dma_start3A] : memref<157x128xf32, #tpu.memory_space<vmem>> -> memref<1x128xf32, #tpu.memory_space<vmem>>
          %dma_start3A_250 = tpu.memref_squeeze %dma_start3A_249 : memref<1x128xf32, #tpu.memory_space<vmem>> -> memref<128xf32, #tpu.memory_space<vmem>>
          %dma_start3A_251 = tpu.memref_slice %arg4[%add3A_246] : memref<320000xf32, #tpu.memory_space<hbm>> -> memref<128xf32, #tpu.memory_space<hbm>>
          %dma_start3A_252 = tpu.memref_slice %arg4[%add3A_246] : memref<320000xf32, #tpu.memory_space<hbm>> -> memref<128xf32, #tpu.memory_space<hbm>>
          %dma_start3A_253 = arith.constant 0 : i32
          %dma_start3A_254 = tpu.memref_slice %arg7[%scan3A_242, %dma_start3A_253] : memref<157x128xf32, #tpu.memory_space<vmem>> -> memref<1x128xf32, #tpu.memory_space<vmem>>
          %dma_start3A_255 = tpu.memref_squeeze %dma_start3A_254 : memref<1x128xf32, #tpu.memory_space<vmem>> -> memref<128xf32, #tpu.memory_space<vmem>>
          tpu.enqueue_dma source(%dma_start3A_255 : memref<128xf32, #tpu.memory_space<vmem>>) target(%dma_start3A_252 : memref<128xf32, #tpu.memory_space<hbm>>) target_semaphore(%run_scoped3A_248 : memref<!tpu.dma_semaphore, #tpu.memory_space<semaphore_mem>>)
          %dma_wait3A = arith.constant 0 : i32
          %dma_wait3A_256 = tpu.memref_slice %arg7[%scan3A_242, %dma_wait3A] : memref<157x128xf32, #tpu.memory_space<vmem>> -> memref<1x128xf32, #tpu.memory_space<vmem>>
          %dma_wait3A_257 = tpu.memref_squeeze %dma_wait3A_256 : memref<1x128xf32, #tpu.memory_space<vmem>> -> memref<128xf32, #tpu.memory_space<vmem>>
          %dma_wait3A_258 = tpu.memref_slice %arg4[%add3A_246] : memref<320000xf32, #tpu.memory_space<hbm>> -> memref<128xf32, #tpu.memory_space<hbm>>
          %dma_wait3A_259 = tpu.memref_slice %arg4[%add3A_246] : memref<320000xf32, #tpu.memory_space<hbm>> -> memref<128xf32, #tpu.memory_space<hbm>>
          %dma_wait3A_260 = arith.constant 0 : i32
          %dma_wait3A_261 = tpu.memref_slice %arg7[%scan3A_242, %dma_wait3A_260] : memref<157x128xf32, #tpu.memory_space<vmem>> -> memref<1x128xf32, #tpu.memory_space<vmem>>
          %dma_wait3A_262 = tpu.memref_squeeze %dma_wait3A_261 : memref<1x128xf32, #tpu.memory_space<vmem>> -> memref<128xf32, #tpu.memory_space<vmem>>
          tpu.wait_dma2 semaphore(%run_scoped3A_248 : memref<!tpu.dma_semaphore, #tpu.memory_space<semaphore_mem>>) src(%dma_wait3A_262 : memref<128xf32, #tpu.memory_space<vmem>>) dst(%dma_wait3A_259 : memref<128xf32, #tpu.memory_space<hbm>>)
          tpu.yield
        }) : () -> ()
        %scan3A_247 = arith.constant 0 : i32
        scf.yield %scan3A_247 : i32
      }
      %scan3A_238 = arith.constant 156 : i32
      %add3A_239 = arith.constant 19968 : i32
      %add3A_240 = arith.addi %mul3A_2, %add3A_239 : i32
      %run_scoped3A_241 = arith.constant 156 : i32
      "tpu.region"() ({
        %run_scoped3A_242 = tpu.sem_alloc : memref<!tpu.dma_semaphore, #tpu.memory_space<semaphore_mem>>
        %dma_start3A = arith.constant 0 : i32
        %dma_start3A_243 = tpu.memref_slice %arg7[%run_scoped3A_241, %dma_start3A] : memref<157x128xf32, #tpu.memory_space<vmem>> -> memref<1x32xf32, #tpu.memory_space<vmem>>
        %dma_start3A_244 = tpu.memref_squeeze %dma_start3A_243 : memref<1x32xf32, #tpu.memory_space<vmem>> -> memref<32xf32, #tpu.memory_space<vmem>>
        %dma_start3A_245 = tpu.memref_slice %arg4[%add3A_240] : memref<320000xf32, #tpu.memory_space<hbm>> -> memref<32xf32, #tpu.memory_space<hbm>>
        %dma_start3A_246 = tpu.memref_slice %arg4[%add3A_240] : memref<320000xf32, #tpu.memory_space<hbm>> -> memref<32xf32, #tpu.memory_space<hbm>>
        %dma_start3A_247 = arith.constant 0 : i32
        %dma_start3A_248 = tpu.memref_slice %arg7[%run_scoped3A_241, %dma_start3A_247] : memref<157x128xf32, #tpu.memory_space<vmem>> -> memref<1x32xf32, #tpu.memory_space<vmem>>
        %dma_start3A_249 = tpu.memref_squeeze %dma_start3A_248 : memref<1x32xf32, #tpu.memory_space<vmem>> -> memref<32xf32, #tpu.memory_space<vmem>>
        tpu.enqueue_dma source(%dma_start3A_249 : memref<32xf32, #tpu.memory_space<vmem>>) target(%dma_start3A_246 : memref<32xf32, #tpu.memory_space<hbm>>) target_semaphore(%run_scoped3A_242 : memref<!tpu.dma_semaphore, #tpu.memory_space<semaphore_mem>>)
        %dma_wait3A = arith.constant 0 : i32
        %dma_wait3A_250 = tpu.memref_slice %arg7[%run_scoped3A_241, %dma_wait3A] : memref<157x128xf32, #tpu.memory_space<vmem>> -> memref<1x32xf32, #tpu.memory_space<vmem>>
        %dma_wait3A_251 = tpu.memref_squeeze %dma_wait3A_250 : memref<1x32xf32, #tpu.memory_space<vmem>> -> memref<32xf32, #tpu.memory_space<vmem>>
        %dma_wait3A_252 = tpu.memref_slice %arg4[%add3A_240] : memref<320000xf32, #tpu.memory_space<hbm>> -> memref<32xf32, #tpu.memory_space<hbm>>
        %dma_wait3A_253 = tpu.memref_slice %arg4[%add3A_240] : memref<320000xf32, #tpu.memory_space<hbm>> -> memref<32xf32, #tpu.memory_space<hbm>>
        %dma_wait3A_254 = arith.constant 0 : i32
        %dma_wait3A_255 = tpu.memref_slice %arg7[%run_scoped3A_241, %dma_wait3A_254] : memref<157x128xf32, #tpu.memory_space<vmem>> -> memref<1x32xf32, #tpu.memory_space<vmem>>
        %dma_wait3A_256 = tpu.memref_squeeze %dma_wait3A_255 : memref<1x32xf32, #tpu.memory_space<vmem>> -> memref<32xf32, #tpu.memory_space<vmem>>
        tpu.wait_dma2 semaphore(%run_scoped3A_242 : memref<!tpu.dma_semaphore, #tpu.memory_space<semaphore_mem>>) src(%dma_wait3A_256 : memref<32xf32, #tpu.memory_space<vmem>>) dst(%dma_wait3A_253 : memref<32xf32, #tpu.memory_space<hbm>>)
        tpu.yield
      }) : () -> ()
    } else {
    }
    return
  }
}

#map = affine_map<(d0, d1) -> (0)>
module attributes {stable_mosaic.version = 14 : i64} {
  func.func @_norm_body(%arg0: i32, %arg1: i32, %arg2: memref<320000xi32, #tpu.memory_space<hbm>>, %arg3: memref<320000xf32, #tpu.memory_space<hbm>>, %arg4: memref<2560xf32, #tpu.memory_space<hbm>>, %arg5: memref<320000xf32, #tpu.memory_space<hbm>>, %arg6: memref<327680xf32, #tpu.memory_space<hbm>>, %arg7: memref<157x128xi32, #tpu.memory_space<vmem>>, %arg8: memref<157x128xf32, #tpu.memory_space<vmem>>, %arg9: memref<157x128xf32, #tpu.memory_space<vmem>>, %arg10: memref<2560xf32, #tpu.memory_space<vmem>>, %arg11: memref<327680xf32, #tpu.memory_space<vmem_shared>>) attributes {dimension_semantics = [#tpu.dimension_semantics<core_parallel>, #tpu.dimension_semantics<subcore_parallel>], iteration_bounds = array<i64: 2, 16>, scalar_prefetch = 0 : i64, scratch_operands = 5 : i64, tpu.core_type = #tpu.core_type<sc_vector_subcore>, window_params = [{transform_indices = #map}, {transform_indices = #map}, {transform_indices = #map}, {transform_indices = #map}, {transform_indices = #map}]} {
    %eq3A = arith.constant 0 : i32
    %eq3A_0 = arith.cmpi eq, %arg0, %eq3A : i32
    %convert_element_type3A = arith.extui %eq3A_0 : i1 to i32
    %cond3A = arith.constant 0 : i32
    %cond3A_1 = arith.cmpi ne, %convert_element_type3A, %cond3A : i32
    scf.if %cond3A_1 {
      %mul3A = arith.constant 20000 : i32
      %mul3A_2 = arith.muli %arg1, %mul3A : i32
      "tpu.region"() ({
        %run_scoped3A_195 = tpu.sem_alloc : memref<!tpu.dma_semaphore, #tpu.memory_space<semaphore_mem>>
        tpu.enqueue_dma source(%arg4 : memref<2560xf32, #tpu.memory_space<hbm>>) target(%arg10 : memref<2560xf32, #tpu.memory_space<vmem>>) target_semaphore(%run_scoped3A_195 : memref<!tpu.dma_semaphore, #tpu.memory_space<semaphore_mem>>)
        tpu.wait_dma2 semaphore(%run_scoped3A_195 : memref<!tpu.dma_semaphore, #tpu.memory_space<semaphore_mem>>) src(%arg4 : memref<2560xf32, #tpu.memory_space<hbm>>) dst(%arg10 : memref<2560xf32, #tpu.memory_space<vmem>>)
        tpu.yield
      }) : () -> ()
      %mul3A_3 = arith.constant 20480 : i32
      %mul3A_4 = arith.muli %arg1, %mul3A_3 : i32
      %add3A = arith.constant 0 : i32
      %add3A_5 = arith.addi %mul3A_4, %add3A : i32
      "tpu.region"() ({
        %run_scoped3A_195 = tpu.sem_alloc : memref<!tpu.dma_semaphore, #tpu.memory_space<semaphore_mem>>
        %dma_start3A = tpu.memref_slice %arg11[%add3A_5] : memref<327680xf32, #tpu.memory_space<vmem_shared>> -> memref<2560xf32, #tpu.memory_space<vmem_shared>>
        %dma_start3A_196 = tpu.memref_slice %arg11[%add3A_5] : memref<327680xf32, #tpu.memory_space<vmem_shared>> -> memref<2560xf32, #tpu.memory_space<vmem_shared>>
        tpu.enqueue_dma source(%arg10 : memref<2560xf32, #tpu.memory_space<vmem>>) target(%dma_start3A_196 : memref<2560xf32, #tpu.memory_space<vmem_shared>>) target_semaphore(%run_scoped3A_195 : memref<!tpu.dma_semaphore, #tpu.memory_space<semaphore_mem>>)
        %dma_wait3A = tpu.memref_slice %arg11[%add3A_5] : memref<327680xf32, #tpu.memory_space<vmem_shared>> -> memref<2560xf32, #tpu.memory_space<vmem_shared>>
        %dma_wait3A_197 = tpu.memref_slice %arg11[%add3A_5] : memref<327680xf32, #tpu.memory_space<vmem_shared>> -> memref<2560xf32, #tpu.memory_space<vmem_shared>>
        tpu.wait_dma2 semaphore(%run_scoped3A_195 : memref<!tpu.dma_semaphore, #tpu.memory_space<semaphore_mem>>) src(%arg10 : memref<2560xf32, #tpu.memory_space<vmem>>) dst(%dma_wait3A_197 : memref<2560xf32, #tpu.memory_space<vmem_shared>>)
        tpu.yield
      }) : () -> ()
      %mul3A_6 = arith.constant 20480 : i32
      %mul3A_7 = arith.muli %arg1, %mul3A_6 : i32
      %add3A_8 = arith.constant 2560 : i32
      %add3A_9 = arith.addi %mul3A_7, %add3A_8 : i32
      "tpu.region"() ({
        %run_scoped3A_195 = tpu.sem_alloc : memref<!tpu.dma_semaphore, #tpu.memory_space<semaphore_mem>>
        %dma_start3A = tpu.memref_slice %arg11[%add3A_9] : memref<327680xf32, #tpu.memory_space<vmem_shared>> -> memref<2560xf32, #tpu.memory_space<vmem_shared>>
        %dma_start3A_196 = tpu.memref_slice %arg11[%add3A_9] : memref<327680xf32, #tpu.memory_space<vmem_shared>> -> memref<2560xf32, #tpu.memory_space<vmem_shared>>
        tpu.enqueue_dma source(%arg10 : memref<2560xf32, #tpu.memory_space<vmem>>) target(%dma_start3A_196 : memref<2560xf32, #tpu.memory_space<vmem_shared>>) target_semaphore(%run_scoped3A_195 : memref<!tpu.dma_semaphore, #tpu.memory_space<semaphore_mem>>)
        %dma_wait3A = tpu.memref_slice %arg11[%add3A_9] : memref<327680xf32, #tpu.memory_space<vmem_shared>> -> memref<2560xf32, #tpu.memory_space<vmem_shared>>
        %dma_wait3A_197 = tpu.memref_slice %arg11[%add3A_9] : memref<327680xf32, #tpu.memory_space<vmem_shared>> -> memref<2560xf32, #tpu.memory_space<vmem_shared>>
        tpu.wait_dma2 semaphore(%run_scoped3A_195 : memref<!tpu.dma_semaphore, #tpu.memory_space<semaphore_mem>>) src(%arg10 : memref<2560xf32, #tpu.memory_space<vmem>>) dst(%dma_wait3A_197 : memref<2560xf32, #tpu.memory_space<vmem_shared>>)
        tpu.yield
      }) : () -> ()
      %mul3A_10 = arith.constant 20480 : i32
      %mul3A_11 = arith.muli %arg1, %mul3A_10 : i32
      %add3A_12 = arith.constant 5120 : i32
      %add3A_13 = arith.addi %mul3A_11, %add3A_12 : i32
      "tpu.region"() ({
        %run_scoped3A_195 = tpu.sem_alloc : memref<!tpu.dma_semaphore, #tpu.memory_space<semaphore_mem>>
        %dma_start3A = tpu.memref_slice %arg11[%add3A_13] : memref<327680xf32, #tpu.memory_space<vmem_shared>> -> memref<2560xf32, #tpu.memory_space<vmem_shared>>
        %dma_start3A_196 = tpu.memref_slice %arg11[%add3A_13] : memref<327680xf32, #tpu.memory_space<vmem_shared>> -> memref<2560xf32, #tpu.memory_space<vmem_shared>>
        tpu.enqueue_dma source(%arg10 : memref<2560xf32, #tpu.memory_space<vmem>>) target(%dma_start3A_196 : memref<2560xf32, #tpu.memory_space<vmem_shared>>) target_semaphore(%run_scoped3A_195 : memref<!tpu.dma_semaphore, #tpu.memory_space<semaphore_mem>>)
        %dma_wait3A = tpu.memref_slice %arg11[%add3A_13] : memref<327680xf32, #tpu.memory_space<vmem_shared>> -> memref<2560xf32, #tpu.memory_space<vmem_shared>>
        %dma_wait3A_197 = tpu.memref_slice %arg11[%add3A_13] : memref<327680xf32, #tpu.memory_space<vmem_shared>> -> memref<2560xf32, #tpu.memory_space<vmem_shared>>
        tpu.wait_dma2 semaphore(%run_scoped3A_195 : memref<!tpu.dma_semaphore, #tpu.memory_space<semaphore_mem>>) src(%arg10 : memref<2560xf32, #tpu.memory_space<vmem>>) dst(%dma_wait3A_197 : memref<2560xf32, #tpu.memory_space<vmem_shared>>)
        tpu.yield
      }) : () -> ()
      %mul3A_14 = arith.constant 20480 : i32
      %mul3A_15 = arith.muli %arg1, %mul3A_14 : i32
      %add3A_16 = arith.constant 7680 : i32
      %add3A_17 = arith.addi %mul3A_15, %add3A_16 : i32
      "tpu.region"() ({
        %run_scoped3A_195 = tpu.sem_alloc : memref<!tpu.dma_semaphore, #tpu.memory_space<semaphore_mem>>
        %dma_start3A = tpu.memref_slice %arg11[%add3A_17] : memref<327680xf32, #tpu.memory_space<vmem_shared>> -> memref<2560xf32, #tpu.memory_space<vmem_shared>>
        %dma_start3A_196 = tpu.memref_slice %arg11[%add3A_17] : memref<327680xf32, #tpu.memory_space<vmem_shared>> -> memref<2560xf32, #tpu.memory_space<vmem_shared>>
        tpu.enqueue_dma source(%arg10 : memref<2560xf32, #tpu.memory_space<vmem>>) target(%dma_start3A_196 : memref<2560xf32, #tpu.memory_space<vmem_shared>>) target_semaphore(%run_scoped3A_195 : memref<!tpu.dma_semaphore, #tpu.memory_space<semaphore_mem>>)
        %dma_wait3A = tpu.memref_slice %arg11[%add3A_17] : memref<327680xf32, #tpu.memory_space<vmem_shared>> -> memref<2560xf32, #tpu.memory_space<vmem_shared>>
        %dma_wait3A_197 = tpu.memref_slice %arg11[%add3A_17] : memref<327680xf32, #tpu.memory_space<vmem_shared>> -> memref<2560xf32, #tpu.memory_space<vmem_shared>>
        tpu.wait_dma2 semaphore(%run_scoped3A_195 : memref<!tpu.dma_semaphore, #tpu.memory_space<semaphore_mem>>) src(%arg10 : memref<2560xf32, #tpu.memory_space<vmem>>) dst(%dma_wait3A_197 : memref<2560xf32, #tpu.memory_space<vmem_shared>>)
        tpu.yield
      }) : () -> ()
      %mul3A_18 = arith.constant 20480 : i32
      %mul3A_19 = arith.muli %arg1, %mul3A_18 : i32
      %add3A_20 = arith.constant 10240 : i32
      %add3A_21 = arith.addi %mul3A_19, %add3A_20 : i32
      "tpu.region"() ({
        %run_scoped3A_195 = tpu.sem_alloc : memref<!tpu.dma_semaphore, #tpu.memory_space<semaphore_mem>>
        %dma_start3A = tpu.memref_slice %arg11[%add3A_21] : memref<327680xf32, #tpu.memory_space<vmem_shared>> -> memref<2560xf32, #tpu.memory_space<vmem_shared>>
        %dma_start3A_196 = tpu.memref_slice %arg11[%add3A_21] : memref<327680xf32, #tpu.memory_space<vmem_shared>> -> memref<2560xf32, #tpu.memory_space<vmem_shared>>
        tpu.enqueue_dma source(%arg10 : memref<2560xf32, #tpu.memory_space<vmem>>) target(%dma_start3A_196 : memref<2560xf32, #tpu.memory_space<vmem_shared>>) target_semaphore(%run_scoped3A_195 : memref<!tpu.dma_semaphore, #tpu.memory_space<semaphore_mem>>)
        %dma_wait3A = tpu.memref_slice %arg11[%add3A_21] : memref<327680xf32, #tpu.memory_space<vmem_shared>> -> memref<2560xf32, #tpu.memory_space<vmem_shared>>
        %dma_wait3A_197 = tpu.memref_slice %arg11[%add3A_21] : memref<327680xf32, #tpu.memory_space<vmem_shared>> -> memref<2560xf32, #tpu.memory_space<vmem_shared>>
        tpu.wait_dma2 semaphore(%run_scoped3A_195 : memref<!tpu.dma_semaphore, #tpu.memory_space<semaphore_mem>>) src(%arg10 : memref<2560xf32, #tpu.memory_space<vmem>>) dst(%dma_wait3A_197 : memref<2560xf32, #tpu.memory_space<vmem_shared>>)
        tpu.yield
      }) : () -> ()
      %mul3A_22 = arith.constant 20480 : i32
      %mul3A_23 = arith.muli %arg1, %mul3A_22 : i32
      %add3A_24 = arith.constant 12800 : i32
      %add3A_25 = arith.addi %mul3A_23, %add3A_24 : i32
      "tpu.region"() ({
        %run_scoped3A_195 = tpu.sem_alloc : memref<!tpu.dma_semaphore, #tpu.memory_space<semaphore_mem>>
        %dma_start3A = tpu.memref_slice %arg11[%add3A_25] : memref<327680xf32, #tpu.memory_space<vmem_shared>> -> memref<2560xf32, #tpu.memory_space<vmem_shared>>
        %dma_start3A_196 = tpu.memref_slice %arg11[%add3A_25] : memref<327680xf32, #tpu.memory_space<vmem_shared>> -> memref<2560xf32, #tpu.memory_space<vmem_shared>>
        tpu.enqueue_dma source(%arg10 : memref<2560xf32, #tpu.memory_space<vmem>>) target(%dma_start3A_196 : memref<2560xf32, #tpu.memory_space<vmem_shared>>) target_semaphore(%run_scoped3A_195 : memref<!tpu.dma_semaphore, #tpu.memory_space<semaphore_mem>>)
        %dma_wait3A = tpu.memref_slice %arg11[%add3A_25] : memref<327680xf32, #tpu.memory_space<vmem_shared>> -> memref<2560xf32, #tpu.memory_space<vmem_shared>>
        %dma_wait3A_197 = tpu.memref_slice %arg11[%add3A_25] : memref<327680xf32, #tpu.memory_space<vmem_shared>> -> memref<2560xf32, #tpu.memory_space<vmem_shared>>
        tpu.wait_dma2 semaphore(%run_scoped3A_195 : memref<!tpu.dma_semaphore, #tpu.memory_space<semaphore_mem>>) src(%arg10 : memref<2560xf32, #tpu.memory_space<vmem>>) dst(%dma_wait3A_197 : memref<2560xf32, #tpu.memory_space<vmem_shared>>)
        tpu.yield
      }) : () -> ()
      %mul3A_26 = arith.constant 20480 : i32
      %mul3A_27 = arith.muli %arg1, %mul3A_26 : i32
      %add3A_28 = arith.constant 15360 : i32
      %add3A_29 = arith.addi %mul3A_27, %add3A_28 : i32
      "tpu.region"() ({
        %run_scoped3A_195 = tpu.sem_alloc : memref<!tpu.dma_semaphore, #tpu.memory_space<semaphore_mem>>
        %dma_start3A = tpu.memref_slice %arg11[%add3A_29] : memref<327680xf32, #tpu.memory_space<vmem_shared>> -> memref<2560xf32, #tpu.memory_space<vmem_shared>>
        %dma_start3A_196 = tpu.memref_slice %arg11[%add3A_29] : memref<327680xf32, #tpu.memory_space<vmem_shared>> -> memref<2560xf32, #tpu.memory_space<vmem_shared>>
        tpu.enqueue_dma source(%arg10 : memref<2560xf32, #tpu.memory_space<vmem>>) target(%dma_start3A_196 : memref<2560xf32, #tpu.memory_space<vmem_shared>>) target_semaphore(%run_scoped3A_195 : memref<!tpu.dma_semaphore, #tpu.memory_space<semaphore_mem>>)
        %dma_wait3A = tpu.memref_slice %arg11[%add3A_29] : memref<327680xf32, #tpu.memory_space<vmem_shared>> -> memref<2560xf32, #tpu.memory_space<vmem_shared>>
        %dma_wait3A_197 = tpu.memref_slice %arg11[%add3A_29] : memref<327680xf32, #tpu.memory_space<vmem_shared>> -> memref<2560xf32, #tpu.memory_space<vmem_shared>>
        tpu.wait_dma2 semaphore(%run_scoped3A_195 : memref<!tpu.dma_semaphore, #tpu.memory_space<semaphore_mem>>) src(%arg10 : memref<2560xf32, #tpu.memory_space<vmem>>) dst(%dma_wait3A_197 : memref<2560xf32, #tpu.memory_space<vmem_shared>>)
        tpu.yield
      }) : () -> ()
      %mul3A_30 = arith.constant 20480 : i32
      %mul3A_31 = arith.muli %arg1, %mul3A_30 : i32
      %add3A_32 = arith.constant 17920 : i32
      %add3A_33 = arith.addi %mul3A_31, %add3A_32 : i32
      "tpu.region"() ({
        %run_scoped3A_195 = tpu.sem_alloc : memref<!tpu.dma_semaphore, #tpu.memory_space<semaphore_mem>>
        %dma_start3A = tpu.memref_slice %arg11[%add3A_33] : memref<327680xf32, #tpu.memory_space<vmem_shared>> -> memref<2560xf32, #tpu.memory_space<vmem_shared>>
        %dma_start3A_196 = tpu.memref_slice %arg11[%add3A_33] : memref<327680xf32, #tpu.memory_space<vmem_shared>> -> memref<2560xf32, #tpu.memory_space<vmem_shared>>
        tpu.enqueue_dma source(%arg10 : memref<2560xf32, #tpu.memory_space<vmem>>) target(%dma_start3A_196 : memref<2560xf32, #tpu.memory_space<vmem_shared>>) target_semaphore(%run_scoped3A_195 : memref<!tpu.dma_semaphore, #tpu.memory_space<semaphore_mem>>)
        %dma_wait3A = tpu.memref_slice %arg11[%add3A_33] : memref<327680xf32, #tpu.memory_space<vmem_shared>> -> memref<2560xf32, #tpu.memory_space<vmem_shared>>
        %dma_wait3A_197 = tpu.memref_slice %arg11[%add3A_33] : memref<327680xf32, #tpu.memory_space<vmem_shared>> -> memref<2560xf32, #tpu.memory_space<vmem_shared>>
        tpu.wait_dma2 semaphore(%run_scoped3A_195 : memref<!tpu.dma_semaphore, #tpu.memory_space<semaphore_mem>>) src(%arg10 : memref<2560xf32, #tpu.memory_space<vmem>>) dst(%dma_wait3A_197 : memref<2560xf32, #tpu.memory_space<vmem_shared>>)
        tpu.yield
      }) : () -> ()
      %scan3A = arith.constant 0 : i32
      %scan3A_34 = arith.constant 0 : i32
      %scan3A_35 = arith.constant 156 : i32
      %scan3A_36 = arith.addi %scan3A_34, %scan3A_35 : i32
      %scan3A_37 = arith.constant 1 : i32
      %scan3A_38 = scf.for %scan3A_195 = %scan3A_34 to %scan3A_36 step %scan3A_37 iter_args(%scan3A_196 = %scan3A) -> (i32)  : i32 {
        %mul3A_197 = arith.constant 128 : i32
        %mul3A_198 = arith.muli %scan3A_195, %mul3A_197 : i32
        %add3A_199 = arith.addi %mul3A_2, %mul3A_198 : i32
        "tpu.region"() ({
          %run_scoped3A_201 = tpu.sem_alloc : memref<!tpu.dma_semaphore, #tpu.memory_space<semaphore_mem>>
          %dma_start3A = arith.constant 0 : i32
          %dma_start3A_202 = tpu.memref_slice %arg7[%scan3A_195, %dma_start3A] : memref<157x128xi32, #tpu.memory_space<vmem>> -> memref<1x128xi32, #tpu.memory_space<vmem>>
          %dma_start3A_203 = tpu.memref_squeeze %dma_start3A_202 : memref<1x128xi32, #tpu.memory_space<vmem>> -> memref<128xi32, #tpu.memory_space<vmem>>
          %dma_start3A_204 = tpu.memref_slice %arg2[%add3A_199] : memref<320000xi32, #tpu.memory_space<hbm>> -> memref<128xi32, #tpu.memory_space<hbm>>
          %dma_start3A_205 = arith.constant 0 : i32
          %dma_start3A_206 = tpu.memref_slice %arg7[%scan3A_195, %dma_start3A_205] : memref<157x128xi32, #tpu.memory_space<vmem>> -> memref<1x128xi32, #tpu.memory_space<vmem>>
          %dma_start3A_207 = tpu.memref_squeeze %dma_start3A_206 : memref<1x128xi32, #tpu.memory_space<vmem>> -> memref<128xi32, #tpu.memory_space<vmem>>
          %dma_start3A_208 = tpu.memref_slice %arg2[%add3A_199] : memref<320000xi32, #tpu.memory_space<hbm>> -> memref<128xi32, #tpu.memory_space<hbm>>
          tpu.enqueue_dma source(%dma_start3A_208 : memref<128xi32, #tpu.memory_space<hbm>>) target(%dma_start3A_207 : memref<128xi32, #tpu.memory_space<vmem>>) target_semaphore(%run_scoped3A_201 : memref<!tpu.dma_semaphore, #tpu.memory_space<semaphore_mem>>)
          %dma_wait3A = arith.constant 0 : i32
          %dma_wait3A_209 = tpu.memref_slice %arg7[%scan3A_195, %dma_wait3A] : memref<157x128xi32, #tpu.memory_space<vmem>> -> memref<1x128xi32, #tpu.memory_space<vmem>>
          %dma_wait3A_210 = tpu.memref_squeeze %dma_wait3A_209 : memref<1x128xi32, #tpu.memory_space<vmem>> -> memref<128xi32, #tpu.memory_space<vmem>>
          %dma_wait3A_211 = tpu.memref_slice %arg2[%add3A_199] : memref<320000xi32, #tpu.memory_space<hbm>> -> memref<128xi32, #tpu.memory_space<hbm>>
          %dma_wait3A_212 = arith.constant 0 : i32
          %dma_wait3A_213 = tpu.memref_slice %arg7[%scan3A_195, %dma_wait3A_212] : memref<157x128xi32, #tpu.memory_space<vmem>> -> memref<1x128xi32, #tpu.memory_space<vmem>>
          %dma_wait3A_214 = tpu.memref_squeeze %dma_wait3A_213 : memref<1x128xi32, #tpu.memory_space<vmem>> -> memref<128xi32, #tpu.memory_space<vmem>>
          %dma_wait3A_215 = tpu.memref_slice %arg2[%add3A_199] : memref<320000xi32, #tpu.memory_space<hbm>> -> memref<128xi32, #tpu.memory_space<hbm>>
          tpu.wait_dma2 semaphore(%run_scoped3A_201 : memref<!tpu.dma_semaphore, #tpu.memory_space<semaphore_mem>>) src(%dma_wait3A_215 : memref<128xi32, #tpu.memory_space<hbm>>) dst(%dma_wait3A_214 : memref<128xi32, #tpu.memory_space<vmem>>)
          tpu.yield
        }) : () -> ()
        %scan3A_200 = arith.constant 0 : i32
        scf.yield %scan3A_200 : i32
      }
      %scan3A_39 = arith.constant 156 : i32
      %add3A_40 = arith.constant 19968 : i32
      %add3A_41 = arith.addi %mul3A_2, %add3A_40 : i32
      %run_scoped3A = arith.constant 156 : i32
      "tpu.region"() ({
        %run_scoped3A_195 = tpu.sem_alloc : memref<!tpu.dma_semaphore, #tpu.memory_space<semaphore_mem>>
        %dma_start3A = arith.constant 0 : i32
        %dma_start3A_196 = tpu.memref_slice %arg7[%run_scoped3A, %dma_start3A] : memref<157x128xi32, #tpu.memory_space<vmem>> -> memref<1x32xi32, #tpu.memory_space<vmem>>
        %dma_start3A_197 = tpu.memref_squeeze %dma_start3A_196 : memref<1x32xi32, #tpu.memory_space<vmem>> -> memref<32xi32, #tpu.memory_space<vmem>>
        %dma_start3A_198 = tpu.memref_slice %arg2[%add3A_41] : memref<320000xi32, #tpu.memory_space<hbm>> -> memref<32xi32, #tpu.memory_space<hbm>>
        %dma_start3A_199 = arith.constant 0 : i32
        %dma_start3A_200 = tpu.memref_slice %arg7[%run_scoped3A, %dma_start3A_199] : memref<157x128xi32, #tpu.memory_space<vmem>> -> memref<1x32xi32, #tpu.memory_space<vmem>>
        %dma_start3A_201 = tpu.memref_squeeze %dma_start3A_200 : memref<1x32xi32, #tpu.memory_space<vmem>> -> memref<32xi32, #tpu.memory_space<vmem>>
        %dma_start3A_202 = tpu.memref_slice %arg2[%add3A_41] : memref<320000xi32, #tpu.memory_space<hbm>> -> memref<32xi32, #tpu.memory_space<hbm>>
        tpu.enqueue_dma source(%dma_start3A_202 : memref<32xi32, #tpu.memory_space<hbm>>) target(%dma_start3A_201 : memref<32xi32, #tpu.memory_space<vmem>>) target_semaphore(%run_scoped3A_195 : memref<!tpu.dma_semaphore, #tpu.memory_space<semaphore_mem>>)
        %dma_wait3A = arith.constant 0 : i32
        %dma_wait3A_203 = tpu.memref_slice %arg7[%run_scoped3A, %dma_wait3A] : memref<157x128xi32, #tpu.memory_space<vmem>> -> memref<1x32xi32, #tpu.memory_space<vmem>>
        %dma_wait3A_204 = tpu.memref_squeeze %dma_wait3A_203 : memref<1x32xi32, #tpu.memory_space<vmem>> -> memref<32xi32, #tpu.memory_space<vmem>>
        %dma_wait3A_205 = tpu.memref_slice %arg2[%add3A_41] : memref<320000xi32, #tpu.memory_space<hbm>> -> memref<32xi32, #tpu.memory_space<hbm>>
        %dma_wait3A_206 = arith.constant 0 : i32
        %dma_wait3A_207 = tpu.memref_slice %arg7[%run_scoped3A, %dma_wait3A_206] : memref<157x128xi32, #tpu.memory_space<vmem>> -> memref<1x32xi32, #tpu.memory_space<vmem>>
        %dma_wait3A_208 = tpu.memref_squeeze %dma_wait3A_207 : memref<1x32xi32, #tpu.memory_space<vmem>> -> memref<32xi32, #tpu.memory_space<vmem>>
        %dma_wait3A_209 = tpu.memref_slice %arg2[%add3A_41] : memref<320000xi32, #tpu.memory_space<hbm>> -> memref<32xi32, #tpu.memory_space<hbm>>
        tpu.wait_dma2 semaphore(%run_scoped3A_195 : memref<!tpu.dma_semaphore, #tpu.memory_space<semaphore_mem>>) src(%dma_wait3A_209 : memref<32xi32, #tpu.memory_space<hbm>>) dst(%dma_wait3A_208 : memref<32xi32, #tpu.memory_space<vmem>>)
        tpu.yield
      }) : () -> ()
      %broadcast_in_dim3A = arith.constant 320000 : i32
      %broadcast_in_dim3A_42 = vector.broadcast %broadcast_in_dim3A : i32 to vector<16xi32>
      %swap3A = arith.constant 156 : i32
      %swap3A_43 = arith.index_cast %swap3A : i32 to index
      %swap3A_44 = arith.constant 32 : index
      %swap3A_45 = tpu.vector_load %arg7[%swap3A_43, %swap3A_44] {strides = array<i32>} : memref<157x128xi32, #tpu.memory_space<vmem>>, vector<1x16xi32>,
      %swap3A_46 = vector.shape_cast %swap3A_45 : vector<1x16xi32> to vector<16xi32>
      %swap3A_47 = vector.shape_cast %broadcast_in_dim3A_42 : vector<16xi32> to vector<1x16xi32>
      tpu.vector_store %arg7[%swap3A_43, %swap3A_44], %swap3A_47 {strides = array<i32>} : memref<157x128xi32, #tpu.memory_space<vmem>>, vector<1x16xi32>,
      %broadcast_in_dim3A_48 = arith.constant 320000 : i32
      %broadcast_in_dim3A_49 = vector.broadcast %broadcast_in_dim3A_48 : i32 to vector<16xi32>
      %swap3A_50 = arith.constant 156 : i32
      %swap3A_51 = arith.index_cast %swap3A_50 : i32 to index
      %swap3A_52 = arith.constant 48 : index
      %swap3A_53 = tpu.vector_load %arg7[%swap3A_51, %swap3A_52] {strides = array<i32>} : memref<157x128xi32, #tpu.memory_space<vmem>>, vector<1x16xi32>,
      %swap3A_54 = vector.shape_cast %swap3A_53 : vector<1x16xi32> to vector<16xi32>
      %swap3A_55 = vector.shape_cast %broadcast_in_dim3A_49 : vector<16xi32> to vector<1x16xi32>
      tpu.vector_store %arg7[%swap3A_51, %swap3A_52], %swap3A_55 {strides = array<i32>} : memref<157x128xi32, #tpu.memory_space<vmem>>, vector<1x16xi32>,
      %broadcast_in_dim3A_56 = arith.constant 320000 : i32
      %broadcast_in_dim3A_57 = vector.broadcast %broadcast_in_dim3A_56 : i32 to vector<16xi32>
      %swap3A_58 = arith.constant 156 : i32
      %swap3A_59 = arith.index_cast %swap3A_58 : i32 to index
      %swap3A_60 = arith.constant 64 : index
      %swap3A_61 = tpu.vector_load %arg7[%swap3A_59, %swap3A_60] {strides = array<i32>} : memref<157x128xi32, #tpu.memory_space<vmem>>, vector<1x16xi32>,
      %swap3A_62 = vector.shape_cast %swap3A_61 : vector<1x16xi32> to vector<16xi32>
      %swap3A_63 = vector.shape_cast %broadcast_in_dim3A_57 : vector<16xi32> to vector<1x16xi32>
      tpu.vector_store %arg7[%swap3A_59, %swap3A_60], %swap3A_63 {strides = array<i32>} : memref<157x128xi32, #tpu.memory_space<vmem>>, vector<1x16xi32>,
      %broadcast_in_dim3A_64 = arith.constant 320000 : i32
      %broadcast_in_dim3A_65 = vector.broadcast %broadcast_in_dim3A_64 : i32 to vector<16xi32>
      %swap3A_66 = arith.constant 156 : i32
      %swap3A_67 = arith.index_cast %swap3A_66 : i32 to index
      %swap3A_68 = arith.constant 80 : index
      %swap3A_69 = tpu.vector_load %arg7[%swap3A_67, %swap3A_68] {strides = array<i32>} : memref<157x128xi32, #tpu.memory_space<vmem>>, vector<1x16xi32>,
      %swap3A_70 = vector.shape_cast %swap3A_69 : vector<1x16xi32> to vector<16xi32>
      %swap3A_71 = vector.shape_cast %broadcast_in_dim3A_65 : vector<16xi32> to vector<1x16xi32>
      tpu.vector_store %arg7[%swap3A_67, %swap3A_68], %swap3A_71 {strides = array<i32>} : memref<157x128xi32, #tpu.memory_space<vmem>>, vector<1x16xi32>,
      %broadcast_in_dim3A_72 = arith.constant 320000 : i32
      %broadcast_in_dim3A_73 = vector.broadcast %broadcast_in_dim3A_72 : i32 to vector<16xi32>
      %swap3A_74 = arith.constant 156 : i32
      %swap3A_75 = arith.index_cast %swap3A_74 : i32 to index
      %swap3A_76 = arith.constant 96 : index
      %swap3A_77 = tpu.vector_load %arg7[%swap3A_75, %swap3A_76] {strides = array<i32>} : memref<157x128xi32, #tpu.memory_space<vmem>>, vector<1x16xi32>,
      %swap3A_78 = vector.shape_cast %swap3A_77 : vector<1x16xi32> to vector<16xi32>
      %swap3A_79 = vector.shape_cast %broadcast_in_dim3A_73 : vector<16xi32> to vector<1x16xi32>
      tpu.vector_store %arg7[%swap3A_75, %swap3A_76], %swap3A_79 {strides = array<i32>} : memref<157x128xi32, #tpu.memory_space<vmem>>, vector<1x16xi32>,
      %broadcast_in_dim3A_80 = arith.constant 320000 : i32
      %broadcast_in_dim3A_81 = vector.broadcast %broadcast_in_dim3A_80 : i32 to vector<16xi32>
      %swap3A_82 = arith.constant 156 : i32
      %swap3A_83 = arith.index_cast %swap3A_82 : i32 to index
      %swap3A_84 = arith.constant 112 : index
      %swap3A_85 = tpu.vector_load %arg7[%swap3A_83, %swap3A_84] {strides = array<i32>} : memref<157x128xi32, #tpu.memory_space<vmem>>, vector<1x16xi32>,
      %swap3A_86 = vector.shape_cast %swap3A_85 : vector<1x16xi32> to vector<16xi32>
      %swap3A_87 = vector.shape_cast %broadcast_in_dim3A_81 : vector<16xi32> to vector<1x16xi32>
      tpu.vector_store %arg7[%swap3A_83, %swap3A_84], %swap3A_87 {strides = array<i32>} : memref<157x128xi32, #tpu.memory_space<vmem>>, vector<1x16xi32>,
      %scan3A_88 = arith.constant 0 : i32
      %scan3A_89 = arith.constant 0 : i32
      %scan3A_90 = arith.constant 156 : i32
      %scan3A_91 = arith.addi %scan3A_89, %scan3A_90 : i32
      %scan3A_92 = arith.constant 1 : i32
      %scan3A_93 = scf.for %scan3A_195 = %scan3A_89 to %scan3A_91 step %scan3A_92 iter_args(%scan3A_196 = %scan3A_88) -> (i32)  : i32 {
        %mul3A_197 = arith.constant 128 : i32
        %mul3A_198 = arith.muli %scan3A_195, %mul3A_197 : i32
        %add3A_199 = arith.addi %mul3A_2, %mul3A_198 : i32
        "tpu.region"() ({
          %run_scoped3A_201 = tpu.sem_alloc : memref<!tpu.dma_semaphore, #tpu.memory_space<semaphore_mem>>
          %dma_start3A = arith.constant 0 : i32
          %dma_start3A_202 = tpu.memref_slice %arg8[%scan3A_195, %dma_start3A] : memref<157x128xf32, #tpu.memory_space<vmem>> -> memref<1x128xf32, #tpu.memory_space<vmem>>
          %dma_start3A_203 = tpu.memref_squeeze %dma_start3A_202 : memref<1x128xf32, #tpu.memory_space<vmem>> -> memref<128xf32, #tpu.memory_space<vmem>>
          %dma_start3A_204 = tpu.memref_slice %arg3[%add3A_199] : memref<320000xf32, #tpu.memory_space<hbm>> -> memref<128xf32, #tpu.memory_space<hbm>>
          %dma_start3A_205 = arith.constant 0 : i32
          %dma_start3A_206 = tpu.memref_slice %arg8[%scan3A_195, %dma_start3A_205] : memref<157x128xf32, #tpu.memory_space<vmem>> -> memref<1x128xf32, #tpu.memory_space<vmem>>
          %dma_start3A_207 = tpu.memref_squeeze %dma_start3A_206 : memref<1x128xf32, #tpu.memory_space<vmem>> -> memref<128xf32, #tpu.memory_space<vmem>>
          %dma_start3A_208 = tpu.memref_slice %arg3[%add3A_199] : memref<320000xf32, #tpu.memory_space<hbm>> -> memref<128xf32, #tpu.memory_space<hbm>>
          tpu.enqueue_dma source(%dma_start3A_208 : memref<128xf32, #tpu.memory_space<hbm>>) target(%dma_start3A_207 : memref<128xf32, #tpu.memory_space<vmem>>) target_semaphore(%run_scoped3A_201 : memref<!tpu.dma_semaphore, #tpu.memory_space<semaphore_mem>>)
          %dma_wait3A = arith.constant 0 : i32
          %dma_wait3A_209 = tpu.memref_slice %arg8[%scan3A_195, %dma_wait3A] : memref<157x128xf32, #tpu.memory_space<vmem>> -> memref<1x128xf32, #tpu.memory_space<vmem>>
          %dma_wait3A_210 = tpu.memref_squeeze %dma_wait3A_209 : memref<1x128xf32, #tpu.memory_space<vmem>> -> memref<128xf32, #tpu.memory_space<vmem>>
          %dma_wait3A_211 = tpu.memref_slice %arg3[%add3A_199] : memref<320000xf32, #tpu.memory_space<hbm>> -> memref<128xf32, #tpu.memory_space<hbm>>
          %dma_wait3A_212 = arith.constant 0 : i32
          %dma_wait3A_213 = tpu.memref_slice %arg8[%scan3A_195, %dma_wait3A_212] : memref<157x128xf32, #tpu.memory_space<vmem>> -> memref<1x128xf32, #tpu.memory_space<vmem>>
          %dma_wait3A_214 = tpu.memref_squeeze %dma_wait3A_213 : memref<1x128xf32, #tpu.memory_space<vmem>> -> memref<128xf32, #tpu.memory_space<vmem>>
          %dma_wait3A_215 = tpu.memref_slice %arg3[%add3A_199] : memref<320000xf32, #tpu.memory_space<hbm>> -> memref<128xf32, #tpu.memory_space<hbm>>
          tpu.wait_dma2 semaphore(%run_scoped3A_201 : memref<!tpu.dma_semaphore, #tpu.memory_space<semaphore_mem>>) src(%dma_wait3A_215 : memref<128xf32, #tpu.memory_space<hbm>>) dst(%dma_wait3A_214 : memref<128xf32, #tpu.memory_space<vmem>>)
          tpu.yield
        }) : () -> ()
        %scan3A_200 = arith.constant 0 : i32
        scf.yield %scan3A_200 : i32
      }
      %scan3A_94 = arith.constant 156 : i32
      %add3A_95 = arith.constant 19968 : i32
      %add3A_96 = arith.addi %mul3A_2, %add3A_95 : i32
      %run_scoped3A_97 = arith.constant 156 : i32
      "tpu.region"() ({
        %run_scoped3A_195 = tpu.sem_alloc : memref<!tpu.dma_semaphore, #tpu.memory_space<semaphore_mem>>
        %dma_start3A = arith.constant 0 : i32
        %dma_start3A_196 = tpu.memref_slice %arg8[%run_scoped3A_97, %dma_start3A] : memref<157x128xf32, #tpu.memory_space<vmem>> -> memref<1x32xf32, #tpu.memory_space<vmem>>
        %dma_start3A_197 = tpu.memref_squeeze %dma_start3A_196 : memref<1x32xf32, #tpu.memory_space<vmem>> -> memref<32xf32, #tpu.memory_space<vmem>>
        %dma_start3A_198 = tpu.memref_slice %arg3[%add3A_96] : memref<320000xf32, #tpu.memory_space<hbm>> -> memref<32xf32, #tpu.memory_space<hbm>>
        %dma_start3A_199 = arith.constant 0 : i32
        %dma_start3A_200 = tpu.memref_slice %arg8[%run_scoped3A_97, %dma_start3A_199] : memref<157x128xf32, #tpu.memory_space<vmem>> -> memref<1x32xf32, #tpu.memory_space<vmem>>
        %dma_start3A_201 = tpu.memref_squeeze %dma_start3A_200 : memref<1x32xf32, #tpu.memory_space<vmem>> -> memref<32xf32, #tpu.memory_space<vmem>>
        %dma_start3A_202 = tpu.memref_slice %arg3[%add3A_96] : memref<320000xf32, #tpu.memory_space<hbm>> -> memref<32xf32, #tpu.memory_space<hbm>>
        tpu.enqueue_dma source(%dma_start3A_202 : memref<32xf32, #tpu.memory_space<hbm>>) target(%dma_start3A_201 : memref<32xf32, #tpu.memory_space<vmem>>) target_semaphore(%run_scoped3A_195 : memref<!tpu.dma_semaphore, #tpu.memory_space<semaphore_mem>>)
        %dma_wait3A = arith.constant 0 : i32
        %dma_wait3A_203 = tpu.memref_slice %arg8[%run_scoped3A_97, %dma_wait3A] : memref<157x128xf32, #tpu.memory_space<vmem>> -> memref<1x32xf32, #tpu.memory_space<vmem>>
        %dma_wait3A_204 = tpu.memref_squeeze %dma_wait3A_203 : memref<1x32xf32, #tpu.memory_space<vmem>> -> memref<32xf32, #tpu.memory_space<vmem>>
        %dma_wait3A_205 = tpu.memref_slice %arg3[%add3A_96] : memref<320000xf32, #tpu.memory_space<hbm>> -> memref<32xf32, #tpu.memory_space<hbm>>
        %dma_wait3A_206 = arith.constant 0 : i32
        %dma_wait3A_207 = tpu.memref_slice %arg8[%run_scoped3A_97, %dma_wait3A_206] : memref<157x128xf32, #tpu.memory_space<vmem>> -> memref<1x32xf32, #tpu.memory_space<vmem>>
        %dma_wait3A_208 = tpu.memref_squeeze %dma_wait3A_207 : memref<1x32xf32, #tpu.memory_space<vmem>> -> memref<32xf32, #tpu.memory_space<vmem>>
        %dma_wait3A_209 = tpu.memref_slice %arg3[%add3A_96] : memref<320000xf32, #tpu.memory_space<hbm>> -> memref<32xf32, #tpu.memory_space<hbm>>
        tpu.wait_dma2 semaphore(%run_scoped3A_195 : memref<!tpu.dma_semaphore, #tpu.memory_space<semaphore_mem>>) src(%dma_wait3A_209 : memref<32xf32, #tpu.memory_space<hbm>>) dst(%dma_wait3A_208 : memref<32xf32, #tpu.memory_space<vmem>>)
        tpu.yield
      }) : () -> ()
      %barrier3A = arith.constant 0 : index
      tpu.barrier barrier_id(%barrier3A)
      %scan3A_98 = arith.constant 0 : i32
      %scan3A_99 = arith.constant 0 : i32
      %scan3A_100 = arith.constant 157 : i32
      %scan3A_101 = arith.addi %scan3A_99, %scan3A_100 : i32
      %scan3A_102 = arith.constant 1 : i32
      %scan3A_103 = scf.for %scan3A_195 = %scan3A_99 to %scan3A_101 step %scan3A_102 iter_args(%scan3A_196 = %scan3A_98) -> (i32)  : i32 {
        "tpu.region"() ({
          %run_scoped3A_198 = tpu.sem_alloc : memref<!tpu.dma_semaphore, #tpu.memory_space<semaphore_mem>>
          %dma_start3A = arith.constant 0 : i32
          %dma_start3A_199 = tpu.memref_slice %arg8[%scan3A_195, %dma_start3A] : memref<157x128xf32, #tpu.memory_space<vmem>> -> memref<1x128xf32, #tpu.memory_space<vmem>>
          %dma_start3A_200 = tpu.memref_squeeze %dma_start3A_199 : memref<1x128xf32, #tpu.memory_space<vmem>> -> memref<128xf32, #tpu.memory_space<vmem>>
          %dma_start3A_201 = arith.constant 0 : i32
          %dma_start3A_202 = tpu.memref_slice %arg7[%scan3A_195, %dma_start3A_201] : memref<157x128xi32, #tpu.memory_space<vmem>> -> memref<1x128xi32, #tpu.memory_space<vmem>>
          %dma_start3A_203 = tpu.memref_squeeze %dma_start3A_202 : memref<1x128xi32, #tpu.memory_space<vmem>> -> memref<128xi32, #tpu.memory_space<vmem>>
          %dma_start3A_204 = arith.constant 0 : i32
          %dma_start3A_205 = tpu.memref_slice %arg11[%dma_start3A_204] : memref<327680xf32, #tpu.memory_space<vmem_shared>> -> memref<327680xf32, #tpu.memory_space<vmem_shared>>
          tpu.enqueue_indirect_dma source(%dma_start3A_200 : memref<128xf32, #tpu.memory_space<vmem>>) target(%dma_start3A_205 : memref<327680xf32, #tpu.memory_space<vmem_shared>>) offsets(%dma_start3A_203 : memref<128xi32, #tpu.memory_space<vmem>>) semaphore(%run_scoped3A_198 : memref<!tpu.dma_semaphore, #tpu.memory_space<semaphore_mem>>) {add = true}
          %dma_wait3A = arith.constant 0 : i32
          %dma_wait3A_206 = tpu.memref_slice %arg8[%scan3A_195, %dma_wait3A] : memref<157x128xf32, #tpu.memory_space<vmem>> -> memref<1x128xf32, #tpu.memory_space<vmem>>
          %dma_wait3A_207 = tpu.memref_squeeze %dma_wait3A_206 : memref<1x128xf32, #tpu.memory_space<vmem>> -> memref<128xf32, #tpu.memory_space<vmem>>
          %dma_wait3A_208 = arith.constant 0 : i32
          %dma_wait3A_209 = tpu.memref_slice %arg7[%scan3A_195, %dma_wait3A_208] : memref<157x128xi32, #tpu.memory_space<vmem>> -> memref<1x128xi32, #tpu.memory_space<vmem>>
          %dma_wait3A_210 = tpu.memref_squeeze %dma_wait3A_209 : memref<1x128xi32, #tpu.memory_space<vmem>> -> memref<128xi32, #tpu.memory_space<vmem>>
          %dma_wait3A_211 = arith.constant 0 : i32
          %dma_wait3A_212 = tpu.memref_slice %arg11[%dma_wait3A_211] : memref<327680xf32, #tpu.memory_space<vmem_shared>> -> memref<327680xf32, #tpu.memory_space<vmem_shared>>
          tpu.wait_indirect_dma semaphore(%run_scoped3A_198 : memref<!tpu.dma_semaphore, #tpu.memory_space<semaphore_mem>>) src(%dma_wait3A_207 : memref<128xf32, #tpu.memory_space<vmem>>) dst(%dma_wait3A_212 : memref<327680xf32, #tpu.memory_space<vmem_shared>>)
          tpu.yield
        }) : () -> ()
        %scan3A_197 = arith.constant 0 : i32
        scf.yield %scan3A_197 : i32
      }
      %scan3A_104 = arith.constant 157 : i32
      %barrier3A_105 = arith.constant 0 : index
      tpu.barrier barrier_id(%barrier3A_105)
      %mul3A_106 = arith.constant 20480 : i32
      %mul3A_107 = arith.muli %arg1, %mul3A_106 : i32
      %add3A_108 = arith.constant 0 : i32
      %add3A_109 = arith.addi %mul3A_107, %add3A_108 : i32
      "tpu.region"() ({
        %run_scoped3A_195 = tpu.sem_alloc : memref<!tpu.dma_semaphore, #tpu.memory_space<semaphore_mem>>
        %dma_start3A = tpu.memref_slice %arg11[%add3A_109] : memref<327680xf32, #tpu.memory_space<vmem_shared>> -> memref<2560xf32, #tpu.memory_space<vmem_shared>>
        %dma_start3A_196 = tpu.memref_slice %arg11[%add3A_109] : memref<327680xf32, #tpu.memory_space<vmem_shared>> -> memref<2560xf32, #tpu.memory_space<vmem_shared>>
        tpu.enqueue_dma source(%dma_start3A_196 : memref<2560xf32, #tpu.memory_space<vmem_shared>>) target(%arg10 : memref<2560xf32, #tpu.memory_space<vmem>>) target_semaphore(%run_scoped3A_195 : memref<!tpu.dma_semaphore, #tpu.memory_space<semaphore_mem>>)
        %dma_wait3A = tpu.memref_slice %arg11[%add3A_109] : memref<327680xf32, #tpu.memory_space<vmem_shared>> -> memref<2560xf32, #tpu.memory_space<vmem_shared>>
        %dma_wait3A_197 = tpu.memref_slice %arg11[%add3A_109] : memref<327680xf32, #tpu.memory_space<vmem_shared>> -> memref<2560xf32, #tpu.memory_space<vmem_shared>>
        tpu.wait_dma2 semaphore(%run_scoped3A_195 : memref<!tpu.dma_semaphore, #tpu.memory_space<semaphore_mem>>) src(%dma_wait3A_197 : memref<2560xf32, #tpu.memory_space<vmem_shared>>) dst(%arg10 : memref<2560xf32, #tpu.memory_space<vmem>>)
        tpu.yield
      }) : () -> ()
      %mul3A_110 = arith.constant 20480 : i32
      %mul3A_111 = arith.muli %arg1, %mul3A_110 : i32
      %add3A_112 = arith.constant 0 : i32
      %add3A_113 = arith.addi %mul3A_111, %add3A_112 : i32
      "tpu.region"() ({
        %run_scoped3A_195 = tpu.sem_alloc : memref<!tpu.dma_semaphore, #tpu.memory_space<semaphore_mem>>
        %dma_start3A = tpu.memref_slice %arg6[%add3A_113] : memref<327680xf32, #tpu.memory_space<hbm>> -> memref<2560xf32, #tpu.memory_space<hbm>>
        %dma_start3A_196 = tpu.memref_slice %arg6[%add3A_113] : memref<327680xf32, #tpu.memory_space<hbm>> -> memref<2560xf32, #tpu.memory_space<hbm>>
        tpu.enqueue_dma source(%arg10 : memref<2560xf32, #tpu.memory_space<vmem>>) target(%dma_start3A_196 : memref<2560xf32, #tpu.memory_space<hbm>>) target_semaphore(%run_scoped3A_195 : memref<!tpu.dma_semaphore, #tpu.memory_space<semaphore_mem>>)
        %dma_wait3A = tpu.memref_slice %arg6[%add3A_113] : memref<327680xf32, #tpu.memory_space<hbm>> -> memref<2560xf32, #tpu.memory_space<hbm>>
        %dma_wait3A_197 = tpu.memref_slice %arg6[%add3A_113] : memref<327680xf32, #tpu.memory_space<hbm>> -> memref<2560xf32, #tpu.memory_space<hbm>>
        tpu.wait_dma2 semaphore(%run_scoped3A_195 : memref<!tpu.dma_semaphore, #tpu.memory_space<semaphore_mem>>) src(%arg10 : memref<2560xf32, #tpu.memory_space<vmem>>) dst(%dma_wait3A_197 : memref<2560xf32, #tpu.memory_space<hbm>>)
        tpu.yield
      }) : () -> ()
      %mul3A_114 = arith.constant 20480 : i32
      %mul3A_115 = arith.muli %arg1, %mul3A_114 : i32
      %add3A_116 = arith.constant 2560 : i32
      %add3A_117 = arith.addi %mul3A_115, %add3A_116 : i32
      "tpu.region"() ({
        %run_scoped3A_195 = tpu.sem_alloc : memref<!tpu.dma_semaphore, #tpu.memory_space<semaphore_mem>>
        %dma_start3A = tpu.memref_slice %arg11[%add3A_117] : memref<327680xf32, #tpu.memory_space<vmem_shared>> -> memref<2560xf32, #tpu.memory_space<vmem_shared>>
        %dma_start3A_196 = tpu.memref_slice %arg11[%add3A_117] : memref<327680xf32, #tpu.memory_space<vmem_shared>> -> memref<2560xf32, #tpu.memory_space<vmem_shared>>
        tpu.enqueue_dma source(%dma_start3A_196 : memref<2560xf32, #tpu.memory_space<vmem_shared>>) target(%arg10 : memref<2560xf32, #tpu.memory_space<vmem>>) target_semaphore(%run_scoped3A_195 : memref<!tpu.dma_semaphore, #tpu.memory_space<semaphore_mem>>)
        %dma_wait3A = tpu.memref_slice %arg11[%add3A_117] : memref<327680xf32, #tpu.memory_space<vmem_shared>> -> memref<2560xf32, #tpu.memory_space<vmem_shared>>
        %dma_wait3A_197 = tpu.memref_slice %arg11[%add3A_117] : memref<327680xf32, #tpu.memory_space<vmem_shared>> -> memref<2560xf32, #tpu.memory_space<vmem_shared>>
        tpu.wait_dma2 semaphore(%run_scoped3A_195 : memref<!tpu.dma_semaphore, #tpu.memory_space<semaphore_mem>>) src(%dma_wait3A_197 : memref<2560xf32, #tpu.memory_space<vmem_shared>>) dst(%arg10 : memref<2560xf32, #tpu.memory_space<vmem>>)
        tpu.yield
      }) : () -> ()
      %mul3A_118 = arith.constant 20480 : i32
      %mul3A_119 = arith.muli %arg1, %mul3A_118 : i32
      %add3A_120 = arith.constant 2560 : i32
      %add3A_121 = arith.addi %mul3A_119, %add3A_120 : i32
      "tpu.region"() ({
        %run_scoped3A_195 = tpu.sem_alloc : memref<!tpu.dma_semaphore, #tpu.memory_space<semaphore_mem>>
        %dma_start3A = tpu.memref_slice %arg6[%add3A_121] : memref<327680xf32, #tpu.memory_space<hbm>> -> memref<2560xf32, #tpu.memory_space<hbm>>
        %dma_start3A_196 = tpu.memref_slice %arg6[%add3A_121] : memref<327680xf32, #tpu.memory_space<hbm>> -> memref<2560xf32, #tpu.memory_space<hbm>>
        tpu.enqueue_dma source(%arg10 : memref<2560xf32, #tpu.memory_space<vmem>>) target(%dma_start3A_196 : memref<2560xf32, #tpu.memory_space<hbm>>) target_semaphore(%run_scoped3A_195 : memref<!tpu.dma_semaphore, #tpu.memory_space<semaphore_mem>>)
        %dma_wait3A = tpu.memref_slice %arg6[%add3A_121] : memref<327680xf32, #tpu.memory_space<hbm>> -> memref<2560xf32, #tpu.memory_space<hbm>>
        %dma_wait3A_197 = tpu.memref_slice %arg6[%add3A_121] : memref<327680xf32, #tpu.memory_space<hbm>> -> memref<2560xf32, #tpu.memory_space<hbm>>
        tpu.wait_dma2 semaphore(%run_scoped3A_195 : memref<!tpu.dma_semaphore, #tpu.memory_space<semaphore_mem>>) src(%arg10 : memref<2560xf32, #tpu.memory_space<vmem>>) dst(%dma_wait3A_197 : memref<2560xf32, #tpu.memory_space<hbm>>)
        tpu.yield
      }) : () -> ()
      %mul3A_122 = arith.constant 20480 : i32
      %mul3A_123 = arith.muli %arg1, %mul3A_122 : i32
      %add3A_124 = arith.constant 5120 : i32
      %add3A_125 = arith.addi %mul3A_123, %add3A_124 : i32
      "tpu.region"() ({
        %run_scoped3A_195 = tpu.sem_alloc : memref<!tpu.dma_semaphore, #tpu.memory_space<semaphore_mem>>
        %dma_start3A = tpu.memref_slice %arg11[%add3A_125] : memref<327680xf32, #tpu.memory_space<vmem_shared>> -> memref<2560xf32, #tpu.memory_space<vmem_shared>>
        %dma_start3A_196 = tpu.memref_slice %arg11[%add3A_125] : memref<327680xf32, #tpu.memory_space<vmem_shared>> -> memref<2560xf32, #tpu.memory_space<vmem_shared>>
        tpu.enqueue_dma source(%dma_start3A_196 : memref<2560xf32, #tpu.memory_space<vmem_shared>>) target(%arg10 : memref<2560xf32, #tpu.memory_space<vmem>>) target_semaphore(%run_scoped3A_195 : memref<!tpu.dma_semaphore, #tpu.memory_space<semaphore_mem>>)
        %dma_wait3A = tpu.memref_slice %arg11[%add3A_125] : memref<327680xf32, #tpu.memory_space<vmem_shared>> -> memref<2560xf32, #tpu.memory_space<vmem_shared>>
        %dma_wait3A_197 = tpu.memref_slice %arg11[%add3A_125] : memref<327680xf32, #tpu.memory_space<vmem_shared>> -> memref<2560xf32, #tpu.memory_space<vmem_shared>>
        tpu.wait_dma2 semaphore(%run_scoped3A_195 : memref<!tpu.dma_semaphore, #tpu.memory_space<semaphore_mem>>) src(%dma_wait3A_197 : memref<2560xf32, #tpu.memory_space<vmem_shared>>) dst(%arg10 : memref<2560xf32, #tpu.memory_space<vmem>>)
        tpu.yield
      }) : () -> ()
      %mul3A_126 = arith.constant 20480 : i32
      %mul3A_127 = arith.muli %arg1, %mul3A_126 : i32
      %add3A_128 = arith.constant 5120 : i32
      %add3A_129 = arith.addi %mul3A_127, %add3A_128 : i32
      "tpu.region"() ({
        %run_scoped3A_195 = tpu.sem_alloc : memref<!tpu.dma_semaphore, #tpu.memory_space<semaphore_mem>>
        %dma_start3A = tpu.memref_slice %arg6[%add3A_129] : memref<327680xf32, #tpu.memory_space<hbm>> -> memref<2560xf32, #tpu.memory_space<hbm>>
        %dma_start3A_196 = tpu.memref_slice %arg6[%add3A_129] : memref<327680xf32, #tpu.memory_space<hbm>> -> memref<2560xf32, #tpu.memory_space<hbm>>
        tpu.enqueue_dma source(%arg10 : memref<2560xf32, #tpu.memory_space<vmem>>) target(%dma_start3A_196 : memref<2560xf32, #tpu.memory_space<hbm>>) target_semaphore(%run_scoped3A_195 : memref<!tpu.dma_semaphore, #tpu.memory_space<semaphore_mem>>)
        %dma_wait3A = tpu.memref_slice %arg6[%add3A_129] : memref<327680xf32, #tpu.memory_space<hbm>> -> memref<2560xf32, #tpu.memory_space<hbm>>
        %dma_wait3A_197 = tpu.memref_slice %arg6[%add3A_129] : memref<327680xf32, #tpu.memory_space<hbm>> -> memref<2560xf32, #tpu.memory_space<hbm>>
        tpu.wait_dma2 semaphore(%run_scoped3A_195 : memref<!tpu.dma_semaphore, #tpu.memory_space<semaphore_mem>>) src(%arg10 : memref<2560xf32, #tpu.memory_space<vmem>>) dst(%dma_wait3A_197 : memref<2560xf32, #tpu.memory_space<hbm>>)
        tpu.yield
      }) : () -> ()
      %mul3A_130 = arith.constant 20480 : i32
      %mul3A_131 = arith.muli %arg1, %mul3A_130 : i32
      %add3A_132 = arith.constant 7680 : i32
      %add3A_133 = arith.addi %mul3A_131, %add3A_132 : i32
      "tpu.region"() ({
        %run_scoped3A_195 = tpu.sem_alloc : memref<!tpu.dma_semaphore, #tpu.memory_space<semaphore_mem>>
        %dma_start3A = tpu.memref_slice %arg11[%add3A_133] : memref<327680xf32, #tpu.memory_space<vmem_shared>> -> memref<2560xf32, #tpu.memory_space<vmem_shared>>
        %dma_start3A_196 = tpu.memref_slice %arg11[%add3A_133] : memref<327680xf32, #tpu.memory_space<vmem_shared>> -> memref<2560xf32, #tpu.memory_space<vmem_shared>>
        tpu.enqueue_dma source(%dma_start3A_196 : memref<2560xf32, #tpu.memory_space<vmem_shared>>) target(%arg10 : memref<2560xf32, #tpu.memory_space<vmem>>) target_semaphore(%run_scoped3A_195 : memref<!tpu.dma_semaphore, #tpu.memory_space<semaphore_mem>>)
        %dma_wait3A = tpu.memref_slice %arg11[%add3A_133] : memref<327680xf32, #tpu.memory_space<vmem_shared>> -> memref<2560xf32, #tpu.memory_space<vmem_shared>>
        %dma_wait3A_197 = tpu.memref_slice %arg11[%add3A_133] : memref<327680xf32, #tpu.memory_space<vmem_shared>> -> memref<2560xf32, #tpu.memory_space<vmem_shared>>
        tpu.wait_dma2 semaphore(%run_scoped3A_195 : memref<!tpu.dma_semaphore, #tpu.memory_space<semaphore_mem>>) src(%dma_wait3A_197 : memref<2560xf32, #tpu.memory_space<vmem_shared>>) dst(%arg10 : memref<2560xf32, #tpu.memory_space<vmem>>)
        tpu.yield
      }) : () -> ()
      %mul3A_134 = arith.constant 20480 : i32
      %mul3A_135 = arith.muli %arg1, %mul3A_134 : i32
      %add3A_136 = arith.constant 7680 : i32
      %add3A_137 = arith.addi %mul3A_135, %add3A_136 : i32
      "tpu.region"() ({
        %run_scoped3A_195 = tpu.sem_alloc : memref<!tpu.dma_semaphore, #tpu.memory_space<semaphore_mem>>
        %dma_start3A = tpu.memref_slice %arg6[%add3A_137] : memref<327680xf32, #tpu.memory_space<hbm>> -> memref<2560xf32, #tpu.memory_space<hbm>>
        %dma_start3A_196 = tpu.memref_slice %arg6[%add3A_137] : memref<327680xf32, #tpu.memory_space<hbm>> -> memref<2560xf32, #tpu.memory_space<hbm>>
        tpu.enqueue_dma source(%arg10 : memref<2560xf32, #tpu.memory_space<vmem>>) target(%dma_start3A_196 : memref<2560xf32, #tpu.memory_space<hbm>>) target_semaphore(%run_scoped3A_195 : memref<!tpu.dma_semaphore, #tpu.memory_space<semaphore_mem>>)
        %dma_wait3A = tpu.memref_slice %arg6[%add3A_137] : memref<327680xf32, #tpu.memory_space<hbm>> -> memref<2560xf32, #tpu.memory_space<hbm>>
        %dma_wait3A_197 = tpu.memref_slice %arg6[%add3A_137] : memref<327680xf32, #tpu.memory_space<hbm>> -> memref<2560xf32, #tpu.memory_space<hbm>>
        tpu.wait_dma2 semaphore(%run_scoped3A_195 : memref<!tpu.dma_semaphore, #tpu.memory_space<semaphore_mem>>) src(%arg10 : memref<2560xf32, #tpu.memory_space<vmem>>) dst(%dma_wait3A_197 : memref<2560xf32, #tpu.memory_space<hbm>>)
        tpu.yield
      }) : () -> ()
      %mul3A_138 = arith.constant 20480 : i32
      %mul3A_139 = arith.muli %arg1, %mul3A_138 : i32
      %add3A_140 = arith.constant 10240 : i32
      %add3A_141 = arith.addi %mul3A_139, %add3A_140 : i32
      "tpu.region"() ({
        %run_scoped3A_195 = tpu.sem_alloc : memref<!tpu.dma_semaphore, #tpu.memory_space<semaphore_mem>>
        %dma_start3A = tpu.memref_slice %arg11[%add3A_141] : memref<327680xf32, #tpu.memory_space<vmem_shared>> -> memref<2560xf32, #tpu.memory_space<vmem_shared>>
        %dma_start3A_196 = tpu.memref_slice %arg11[%add3A_141] : memref<327680xf32, #tpu.memory_space<vmem_shared>> -> memref<2560xf32, #tpu.memory_space<vmem_shared>>
        tpu.enqueue_dma source(%dma_start3A_196 : memref<2560xf32, #tpu.memory_space<vmem_shared>>) target(%arg10 : memref<2560xf32, #tpu.memory_space<vmem>>) target_semaphore(%run_scoped3A_195 : memref<!tpu.dma_semaphore, #tpu.memory_space<semaphore_mem>>)
        %dma_wait3A = tpu.memref_slice %arg11[%add3A_141] : memref<327680xf32, #tpu.memory_space<vmem_shared>> -> memref<2560xf32, #tpu.memory_space<vmem_shared>>
        %dma_wait3A_197 = tpu.memref_slice %arg11[%add3A_141] : memref<327680xf32, #tpu.memory_space<vmem_shared>> -> memref<2560xf32, #tpu.memory_space<vmem_shared>>
        tpu.wait_dma2 semaphore(%run_scoped3A_195 : memref<!tpu.dma_semaphore, #tpu.memory_space<semaphore_mem>>) src(%dma_wait3A_197 : memref<2560xf32, #tpu.memory_space<vmem_shared>>) dst(%arg10 : memref<2560xf32, #tpu.memory_space<vmem>>)
        tpu.yield
      }) : () -> ()
      %mul3A_142 = arith.constant 20480 : i32
      %mul3A_143 = arith.muli %arg1, %mul3A_142 : i32
      %add3A_144 = arith.constant 10240 : i32
      %add3A_145 = arith.addi %mul3A_143, %add3A_144 : i32
      "tpu.region"() ({
        %run_scoped3A_195 = tpu.sem_alloc : memref<!tpu.dma_semaphore, #tpu.memory_space<semaphore_mem>>
        %dma_start3A = tpu.memref_slice %arg6[%add3A_145] : memref<327680xf32, #tpu.memory_space<hbm>> -> memref<2560xf32, #tpu.memory_space<hbm>>
        %dma_start3A_196 = tpu.memref_slice %arg6[%add3A_145] : memref<327680xf32, #tpu.memory_space<hbm>> -> memref<2560xf32, #tpu.memory_space<hbm>>
        tpu.enqueue_dma source(%arg10 : memref<2560xf32, #tpu.memory_space<vmem>>) target(%dma_start3A_196 : memref<2560xf32, #tpu.memory_space<hbm>>) target_semaphore(%run_scoped3A_195 : memref<!tpu.dma_semaphore, #tpu.memory_space<semaphore_mem>>)
        %dma_wait3A = tpu.memref_slice %arg6[%add3A_145] : memref<327680xf32, #tpu.memory_space<hbm>> -> memref<2560xf32, #tpu.memory_space<hbm>>
        %dma_wait3A_197 = tpu.memref_slice %arg6[%add3A_145] : memref<327680xf32, #tpu.memory_space<hbm>> -> memref<2560xf32, #tpu.memory_space<hbm>>
        tpu.wait_dma2 semaphore(%run_scoped3A_195 : memref<!tpu.dma_semaphore, #tpu.memory_space<semaphore_mem>>) src(%arg10 : memref<2560xf32, #tpu.memory_space<vmem>>) dst(%dma_wait3A_197 : memref<2560xf32, #tpu.memory_space<hbm>>)
        tpu.yield
      }) : () -> ()
      %mul3A_146 = arith.constant 20480 : i32
      %mul3A_147 = arith.muli %arg1, %mul3A_146 : i32
      %add3A_148 = arith.constant 12800 : i32
      %add3A_149 = arith.addi %mul3A_147, %add3A_148 : i32
      "tpu.region"() ({
        %run_scoped3A_195 = tpu.sem_alloc : memref<!tpu.dma_semaphore, #tpu.memory_space<semaphore_mem>>
        %dma_start3A = tpu.memref_slice %arg11[%add3A_149] : memref<327680xf32, #tpu.memory_space<vmem_shared>> -> memref<2560xf32, #tpu.memory_space<vmem_shared>>
        %dma_start3A_196 = tpu.memref_slice %arg11[%add3A_149] : memref<327680xf32, #tpu.memory_space<vmem_shared>> -> memref<2560xf32, #tpu.memory_space<vmem_shared>>
        tpu.enqueue_dma source(%dma_start3A_196 : memref<2560xf32, #tpu.memory_space<vmem_shared>>) target(%arg10 : memref<2560xf32, #tpu.memory_space<vmem>>) target_semaphore(%run_scoped3A_195 : memref<!tpu.dma_semaphore, #tpu.memory_space<semaphore_mem>>)
        %dma_wait3A = tpu.memref_slice %arg11[%add3A_149] : memref<327680xf32, #tpu.memory_space<vmem_shared>> -> memref<2560xf32, #tpu.memory_space<vmem_shared>>
        %dma_wait3A_197 = tpu.memref_slice %arg11[%add3A_149] : memref<327680xf32, #tpu.memory_space<vmem_shared>> -> memref<2560xf32, #tpu.memory_space<vmem_shared>>
        tpu.wait_dma2 semaphore(%run_scoped3A_195 : memref<!tpu.dma_semaphore, #tpu.memory_space<semaphore_mem>>) src(%dma_wait3A_197 : memref<2560xf32, #tpu.memory_space<vmem_shared>>) dst(%arg10 : memref<2560xf32, #tpu.memory_space<vmem>>)
        tpu.yield
      }) : () -> ()
      %mul3A_150 = arith.constant 20480 : i32
      %mul3A_151 = arith.muli %arg1, %mul3A_150 : i32
      %add3A_152 = arith.constant 12800 : i32
      %add3A_153 = arith.addi %mul3A_151, %add3A_152 : i32
      "tpu.region"() ({
        %run_scoped3A_195 = tpu.sem_alloc : memref<!tpu.dma_semaphore, #tpu.memory_space<semaphore_mem>>
        %dma_start3A = tpu.memref_slice %arg6[%add3A_153] : memref<327680xf32, #tpu.memory_space<hbm>> -> memref<2560xf32, #tpu.memory_space<hbm>>
        %dma_start3A_196 = tpu.memref_slice %arg6[%add3A_153] : memref<327680xf32, #tpu.memory_space<hbm>> -> memref<2560xf32, #tpu.memory_space<hbm>>
        tpu.enqueue_dma source(%arg10 : memref<2560xf32, #tpu.memory_space<vmem>>) target(%dma_start3A_196 : memref<2560xf32, #tpu.memory_space<hbm>>) target_semaphore(%run_scoped3A_195 : memref<!tpu.dma_semaphore, #tpu.memory_space<semaphore_mem>>)
        %dma_wait3A = tpu.memref_slice %arg6[%add3A_153] : memref<327680xf32, #tpu.memory_space<hbm>> -> memref<2560xf32, #tpu.memory_space<hbm>>
        %dma_wait3A_197 = tpu.memref_slice %arg6[%add3A_153] : memref<327680xf32, #tpu.memory_space<hbm>> -> memref<2560xf32, #tpu.memory_space<hbm>>
        tpu.wait_dma2 semaphore(%run_scoped3A_195 : memref<!tpu.dma_semaphore, #tpu.memory_space<semaphore_mem>>) src(%arg10 : memref<2560xf32, #tpu.memory_space<vmem>>) dst(%dma_wait3A_197 : memref<2560xf32, #tpu.memory_space<hbm>>)
        tpu.yield
      }) : () -> ()
      %mul3A_154 = arith.constant 20480 : i32
      %mul3A_155 = arith.muli %arg1, %mul3A_154 : i32
      %add3A_156 = arith.constant 15360 : i32
      %add3A_157 = arith.addi %mul3A_155, %add3A_156 : i32
      "tpu.region"() ({
        %run_scoped3A_195 = tpu.sem_alloc : memref<!tpu.dma_semaphore, #tpu.memory_space<semaphore_mem>>
        %dma_start3A = tpu.memref_slice %arg11[%add3A_157] : memref<327680xf32, #tpu.memory_space<vmem_shared>> -> memref<2560xf32, #tpu.memory_space<vmem_shared>>
        %dma_start3A_196 = tpu.memref_slice %arg11[%add3A_157] : memref<327680xf32, #tpu.memory_space<vmem_shared>> -> memref<2560xf32, #tpu.memory_space<vmem_shared>>
        tpu.enqueue_dma source(%dma_start3A_196 : memref<2560xf32, #tpu.memory_space<vmem_shared>>) target(%arg10 : memref<2560xf32, #tpu.memory_space<vmem>>) target_semaphore(%run_scoped3A_195 : memref<!tpu.dma_semaphore, #tpu.memory_space<semaphore_mem>>)
        %dma_wait3A = tpu.memref_slice %arg11[%add3A_157] : memref<327680xf32, #tpu.memory_space<vmem_shared>> -> memref<2560xf32, #tpu.memory_space<vmem_shared>>
        %dma_wait3A_197 = tpu.memref_slice %arg11[%add3A_157] : memref<327680xf32, #tpu.memory_space<vmem_shared>> -> memref<2560xf32, #tpu.memory_space<vmem_shared>>
        tpu.wait_dma2 semaphore(%run_scoped3A_195 : memref<!tpu.dma_semaphore, #tpu.memory_space<semaphore_mem>>) src(%dma_wait3A_197 : memref<2560xf32, #tpu.memory_space<vmem_shared>>) dst(%arg10 : memref<2560xf32, #tpu.memory_space<vmem>>)
        tpu.yield
      }) : () -> ()
      %mul3A_158 = arith.constant 20480 : i32
      %mul3A_159 = arith.muli %arg1, %mul3A_158 : i32
      %add3A_160 = arith.constant 15360 : i32
      %add3A_161 = arith.addi %mul3A_159, %add3A_160 : i32
      "tpu.region"() ({
        %run_scoped3A_195 = tpu.sem_alloc : memref<!tpu.dma_semaphore, #tpu.memory_space<semaphore_mem>>
        %dma_start3A = tpu.memref_slice %arg6[%add3A_161] : memref<327680xf32, #tpu.memory_space<hbm>> -> memref<2560xf32, #tpu.memory_space<hbm>>
        %dma_start3A_196 = tpu.memref_slice %arg6[%add3A_161] : memref<327680xf32, #tpu.memory_space<hbm>> -> memref<2560xf32, #tpu.memory_space<hbm>>
        tpu.enqueue_dma source(%arg10 : memref<2560xf32, #tpu.memory_space<vmem>>) target(%dma_start3A_196 : memref<2560xf32, #tpu.memory_space<hbm>>) target_semaphore(%run_scoped3A_195 : memref<!tpu.dma_semaphore, #tpu.memory_space<semaphore_mem>>)
        %dma_wait3A = tpu.memref_slice %arg6[%add3A_161] : memref<327680xf32, #tpu.memory_space<hbm>> -> memref<2560xf32, #tpu.memory_space<hbm>>
        %dma_wait3A_197 = tpu.memref_slice %arg6[%add3A_161] : memref<327680xf32, #tpu.memory_space<hbm>> -> memref<2560xf32, #tpu.memory_space<hbm>>
        tpu.wait_dma2 semaphore(%run_scoped3A_195 : memref<!tpu.dma_semaphore, #tpu.memory_space<semaphore_mem>>) src(%arg10 : memref<2560xf32, #tpu.memory_space<vmem>>) dst(%dma_wait3A_197 : memref<2560xf32, #tpu.memory_space<hbm>>)
        tpu.yield
      }) : () -> ()
      %mul3A_162 = arith.constant 20480 : i32
      %mul3A_163 = arith.muli %arg1, %mul3A_162 : i32
      %add3A_164 = arith.constant 17920 : i32
      %add3A_165 = arith.addi %mul3A_163, %add3A_164 : i32
      "tpu.region"() ({
        %run_scoped3A_195 = tpu.sem_alloc : memref<!tpu.dma_semaphore, #tpu.memory_space<semaphore_mem>>
        %dma_start3A = tpu.memref_slice %arg11[%add3A_165] : memref<327680xf32, #tpu.memory_space<vmem_shared>> -> memref<2560xf32, #tpu.memory_space<vmem_shared>>
        %dma_start3A_196 = tpu.memref_slice %arg11[%add3A_165] : memref<327680xf32, #tpu.memory_space<vmem_shared>> -> memref<2560xf32, #tpu.memory_space<vmem_shared>>
        tpu.enqueue_dma source(%dma_start3A_196 : memref<2560xf32, #tpu.memory_space<vmem_shared>>) target(%arg10 : memref<2560xf32, #tpu.memory_space<vmem>>) target_semaphore(%run_scoped3A_195 : memref<!tpu.dma_semaphore, #tpu.memory_space<semaphore_mem>>)
        %dma_wait3A = tpu.memref_slice %arg11[%add3A_165] : memref<327680xf32, #tpu.memory_space<vmem_shared>> -> memref<2560xf32, #tpu.memory_space<vmem_shared>>
        %dma_wait3A_197 = tpu.memref_slice %arg11[%add3A_165] : memref<327680xf32, #tpu.memory_space<vmem_shared>> -> memref<2560xf32, #tpu.memory_space<vmem_shared>>
        tpu.wait_dma2 semaphore(%run_scoped3A_195 : memref<!tpu.dma_semaphore, #tpu.memory_space<semaphore_mem>>) src(%dma_wait3A_197 : memref<2560xf32, #tpu.memory_space<vmem_shared>>) dst(%arg10 : memref<2560xf32, #tpu.memory_space<vmem>>)
        tpu.yield
      }) : () -> ()
      %mul3A_166 = arith.constant 20480 : i32
      %mul3A_167 = arith.muli %arg1, %mul3A_166 : i32
      %add3A_168 = arith.constant 17920 : i32
      %add3A_169 = arith.addi %mul3A_167, %add3A_168 : i32
      "tpu.region"() ({
        %run_scoped3A_195 = tpu.sem_alloc : memref<!tpu.dma_semaphore, #tpu.memory_space<semaphore_mem>>
        %dma_start3A = tpu.memref_slice %arg6[%add3A_169] : memref<327680xf32, #tpu.memory_space<hbm>> -> memref<2560xf32, #tpu.memory_space<hbm>>
        %dma_start3A_196 = tpu.memref_slice %arg6[%add3A_169] : memref<327680xf32, #tpu.memory_space<hbm>> -> memref<2560xf32, #tpu.memory_space<hbm>>
        tpu.enqueue_dma source(%arg10 : memref<2560xf32, #tpu.memory_space<vmem>>) target(%dma_start3A_196 : memref<2560xf32, #tpu.memory_space<hbm>>) target_semaphore(%run_scoped3A_195 : memref<!tpu.dma_semaphore, #tpu.memory_space<semaphore_mem>>)
        %dma_wait3A = tpu.memref_slice %arg6[%add3A_169] : memref<327680xf32, #tpu.memory_space<hbm>> -> memref<2560xf32, #tpu.memory_space<hbm>>
        %dma_wait3A_197 = tpu.memref_slice %arg6[%add3A_169] : memref<327680xf32, #tpu.memory_space<hbm>> -> memref<2560xf32, #tpu.memory_space<hbm>>
        tpu.wait_dma2 semaphore(%run_scoped3A_195 : memref<!tpu.dma_semaphore, #tpu.memory_space<semaphore_mem>>) src(%arg10 : memref<2560xf32, #tpu.memory_space<vmem>>) dst(%dma_wait3A_197 : memref<2560xf32, #tpu.memory_space<hbm>>)
        tpu.yield
      }) : () -> ()
      %barrier3A_170 = arith.constant 0 : index
      tpu.barrier barrier_id(%barrier3A_170)
      %scan3A_171 = arith.constant 0 : i32
      %scan3A_172 = arith.constant 0 : i32
      %scan3A_173 = arith.constant 157 : i32
      %scan3A_174 = arith.addi %scan3A_172, %scan3A_173 : i32
      %scan3A_175 = arith.constant 1 : i32
      %scan3A_176 = scf.for %scan3A_195 = %scan3A_172 to %scan3A_174 step %scan3A_175 iter_args(%scan3A_196 = %scan3A_171) -> (i32)  : i32 {
        "tpu.region"() ({
          %run_scoped3A_198 = tpu.sem_alloc : memref<!tpu.dma_semaphore, #tpu.memory_space<semaphore_mem>>
          %dma_start3A = arith.constant 0 : i32
          %dma_start3A_199 = tpu.memref_slice %arg9[%scan3A_195, %dma_start3A] : memref<157x128xf32, #tpu.memory_space<vmem>> -> memref<1x128xf32, #tpu.memory_space<vmem>>
          %dma_start3A_200 = tpu.memref_squeeze %dma_start3A_199 : memref<1x128xf32, #tpu.memory_space<vmem>> -> memref<128xf32, #tpu.memory_space<vmem>>
          %dma_start3A_201 = arith.constant 0 : i32
          %dma_start3A_202 = tpu.memref_slice %arg7[%scan3A_195, %dma_start3A_201] : memref<157x128xi32, #tpu.memory_space<vmem>> -> memref<1x128xi32, #tpu.memory_space<vmem>>
          %dma_start3A_203 = tpu.memref_squeeze %dma_start3A_202 : memref<1x128xi32, #tpu.memory_space<vmem>> -> memref<128xi32, #tpu.memory_space<vmem>>
          %dma_start3A_204 = arith.constant 0 : i32
          %dma_start3A_205 = tpu.memref_slice %arg6[%dma_start3A_204] : memref<327680xf32, #tpu.memory_space<hbm>> -> memref<327680xf32, #tpu.memory_space<hbm>>
          tpu.enqueue_indirect_dma source(%dma_start3A_205 : memref<327680xf32, #tpu.memory_space<hbm>>) target(%dma_start3A_200 : memref<128xf32, #tpu.memory_space<vmem>>) offsets(%dma_start3A_203 : memref<128xi32, #tpu.memory_space<vmem>>) semaphore(%run_scoped3A_198 : memref<!tpu.dma_semaphore, #tpu.memory_space<semaphore_mem>>)
          %dma_wait3A = arith.constant 0 : i32
          %dma_wait3A_206 = tpu.memref_slice %arg9[%scan3A_195, %dma_wait3A] : memref<157x128xf32, #tpu.memory_space<vmem>> -> memref<1x128xf32, #tpu.memory_space<vmem>>
          %dma_wait3A_207 = tpu.memref_squeeze %dma_wait3A_206 : memref<1x128xf32, #tpu.memory_space<vmem>> -> memref<128xf32, #tpu.memory_space<vmem>>
          %dma_wait3A_208 = arith.constant 0 : i32
          %dma_wait3A_209 = tpu.memref_slice %arg7[%scan3A_195, %dma_wait3A_208] : memref<157x128xi32, #tpu.memory_space<vmem>> -> memref<1x128xi32, #tpu.memory_space<vmem>>
          %dma_wait3A_210 = tpu.memref_squeeze %dma_wait3A_209 : memref<1x128xi32, #tpu.memory_space<vmem>> -> memref<128xi32, #tpu.memory_space<vmem>>
          %dma_wait3A_211 = arith.constant 0 : i32
          %dma_wait3A_212 = tpu.memref_slice %arg6[%dma_wait3A_211] : memref<327680xf32, #tpu.memory_space<hbm>> -> memref<327680xf32, #tpu.memory_space<hbm>>
          tpu.wait_indirect_dma semaphore(%run_scoped3A_198 : memref<!tpu.dma_semaphore, #tpu.memory_space<semaphore_mem>>) src(%dma_wait3A_212 : memref<327680xf32, #tpu.memory_space<hbm>>) dst(%dma_wait3A_207 : memref<128xf32, #tpu.memory_space<vmem>>)
          tpu.yield
        }) : () -> ()
        %scan3A_197 = arith.constant 0 : i32
        scf.yield %scan3A_197 : i32
      }
      %scan3A_177 = arith.constant 157 : i32
      %scan3A_178 = arith.constant 0 : i32
      %scan3A_179 = arith.constant 0 : i32
      %scan3A_180 = arith.constant 157 : i32
      %scan3A_181 = arith.addi %scan3A_179, %scan3A_180 : i32
      %scan3A_182 = arith.constant 1 : i32
      %scan3A_183 = scf.for %scan3A_195 = %scan3A_179 to %scan3A_181 step %scan3A_182 iter_args(%scan3A_196 = %scan3A_178) -> (i32)  : i32 {
        %get3A = arith.index_cast %scan3A_195 : i32 to index
        %get3A_197 = arith.constant 0 : index
        %get3A_198 = tpu.vector_load %arg8[%get3A, %get3A_197] {strides = array<i32>} : memref<157x128xf32, #tpu.memory_space<vmem>>, vector<1x16xf32>,
        %get3A_199 = vector.shape_cast %get3A_198 : vector<1x16xf32> to vector<16xf32>
        %get3A_200 = arith.index_cast %scan3A_195 : i32 to index
        %get3A_201 = arith.constant 0 : index
        %get3A_202 = tpu.vector_load %arg9[%get3A_200, %get3A_201] {strides = array<i32>} : memref<157x128xf32, #tpu.memory_space<vmem>>, vector<1x16xf32>,
        %get3A_203 = vector.shape_cast %get3A_202 : vector<1x16xf32> to vector<16xf32>
        %div3A = arith.divf %get3A_199, %get3A_203 : vector<16xf32>
        %swap3A_204 = arith.index_cast %scan3A_195 : i32 to index
        %swap3A_205 = arith.constant 0 : index
        %swap3A_206 = tpu.vector_load %arg9[%swap3A_204, %swap3A_205] {strides = array<i32>} : memref<157x128xf32, #tpu.memory_space<vmem>>, vector<1x16xf32>,
        %swap3A_207 = vector.shape_cast %swap3A_206 : vector<1x16xf32> to vector<16xf32>
        %swap3A_208 = vector.shape_cast %div3A : vector<16xf32> to vector<1x16xf32>
        tpu.vector_store %arg9[%swap3A_204, %swap3A_205], %swap3A_208 {strides = array<i32>} : memref<157x128xf32, #tpu.memory_space<vmem>>, vector<1x16xf32>,
        %get3A_209 = arith.index_cast %scan3A_195 : i32 to index
        %get3A_210 = arith.constant 16 : index
        %get3A_211 = tpu.vector_load %arg8[%get3A_209, %get3A_210] {strides = array<i32>} : memref<157x128xf32, #tpu.memory_space<vmem>>, vector<1x16xf32>,
        %get3A_212 = vector.shape_cast %get3A_211 : vector<1x16xf32> to vector<16xf32>
        %get3A_213 = arith.index_cast %scan3A_195 : i32 to index
        %get3A_214 = arith.constant 16 : index
        %get3A_215 = tpu.vector_load %arg9[%get3A_213, %get3A_214] {strides = array<i32>} : memref<157x128xf32, #tpu.memory_space<vmem>>, vector<1x16xf32>,
        %get3A_216 = vector.shape_cast %get3A_215 : vector<1x16xf32> to vector<16xf32>
        %div3A_217 = arith.divf %get3A_212, %get3A_216 : vector<16xf32>
        %swap3A_218 = arith.index_cast %scan3A_195 : i32 to index
        %swap3A_219 = arith.constant 16 : index
        %swap3A_220 = tpu.vector_load %arg9[%swap3A_218, %swap3A_219] {strides = array<i32>} : memref<157x128xf32, #tpu.memory_space<vmem>>, vector<1x16xf32>,
        %swap3A_221 = vector.shape_cast %swap3A_220 : vector<1x16xf32> to vector<16xf32>
        %swap3A_222 = vector.shape_cast %div3A_217 : vector<16xf32> to vector<1x16xf32>
        tpu.vector_store %arg9[%swap3A_218, %swap3A_219], %swap3A_222 {strides = array<i32>} : memref<157x128xf32, #tpu.memory_space<vmem>>, vector<1x16xf32>,
        %get3A_223 = arith.index_cast %scan3A_195 : i32 to index
        %get3A_224 = arith.constant 32 : index
        %get3A_225 = tpu.vector_load %arg8[%get3A_223, %get3A_224] {strides = array<i32>} : memref<157x128xf32, #tpu.memory_space<vmem>>, vector<1x16xf32>,
        %get3A_226 = vector.shape_cast %get3A_225 : vector<1x16xf32> to vector<16xf32>
        %get3A_227 = arith.index_cast %scan3A_195 : i32 to index
        %get3A_228 = arith.constant 32 : index
        %get3A_229 = tpu.vector_load %arg9[%get3A_227, %get3A_228] {strides = array<i32>} : memref<157x128xf32, #tpu.memory_space<vmem>>, vector<1x16xf32>,
        %get3A_230 = vector.shape_cast %get3A_229 : vector<1x16xf32> to vector<16xf32>
        %div3A_231 = arith.divf %get3A_226, %get3A_230 : vector<16xf32>
        %swap3A_232 = arith.index_cast %scan3A_195 : i32 to index
        %swap3A_233 = arith.constant 32 : index
        %swap3A_234 = tpu.vector_load %arg9[%swap3A_232, %swap3A_233] {strides = array<i32>} : memref<157x128xf32, #tpu.memory_space<vmem>>, vector<1x16xf32>,
        %swap3A_235 = vector.shape_cast %swap3A_234 : vector<1x16xf32> to vector<16xf32>
        %swap3A_236 = vector.shape_cast %div3A_231 : vector<16xf32> to vector<1x16xf32>
        tpu.vector_store %arg9[%swap3A_232, %swap3A_233], %swap3A_236 {strides = array<i32>} : memref<157x128xf32, #tpu.memory_space<vmem>>, vector<1x16xf32>,
        %get3A_237 = arith.index_cast %scan3A_195 : i32 to index
        %get3A_238 = arith.constant 48 : index
        %get3A_239 = tpu.vector_load %arg8[%get3A_237, %get3A_238] {strides = array<i32>} : memref<157x128xf32, #tpu.memory_space<vmem>>, vector<1x16xf32>,
        %get3A_240 = vector.shape_cast %get3A_239 : vector<1x16xf32> to vector<16xf32>
        %get3A_241 = arith.index_cast %scan3A_195 : i32 to index
        %get3A_242 = arith.constant 48 : index
        %get3A_243 = tpu.vector_load %arg9[%get3A_241, %get3A_242] {strides = array<i32>} : memref<157x128xf32, #tpu.memory_space<vmem>>, vector<1x16xf32>,
        %get3A_244 = vector.shape_cast %get3A_243 : vector<1x16xf32> to vector<16xf32>
        %div3A_245 = arith.divf %get3A_240, %get3A_244 : vector<16xf32>
        %swap3A_246 = arith.index_cast %scan3A_195 : i32 to index
        %swap3A_247 = arith.constant 48 : index
        %swap3A_248 = tpu.vector_load %arg9[%swap3A_246, %swap3A_247] {strides = array<i32>} : memref<157x128xf32, #tpu.memory_space<vmem>>, vector<1x16xf32>,
        %swap3A_249 = vector.shape_cast %swap3A_248 : vector<1x16xf32> to vector<16xf32>
        %swap3A_250 = vector.shape_cast %div3A_245 : vector<16xf32> to vector<1x16xf32>
        tpu.vector_store %arg9[%swap3A_246, %swap3A_247], %swap3A_250 {strides = array<i32>} : memref<157x128xf32, #tpu.memory_space<vmem>>, vector<1x16xf32>,
        %get3A_251 = arith.index_cast %scan3A_195 : i32 to index
        %get3A_252 = arith.constant 64 : index
        %get3A_253 = tpu.vector_load %arg8[%get3A_251, %get3A_252] {strides = array<i32>} : memref<157x128xf32, #tpu.memory_space<vmem>>, vector<1x16xf32>,
        %get3A_254 = vector.shape_cast %get3A_253 : vector<1x16xf32> to vector<16xf32>
        %get3A_255 = arith.index_cast %scan3A_195 : i32 to index
        %get3A_256 = arith.constant 64 : index
        %get3A_257 = tpu.vector_load %arg9[%get3A_255, %get3A_256] {strides = array<i32>} : memref<157x128xf32, #tpu.memory_space<vmem>>, vector<1x16xf32>,
        %get3A_258 = vector.shape_cast %get3A_257 : vector<1x16xf32> to vector<16xf32>
        %div3A_259 = arith.divf %get3A_254, %get3A_258 : vector<16xf32>
        %swap3A_260 = arith.index_cast %scan3A_195 : i32 to index
        %swap3A_261 = arith.constant 64 : index
        %swap3A_262 = tpu.vector_load %arg9[%swap3A_260, %swap3A_261] {strides = array<i32>} : memref<157x128xf32, #tpu.memory_space<vmem>>, vector<1x16xf32>,
        %swap3A_263 = vector.shape_cast %swap3A_262 : vector<1x16xf32> to vector<16xf32>
        %swap3A_264 = vector.shape_cast %div3A_259 : vector<16xf32> to vector<1x16xf32>
        tpu.vector_store %arg9[%swap3A_260, %swap3A_261], %swap3A_264 {strides = array<i32>} : memref<157x128xf32, #tpu.memory_space<vmem>>, vector<1x16xf32>,
        %get3A_265 = arith.index_cast %scan3A_195 : i32 to index
        %get3A_266 = arith.constant 80 : index
        %get3A_267 = tpu.vector_load %arg8[%get3A_265, %get3A_266] {strides = array<i32>} : memref<157x128xf32, #tpu.memory_space<vmem>>, vector<1x16xf32>,
        %get3A_268 = vector.shape_cast %get3A_267 : vector<1x16xf32> to vector<16xf32>
        %get3A_269 = arith.index_cast %scan3A_195 : i32 to index
        %get3A_270 = arith.constant 80 : index
        %get3A_271 = tpu.vector_load %arg9[%get3A_269, %get3A_270] {strides = array<i32>} : memref<157x128xf32, #tpu.memory_space<vmem>>, vector<1x16xf32>,
        %get3A_272 = vector.shape_cast %get3A_271 : vector<1x16xf32> to vector<16xf32>
        %div3A_273 = arith.divf %get3A_268, %get3A_272 : vector<16xf32>
        %swap3A_274 = arith.index_cast %scan3A_195 : i32 to index
        %swap3A_275 = arith.constant 80 : index
        %swap3A_276 = tpu.vector_load %arg9[%swap3A_274, %swap3A_275] {strides = array<i32>} : memref<157x128xf32, #tpu.memory_space<vmem>>, vector<1x16xf32>,
        %swap3A_277 = vector.shape_cast %swap3A_276 : vector<1x16xf32> to vector<16xf32>
        %swap3A_278 = vector.shape_cast %div3A_273 : vector<16xf32> to vector<1x16xf32>
        tpu.vector_store %arg9[%swap3A_274, %swap3A_275], %swap3A_278 {strides = array<i32>} : memref<157x128xf32, #tpu.memory_space<vmem>>, vector<1x16xf32>,
        %get3A_279 = arith.index_cast %scan3A_195 : i32 to index
        %get3A_280 = arith.constant 96 : index
        %get3A_281 = tpu.vector_load %arg8[%get3A_279, %get3A_280] {strides = array<i32>} : memref<157x128xf32, #tpu.memory_space<vmem>>, vector<1x16xf32>,
        %get3A_282 = vector.shape_cast %get3A_281 : vector<1x16xf32> to vector<16xf32>
        %get3A_283 = arith.index_cast %scan3A_195 : i32 to index
        %get3A_284 = arith.constant 96 : index
        %get3A_285 = tpu.vector_load %arg9[%get3A_283, %get3A_284] {strides = array<i32>} : memref<157x128xf32, #tpu.memory_space<vmem>>, vector<1x16xf32>,
        %get3A_286 = vector.shape_cast %get3A_285 : vector<1x16xf32> to vector<16xf32>
        %div3A_287 = arith.divf %get3A_282, %get3A_286 : vector<16xf32>
        %swap3A_288 = arith.index_cast %scan3A_195 : i32 to index
        %swap3A_289 = arith.constant 96 : index
        %swap3A_290 = tpu.vector_load %arg9[%swap3A_288, %swap3A_289] {strides = array<i32>} : memref<157x128xf32, #tpu.memory_space<vmem>>, vector<1x16xf32>,
        %swap3A_291 = vector.shape_cast %swap3A_290 : vector<1x16xf32> to vector<16xf32>
        %swap3A_292 = vector.shape_cast %div3A_287 : vector<16xf32> to vector<1x16xf32>
        tpu.vector_store %arg9[%swap3A_288, %swap3A_289], %swap3A_292 {strides = array<i32>} : memref<157x128xf32, #tpu.memory_space<vmem>>, vector<1x16xf32>,
        %get3A_293 = arith.index_cast %scan3A_195 : i32 to index
        %get3A_294 = arith.constant 112 : index
        %get3A_295 = tpu.vector_load %arg8[%get3A_293, %get3A_294] {strides = array<i32>} : memref<157x128xf32, #tpu.memory_space<vmem>>, vector<1x16xf32>,
        %get3A_296 = vector.shape_cast %get3A_295 : vector<1x16xf32> to vector<16xf32>
        %get3A_297 = arith.index_cast %scan3A_195 : i32 to index
        %get3A_298 = arith.constant 112 : index
        %get3A_299 = tpu.vector_load %arg9[%get3A_297, %get3A_298] {strides = array<i32>} : memref<157x128xf32, #tpu.memory_space<vmem>>, vector<1x16xf32>,
        %get3A_300 = vector.shape_cast %get3A_299 : vector<1x16xf32> to vector<16xf32>
        %div3A_301 = arith.divf %get3A_296, %get3A_300 : vector<16xf32>
        %swap3A_302 = arith.index_cast %scan3A_195 : i32 to index
        %swap3A_303 = arith.constant 112 : index
        %swap3A_304 = tpu.vector_load %arg9[%swap3A_302, %swap3A_303] {strides = array<i32>} : memref<157x128xf32, #tpu.memory_space<vmem>>, vector<1x16xf32>,
        %swap3A_305 = vector.shape_cast %swap3A_304 : vector<1x16xf32> to vector<16xf32>
        %swap3A_306 = vector.shape_cast %div3A_301 : vector<16xf32> to vector<1x16xf32>
        tpu.vector_store %arg9[%swap3A_302, %swap3A_303], %swap3A_306 {strides = array<i32>} : memref<157x128xf32, #tpu.memory_space<vmem>>, vector<1x16xf32>,
        %scan3A_307 = arith.constant 0 : i32
        scf.yield %scan3A_307 : i32
      }
      %scan3A_184 = arith.constant 157 : i32
      %scan3A_185 = arith.constant 0 : i32
      %scan3A_186 = arith.constant 0 : i32
      %scan3A_187 = arith.constant 156 : i32
      %scan3A_188 = arith.addi %scan3A_186, %scan3A_187 : i32
      %scan3A_189 = arith.constant 1 : i32
      %scan3A_190 = scf.for %scan3A_195 = %scan3A_186 to %scan3A_188 step %scan3A_189 iter_args(%scan3A_196 = %scan3A_185) -> (i32)  : i32 {
        %mul3A_197 = arith.constant 128 : i32
        %mul3A_198 = arith.muli %scan3A_195, %mul3A_197 : i32
        %add3A_199 = arith.addi %mul3A_2, %mul3A_198 : i32
        "tpu.region"() ({
          %run_scoped3A_201 = tpu.sem_alloc : memref<!tpu.dma_semaphore, #tpu.memory_space<semaphore_mem>>
          %dma_start3A = arith.constant 0 : i32
          %dma_start3A_202 = tpu.memref_slice %arg9[%scan3A_195, %dma_start3A] : memref<157x128xf32, #tpu.memory_space<vmem>> -> memref<1x128xf32, #tpu.memory_space<vmem>>
          %dma_start3A_203 = tpu.memref_squeeze %dma_start3A_202 : memref<1x128xf32, #tpu.memory_space<vmem>> -> memref<128xf32, #tpu.memory_space<vmem>>
          %dma_start3A_204 = tpu.memref_slice %arg5[%add3A_199] : memref<320000xf32, #tpu.memory_space<hbm>> -> memref<128xf32, #tpu.memory_space<hbm>>
          %dma_start3A_205 = tpu.memref_slice %arg5[%add3A_199] : memref<320000xf32, #tpu.memory_space<hbm>> -> memref<128xf32, #tpu.memory_space<hbm>>
          %dma_start3A_206 = arith.constant 0 : i32
          %dma_start3A_207 = tpu.memref_slice %arg9[%scan3A_195, %dma_start3A_206] : memref<157x128xf32, #tpu.memory_space<vmem>> -> memref<1x128xf32, #tpu.memory_space<vmem>>
          %dma_start3A_208 = tpu.memref_squeeze %dma_start3A_207 : memref<1x128xf32, #tpu.memory_space<vmem>> -> memref<128xf32, #tpu.memory_space<vmem>>
          tpu.enqueue_dma source(%dma_start3A_208 : memref<128xf32, #tpu.memory_space<vmem>>) target(%dma_start3A_205 : memref<128xf32, #tpu.memory_space<hbm>>) target_semaphore(%run_scoped3A_201 : memref<!tpu.dma_semaphore, #tpu.memory_space<semaphore_mem>>)
          %dma_wait3A = arith.constant 0 : i32
          %dma_wait3A_209 = tpu.memref_slice %arg9[%scan3A_195, %dma_wait3A] : memref<157x128xf32, #tpu.memory_space<vmem>> -> memref<1x128xf32, #tpu.memory_space<vmem>>
          %dma_wait3A_210 = tpu.memref_squeeze %dma_wait3A_209 : memref<1x128xf32, #tpu.memory_space<vmem>> -> memref<128xf32, #tpu.memory_space<vmem>>
          %dma_wait3A_211 = tpu.memref_slice %arg5[%add3A_199] : memref<320000xf32, #tpu.memory_space<hbm>> -> memref<128xf32, #tpu.memory_space<hbm>>
          %dma_wait3A_212 = tpu.memref_slice %arg5[%add3A_199] : memref<320000xf32, #tpu.memory_space<hbm>> -> memref<128xf32, #tpu.memory_space<hbm>>
          %dma_wait3A_213 = arith.constant 0 : i32
          %dma_wait3A_214 = tpu.memref_slice %arg9[%scan3A_195, %dma_wait3A_213] : memref<157x128xf32, #tpu.memory_space<vmem>> -> memref<1x128xf32, #tpu.memory_space<vmem>>
          %dma_wait3A_215 = tpu.memref_squeeze %dma_wait3A_214 : memref<1x128xf32, #tpu.memory_space<vmem>> -> memref<128xf32, #tpu.memory_space<vmem>>
          tpu.wait_dma2 semaphore(%run_scoped3A_201 : memref<!tpu.dma_semaphore, #tpu.memory_space<semaphore_mem>>) src(%dma_wait3A_215 : memref<128xf32, #tpu.memory_space<vmem>>) dst(%dma_wait3A_212 : memref<128xf32, #tpu.memory_space<hbm>>)
          tpu.yield
        }) : () -> ()
        %scan3A_200 = arith.constant 0 : i32
        scf.yield %scan3A_200 : i32
      }
      %scan3A_191 = arith.constant 156 : i32
      %add3A_192 = arith.constant 19968 : i32
      %add3A_193 = arith.addi %mul3A_2, %add3A_192 : i32
      %run_scoped3A_194 = arith.constant 156 : i32
      "tpu.region"() ({
        %run_scoped3A_195 = tpu.sem_alloc : memref<!tpu.dma_semaphore, #tpu.memory_space<semaphore_mem>>
        %dma_start3A = arith.constant 0 : i32
        %dma_start3A_196 = tpu.memref_slice %arg9[%run_scoped3A_194, %dma_start3A] : memref<157x128xf32, #tpu.memory_space<vmem>> -> memref<1x32xf32, #tpu.memory_space<vmem>>
        %dma_start3A_197 = tpu.memref_squeeze %dma_start3A_196 : memref<1x32xf32, #tpu.memory_space<vmem>> -> memref<32xf32, #tpu.memory_space<vmem>>
        %dma_start3A_198 = tpu.memref_slice %arg5[%add3A_193] : memref<320000xf32, #tpu.memory_space<hbm>> -> memref<32xf32, #tpu.memory_space<hbm>>
        %dma_start3A_199 = tpu.memref_slice %arg5[%add3A_193] : memref<320000xf32, #tpu.memory_space<hbm>> -> memref<32xf32, #tpu.memory_space<hbm>>
        %dma_start3A_200 = arith.constant 0 : i32
        %dma_start3A_201 = tpu.memref_slice %arg9[%run_scoped3A_194, %dma_start3A_200] : memref<157x128xf32, #tpu.memory_space<vmem>> -> memref<1x32xf32, #tpu.memory_space<vmem>>
        %dma_start3A_202 = tpu.memref_squeeze %dma_start3A_201 : memref<1x32xf32, #tpu.memory_space<vmem>> -> memref<32xf32, #tpu.memory_space<vmem>>
        tpu.enqueue_dma source(%dma_start3A_202 : memref<32xf32, #tpu.memory_space<vmem>>) target(%dma_start3A_199 : memref<32xf32, #tpu.memory_space<hbm>>) target_semaphore(%run_scoped3A_195 : memref<!tpu.dma_semaphore, #tpu.memory_space<semaphore_mem>>)
        %dma_wait3A = arith.constant 0 : i32
        %dma_wait3A_203 = tpu.memref_slice %arg9[%run_scoped3A_194, %dma_wait3A] : memref<157x128xf32, #tpu.memory_space<vmem>> -> memref<1x32xf32, #tpu.memory_space<vmem>>
        %dma_wait3A_204 = tpu.memref_squeeze %dma_wait3A_203 : memref<1x32xf32, #tpu.memory_space<vmem>> -> memref<32xf32, #tpu.memory_space<vmem>>
        %dma_wait3A_205 = tpu.memref_slice %arg5[%add3A_193] : memref<320000xf32, #tpu.memory_space<hbm>> -> memref<32xf32, #tpu.memory_space<hbm>>
        %dma_wait3A_206 = tpu.memref_slice %arg5[%add3A_193] : memref<320000xf32, #tpu.memory_space<hbm>> -> memref<32xf32, #tpu.memory_space<hbm>>
        %dma_wait3A_207 = arith.constant 0 : i32
        %dma_wait3A_208 = tpu.memref_slice %arg9[%run_scoped3A_194, %dma_wait3A_207] : memref<157x128xf32, #tpu.memory_space<vmem>> -> memref<1x32xf32, #tpu.memory_space<vmem>>
        %dma_wait3A_209 = tpu.memref_squeeze %dma_wait3A_208 : memref<1x32xf32, #tpu.memory_space<vmem>> -> memref<32xf32, #tpu.memory_space<vmem>>
        tpu.wait_dma2 semaphore(%run_scoped3A_195 : memref<!tpu.dma_semaphore, #tpu.memory_space<semaphore_mem>>) src(%dma_wait3A_209 : memref<32xf32, #tpu.memory_space<vmem>>) dst(%dma_wait3A_206 : memref<32xf32, #tpu.memory_space<hbm>>)
        tpu.yield
      }) : () -> ()
    } else {
    }
    return
  }
}

module attributes {stable_mosaic.version = 14 : i64} {
  func.func @_hyper_body(%arg0: memref<2xf32, #tpu.memory_space<vmem>>, %arg1: memref<256x2xf32, #tpu.memory_space<vmem>>, %arg2: memref<256xf32, #tpu.memory_space<vmem>>, %arg3: memref<256x256xf32, #tpu.memory_space<vmem>>, %arg4: memref<256xf32, #tpu.memory_space<vmem>>, %arg5: memref<4x256xf32, #tpu.memory_space<vmem>>, %arg6: memref<4xf32, #tpu.memory_space<vmem>>, %arg7: memref<128x128xf32, #tpu.memory_space<vmem>>, %arg8: memref<128x128xf32, #tpu.memory_space<vmem>>, %arg9: memref<128x128xf32, #tpu.memory_space<vmem>>, %arg10: memref<128x128xf32, #tpu.memory_space<vmem>>, %arg11: memref<128x128xf32, #tpu.memory_space<vmem>>) attributes {dimension_semantics = [], scalar_prefetch = 0 : i64, scratch_operands = 0 : i64, tpu.core_type = #tpu.core_type<tc>} {
    %get3A = arith.constant 0 : index
    %get3A_0 = vector.load %arg0[%get3A] : memref<2xf32, #tpu.memory_space<vmem>>, vector<2xf32>
    %reshape3A = vector.shape_cast %get3A_0 : vector<2xf32> to vector<1x2xf32>
    %get3A_1 = arith.constant 0 : index
    %get3A_2 = arith.constant 0 : index
    %get3A_3 = vector.load %arg1[%get3A_1, %get3A_2] : memref<256x2xf32, #tpu.memory_space<vmem>>, vector<256x2xf32>
    %dot_general3A = arith.constant dense<0.000000e+00> : vector<1x256xf32>
    %dot_general3A_4 = tpu.matmul %reshape3A, %get3A_3, %dot_general3A {dimension_numbers = #tpu.dot_dimension_numbers<[1], [1], [0], [0], [0, 0, 1, 0], [], []>, transpose_lhs_hint = false} : vector<1x2xf32>, vector<256x2xf32>, vector<1x256xf32> -> vector<1x256xf32>
    %get3A_5 = arith.constant 0 : index
    %get3A_6 = vector.load %arg2[%get3A_5] : memref<256xf32, #tpu.memory_space<vmem>>, vector<256xf32>
    %broadcast_in_dim3A = vector.shape_cast %get3A_6 : vector<256xf32> to vector<1x256xf32>
    %add3A = arith.addf %dot_general3A_4, %broadcast_in_dim3A : vector<1x256xf32>
    %get3A_7 = arith.constant 0 : index
    %get3A_8 = arith.constant 0 : index
    %get3A_9 = vector.load %arg3[%get3A_7, %get3A_8] : memref<256x256xf32, #tpu.memory_space<vmem>>, vector<256x256xf32>
    %dot_general3A_10 = arith.constant dense<0.000000e+00> : vector<1x256xf32>
    %dot_general3A_11 = tpu.matmul %add3A, %get3A_9, %dot_general3A_10 {dimension_numbers = #tpu.dot_dimension_numbers<[1], [1], [0], [0], [0, 0, 1, 0], [], []>, transpose_lhs_hint = false} : vector<1x256xf32>, vector<256x256xf32>, vector<1x256xf32> -> vector<1x256xf32>
    %get3A_12 = arith.constant 0 : index
    %get3A_13 = vector.load %arg4[%get3A_12] : memref<256xf32, #tpu.memory_space<vmem>>, vector<256xf32>
    %broadcast_in_dim3A_14 = vector.shape_cast %get3A_13 : vector<256xf32> to vector<1x256xf32>
    %add3A_15 = arith.addf %dot_general3A_11, %broadcast_in_dim3A_14 : vector<1x256xf32>
    %get3A_16 = arith.constant 0 : index
    %get3A_17 = arith.constant 0 : index
    %get3A_18 = vector.load %arg5[%get3A_16, %get3A_17] : memref<4x256xf32, #tpu.memory_space<vmem>>, vector<4x256xf32>
    %dot_general3A_19 = arith.constant dense<0.000000e+00> : vector<1x4xf32>
    %dot_general3A_20 = tpu.matmul %add3A_15, %get3A_18, %dot_general3A_19 {dimension_numbers = #tpu.dot_dimension_numbers<[1], [1], [0], [0], [0, 0, 1, 0], [], []>, transpose_lhs_hint = false} : vector<1x256xf32>, vector<4x256xf32>, vector<1x4xf32> -> vector<1x4xf32>
    %get3A_21 = arith.constant 0 : index
    %get3A_22 = vector.load %arg6[%get3A_21] : memref<4xf32, #tpu.memory_space<vmem>>, vector<4xf32>
    %broadcast_in_dim3A_23 = vector.shape_cast %get3A_22 : vector<4xf32> to vector<1x4xf32>
    %add3A_24 = arith.addf %dot_general3A_20, %broadcast_in_dim3A_23 : vector<1x4xf32>
    %get3A_25 = arith.constant 0 : index
    %get3A_26 = arith.constant 0 : index
    %get3A_27 = vector.load %arg7[%get3A_25, %get3A_26] : memref<128x128xf32, #tpu.memory_space<vmem>>, vector<128x128xf32>
    %slice3A = vector.extract_strided_slice %add3A_24 {offsets = [0, 0], sizes = [1, 1], strides = [1, 1]} : vector<1x4xf32> to vector<1x1xf32>
    %squeeze3A = vector.extract %slice3A[0, 0] : f32 from vector<1x1xf32>
    %mul3A = vector.broadcast %squeeze3A : f32 to vector<128x128xf32>
    %mul3A_28 = arith.mulf %get3A_27, %mul3A : vector<128x128xf32>
    %get3A_29 = arith.constant 0 : index
    %get3A_30 = arith.constant 0 : index
    %get3A_31 = vector.load %arg8[%get3A_29, %get3A_30] : memref<128x128xf32, #tpu.memory_space<vmem>>, vector<128x128xf32>
    %slice3A_32 = vector.extract_strided_slice %add3A_24 {offsets = [0, 1], sizes = [1, 1], strides = [1, 1]} : vector<1x4xf32> to vector<1x1xf32>
    %squeeze3A_33 = vector.extract %slice3A_32[0, 0] : f32 from vector<1x1xf32>
    %mul3A_34 = vector.broadcast %squeeze3A_33 : f32 to vector<128x128xf32>
    %mul3A_35 = arith.mulf %get3A_31, %mul3A_34 : vector<128x128xf32>
    %add3A_36 = arith.addf %mul3A_28, %mul3A_35 : vector<128x128xf32>
    %get3A_37 = arith.constant 0 : index
    %get3A_38 = arith.constant 0 : index
    %get3A_39 = vector.load %arg9[%get3A_37, %get3A_38] : memref<128x128xf32, #tpu.memory_space<vmem>>, vector<128x128xf32>
    %slice3A_40 = vector.extract_strided_slice %add3A_24 {offsets = [0, 2], sizes = [1, 1], strides = [1, 1]} : vector<1x4xf32> to vector<1x1xf32>
    %squeeze3A_41 = vector.extract %slice3A_40[0, 0] : f32 from vector<1x1xf32>
    %mul3A_42 = vector.broadcast %squeeze3A_41 : f32 to vector<128x128xf32>
    %mul3A_43 = arith.mulf %get3A_39, %mul3A_42 : vector<128x128xf32>
    %get3A_44 = arith.constant 0 : index
    %get3A_45 = arith.constant 0 : index
    %get3A_46 = vector.load %arg10[%get3A_44, %get3A_45] : memref<128x128xf32, #tpu.memory_space<vmem>>, vector<128x128xf32>
    %slice3A_47 = vector.extract_strided_slice %add3A_24 {offsets = [0, 3], sizes = [1, 1], strides = [1, 1]} : vector<1x4xf32> to vector<1x1xf32>
    %squeeze3A_48 = vector.extract %slice3A_47[0, 0] : f32 from vector<1x1xf32>
    %mul3A_49 = vector.broadcast %squeeze3A_48 : f32 to vector<128x128xf32>
    %mul3A_50 = arith.mulf %get3A_46, %mul3A_49 : vector<128x128xf32>
    %add3A_51 = arith.addf %mul3A_43, %mul3A_50 : vector<128x128xf32>
    %dot_general3A_52 = arith.constant dense<0.000000e+00> : vector<128x128xf32>
    %dot_general3A_53 = tpu.matmul %add3A_36, %add3A_51, %dot_general3A_52 {dimension_numbers = #tpu.dot_dimension_numbers<[0], [0], [1], [1], [0, 1, 1, 1], [], []>, transpose_lhs_hint = false} : vector<128x128xf32>, vector<128x128xf32>, vector<128x128xf32> -> vector<128x128xf32>
    %swap3A = arith.constant 0 : index
    %swap3A_54 = arith.constant 0 : index
    %swap3A_55 = vector.load %arg11[%swap3A, %swap3A_54] : memref<128x128xf32, #tpu.memory_space<vmem>>, vector<128x128xf32>
    tpu.vector_store %arg11[%swap3A, %swap3A_54], %dot_general3A_53 {strides = array<i32>} : memref<128x128xf32, #tpu.memory_space<vmem>>, vector<128x128xf32>,
    return
  }
}

module attributes {stable_mosaic.version = 14 : i64} {
  func.func @_prep_body(%arg0: i32, %arg1: memref<1x2xf32, #tpu.memory_space<vmem>>, %arg2: memref<2048xi32, #tpu.memory_space<vmem>>, %arg3: memref<2048xi32, #tpu.memory_space<vmem>>, %arg4: memref<2048xf32, #tpu.memory_space<vmem>>, %arg5: memref<2048xf32, #tpu.memory_space<vmem>>, %arg6: memref<2048x128xf32, #tpu.memory_space<vmem>>, %arg7: memref<128x128xf32, #tpu.memory_space<vmem>>, %arg8: memref<2048x128xf32, #tpu.memory_space<vmem>>, %arg9: memref<2048xf32, #tpu.memory_space<vmem>>, %arg10: memref<2048xi32, #tpu.memory_space<vmem>>) attributes {dimension_semantics = [#tpu.dimension_semantics<arbitrary>], iteration_bounds = array<i64: 157>, scalar_prefetch = 0 : i64, scratch_operands = 0 : i64, tpu.core_type = #tpu.core_type<tc>, window_params = [{pipeline_mode = #tpu.pipeline_mode<synchronous>, transform_indices = @transform_0, window_bounds = array<i64: 1, 2>}, {transform_indices = @transform_1, window_bounds = array<i64: 2048>}, {transform_indices = @transform_2, window_bounds = array<i64: 2048>}, {transform_indices = @transform_3, window_bounds = array<i64: 2048>}, {transform_indices = @transform_4, window_bounds = array<i64: 2048>}, {transform_indices = @transform_5, window_bounds = array<i64: 2048, 128>}, {pipeline_mode = #tpu.pipeline_mode<synchronous>, transform_indices = @transform_6, window_bounds = array<i64: 128, 128>}, {transform_indices = @transform_7, window_bounds = array<i64: 2048, 128>}, {transform_indices = @transform_8, window_bounds = array<i64: 2048>}, {transform_indices = @transform_9, window_bounds = array<i64: 2048>}]} {
    %get3A = arith.constant 0 : index
    %get3A_0 = arith.constant 0 : index
    %get3A_1 = vector.load %arg6[%get3A, %get3A_0] : memref<2048x128xf32, #tpu.memory_space<vmem>>, vector<2048x128xf32>
    %get3A_2 = arith.constant 0 : index
    %get3A_3 = arith.constant 0 : index
    %get3A_4 = vector.load %arg7[%get3A_2, %get3A_3] : memref<128x128xf32, #tpu.memory_space<vmem>>, vector<128x128xf32>
    %dot_general3A = arith.constant dense<0.000000e+00> : vector<2048x128xf32>
    %dot_general3A_5 = tpu.matmul %get3A_1, %get3A_4, %dot_general3A {dimension_numbers = #tpu.dot_dimension_numbers<[1], [1], [0], [0], [0, 0, 1, 0], [], []>, transpose_lhs_hint = false} : vector<2048x128xf32>, vector<128x128xf32>, vector<2048x128xf32> -> vector<2048x128xf32>
    %swap3A = arith.constant 0 : index
    %swap3A_6 = arith.constant 0 : index
    %swap3A_7 = vector.load %arg8[%swap3A, %swap3A_6] : memref<2048x128xf32, #tpu.memory_space<vmem>>, vector<2048x128xf32>
    tpu.vector_store %arg8[%swap3A, %swap3A_6], %dot_general3A_5 {strides = array<i32>} : memref<2048x128xf32, #tpu.memory_space<vmem>>, vector<2048x128xf32>,
    %get3A_8 = arith.constant 0 : index
    %get3A_9 = arith.constant 0 : index
    %get3A_10 = vector.load %arg1[%get3A_8, %get3A_9] : memref<1x2xf32, #tpu.memory_space<vmem>>, vector<1x1xf32>
    %get3A_11 = vector.extract %get3A_10[0, 0] : f32 from vector<1x1xf32>
    %get3A_12 = arith.constant 0 : index
    %get3A_13 = vector.load %arg4[%get3A_12] : memref<2048xf32, #tpu.memory_space<vmem>>, vector<2048xf32>
    %mul3A = vector.broadcast %get3A_11 : f32 to vector<2048xf32>
    %mul3A_14 = arith.mulf %mul3A, %get3A_13 : vector<2048xf32>
    %get3A_15 = arith.constant 0 : index
    %get3A_16 = arith.constant 1 : index
    %get3A_17 = vector.load %arg1[%get3A_15, %get3A_16] : memref<1x2xf32, #tpu.memory_space<vmem>>, vector<1x1xf32>
    %get3A_18 = vector.extract %get3A_17[0, 0] : f32 from vector<1x1xf32>
    %get3A_19 = arith.constant 0 : index
    %get3A_20 = vector.load %arg5[%get3A_19] : memref<2048xf32, #tpu.memory_space<vmem>>, vector<2048xf32>
    %mul3A_21 = vector.broadcast %get3A_18 : f32 to vector<2048xf32>
    %mul3A_22 = arith.mulf %mul3A_21, %get3A_20 : vector<2048xf32>
    %add3A = arith.addf %mul3A_14, %mul3A_22 : vector<2048xf32>
    %swap3A_23 = arith.constant 0 : index
    %swap3A_24 = vector.load %arg9[%swap3A_23] : memref<2048xf32, #tpu.memory_space<vmem>>, vector<2048xf32>
    tpu.vector_store %arg9[%swap3A_23], %add3A {strides = array<i32>} : memref<2048xf32, #tpu.memory_space<vmem>>, vector<2048xf32>,
    %get3A_25 = arith.constant 0 : index
    %get3A_26 = vector.load %arg2[%get3A_25] : memref<2048xi32, #tpu.memory_space<vmem>>, vector<2048xi32>
    %mul3A_27 = arith.constant 10000 : i32
    %mul3A_28 = vector.broadcast %mul3A_27 : i32 to vector<2048xi32>
    %mul3A_29 = arith.muli %get3A_26, %mul3A_28 : vector<2048xi32>
    %get3A_30 = arith.constant 0 : index
    %get3A_31 = vector.load %arg3[%get3A_30] : memref<2048xi32, #tpu.memory_space<vmem>>, vector<2048xi32>
    %add3A_32 = arith.addi %mul3A_29, %get3A_31 : vector<2048xi32>
    %swap3A_33 = arith.constant 0 : index
    %swap3A_34 = vector.load %arg10[%swap3A_33] : memref<2048xi32, #tpu.memory_space<vmem>>, vector<2048xi32>
    tpu.vector_store %arg10[%swap3A_33], %add3A_32 {strides = array<i32>} : memref<2048xi32, #tpu.memory_space<vmem>>, vector<2048xi32>,
    return
  }
  func.func @transform_0(%arg0: i32) -> (i32, i32) {
    %c0_i32 = arith.constant 0 : i32
    %c0_i32_0 = arith.constant 0 : i32
    %c0_i32_1 = arith.constant 0 : i32
    return %c0_i32, %c0_i32_0 : i32, i32
  }
  func.func @transform_1(%arg0: i32) -> i32 {
    %c0_i32 = arith.constant 0 : i32
    return %arg0 : i32
  }
  func.func @transform_2(%arg0: i32) -> i32 {
    %c0_i32 = arith.constant 0 : i32
    return %arg0 : i32
  }
  func.func @transform_3(%arg0: i32) -> i32 {
    %c0_i32 = arith.constant 0 : i32
    return %arg0 : i32
  }
  func.func @transform_4(%arg0: i32) -> i32 {
    %c0_i32 = arith.constant 0 : i32
    return %arg0 : i32
  }
  func.func @transform_5(%arg0: i32) -> (i32, i32) {
    %c0_i32 = arith.constant 0 : i32
    %c0_i32_0 = arith.constant 0 : i32
    return %arg0, %c0_i32 : i32, i32
  }
  func.func @transform_6(%arg0: i32) -> (i32, i32) {
    %c0_i32 = arith.constant 0 : i32
    %c0_i32_0 = arith.constant 0 : i32
    %c0_i32_1 = arith.constant 0 : i32
    return %c0_i32, %c0_i32_0 : i32, i32
  }
  func.func @transform_7(%arg0: i32) -> (i32, i32) {
    %c0_i32 = arith.constant 0 : i32
    %c0_i32_0 = arith.constant 0 : i32
    return %arg0, %c0_i32 : i32, i32
  }
  func.func @transform_8(%arg0: i32) -> i32 {
    %c0_i32 = arith.constant 0 : i32
    return %arg0 : i32
  }
  func.func @transform_9(%arg0: i32) -> i32 {
    %c0_i32 = arith.constant 0 : i32
    return %arg0 : i32
  }
}

module attributes {stable_mosaic.version = 14 : i64} {
  func.func @_score_body(%arg0: i32, %arg1: memref<2048x128xf32, #tpu.memory_space<vmem>>, %arg2: memref<2048x128xf32, #tpu.memory_space<vmem>>, %arg3: memref<2048xf32, #tpu.memory_space<vmem>>, %arg4: memref<2048xf32, #tpu.memory_space<vmem>>, %arg5: memref<2048xf32, #tpu.memory_space<vmem>>) attributes {dimension_semantics = [#tpu.dimension_semantics<arbitrary>], iteration_bounds = array<i64: 157>, scalar_prefetch = 0 : i64, scratch_operands = 0 : i64, tpu.core_type = #tpu.core_type<tc>, window_params = [{transform_indices = @transform_0, window_bounds = array<i64: 2048, 128>}, {transform_indices = @transform_1, window_bounds = array<i64: 2048, 128>}, {transform_indices = @transform_2, window_bounds = array<i64: 2048>}, {transform_indices = @transform_3, window_bounds = array<i64: 2048>}, {transform_indices = @transform_4, window_bounds = array<i64: 2048>}]} {
    %get3A = arith.constant 0 : index
    %get3A_0 = arith.constant 0 : index
    %get3A_1 = vector.load %arg1[%get3A, %get3A_0] : memref<2048x128xf32, #tpu.memory_space<vmem>>, vector<2048x128xf32>
    %get3A_2 = arith.constant 0 : index
    %get3A_3 = arith.constant 0 : index
    %get3A_4 = vector.load %arg2[%get3A_2, %get3A_3] : memref<2048x128xf32, #tpu.memory_space<vmem>>, vector<2048x128xf32>
    %mul3A = arith.mulf %get3A_1, %get3A_4 : vector<2048x128xf32>
    %reduce_sum3A = arith.constant dense<0.000000e+00> : vector<2048xf32>
    %reduce_sum3A_5 = vector.multi_reduction <add>, %mul3A, %reduce_sum3A [1] : vector<2048x128xf32> to vector<2048xf32>
    %get3A_6 = arith.constant 0 : index
    %get3A_7 = vector.load %arg3[%get3A_6] : memref<2048xf32, #tpu.memory_space<vmem>>, vector<2048xf32>
    %mul3A_8 = arith.constant 90.5096664 : f32
    %mul3A_9 = vector.broadcast %mul3A_8 : f32 to vector<2048xf32>
    %mul3A_10 = arith.mulf %get3A_7, %mul3A_9 : vector<2048xf32>
    %div3A = arith.divf %reduce_sum3A_5, %mul3A_10 : vector<2048xf32>
    %get3A_11 = arith.constant 0 : index
    %get3A_12 = vector.load %arg4[%get3A_11] : memref<2048xf32, #tpu.memory_space<vmem>>, vector<2048xf32>
    %mul3A_13 = arith.constant 0.707106769 : f32
    %mul3A_14 = vector.broadcast %mul3A_13 : f32 to vector<2048xf32>
    %mul3A_15 = arith.mulf %get3A_12, %mul3A_14 : vector<2048xf32>
    %sub3A = arith.subf %div3A, %mul3A_15 : vector<2048xf32>
    %tanh3A = math.tanh %sub3A : vector<2048xf32>
    %mul3A_16 = arith.constant 1.000000e+01 : f32
    %mul3A_17 = vector.broadcast %mul3A_16 : f32 to vector<2048xf32>
    %mul3A_18 = arith.mulf %mul3A_17, %tanh3A : vector<2048xf32>
    %exp3A = math.exp %mul3A_18 : vector<2048xf32>
    %swap3A = arith.constant 0 : index
    %swap3A_19 = vector.load %arg5[%swap3A] : memref<2048xf32, #tpu.memory_space<vmem>>, vector<2048xf32>
    tpu.vector_store %arg5[%swap3A], %exp3A {strides = array<i32>} : memref<2048xf32, #tpu.memory_space<vmem>>, vector<2048xf32>,
    return
  }
  func.func @transform_0(%arg0: i32) -> (i32, i32) {
    %c0_i32 = arith.constant 0 : i32
    %c0_i32_0 = arith.constant 0 : i32
    return %arg0, %c0_i32 : i32, i32
  }
  func.func @transform_1(%arg0: i32) -> (i32, i32) {
    %c0_i32 = arith.constant 0 : i32
    %c0_i32_0 = arith.constant 0 : i32
    return %arg0, %c0_i32 : i32, i32
  }
  func.func @transform_2(%arg0: i32) -> i32 {
    %c0_i32 = arith.constant 0 : i32
    return %arg0 : i32
  }
  func.func @transform_3(%arg0: i32) -> i32 {
    %c0_i32 = arith.constant 0 : i32
    return %arg0 : i32
  }
  func.func @transform_4(%arg0: i32) -> i32 {
    %c0_i32 = arith.constant 0 : i32
    return %arg0 : i32
  }
}

</mosaic_0001>

<sc_bundles>
// kernel: gather_offload_async_start
scs
__scs_entry_jumppad:
0x0: {  	(pc) =	sbr.rel $0x88, $3  }
0x1: {  	(tag) =	ssettag $0x0;
	lr =	simm.s32 $0x1  }
0x2: {  	[smem:$0x3F95] =	sst lr;
	_ =	strace $0xD0000000  }
0x3: {  	_ = 	snop  }
0x4: {  	_ = 	snop  }
0x5: {  	_ = 	snop  }
0x6: {  	_ = 	snop  }
0x7: {  	_ = 	snop  }
__scs_overlays_trampoline_lowered:
0x8: {  	[smem:$0x3FA4] =	sst s0  }
0x9: {  	[smem:$0x3FA5] =	sst s1  }
0xa: {  	[smem:$0x3FA6] =	sst s2  }
0xb: {  	[smem:$0x3FA7] =	sst s3  }
0xc: {  	[smem:$0x3FA8] =	sst s4  }
0xd: {  	[smem:$0x3FA9] =	sst s5  }
0xe: {  	[smem:$0x3FAA] =	sst s6  }
0xf: {  	[smem:$0x3FAB] =	sst s7  }
0x10: {  	[smem:$0x3FAC] =	sst s8  }
0x11: {  	[smem:$0x3FAD] =	sst s9;
	s0 =	simm.s32 @!p0 $0x0  }
0x12: {  	s1 =	sld [smem:$0x3F93];
	s0 =	simm.s32 @p0 $0x1  }
0x13: {  	[smem:$0x3FAE] =	sst s0;
	s0 =	simm.s32 @!p1 $0x0  }
0x14: {  	s2 =	sld [smem:$0x3F92];
	s0 =	simm.s32 @p1 $0x1  }
0x15: {  	[smem:$0x3FAF] =	sst s0;
	s0 =	simm.s32 @!p2 $0x0  }
0x16: {  	s3 =	sld [smem:$0x3FDB];
	s0 =	simm.s32 @p2 $0x1  }
0x17: {  	s4 =	simm.s32 $0x1BF5;
	[smem:$0x3FB1] =	sst s0  }
0x18: {  	s0 =	sld [smem:$0x3F94];
	_ =	swait.ge [sflag:s4], $0x0  }
0x19: {  	s7 =	sld [smem:$0x3F95]  }
0x1a: {  	s8 =	sadd.s32 $0xFFFFE003, lr  }
0x1b: {  	s9 =	sadd.s32 $0xFFFFFEF7, lr;
	s5 =	simm.s32 $0xFFFFFFFF;
	p2 =	slt.u32 s8, $0xFFFFF086  }
0x1c: {  	p1 =	slt.u32 s9, $0xF7A;
	s5 =	simm.s32 @!p2 $0x0  }
0x1d: {  	s5 =	simm.s32 @p1 $0x1;
	p0 =	seq.s32 s7, s2  }
0x1e: {  	s7 =	smul.u32 @!p0 $0xF7A, s2;
	p2 =	seq.s32 @!p0 s5, $0x0  }
0x1f: {  	s9 =	smul.u32 $0xF7A, s1;
	s8 =	simm.s32 @!p0 $0x1BF5;
	p2 =	por !p2, p0  }
0x20: {  	[sflag:s8] =	ssyncset.s32 @!p0 $0xFFFFF086;
	s6 =	sadd.s32 @!p0 s3, s7;
	s7 =	simm.s32 @!p0 $0x108  }
0x21: {  	s3 =	sadd.s32 s3, s9;
	s6 =	sadd.s32 @!p0 $0x88, s6;
	s7 =	simm.s32 @p2 $0x1082  }
0x22: {  	[simem:s7], [sflag:s8] =	dma.local @!p0 [hbm:s6], $0xF7A  }
0x23: {  	s9 =	sor.u32 $0xD0000000, s2;
	s6 =	simm.s32 $0x108;
	_ =	swait.ge @!p0 [sflag:s8], $0x0  }
0x24: {  	s3 =	sadd.s32 $0x88, s3;
	s6 =	simm.s32 @!p1 $0x1082;
	[sflag:s4] =	ssyncset.s32 $0xFFFFF086  }
0x25: {  	[simem:s6], [sflag:s4] =	dma.local [hbm:s3], $0xF7A  }
0x26: {  	[smem:$0x3F95] =	sst s1;
	(tag) =	ssettag s2;
	_ =	strace s9  }
0x27: {  	s1 =	sld [smem:$0x3FA5]  }
0x28: {  	s2 =	sld [smem:$0x3FA6]  }
0x29: {  	s4 =	sld [smem:$0x3FA8]  }
0x2a: {  	p0 =	seq.s32 s5, $0x0;
	s5 =	sld [smem:$0x3FA9]  }
0x2b: {  	s6 =	sld [smem:$0x3FAA]  }
0x2c: {  	s7 =	sld [smem:$0x3FAB]  }
0x2d: {  	s3 =	simm.s32 $0x108;
	s8 =	sld [smem:$0x3FAC]  }
0x2e: {  	s3 =	simm.s32 @!p0 $0x1082;
	s9 =	sld [smem:$0x3FAD]  }
0x2f: {  	lr =	sadd.s32 s0, s3;
	s0 =	sld [smem:$0x3FA4]  }
0x30: {  	s3 =	sld [smem:$0x3FA7]  }
0x31: {  	[smem:$0x3FB0] =	sst s10  }
0x32: {  	s10 =	sld [smem:$0x3FAE];
	_ =	sdelay $0x3  }
0x33: {  	p0 =	seq.s32 s10, $0x1;
	s10 =	sld [smem:$0x3FB0];
	_ =	sdelay $0x3  }
0x34: {  	[smem:$0x3FB0] =	sst s10  }
0x35: {  	s10 =	sld [smem:$0x3FAF];
	_ =	sdelay $0x3  }
0x36: {  	p1 =	seq.s32 s10, $0x1;
	s10 =	sld [smem:$0x3FB0];
	_ =	sdelay $0x3  }
0x37: {  	[smem:$0x3FB0] =	sst s10  }
0x38: {  	s10 =	sld [smem:$0x3FB1]  }
0x39: {  	_ = 	snop;
	(pc) =	sbr.ind lr, $3  }
0x3a: {  	_ = 	snop  }
0x3b: {  	_ = 	snop  }
0x3c: {  	p2 =	seq.s32 s10, $0x1;
	s10 =	sld [smem:$0x3FB0]  }
0x3d: {  	_ =	shalt  }
0x3e: {  	_ =	shalt  }
0x3f: {  	_ =	shalt  }
0x40: {  	_ =	shalt  }
0x41: {  	_ =	shalt  }
0x42: {  	_ =	shalt  }
0x43: {  	_ =	shalt  }
0x44: {  	_ =	shalt  }
0x45: {  	_ =	shalt  }
0x46: {  	_ =	shalt  }
0x47: {  	_ =	shalt  }
0x48: {  	_ =	shalt  }
0x49: {  	_ =	shalt  }
0x4a: {  	_ =	shalt  }
0x4b: {  	_ =	shalt  }
0x4c: {  	_ =	shalt  }
0x4d: {  	_ =	shalt  }
0x4e: {  	_ =	shalt  }
0x4f: {  	_ =	shalt  }
0x50: {  	_ =	shalt  }
0x51: {  	_ =	shalt  }
0x52: {  	_ =	shalt  }
0x53: {  	_ =	shalt  }
0x54: {  	_ =	shalt  }
0x55: {  	_ =	shalt  }
0x56: {  	_ =	shalt  }
0x57: {  	_ =	shalt  }
0x58: {  	_ =	shalt  }
0x59: {  	_ =	shalt  }
0x5a: {  	_ =	shalt  }
0x5b: {  	_ =	shalt  }
0x5c: {  	_ =	shalt  }
0x5d: {  	_ =	shalt  }
0x5e: {  	_ =	shalt  }
0x5f: {  	_ =	shalt  }
0x60: {  	_ =	shalt  }
0x61: {  	_ =	shalt  }
0x62: {  	_ =	shalt  }
0x63: {  	_ =	shalt  }
0x64: {  	_ =	shalt  }
0x65: {  	_ =	shalt  }
0x66: {  	_ =	shalt  }
0x67: {  	_ =	shalt  }
0x68: {  	_ =	shalt  }
0x69: {  	_ =	shalt  }
0x6a: {  	_ =	shalt  }
0x6b: {  	_ =	shalt  }
0x6c: {  	_ =	shalt  }
0x6d: {  	_ =	shalt  }
0x6e: {  	_ =	shalt  }
0x6f: {  	_ =	shalt  }
0x70: {  	_ =	shalt  }
0x71: {  	_ =	shalt  }
0x72: {  	_ =	shalt  }
0x73: {  	_ =	shalt  }
0x74: {  	_ =	shalt  }
0x75: {  	_ =	shalt  }
0x76: {  	_ =	shalt  }
0x77: {  	_ =	shalt  }
0x78: {  	_ =	shalt  }
0x79: {  	_ =	shalt  }
0x7a: {  	_ =	shalt  }
0x7b: {  	_ =	shalt  }
0x7c: {  	_ =	shalt  }
0x7d: {  	_ =	shalt  }
0x7e: {  	_ =	shalt  }
0x7f: {  	_ =	shalt  }
0x80: {  	_ =	shalt  }
0x81: {  	_ =	shalt  }
0x82: {  	_ =	shalt  }
0x83: {  	_ =	shalt  }
0x84: {  	_ =	shalt  }
0x85: {  	_ =	shalt  }
0x86: {  	_ =	shalt  }
0x87: {  	_ =	shalt  }
.Lfunc_end0:
.L_simem_size_0:
called_computation.1_lowered:
.L_overlay_start_0:
0x88: {  	s2 =	sld [smem:$0x3FD9]  }
0x89: {  	s3 =	sld [smem:$0x3FFE];
	_ =	sdelay $0x1  }
0x8a: {  	s1 =	srdreg.scid  }
0x8b: {  	s0 =	sand.u32 $0x1, s1  }
0x8c: {  	s16 =	sshll.u32 s0, $0xA;
	s2 =	sadd.s32 s3, s2  }
0x8d: {  	s2 =	sadd.s32 s2, s16  }
0x8e: {  	[smem:$0x3FBC] =	sst s2  }
0x8f: {  	_ = 	snop  }
0x90: {  	(tm) =	ssettm $0x1  }
0x91: {  	s17 =	sld [smem:$0x3FFB];
	_ =	sdelay $0x3  }
0x92: {  	_ =	strace s17  }
0x93: {  	s2 =	sld [smem:$0x3FFC];
	_ =	sdelay $0x3  }
0x94: {  	_ =	strace s2  }
0x95: {  	s2 =	sld [smem:$0x3FFD];
	_ =	sdelay $0x3  }
0x96: {  	_ =	strace s2  }
0x97: {  	_ =	strace $0x8FFFFFFF  }
0x98: {  	s18 =	sld [smem:$0x3FDB];
	_ =	sdelay $0x1  }
0x99: {  	s19 =	simm.s32 $_scs_section_size  }
0x9a: {  	s4 =	simm.s32 $_size__tile_overlayer_lowered;
	s5 =	simm.s32 $_tile_overlayer_lowered  }
0x9b: {  	s22 =	simm.s32 $0x1BFF;
	s21 =	sshll.u32 s5, $0x1;
	s2 =	sadd.s32 s19, s18  }
0x9c: {  	s6 =	simm.s32 $0x0;
	s20 =	sshll.u32 s4, $0x1;
	s4 =	sadd.s32 s21, s2  }
0x9d: {  	[timem:s6], [sflag:s22] =	dma.local [hbm:s4], s20  }
0x9e: {  	_ =	swait.ge [sflag:s22], s20  }
0x9f: {  	s3 =	ssub.s32 $0x0, s20;
	[sflag:s22] =	ssyncset.done $0x0  }
0xa0: {  	[sflag:s22] =	ssyncadd.s32 s3;
	_ =	sdelay $0x1  }
0xa1: {  	s23 =	simm.s32 $0x1B8B  }
0xa2: {  	_ =	swait.ge [sflag:s23], $0x1  }
0xa3: {  	[sflag:s23] =	ssyncset.done $0x0  }
0xa4: {  	s25 =	simm.s32 $0x1B8E;
	s24 =	sld [smem:$0x3FFE];
	[sflag:s23] =	ssyncadd.s32 $0xFFFFFFFF  }
0xa5: {  	s26 =	simm.s32 $execute0_lowered;
	[smem:$0x3FD2] =	sst s25  }
0xa6: {  	s4 =	sshll.u32 s26, $0x1;
	_ =	strace $0x8000004F;
	[dreg:$0x1] =	wrdreg $0xFFFFFFFF  }
0xa7: {  	s28 =	simm.s32 $_size_execute0_lowered;
	s2 =	sadd.s32 s2, s4;
	[dreg:$0x0] =	wrdreg $0x0  }
0xa8: {  	s4 =	sshll.u32 s28, $0x1;
	[dreg:$0x2] =	wrdreg s2  }
0xa9: {  	[dreg:$0x3] =	wrdreg s4  }
0xaa: {  	[dreg:$0x4] =	wrdreg $0xC0  }
0xab: {  	_ =	task [dreg:s6], $0x5FFFF  }
0xac: {  	[dreg:$0x1] =	wrdreg $0xFFFFFFFF  }
0xad: {  	[dreg:$0x0] =	wrdreg $0x60  }
0xae: {  	[dreg:$0x2] =	wrdreg s24  }
0xaf: {  	[dreg:$0x3] =	wrdreg $0x9  }
0xb0: {  	_ =	task.clear_ibuf [dreg:s6], $0x4FFFF;
	_ =	strace $0x9000004F  }
0xb1: {  	s29 =	simm.s32 $0x9;
	_ =	strace $0x80000051  }
0xb2: {  	_ =	swait.ge [sflag:s29], $0x1  }
0xb3: {  	[sflag:s29] =	ssyncadd.s32 $0xFFFFFFFF  }
0xb4: {  	_ =	strace $0x90000051  }
0xb5: {  	_ =	sfence  }
0xb6: {  	s30 =	sld [smem:$0x0];
	_ =	sdelay $0x2  }
0xb7: {  	s31 =	sshll.u32 s1, $0xD;
	s1 =	sshrl.u32 s1, $0x2  }
0xb8: {  	s3 =	sand.u32 $0x4000, s31;
	s1 =	sadd.s32 s1, s30  }
0xb9: {  	s0 =	sor.u32 s3, s0;
	s1 =	sshll.u32 s1, $0x11  }
0xba: {  	s0 =	sor.u32 s1, s0  }
0xbb: {  	s0 =	sadd.s32 $0x8F2B, s0  }
0xbc: {  	[sflag:s0] =	ssyncadd.remote.s32 $0x1  }
0xbd: {  	_ =	sfence.sel $0xFFFF  }
0xbe: {  	[dreg:$0x0] =	wrdreg $0xFFFFFFFF;
	(pc) =	sbr.abs _section_cstart, $3  }
0xbf: {  	[dreg:$0x1] =	wrdreg $0xFFFFFFFF  }
0xc0: {  	_ =	task.clear_ibuf [dreg:s6], $0x2FFFF;
	_ =	strace $0x9FFFFFFF  }
0xc1: {  	(tm) =	ssettm $0x7FFFFFFF  }
tec
execute0_lowered:
.L_overlay_start_1:
0x0: {  	(tag) =	ssettag $0x1  }
0x1: {  	s0 =	srdreg.scid  }
0x2: {  	s1 =	sshll.u32 s0, $0x4  }
0x3: {  	s0 =	stileid.u32;
	s1 =	sand.u32 $0x10, s1  }
0x4: {  	s1 =	sor.u32 s0, s1  }
0x5: {  	s2 =	smul.u32 $0x1F, s1  }
0x6: {  	s3 =	smin.u32 s1, $0x8  }
0x7: {  	s2 =	sadd.s32 s3, s2  }
0x8: {  	p0 =	slt.u32 s1, $0x8;
	s1 =	simm.s32 $0x2800;
	s2 =	smul.u32 $0x140, s2  }
0x9: {  	s1 =	simm.s32 @!p0 $0x26C0  }
0xa: {  	s1 =	sadd.s32 s1, s2  }
0xb: {  	s3 =	smin.u32 s1, $0x4E200  }
0xc: {  	s7 =	ssub.s32 s3, s2  }
0xd: {  	p0 =	sgt.s32 s7, $0x0  }
0xe: {  	s7 =	simm.s32 @!p0 $0x0  }
0xf: {  	s4 =	smulhi.u32 $0x66666667, s7  }
0x10: {  	s9 =	rddreg [dreg:$0x0];
	s6 =	simm.s32 $0x1;
	s11 =	simm.s32 $0x3  }
0x11: {  	s13 =	simm.s32 $0x0;
	s12 =	simm.s32 $0x0;
	s8 =	sshrl.u32 s4, $0x7  }
0x12: {  	s1 =	rddreg [dreg:$0x1];
	_ =	strace $0x80000050;
	s10 =	smul.u32 $0x140, s8  }
.Ltmp0:
0x13: {  	s5 =	sadd.s32 $0x9ED400, s9;
	[sflag:s6] =	ssyncpa.u1 $0x0;
	(pc) =	sbr.rel .LBB2_1-.Ltmp0, $4  }
0x14: {  	s4 =	sadd.s32 $0x50B400, s9;
	p0 =	sne.s32 s7, s10;
	s10 =	simm.s32 $0x1  }
0x15: {  	s9 =	sadd.s32 $0x9F7200, s9;
	s7 =	simm.s32 $0x2;
	s10 =	simm.s32 @!p0 $0x0  }
0x16: {  	[sflag:s7] =	ssyncpa.u1 $0x0;
	p0 =	por $0x0, $0x0;
	s8 =	sadd.s32 s10, s8  }
0x17: {  	vm0 =	vmmov $0xff;
	vm1 =	vcmask $0x3F20;
	[sflag:s11] =	ssyncpa.u1 $0x0;
	s11 =	smov.u32 s2;
	s10 =	sadd.s32 $0x1, s8  }
.LBB2_6:
0x18: {  	[hbm:s17] =	stream.linear.scatter [tilespmem:s14], [sflag:$0x3], $0x400, $0x38;
	[tilespmem:$0x14280] =	vst v63  }
.LBB2_7:
0x19: {  	s13 =	sadd.s32 $0x140, s11  }
0x1a: {  	s15 =	smov.u32 s2;
	p2 =	slt.s32 s13, s3  }
0x1b: {  	s15 =	smov.u32 @p2 s13;
	p2 =	sne.s32 s12, s10  }
.Ltmp1:
0x1c: {  	p1 =	slt.u32 s12, $0x2;
	(pc) =	sbr.rel @!p2 .LBB2_8-.Ltmp1, $4  }
0x1d: {  	s14 =	simm.s32 @!p1 $0x3  }
0x1e: {  	s16 =	sadd.s32 $0x1, s12;
	_ =	swait.ge @!p1 [sflag:s14], $0xA000  }
0x1f: {  	p0 =	por !p0, !p0;
	s13 =	smov.u32 s11;
	[sflag:s14] =	ssyncset.done @!p1 $0x0  }
0x20: {  	s12 =	smov.u32 s16;
	s11 =	smov.u32 s15;
	[sflag:s14] =	ssyncadd.s32 @!p1 $0xFFFF6000  }
.LBB2_1:
0x21: {  	p1 =	sge.u32 s12, s8  }
0x22: {  	s14 =	sxor.u32 @!p1 $0xFFFFFFFF, s12  }
0x23: {  	s14 =	sand.u32 @!p1 $0x1, s14  }
0x24: {  	s14 =	smul.u32 @!p1 $0x500, s14  }
0x25: {  	s31 =	sadd.s32 $0xFFFFFFFF, s12;
	s15 =	sshrl.u32 @!p1 s11, $0x3  }
0x26: {  	s16 =	sand.u32 @!p1 $0x7, s11;
	s15 =	sadd.s32 @!p1 s5, s15;
	s14 =	sshrl.u32 @!p1 s14, $0x2  }
0x27: {  	[tilespmem:s14], [sflag:$0x2] =	stream.linear.gather @!p1 [hbm4b:s15+s16], $0x140, $0x38;
	[tilespmem:$0x14280] =	vst v63  }
0x28: {  	p1 =	sge.u32 s31, s8  }
.Ltmp2:
0x29: {  	_ = 	snop;
	(pc) =	sbr.rel @p1 .LBB2_7-.Ltmp2, $1  }
0x2a: {  	_ =	sdelay $0x3  }
0x2b: {  	s14 =	simm.s32 $0x1  }
0x2c: {  	s14 =	simm.s32 @!p0 $0x0  }
0x2d: {  	s15 =	smul.u32 $0x500, s14  }
0x2e: {  	_ =	swait.ge [sflag:s7], $0x140  }
0x2f: {  	[sflag:s7] =	ssyncset.done $0x0;
	s16 =	sshrl.u32 s15, $0x2  }
0x30: {  	[sflag:s7] =	ssyncadd.s32 $0xFFFFFEC0;
	s15 =	sadd.s32 $0x0, s16  }
0x31: {  	v0 =	vld.msk [tilespmem:s15+$0x0 ss:$0x1], $0xffff;
	_ =	sdelay $0x4  }
0x32: {  	vm2 =	vgt.s32 v0, $0x0  }
0x33: {  	v0 =	vnsel vm2, $0x0, v0  }
0x34: {  	v0 =	vmin.u32 v0, $0x4E1FF  }
0x35: {  	v0 =	vshll.u32 v0, $0x4  }
0x36: {  	s14 =	smul.u32 $0x28000, s14;
	_ =	sdelay $0x1  }
0x37: {  	s14 =	sshrl.u32 s14, $0x2  }
0x38: {  	s14 =	sor.u32 $0x280, s14  }
0x39: {  	[tilespmem:s14], [sflag:$0x1] =	stream.indirect_vreg.gather [hbm:s4], $0x80, v0, vm0, $0x38;
	[tilespmem:$0x14280] =	vst v63  }
0x3a: {  	s17 =	sadd.s32 $0x10, s16;
	s15 =	sadd.s32 $0x400, s14  }
0x3b: {  	[tilespmem:s15], [sflag:$0x1] =	stream.indirect_vreg.gather [hbm:s4], $0x80, v0, vm1, $0x38;
	[tilespmem:$0x14280] =	vst v63  }
0x3c: {  	s18 =	simm.s32 $0x80;
	v0 =	vld.msk [tilespmem:s17+$0x0 ss:$0x1], $0xffff;
	s17 =	smov.u32 s14  }
.LBB2_3:
0x3d: {  	p1 =	sne.s32 s18, $0x4C0;
	_ =	sdelay $0x4  }
0x3e: {  	vm2 =	vgt.s32 v0, $0x0  }
0x3f: {  	v0 =	vnsel vm2, $0x0, v0  }
0x40: {  	v0 =	vmin.u32 v0, $0x4E1FF  }
0x41: {  	v0 =	vshll.u32 v0, $0x4;
	_ =	sdelay $0x3  }
.Ltmp3:
0x42: {  	s19 =	sshra.s32 s18, $0x2;
	s17 =	sadd.s32 $0x800, s17;
	(pc) =	sbr.rel @p1 .LBB2_3-.Ltmp3, $4  }
0x43: {  	[tilespmem:s17], [sflag:$0x1] =	stream.indirect_vreg.gather [hbm:s4], $0x80, v0, vm0, $0x38;
	[tilespmem:$0x14280] =	vst v63  }
0x44: {  	s19 =	sadd.s32 s19, s16;
	s20 =	sadd.s32 $0x400, s17  }
0x45: {  	[tilespmem:s20], [sflag:$0x1] =	stream.indirect_vreg.gather [hbm:s4], $0x80, v0, vm1, $0x38;
	[tilespmem:$0x14280] =	vst v63  }
0x46: {  	s18 =	sadd.s32 $0x40, s18;
	v0 =	vld.msk [tilespmem:s19+$0x0 ss:$0x1], $0xffff  }
0x47: {  	_ =	sdelay $0x3  }
0x48: {  	vm2 =	vgt.s32 v0, $0x0  }
0x49: {  	v0 =	vnsel vm2, $0x0, v0  }
0x4a: {  	v0 =	vmin.u32 v0, $0x4E1FF  }
0x4b: {  	v0 =	vshll.u32 v0, $0x4;
	_ =	sdelay $0x3  }
0x4c: {  	s16 =	sadd.s32 $0x800, s17  }
0x4d: {  	[tilespmem:s16], [sflag:$0x1] =	stream.indirect_vreg.gather [hbm:s4], $0x80, v0, vm0, $0x38;
	[tilespmem:$0x14280] =	vst v63  }
0x4e: {  	s16 =	sadd.s32 $0x400, s16  }
0x4f: {  	[tilespmem:s16], [sflag:$0x1] =	stream.indirect_vreg.gather [hbm:s4], $0x80, v0, vm1, $0x38;
	[tilespmem:$0x14280] =	vst v63  }
0x50: {  	s13 =	sshll.u32 s13, $0x4;
	_ =	swait.ge [sflag:s6], $0xA000  }
0x51: {  	s13 =	sadd.s32 s13, s9;
	[sflag:s6] =	ssyncset.done $0x0  }
0x52: {  	s17 =	sadd.s32 $0x0, s13;
	s16 =	simm.s32 $0x80;
	[sflag:s6] =	ssyncadd.s32 $0xFFFF6000  }
.LBB2_5:
0x53: {  	[hbm:s17] =	stream.linear.scatter [tilespmem:s14], [sflag:$0x3], $0x400, $0x38;
	[tilespmem:$0x14280] =	vst v63  }
0x54: {  	s17 =	smov.u32 s16;
	s14 =	smov.u32 s15;
	p1 =	sne.s32 s16, $0x1380  }
.Ltmp4:
0x55: {  	s16 =	sadd.s32 $0x80, s16;
	(pc) =	sbr.rel @p1 .LBB2_5-.Ltmp4, $2  }
0x56: {  	_ =	sdelay $0x2  }
0x57: {  	s15 =	sadd.s32 $0x400, s15;
	s17 =	sadd.s32 s17, s13  }
.Ltmp5:
0x58: {  	_ = 	snop;
	(pc) =	sbr.rel .LBB2_6-.Ltmp5, $1  }
0x59: {  	_ =	sdelay $0x3  }
.LBB2_8:
0x5a: {  	_ =	sfence.sel $0x180000  }
0x5b: {  	s2 =	simm.s32 $0x2;
	[bflag:$0x0] =	sbarrier.arrive $0xFFFF  }
0x5c: {  	s30 =	simm.s32 $0x3;
	[sflag:s2] =	ssyncpa.u1 $0x1  }
0x5d: {  	s31 =	simm.s32 $0x1;
	[sflag:s30] =	ssyncpa.u1 $0x1  }
0x5e: {  	[sflag:s31] =	ssyncpa.u1 $0x1  }
0x5f: {  	p0 =	sne.s32 s0, $0x0;
	_ =	strace $0x90000050  }
0x60: {  	s0 =	sadd.s32 @!p0 $0x100000, s1;
	[bflag:$0x2] =	sbarrier.arrive $0xFFFF  }
0x61: {  	[sflag:s0] =	ssyncadd.tile.s32 @!p0 $0x1;
	_ =	shalt  }
.Lfunc_end2:
_tile_overlayer_lowered:
.L_overlay_start_2:
0x62: {  	(tag) =	ssettag $0x2  }
0x63: {  	s0 =	rddreg [dreg:$0x0];
	s2 =	stileid.u32  }
0x64: {  	s1 =	rddreg [dreg:$0x1];
	p0 =	sne.s32 s2, $0x0  }
0x65: {  	s3 =	rddreg [dreg:$0x2];
	[bflag:$0x3] =	sbarrier.arrive $0xFFFF;
	s2 =	simm.s32 @!p0 $0x1C01  }
0x66: {  	[timem:s3], [sflag:s2] =	dma.local @!p0 [hbm:s0], s1  }
0x67: {  	s0 =	simm.s32 @!p0 $0x1  }
0x68: {  	_ =	swait.ge @!p0 [sflag:s0], s1  }
0x69: {  	s1 =	ssub.s32 @!p0 $0x0, s1;
	[sflag:s0] =	ssyncset.done @!p0 $0x0  }
0x6a: {  	[sflag:s0] =	ssyncadd.s32 @!p0 s1  }
0x6b: {  	[bflag:$0x3] =	sbarrier.arrive $0xFFFF  }
0x6c: {  	_ =	shalt  }

// kernel: kernel.12.cloned.1.call-start
scs
__scs_entry_jumppad:
0x0: {  	(pc) =	sbr.rel $0x88, $3  }
0x1: {  	(tag) =	ssettag $0x0;
	lr =	simm.s32 $0x1  }
0x2: {  	[smem:$0x3F95] =	sst lr;
	_ =	strace $0xD0000000  }
0x3: {  	_ = 	snop  }
0x4: {  	_ = 	snop  }
0x5: {  	_ = 	snop  }
0x6: {  	_ = 	snop  }
0x7: {  	_ = 	snop  }
__scs_overlays_trampoline_lowered:
0x8: {  	[smem:$0x3FA4] =	sst s0  }
0x9: {  	[smem:$0x3FA5] =	sst s1  }
0xa: {  	[smem:$0x3FA6] =	sst s2  }
0xb: {  	[smem:$0x3FA7] =	sst s3  }
0xc: {  	[smem:$0x3FA8] =	sst s4  }
0xd: {  	[smem:$0x3FA9] =	sst s5  }
0xe: {  	[smem:$0x3FAA] =	sst s6  }
0xf: {  	[smem:$0x3FAB] =	sst s7  }
0x10: {  	[smem:$0x3FAC] =	sst s8  }
0x11: {  	[smem:$0x3FAD] =	sst s9;
	s0 =	simm.s32 @!p0 $0x0  }
0x12: {  	s1 =	sld [smem:$0x3F93];
	s0 =	simm.s32 @p0 $0x1  }
0x13: {  	[smem:$0x3FAE] =	sst s0;
	s0 =	simm.s32 @!p1 $0x0  }
0x14: {  	s2 =	sld [smem:$0x3F92];
	s0 =	simm.s32 @p1 $0x1  }
0x15: {  	[smem:$0x3FAF] =	sst s0;
	s0 =	simm.s32 @!p2 $0x0  }
0x16: {  	s3 =	sld [smem:$0x3FDB];
	s0 =	simm.s32 @p2 $0x1  }
0x17: {  	s4 =	simm.s32 $0x1BF5;
	[smem:$0x3FB1] =	sst s0  }
0x18: {  	s0 =	sld [smem:$0x3F94];
	_ =	swait.ge [sflag:s4], $0x0  }
0x19: {  	s7 =	sld [smem:$0x3F95]  }
0x1a: {  	s8 =	sadd.s32 $0xFFFFE003, lr  }
0x1b: {  	s9 =	sadd.s32 $0xFFFFFEF7, lr;
	s5 =	simm.s32 $0xFFFFFFFF;
	p2 =	slt.u32 s8, $0xFFFFF086  }
0x1c: {  	p1 =	slt.u32 s9, $0xF7A;
	s5 =	simm.s32 @!p2 $0x0  }
0x1d: {  	s5 =	simm.s32 @p1 $0x1;
	p0 =	seq.s32 s7, s2  }
0x1e: {  	s7 =	smul.u32 @!p0 $0xF7A, s2;
	p2 =	seq.s32 @!p0 s5, $0x0  }
0x1f: {  	s9 =	smul.u32 $0xF7A, s1;
	s8 =	simm.s32 @!p0 $0x1BF5;
	p2 =	por !p2, p0  }
0x20: {  	[sflag:s8] =	ssyncset.s32 @!p0 $0xFFFFF086;
	s6 =	sadd.s32 @!p0 s3, s7;
	s7 =	simm.s32 @!p0 $0x108  }
0x21: {  	s3 =	sadd.s32 s3, s9;
	s6 =	sadd.s32 @!p0 $0x88, s6;
	s7 =	simm.s32 @p2 $0x1082  }
0x22: {  	[simem:s7], [sflag:s8] =	dma.local @!p0 [hbm:s6], $0xF7A  }
0x23: {  	s9 =	sor.u32 $0xD0000000, s2;
	s6 =	simm.s32 $0x108;
	_ =	swait.ge @!p0 [sflag:s8], $0x0  }
0x24: {  	s3 =	sadd.s32 $0x88, s3;
	s6 =	simm.s32 @!p1 $0x1082;
	[sflag:s4] =	ssyncset.s32 $0xFFFFF086  }
0x25: {  	[simem:s6], [sflag:s4] =	dma.local [hbm:s3], $0xF7A  }
0x26: {  	[smem:$0x3F95] =	sst s1;
	(tag) =	ssettag s2;
	_ =	strace s9  }
0x27: {  	s1 =	sld [smem:$0x3FA5]  }
0x28: {  	s2 =	sld [smem:$0x3FA6]  }
0x29: {  	s4 =	sld [smem:$0x3FA8]  }
0x2a: {  	p0 =	seq.s32 s5, $0x0;
	s5 =	sld [smem:$0x3FA9]  }
0x2b: {  	s6 =	sld [smem:$0x3FAA]  }
0x2c: {  	s7 =	sld [smem:$0x3FAB]  }
0x2d: {  	s3 =	simm.s32 $0x108;
	s8 =	sld [smem:$0x3FAC]  }
0x2e: {  	s3 =	simm.s32 @!p0 $0x1082;
	s9 =	sld [smem:$0x3FAD]  }
0x2f: {  	lr =	sadd.s32 s0, s3;
	s0 =	sld [smem:$0x3FA4]  }
0x30: {  	s3 =	sld [smem:$0x3FA7]  }
0x31: {  	[smem:$0x3FB0] =	sst s10  }
0x32: {  	s10 =	sld [smem:$0x3FAE];
	_ =	sdelay $0x3  }
0x33: {  	p0 =	seq.s32 s10, $0x1;
	s10 =	sld [smem:$0x3FB0];
	_ =	sdelay $0x3  }
0x34: {  	[smem:$0x3FB0] =	sst s10  }
0x35: {  	s10 =	sld [smem:$0x3FAF];
	_ =	sdelay $0x3  }
0x36: {  	p1 =	seq.s32 s10, $0x1;
	s10 =	sld [smem:$0x3FB0];
	_ =	sdelay $0x3  }
0x37: {  	[smem:$0x3FB0] =	sst s10  }
0x38: {  	s10 =	sld [smem:$0x3FB1]  }
0x39: {  	_ = 	snop;
	(pc) =	sbr.ind lr, $3  }
0x3a: {  	_ = 	snop  }
0x3b: {  	_ = 	snop  }
0x3c: {  	p2 =	seq.s32 s10, $0x1;
	s10 =	sld [smem:$0x3FB0]  }
0x3d: {  	_ =	shalt  }
0x3e: {  	_ =	shalt  }
0x3f: {  	_ =	shalt  }
0x40: {  	_ =	shalt  }
0x41: {  	_ =	shalt  }
0x42: {  	_ =	shalt  }
0x43: {  	_ =	shalt  }
0x44: {  	_ =	shalt  }
0x45: {  	_ =	shalt  }
0x46: {  	_ =	shalt  }
0x47: {  	_ =	shalt  }
0x48: {  	_ =	shalt  }
0x49: {  	_ =	shalt  }
0x4a: {  	_ =	shalt  }
0x4b: {  	_ =	shalt  }
0x4c: {  	_ =	shalt  }
0x4d: {  	_ =	shalt  }
0x4e: {  	_ =	shalt  }
0x4f: {  	_ =	shalt  }
0x50: {  	_ =	shalt  }
0x51: {  	_ =	shalt  }
0x52: {  	_ =	shalt  }
0x53: {  	_ =	shalt  }
0x54: {  	_ =	shalt  }
0x55: {  	_ =	shalt  }
0x56: {  	_ =	shalt  }
0x57: {  	_ =	shalt  }
0x58: {  	_ =	shalt  }
0x59: {  	_ =	shalt  }
0x5a: {  	_ =	shalt  }
0x5b: {  	_ =	shalt  }
0x5c: {  	_ =	shalt  }
0x5d: {  	_ =	shalt  }
0x5e: {  	_ =	shalt  }
0x5f: {  	_ =	shalt  }
0x60: {  	_ =	shalt  }
0x61: {  	_ =	shalt  }
0x62: {  	_ =	shalt  }
0x63: {  	_ =	shalt  }
0x64: {  	_ =	shalt  }
0x65: {  	_ =	shalt  }
0x66: {  	_ =	shalt  }
0x67: {  	_ =	shalt  }
0x68: {  	_ =	shalt  }
0x69: {  	_ =	shalt  }
0x6a: {  	_ =	shalt  }
0x6b: {  	_ =	shalt  }
0x6c: {  	_ =	shalt  }
0x6d: {  	_ =	shalt  }
0x6e: {  	_ =	shalt  }
0x6f: {  	_ =	shalt  }
0x70: {  	_ =	shalt  }
0x71: {  	_ =	shalt  }
0x72: {  	_ =	shalt  }
0x73: {  	_ =	shalt  }
0x74: {  	_ =	shalt  }
0x75: {  	_ =	shalt  }
0x76: {  	_ =	shalt  }
0x77: {  	_ =	shalt  }
0x78: {  	_ =	shalt  }
0x79: {  	_ =	shalt  }
0x7a: {  	_ =	shalt  }
0x7b: {  	_ =	shalt  }
0x7c: {  	_ =	shalt  }
0x7d: {  	_ =	shalt  }
0x7e: {  	_ =	shalt  }
0x7f: {  	_ =	shalt  }
0x80: {  	_ =	shalt  }
0x81: {  	_ =	shalt  }
0x82: {  	_ =	shalt  }
0x83: {  	_ =	shalt  }
0x84: {  	_ =	shalt  }
0x85: {  	_ =	shalt  }
0x86: {  	_ =	shalt  }
0x87: {  	_ =	shalt  }
.Lfunc_end0:
.L_simem_size_0:
called_computation.3_lowered:
.L_overlay_start_0:
0x88: {  	s2 =	sld [smem:$0x3FD9]  }
0x89: {  	s3 =	sld [smem:$0x3FFE];
	_ =	sdelay $0x1  }
0x8a: {  	s1 =	srdreg.scid  }
0x8b: {  	s0 =	sand.u32 $0x1, s1  }
0x8c: {  	s16 =	sshll.u32 s0, $0xA;
	s2 =	sadd.s32 s3, s2  }
0x8d: {  	s2 =	sadd.s32 s2, s16  }
0x8e: {  	[smem:$0x3FBC] =	sst s2  }
0x8f: {  	_ = 	snop  }
0x90: {  	(tm) =	ssettm $0x1  }
0x91: {  	s17 =	sld [smem:$0x3FFB];
	_ =	sdelay $0x3  }
0x92: {  	_ =	strace s17  }
0x93: {  	s2 =	sld [smem:$0x3FFC];
	_ =	sdelay $0x3  }
0x94: {  	_ =	strace s2  }
0x95: {  	s2 =	sld [smem:$0x3FFD];
	_ =	sdelay $0x3  }
0x96: {  	_ =	strace s2  }
0x97: {  	_ =	strace $0x8FFFFFFF  }
0x98: {  	s18 =	sld [smem:$0x3FDB];
	_ =	sdelay $0x1  }
0x99: {  	s19 =	simm.s32 $_scs_section_size  }
0x9a: {  	s4 =	simm.s32 $_size__tile_overlayer_lowered;
	s5 =	simm.s32 $_tile_overlayer_lowered  }
0x9b: {  	s22 =	simm.s32 $0x1BFF;
	s21 =	sshll.u32 s5, $0x1;
	s2 =	sadd.s32 s19, s18  }
0x9c: {  	s6 =	simm.s32 $0x0;
	s20 =	sshll.u32 s4, $0x1;
	s4 =	sadd.s32 s21, s2  }
0x9d: {  	[timem:s6], [sflag:s22] =	dma.local [hbm:s4], s20  }
0x9e: {  	_ =	swait.ge [sflag:s22], s20  }
0x9f: {  	s3 =	ssub.s32 $0x0, s20;
	[sflag:s22] =	ssyncset.done $0x0  }
0xa0: {  	[sflag:s22] =	ssyncadd.s32 s3;
	_ =	sdelay $0x1  }
0xa1: {  	s23 =	simm.s32 $0x1B8B  }
0xa2: {  	_ =	swait.ge [sflag:s23], $0x1  }
0xa3: {  	[sflag:s23] =	ssyncset.done $0x0  }
0xa4: {  	s25 =	simm.s32 $0x1B8E;
	s24 =	sld [smem:$0x3FFE];
	[sflag:s23] =	ssyncadd.s32 $0xFFFFFFFF  }
0xa5: {  	s26 =	simm.s32 $execute0_lowered;
	[smem:$0x3FD2] =	sst s25  }
0xa6: {  	s4 =	sshll.u32 s26, $0x1;
	_ =	strace $0x80000049;
	[dreg:$0x1] =	wrdreg $0xFFFFFFFF  }
0xa7: {  	s28 =	simm.s32 $_size_execute0_lowered;
	s2 =	sadd.s32 s2, s4;
	[dreg:$0x0] =	wrdreg $0x0  }
0xa8: {  	s4 =	sshll.u32 s28, $0x1;
	[dreg:$0x2] =	wrdreg s2  }
0xa9: {  	[dreg:$0x3] =	wrdreg s4  }
0xaa: {  	[dreg:$0x4] =	wrdreg $0xC0  }
0xab: {  	_ =	task [dreg:s6], $0x5FFFF  }
0xac: {  	[dreg:$0x1] =	wrdreg $0xFFFFFFFF  }
0xad: {  	[dreg:$0x0] =	wrdreg $0x60  }
0xae: {  	[dreg:$0x2] =	wrdreg s24  }
0xaf: {  	[dreg:$0x3] =	wrdreg $0x9  }
0xb0: {  	_ =	task.clear_ibuf [dreg:s6], $0x4FFFF;
	_ =	strace $0x90000049  }
0xb1: {  	s29 =	simm.s32 $0x9;
	_ =	strace $0x8000004B  }
0xb2: {  	_ =	swait.ge [sflag:s29], $0x1  }
0xb3: {  	[sflag:s29] =	ssyncadd.s32 $0xFFFFFFFF  }
0xb4: {  	_ =	strace $0x9000004B  }
0xb5: {  	_ =	sfence  }
0xb6: {  	s30 =	sld [smem:$0x0];
	_ =	sdelay $0x2  }
0xb7: {  	s31 =	sshll.u32 s1, $0xD;
	s1 =	sshrl.u32 s1, $0x2  }
0xb8: {  	s3 =	sand.u32 $0x4000, s31;
	s1 =	sadd.s32 s1, s30  }
0xb9: {  	s0 =	sor.u32 s3, s0;
	s1 =	sshll.u32 s1, $0x11  }
0xba: {  	s0 =	sor.u32 s1, s0  }
0xbb: {  	s0 =	sadd.s32 $0x8F2B, s0  }
0xbc: {  	[sflag:s0] =	ssyncadd.remote.s32 $0x1  }
0xbd: {  	_ =	sfence.sel $0xFFFF  }
0xbe: {  	[dreg:$0x0] =	wrdreg $0xFFFFFFFF;
	(pc) =	sbr.abs _section_cstart, $3  }
0xbf: {  	[dreg:$0x1] =	wrdreg $0xFFFFFFFF  }
0xc0: {  	_ =	task.clear_ibuf [dreg:s6], $0x2FFFF;
	_ =	strace $0x9FFFFFFF  }
0xc1: {  	(tm) =	ssettm $0x7FFFFFFF  }
tec
execute0_lowered:
.L_overlay_start_1:
0x0: {  	(tag) =	ssettag $0x1  }
0x1: {  	s4 =	rddreg [dreg:$0x0]  }
0x2: {  	s0 =	rddreg [dreg:$0x1];
	s3 =	srdreg.scid  }
0x3: {  	s1 =	stileid.u32;
	s2 =	simm.s32 $0x0;
	s11 =	simm.s32 $0x80  }
0x4: {  	s12 =	simm.s32 $0x4E80;
	s13 =	simm.s32 $0x0;
	s5 =	sand.u32 $0x1, s3  }
0x5: {  	s28 =	sshll.u32 s1, $0x1;
	[smem:$0x7FF] =	sst s2;
	s8 =	smul.u32 $0x4E20, s1  }
0x6: {  	s7 =	sadd.s32 $0x4E3C00, s4;
	s3 =	sor.u32 s5, s28;
	s9 =	smul.u32 $0x2710, s5  }
0x7: {  	s10 =	sadd.s32 $0x4F7800, s4;
	s29 =	ssub.s32 $0x2, s5;
	s6 =	smul.u32 $0x2710, s3  }
0x8: {  	_ =	strace $0x8000004A;
	s3 =	sadd.s32 $0x501600, s4;
	s31 =	sshrl.u32 s29, $0x1  }
0x9: {  	s8 =	sadd.s32 s9, s8;
	s9 =	simm.s32 $0x1;
	s30 =	sshrl.u32 s6, $0x3  }
0xa: {  	s6 =	ssub.s32 s29, s31;
	s8 =	sshrl.u32 s8, $0x3;
	s5 =	sadd.s32 $0x4E0, s30  }
0xb: {  	s6 =	smax.u32 s6, $0x1;
	s4 =	sadd.s32 s7, s5;
	s5 =	sadd.s32 s10, s5  }
0xc: {  	v0 =	vimm.s32 $0x5F5E100;
	s7 =	sadd.s32 s8, s7;
	s8 =	sadd.s32 s8, s10;
	s10 =	simm.s32 $0x2700  }
.LBB2_1:
0xd: {  	s14 =	sadd.s32 $0x0, s7  }
0xe: {  	[tilespmem:s2], [sflag:$0x1] =	stream.linear.gather [hbm4b:s14+s2], $0x80, $0x38;
	[tilespmem:$0x4F00] =	vst v63  }
0xf: {  	_ =	swait.ge [sflag:s9], $0x80  }
0x10: {  	s15 =	simm.s32 $0x0;
	s14 =	simm.s32 $0x10;
	[sflag:s9] =	ssyncset.done $0x0  }
.LBB2_2:
0x11: {  	s16 =	sadd.s32 s14, s7  }
0x12: {  	[sflag:s9] =	ssyncadd.s32 $0xFFFFFF80;
	s15 =	sadd.s32 $0x80, s15;
	p0 =	sne.s32 s14, $0x4D0  }
0x13: {  	[tilespmem:s15], [sflag:$0x1] =	stream.linear.gather [hbm4b:s16+s2], $0x80, $0x38;
	[tilespmem:$0x4F00] =	vst v63  }
.Ltmp0:
0x14: {  	_ = 	snop;
	(pc) =	sbr.rel @p0 .LBB2_2-.Ltmp0, $4  }
0x15: {  	_ = 	snop  }
0x16: {  	s14 =	sadd.s32 $0x10, s14  }
0x17: {  	_ =	swait.ge [sflag:s9], $0x80  }
0x18: {  	[sflag:s9] =	ssyncset.done $0x0  }
0x19: {  	[sflag:s9] =	ssyncadd.s32 $0xFFFFFF80;
	s14 =	simm.s32 $0x0  }
0x1a: {  	[tilespmem:s10], [sflag:$0x1] =	stream.linear.gather [hbm4b:s4+s14], $0x10, $0x38;
	[tilespmem:$0x4F00] =	vst v63  }
0x1b: {  	_ =	swait.ge [sflag:s9], $0x10  }
0x1c: {  	[sflag:s9] =	ssyncset.done $0x0  }
0x1d: {  	[sflag:s9] =	ssyncadd.s32 $0xFFFFFFF0  }
0x1e: {  	[tilespmem:$0x2710] =	vst v0  }
0x1f: {  	[tilespmem:$0x2720] =	vst v0  }
0x20: {  	[tilespmem:$0x2730] =	vst v0  }
0x21: {  	[tilespmem:$0x2740] =	vst v0  }
0x22: {  	[tilespmem:$0x2750] =	vst v0  }
0x23: {  	[tilespmem:$0x2760] =	vst v0  }
0x24: {  	s31 =	simm.s32 $0x0;
	s15 =	simm.s32 $0x2780;
	[tilespmem:$0x2770] =	vst v0  }
0x25: {  	[tilespmem:s15], [sflag:$0x1] =	stream.indirect.gather [hbm4b:s3+s11], $0x1, s31, s11, $0xb8;
	[tilespmem:$0x4F00] =	vst v63  }
0x26: {  	s14 =	simm.s32 $0x200;
	_ =	swait.ge [sflag:s9], $0x80  }
.LBB2_4:
0x27: {  	s15 =	sshra.s32 s14, $0x2;
	[sflag:s9] =	ssyncset.done $0x0;
	p0 =	sne.s32 s14, $0x9C00  }
.Ltmp1:
0x28: {  	s16 =	sadd.s32 $0x2780, s15;
	[sflag:s9] =	ssyncadd.s32 $0xFFFFFF80;
	(pc) =	sbr.rel @p0 .LBB2_4-.Ltmp1, $3  }
0x29: {  	[tilespmem:s16], [sflag:$0x1] =	stream.indirect.gather [hbm4b:s3+s11], $0x1, s15, s11, $0xb8;
	[tilespmem:$0x4F00] =	vst v63  }
0x2a: {  	s14 =	sadd.s32 $0x200, s14;
	_ =	sdelay $0x1  }
0x2b: {  	_ =	swait.ge [sflag:s9], $0x80  }
0x2c: {  	[sflag:s9] =	ssyncset.done $0x0  }
0x2d: {  	s14 =	simm.s32 $0x2780;
	s15 =	sadd.s32 $0x0, s8;
	[sflag:s9] =	ssyncadd.s32 $0xFFFFFF80  }
0x2e: {  	[hbm4b:s15+s2] =	stream.linear.scatter [tilespmem:s14], [sflag:$0x1], $0x80, $0x38;
	[tilespmem:$0x4F00] =	vst v63  }
0x2f: {  	_ =	swait.ge [sflag:s9], $0x80  }
0x30: {  	s15 =	simm.s32 $0x10;
	[sflag:s9] =	ssyncset.done $0x0  }
.LBB2_6:
0x31: {  	s16 =	sadd.s32 s15, s8  }
0x32: {  	[sflag:s9] =	ssyncadd.s32 $0xFFFFFF80;
	s14 =	sadd.s32 $0x80, s14;
	p0 =	sne.s32 s15, $0x4D0  }
0x33: {  	[hbm4b:s16+s2] =	stream.linear.scatter [tilespmem:s14], [sflag:$0x1], $0x80, $0x38;
	[tilespmem:$0x4F00] =	vst v63  }
.Ltmp2:
0x34: {  	_ = 	snop;
	(pc) =	sbr.rel @p0 .LBB2_6-.Ltmp2, $4  }
0x35: {  	_ = 	snop  }
0x36: {  	s15 =	sadd.s32 $0x10, s15  }
0x37: {  	_ =	swait.ge [sflag:s9], $0x80  }
0x38: {  	[sflag:s9] =	ssyncset.done $0x0  }
0x39: {  	s13 =	sadd.s32 $0x1, s13  }
0x3a: {  	p0 =	sne.s32 s13, s6  }
.Ltmp3:
0x3b: {  	[sflag:s9] =	ssyncadd.s32 $0xFFFFFF80;
	(pc) =	sbr.rel @p0 .LBB2_1-.Ltmp3, $4  }
0x3c: {  	[hbm4b:s5+s2] =	stream.linear.scatter [tilespmem:s12], [sflag:$0x1], $0x10, $0x38;
	[tilespmem:$0x4F00] =	vst v63  }
0x3d: {  	_ =	swait.ge [sflag:s9], $0x10  }
0x3e: {  	[sflag:s9] =	ssyncset.done $0x0  }
0x3f: {  	[sflag:s9] =	ssyncadd.s32 $0xFFFFFFF0  }
0x40: {  	_ =	sfence.sel $0x180000  }
0x41: {  	[bflag:$0x0] =	sbarrier.arrive $0xFFFF  }
0x42: {  	p0 =	sne.s32 s1, $0x0;
	_ =	strace $0x9000004A  }
0x43: {  	s0 =	sadd.s32 @!p0 $0x100000, s0;
	[bflag:$0x2] =	sbarrier.arrive $0xFFFF  }
0x44: {  	[sflag:s0] =	ssyncadd.tile.s32 @!p0 $0x1;
	_ =	shalt  }
.Lfunc_end2:
_tile_overlayer_lowered:
.L_overlay_start_2:
0x45: {  	(tag) =	ssettag $0x2  }
0x46: {  	s0 =	rddreg [dreg:$0x0];
	s2 =	stileid.u32  }
0x47: {  	s1 =	rddreg [dreg:$0x1];
	p0 =	sne.s32 s2, $0x0  }
0x48: {  	s3 =	rddreg [dreg:$0x2];
	[bflag:$0x3] =	sbarrier.arrive $0xFFFF;
	s2 =	simm.s32 @!p0 $0x1C01  }
0x49: {  	[timem:s3], [sflag:s2] =	dma.local @!p0 [hbm:s0], s1  }
0x4a: {  	s0 =	simm.s32 @!p0 $0x1  }
0x4b: {  	_ =	swait.ge @!p0 [sflag:s0], s1  }
0x4c: {  	s1 =	ssub.s32 @!p0 $0x0, s1;
	[sflag:s0] =	ssyncset.done @!p0 $0x0  }
0x4d: {  	[sflag:s0] =	ssyncadd.s32 @!p0 s1  }
0x4e: {  	[bflag:$0x3] =	sbarrier.arrive $0xFFFF  }
0x4f: {  	_ =	shalt  }

// kernel: kernel.15.cloned.1.call-start
scs
__scs_entry_jumppad:
0x0: {  	(pc) =	sbr.rel $0x88, $3  }
0x1: {  	(tag) =	ssettag $0x0;
	lr =	simm.s32 $0x1  }
0x2: {  	[smem:$0x3F95] =	sst lr;
	_ =	strace $0xD0000000  }
0x3: {  	_ = 	snop  }
0x4: {  	_ = 	snop  }
0x5: {  	_ = 	snop  }
0x6: {  	_ = 	snop  }
0x7: {  	_ = 	snop  }
__scs_overlays_trampoline_lowered:
0x8: {  	[smem:$0x3FA4] =	sst s0  }
0x9: {  	[smem:$0x3FA5] =	sst s1  }
0xa: {  	[smem:$0x3FA6] =	sst s2  }
0xb: {  	[smem:$0x3FA7] =	sst s3  }
0xc: {  	[smem:$0x3FA8] =	sst s4  }
0xd: {  	[smem:$0x3FA9] =	sst s5  }
0xe: {  	[smem:$0x3FAA] =	sst s6  }
0xf: {  	[smem:$0x3FAB] =	sst s7  }
0x10: {  	[smem:$0x3FAC] =	sst s8  }
0x11: {  	[smem:$0x3FAD] =	sst s9;
	s0 =	simm.s32 @!p0 $0x0  }
0x12: {  	s1 =	sld [smem:$0x3F93];
	s0 =	simm.s32 @p0 $0x1  }
0x13: {  	[smem:$0x3FAE] =	sst s0;
	s0 =	simm.s32 @!p1 $0x0  }
0x14: {  	s2 =	sld [smem:$0x3F92];
	s0 =	simm.s32 @p1 $0x1  }
0x15: {  	[smem:$0x3FAF] =	sst s0;
	s0 =	simm.s32 @!p2 $0x0  }
0x16: {  	s3 =	sld [smem:$0x3FDB];
	s0 =	simm.s32 @p2 $0x1  }
0x17: {  	s4 =	simm.s32 $0x1BF5;
	[smem:$0x3FB1] =	sst s0  }
0x18: {  	s0 =	sld [smem:$0x3F94];
	_ =	swait.ge [sflag:s4], $0x0  }
0x19: {  	s7 =	sld [smem:$0x3F95]  }
0x1a: {  	s8 =	sadd.s32 $0xFFFFE003, lr  }
0x1b: {  	s9 =	sadd.s32 $0xFFFFFEF7, lr;
	s5 =	simm.s32 $0xFFFFFFFF;
	p2 =	slt.u32 s8, $0xFFFFF086  }
0x1c: {  	p1 =	slt.u32 s9, $0xF7A;
	s5 =	simm.s32 @!p2 $0x0  }
0x1d: {  	s5 =	simm.s32 @p1 $0x1;
	p0 =	seq.s32 s7, s2  }
0x1e: {  	s7 =	smul.u32 @!p0 $0xF7A, s2;
	p2 =	seq.s32 @!p0 s5, $0x0  }
0x1f: {  	s9 =	smul.u32 $0xF7A, s1;
	s8 =	simm.s32 @!p0 $0x1BF5;
	p2 =	por !p2, p0  }
0x20: {  	[sflag:s8] =	ssyncset.s32 @!p0 $0xFFFFF086;
	s6 =	sadd.s32 @!p0 s3, s7;
	s7 =	simm.s32 @!p0 $0x108  }
0x21: {  	s3 =	sadd.s32 s3, s9;
	s6 =	sadd.s32 @!p0 $0x88, s6;
	s7 =	simm.s32 @p2 $0x1082  }
0x22: {  	[simem:s7], [sflag:s8] =	dma.local @!p0 [hbm:s6], $0xF7A  }
0x23: {  	s9 =	sor.u32 $0xD0000000, s2;
	s6 =	simm.s32 $0x108;
	_ =	swait.ge @!p0 [sflag:s8], $0x0  }
0x24: {  	s3 =	sadd.s32 $0x88, s3;
	s6 =	simm.s32 @!p1 $0x1082;
	[sflag:s4] =	ssyncset.s32 $0xFFFFF086  }
0x25: {  	[simem:s6], [sflag:s4] =	dma.local [hbm:s3], $0xF7A  }
0x26: {  	[smem:$0x3F95] =	sst s1;
	(tag) =	ssettag s2;
	_ =	strace s9  }
0x27: {  	s1 =	sld [smem:$0x3FA5]  }
0x28: {  	s2 =	sld [smem:$0x3FA6]  }
0x29: {  	s4 =	sld [smem:$0x3FA8]  }
0x2a: {  	p0 =	seq.s32 s5, $0x0;
	s5 =	sld [smem:$0x3FA9]  }
0x2b: {  	s6 =	sld [smem:$0x3FAA]  }
0x2c: {  	s7 =	sld [smem:$0x3FAB]  }
0x2d: {  	s3 =	simm.s32 $0x108;
	s8 =	sld [smem:$0x3FAC]  }
0x2e: {  	s3 =	simm.s32 @!p0 $0x1082;
	s9 =	sld [smem:$0x3FAD]  }
0x2f: {  	lr =	sadd.s32 s0, s3;
	s0 =	sld [smem:$0x3FA4]  }
0x30: {  	s3 =	sld [smem:$0x3FA7]  }
0x31: {  	[smem:$0x3FB0] =	sst s10  }
0x32: {  	s10 =	sld [smem:$0x3FAE];
	_ =	sdelay $0x3  }
0x33: {  	p0 =	seq.s32 s10, $0x1;
	s10 =	sld [smem:$0x3FB0];
	_ =	sdelay $0x3  }
0x34: {  	[smem:$0x3FB0] =	sst s10  }
0x35: {  	s10 =	sld [smem:$0x3FAF];
	_ =	sdelay $0x3  }
0x36: {  	p1 =	seq.s32 s10, $0x1;
	s10 =	sld [smem:$0x3FB0];
	_ =	sdelay $0x3  }
0x37: {  	[smem:$0x3FB0] =	sst s10  }
0x38: {  	s10 =	sld [smem:$0x3FB1]  }
0x39: {  	_ = 	snop;
	(pc) =	sbr.ind lr, $3  }
0x3a: {  	_ = 	snop  }
0x3b: {  	_ = 	snop  }
0x3c: {  	p2 =	seq.s32 s10, $0x1;
	s10 =	sld [smem:$0x3FB0]  }
0x3d: {  	_ =	shalt  }
0x3e: {  	_ =	shalt  }
0x3f: {  	_ =	shalt  }
0x40: {  	_ =	shalt  }
0x41: {  	_ =	shalt  }
0x42: {  	_ =	shalt  }
0x43: {  	_ =	shalt  }
0x44: {  	_ =	shalt  }
0x45: {  	_ =	shalt  }
0x46: {  	_ =	shalt  }
0x47: {  	_ =	shalt  }
0x48: {  	_ =	shalt  }
0x49: {  	_ =	shalt  }
0x4a: {  	_ =	shalt  }
0x4b: {  	_ =	shalt  }
0x4c: {  	_ =	shalt  }
0x4d: {  	_ =	shalt  }
0x4e: {  	_ =	shalt  }
0x4f: {  	_ =	shalt  }
0x50: {  	_ =	shalt  }
0x51: {  	_ =	shalt  }
0x52: {  	_ =	shalt  }
0x53: {  	_ =	shalt  }
0x54: {  	_ =	shalt  }
0x55: {  	_ =	shalt  }
0x56: {  	_ =	shalt  }
0x57: {  	_ =	shalt  }
0x58: {  	_ =	shalt  }
0x59: {  	_ =	shalt  }
0x5a: {  	_ =	shalt  }
0x5b: {  	_ =	shalt  }
0x5c: {  	_ =	shalt  }
0x5d: {  	_ =	shalt  }
0x5e: {  	_ =	shalt  }
0x5f: {  	_ =	shalt  }
0x60: {  	_ =	shalt  }
0x61: {  	_ =	shalt  }
0x62: {  	_ =	shalt  }
0x63: {  	_ =	shalt  }
0x64: {  	_ =	shalt  }
0x65: {  	_ =	shalt  }
0x66: {  	_ =	shalt  }
0x67: {  	_ =	shalt  }
0x68: {  	_ =	shalt  }
0x69: {  	_ =	shalt  }
0x6a: {  	_ =	shalt  }
0x6b: {  	_ =	shalt  }
0x6c: {  	_ =	shalt  }
0x6d: {  	_ =	shalt  }
0x6e: {  	_ =	shalt  }
0x6f: {  	_ =	shalt  }
0x70: {  	_ =	shalt  }
0x71: {  	_ =	shalt  }
0x72: {  	_ =	shalt  }
0x73: {  	_ =	shalt  }
0x74: {  	_ =	shalt  }
0x75: {  	_ =	shalt  }
0x76: {  	_ =	shalt  }
0x77: {  	_ =	shalt  }
0x78: {  	_ =	shalt  }
0x79: {  	_ =	shalt  }
0x7a: {  	_ =	shalt  }
0x7b: {  	_ =	shalt  }
0x7c: {  	_ =	shalt  }
0x7d: {  	_ =	shalt  }
0x7e: {  	_ =	shalt  }
0x7f: {  	_ =	shalt  }
0x80: {  	_ =	shalt  }
0x81: {  	_ =	shalt  }
0x82: {  	_ =	shalt  }
0x83: {  	_ =	shalt  }
0x84: {  	_ =	shalt  }
0x85: {  	_ =	shalt  }
0x86: {  	_ =	shalt  }
0x87: {  	_ =	shalt  }
.Lfunc_end0:
.L_simem_size_0:
called_computation.4_lowered:
.L_overlay_start_0:
0x88: {  	s2 =	sld [smem:$0x3FD9]  }
0x89: {  	s3 =	sld [smem:$0x3FFE];
	_ =	sdelay $0x1  }
0x8a: {  	s1 =	srdreg.scid  }
0x8b: {  	s0 =	sand.u32 $0x1, s1  }
0x8c: {  	s17 =	sshll.u32 s0, $0xA;
	s2 =	sadd.s32 s3, s2  }
0x8d: {  	s2 =	sadd.s32 s2, s17  }
0x8e: {  	[smem:$0x3FBC] =	sst s2  }
0x8f: {  	_ = 	snop  }
0x90: {  	s18 =	sld [smem:$0x3FD0];
	(tm) =	ssettm $0x1  }
0x91: {  	s19 =	sld [smem:$0x3FFB];
	_ =	sdelay $0x3  }
0x92: {  	_ =	strace s19  }
0x93: {  	s2 =	sld [smem:$0x3FFC];
	_ =	sdelay $0x3  }
0x94: {  	_ =	strace s2  }
0x95: {  	s2 =	sld [smem:$0x3FFD];
	_ =	sdelay $0x3  }
0x96: {  	_ =	strace s2  }
0x97: {  	_ =	strace $0x8FFFFFFF  }
0x98: {  	s20 =	sld [smem:$0x3FDB];
	_ =	sdelay $0x1  }
0x99: {  	s4 =	simm.s32 $_scs_section_size  }
0x9a: {  	s5 =	simm.s32 $_size__tile_overlayer_lowered;
	s6 =	simm.s32 $_tile_overlayer_lowered  }
0x9b: {  	s7 =	simm.s32 $0x1BFF;
	s21 =	sshll.u32 s6, $0x1;
	s4 =	sadd.s32 s4, s20  }
0x9c: {  	s22 =	simm.s32 $0x0;
	s5 =	sshll.u32 s5, $0x1;
	s6 =	sadd.s32 s21, s4  }
0x9d: {  	[timem:s22], [sflag:s7] =	dma.local [hbm:s6], s5  }
0x9e: {  	_ =	swait.ge [sflag:s7], s5  }
0x9f: {  	s5 =	ssub.s32 $0x0, s5;
	[sflag:s7] =	ssyncset.done $0x0  }
0xa0: {  	[sflag:s7] =	ssyncadd.s32 s5;
	_ =	sdelay $0x1  }
0xa1: {  	s23 =	simm.s32 $0x1B8B  }
0xa2: {  	_ =	swait.ge [sflag:s23], $0x1  }
0xa3: {  	[sflag:s23] =	ssyncset.done $0x0  }
0xa4: {  	[sflag:s23] =	ssyncadd.s32 $0xFFFFFFFF  }
0xa5: {  	s5 =	sld [smem:$0x0]  }
0xa6: {  	s6 =	sand.u32 $0xFFFFFFFE, s1  }
0xa7: {  	p0 =	sne.s32 s1, s6  }
0xa8: {  	s6 =	sshll.u32 @p0 s6, $0xE  }
0xa9: {  	s6 =	sadd.s32 @p0 $0x11B8D, s6;
	s7 =	sshll.u32 @p0 s5, $0x11  }
0xaa: {  	s6 =	sor.u32 @p0 s7, s6  }
0xab: {  	[sflag:s6] =	ssyncadd.remote.s32 @p0 $0x1;
	_ =	sdelay $0x1  }
0xac: {  	s6 =	simm.s32 @p0 $0x1B8D  }
0xad: {  	_ =	swait.eq @p0 [sflag:s6], $0x1  }
0xae: {  	[sflag:s6] =	ssyncadd.s32 @p0 $0xFFFFFFFF  }
0xaf: {  	s7 =	sshll.u32 @!p0 s1, $0xE  }
0xb0: {  	s7 =	sor.u32 @!p0 $0x4000, s7;
	s6 =	simm.s32 @!p0 $0x1B8D  }
0xb1: {  	s5 =	sshll.u32 @!p0 s5, $0x11;
	s7 =	sadd.s32 @!p0 $0x11B8D, s7;
	_ =	swait.eq @!p0 [sflag:s6], $0x1  }
0xb2: {  	s5 =	sor.u32 @!p0 s5, s7;
	[sflag:s6] =	ssyncadd.s32 @!p0 $0xFFFFFFFF  }
0xb3: {  	s25 =	simm.s32 $0x1B8E;
	s24 =	sld [smem:$0x3FFE];
	[sflag:s5] =	ssyncadd.remote.s32 @!p0 $0x1  }
0xb4: {  	s26 =	simm.s32 $execute0_lowered;
	[smem:$0x3FD2] =	sst s25  }
0xb5: {  	s6 =	sshll.u32 s26, $0x1;
	_ =	strace $0x80000052;
	[dreg:$0x1] =	wrdreg $0xFFFFFFFF  }
0xb6: {  	s28 =	simm.s32 $_size_execute0_lowered;
	s4 =	sadd.s32 s4, s6;
	[dreg:$0x0] =	wrdreg $0x0  }
0xb7: {  	s6 =	sshll.u32 s28, $0x1;
	[dreg:$0x2] =	wrdreg s4  }
0xb8: {  	[dreg:$0x3] =	wrdreg s6  }
0xb9: {  	[dreg:$0x4] =	wrdreg $0xC0  }
0xba: {  	_ =	task [dreg:s22], $0x5FFFF  }
0xbb: {  	[dreg:$0x1] =	wrdreg $0xFFFFFFFF  }
0xbc: {  	[dreg:$0x0] =	wrdreg $0x60  }
0xbd: {  	[dreg:$0x2] =	wrdreg s24  }
0xbe: {  	[dreg:$0x3] =	wrdreg s18  }
0xbf: {  	[dreg:$0x4] =	wrdreg $0xA7000  }
0xc0: {  	[dreg:$0x5] =	wrdreg $0xA  }
0xc1: {  	_ =	task.clear_ibuf [dreg:s22], $0x6FFFF;
	_ =	strace $0x90000052  }
0xc2: {  	s29 =	simm.s32 $0xA;
	_ =	strace $0x80000054  }
0xc3: {  	_ =	swait.ge [sflag:s29], $0x1  }
0xc4: {  	[sflag:s29] =	ssyncadd.s32 $0xFFFFFFFF  }
0xc5: {  	_ =	strace $0x90000054  }
0xc6: {  	_ =	sfence  }
0xc7: {  	s30 =	sld [smem:$0x0];
	_ =	sdelay $0x2  }
0xc8: {  	s31 =	sshll.u32 s1, $0xD;
	s1 =	sshrl.u32 s1, $0x2  }
0xc9: {  	s4 =	sand.u32 $0x4000, s31;
	s1 =	sadd.s32 s1, s30  }
0xca: {  	s0 =	sor.u32 s4, s0;
	s1 =	sshll.u32 s1, $0x11  }
0xcb: {  	s0 =	sor.u32 s1, s0  }
0xcc: {  	s0 =	sadd.s32 $0x8F2B, s0  }
0xcd: {  	[sflag:s0] =	ssyncadd.remote.s32 $0x1  }
0xce: {  	_ =	sfence.sel $0xFFFF  }
0xcf: {  	[dreg:$0x0] =	wrdreg $0xFFFFFFFF;
	(pc) =	sbr.abs _section_cstart, $3  }
0xd0: {  	[dreg:$0x1] =	wrdreg $0xFFFFFFFF  }
0xd1: {  	_ =	task.clear_ibuf [dreg:s22], $0x2FFFF;
	_ =	strace $0x9FFFFFFF  }
0xd2: {  	(tm) =	ssettm $0x7FFFFFFF  }
0xd3: {  	_ =	shalt  }
tec
execute0_lowered:
.L_overlay_start_1:
0x0: {  	(tag) =	ssettag $0x1  }
0x1: {  	s1 =	srdreg.scid  }
0x2: {  	s1 =	sand.u32 $0x1, s1  }
0x3: {  	p0 =	seq.s32 s1, $0x1  }
.Ltmp0:
0x4: {  	s3 =	rddreg [dreg:$0x0];
	(pc) =	sbr.rel @p0 .LBB2_10-.Ltmp0, $4  }
0x5: {  	s2 =	rddreg [dreg:$0x1]  }
0x6: {  	s8 =	rddreg [dreg:$0x2];
	s22 =	simm.s32 $0x0  }
0x7: {  	[smem:$0x7FF] =	sst s22  }
0x8: {  	s0 =	rddreg [dreg:$0x3];
	_ =	strace $0x80000053;
	s1 =	stileid.u32  }
0x9: {  	s4 =	simm.s32 $0x9D00;
	s24 =	simm.s32 $0x1  }
0xa: {  	[tilespmem:s4], [sflag:$0x1] =	stream.linear.gather [hbm4b:s2+s22], $0xA00, $0x38;
	[tilespmem:$0xF700] =	vst v63  }
0xb: {  	s5 =	smul.u32 $0x5000, s1;
	_ =	swait.ge [sflag:s24], $0xA00  }
0xc: {  	[sflag:s24] =	ssyncset.done $0x0  }
0xd: {  	s14 =	sadd.s32 s5, s8;
	[sflag:s24] =	ssyncadd.s32 $0xFFFFF600  }
0xe: {  	[spmem:s14] =	stream.linear.scatter [tilespmem:s4], [sflag:$0x1], $0xA00, $0x38;
	[tilespmem:$0xF700] =	vst v63  }
0xf: {  	_ =	swait.ge [sflag:s24], $0xA00  }
0x10: {  	s15 =	sor.u32 $0xA00, s5;
	[sflag:s24] =	ssyncset.done $0x0  }
0x11: {  	s13 =	sadd.s32 s15, s8;
	[sflag:s24] =	ssyncadd.s32 $0xFFFFF600  }
0x12: {  	[spmem:s13] =	stream.linear.scatter [tilespmem:s4], [sflag:$0x1], $0xA00, $0x38;
	[tilespmem:$0xF700] =	vst v63  }
0x13: {  	_ =	swait.ge [sflag:s24], $0xA00  }
0x14: {  	s16 =	sadd.s32 $0x1400, s5;
	[sflag:s24] =	ssyncset.done $0x0  }
0x15: {  	s11 =	sadd.s32 s16, s8;
	[sflag:s24] =	ssyncadd.s32 $0xFFFFF600  }
0x16: {  	[spmem:s11] =	stream.linear.scatter [tilespmem:s4], [sflag:$0x1], $0xA00, $0x38;
	[tilespmem:$0xF700] =	vst v63  }
0x17: {  	s26 =	sadd.s32 $0x4F7800, s3;
	_ =	swait.ge [sflag:s24], $0xA00  }
0x18: {  	s6 =	smul.u32 $0x4E20, s1;
	s17 =	sadd.s32 $0x1E00, s5;
	[sflag:s24] =	ssyncset.done $0x0  }
0x19: {  	s2 =	sadd.s32 $0x4E3C00, s3;
	s10 =	sadd.s32 s17, s8;
	[sflag:s24] =	ssyncadd.s32 $0xFFFFF600  }
0x1a: {  	[spmem:s10] =	stream.linear.scatter [tilespmem:s4], [sflag:$0x1], $0xA00, $0x38;
	[tilespmem:$0xF700] =	vst v63  }
0x1b: {  	s3 =	sadd.s32 $0xED9200, s3;
	s18 =	sadd.s32 $0x2800, s5;
	_ =	swait.ge [sflag:s24], $0xA00  }
0x1c: {  	s28 =	sadd.s32 $0x3200, s5;
	s29 =	sadd.s32 $0x3C00, s5;
	[sflag:s24] =	ssyncset.done $0x0  }
0x1d: {  	s30 =	sadd.s32 $0x4600, s5;
	s12 =	sadd.s32 s18, s8;
	[sflag:s24] =	ssyncadd.s32 $0xFFFFF600  }
0x1e: {  	[spmem:s12] =	stream.linear.scatter [tilespmem:s4], [sflag:$0x1], $0xA00, $0x38;
	[tilespmem:$0xF700] =	vst v63  }
0x1f: {  	s19 =	sshrl.u32 s6, $0x3;
	s5 =	sshrl.u32 s5, $0x3;
	_ =	swait.ge [sflag:s24], $0xA00  }
0x20: {  	s9 =	sadd.s32 s28, s8;
	s7 =	sadd.s32 s29, s8;
	[sflag:s24] =	ssyncset.done $0x0  }
0x21: {  	s6 =	sadd.s32 s30, s8;
	s31 =	sadd.s32 $0x9C0, s19;
	[sflag:s24] =	ssyncadd.s32 $0xFFFFF600  }
0x22: {  	[spmem:s9] =	stream.linear.scatter [tilespmem:s4], [sflag:$0x1], $0xA00, $0x38;
	[tilespmem:$0xF700] =	vst v63  }
0x23: {  	s23 =	sadd.s32 s3, s5;
	s15 =	sshrl.u32 s15, $0x3;
	_ =	swait.ge [sflag:s24], $0xA00  }
0x24: {  	s16 =	sshrl.u32 s16, $0x3;
	s17 =	sshrl.u32 s17, $0x3;
	[sflag:s24] =	ssyncset.done $0x0  }
0x25: {  	s18 =	sshrl.u32 s18, $0x3;
	s5 =	smul.u32 $0x9C4, s1;
	[sflag:s24] =	ssyncadd.s32 $0xFFFFF600  }
0x26: {  	[spmem:s7] =	stream.linear.scatter [tilespmem:s4], [sflag:$0x1], $0xA00, $0x38;
	[tilespmem:$0xF700] =	vst v63  }
0x27: {  	s25 =	sadd.s32 s26, s31;
	s21 =	sadd.s32 s3, s15;
	_ =	swait.ge [sflag:s24], $0xA00  }
0x28: {  	s20 =	sadd.s32 s3, s16;
	s19 =	sadd.s32 s3, s17;
	[sflag:s24] =	ssyncset.done $0x0  }
0x29: {  	s18 =	sadd.s32 s3, s18;
	s15 =	sshrl.u32 s28, $0x3;
	[sflag:s24] =	ssyncadd.s32 $0xFFFFF600  }
0x2a: {  	[spmem:s6] =	stream.linear.scatter [tilespmem:s4], [sflag:$0x1], $0xA00, $0x38;
	[tilespmem:$0xF700] =	vst v63  }
0x2b: {  	s16 =	sshrl.u32 s29, $0x3;
	s28 =	simm.s32 $0x10;
	_ =	swait.ge [sflag:s24], $0xA00  }
0x2c: {  	s29 =	simm.s32 $0x0;
	s26 =	sadd.s32 s5, s26;
	[sflag:s24] =	ssyncset.done $0x0  }
0x2d: {  	s4 =	sshrl.u32 s30, $0x3;
	s30 =	sadd.s32 $0x0, s26;
	[sflag:s24] =	ssyncadd.s32 $0xFFFFF600  }
0x2e: {  	[tilespmem:s22], [sflag:$0x1] =	stream.linear.gather [hbm4b:s30+s22], $0x80, $0x38;
	[tilespmem:$0xF700] =	vst v63  }
0x2f: {  	s17 =	sadd.s32 s3, s15;
	s16 =	sadd.s32 s3, s16;
	_ =	swait.ge [sflag:s24], $0x80  }
0x30: {  	s15 =	sadd.s32 s3, s4;
	s4 =	sadd.s32 s2, s31;
	[sflag:s24] =	ssyncset.done $0x0  }
.LBB2_2:
0x31: {  	s30 =	sadd.s32 s28, s26  }
0x32: {  	[sflag:s24] =	ssyncadd.s32 $0xFFFFFF80;
	s29 =	sadd.s32 $0x80, s29;
	p0 =	sne.s32 s28, $0x9B0  }
0x33: {  	[tilespmem:s29], [sflag:$0x1] =	stream.linear.gather [hbm4b:s30+s22], $0x80, $0x38;
	[tilespmem:$0xF700] =	vst v63  }
.Ltmp1:
0x34: {  	_ = 	snop;
	(pc) =	sbr.rel @p0 .LBB2_2-.Ltmp1, $4  }
0x35: {  	_ = 	snop  }
0x36: {  	s28 =	sadd.s32 $0x10, s28  }
0x37: {  	_ =	swait.ge [sflag:s24], $0x80  }
0x38: {  	[sflag:s24] =	ssyncset.done $0x0  }
0x39: {  	[sflag:s24] =	ssyncadd.s32 $0xFFFFFF80;
	s22 =	simm.s32 $0x0;
	s31 =	simm.s32 $0x4E00  }
0x3a: {  	[tilespmem:s31], [sflag:$0x1] =	stream.linear.gather [hbm4b:s25+s22], $0x20, $0x38;
	[tilespmem:$0xF700] =	vst v63  }
0x3b: {  	s22 =	simm.s32 $0x1  }
0x3c: {  	_ =	swait.ge [sflag:s22], $0x20  }
0x3d: {  	[sflag:s22] =	ssyncset.done $0x0  }
0x3e: {  	v0 =	vimm.s32 $0x4E200;
	[sflag:s22] =	ssyncadd.s32 $0xFFFFFFE0  }
0x3f: {  	[tilespmem:$0x4E20] =	vst v0  }
0x40: {  	[tilespmem:$0x4E30] =	vst v0  }
0x41: {  	[tilespmem:$0x4E40] =	vst v0  }
0x42: {  	[tilespmem:$0x4E50] =	vst v0  }
0x43: {  	[tilespmem:$0x4E60] =	vst v0  }
0x44: {  	v63 =	vimm.f32 $1.000000000e+00;
	[tilespmem:$0x4E70] =	vst v0  }
0x45: {  	[tilespmem:$0x4E80] =	vst v63  }
0x46: {  	[tilespmem:$0x4E90] =	vst v63  }
0x47: {  	[tilespmem:$0x4EA0] =	vst v63  }
0x48: {  	[tilespmem:$0x4EB0] =	vst v63  }
0x49: {  	[tilespmem:$0x4EC0] =	vst v63  }
0x4a: {  	[tilespmem:$0x4ED0] =	vst v63  }
0x4b: {  	[tilespmem:$0x4EE0] =	vst v63  }
0x4c: {  	s24 =	simm.s32 $0x80;
	[tilespmem:$0x4EF0] =	vst v63  }
0x4d: {  	s26 =	simm.s32 $0x0;
	s25 =	simm.s32 $0x4E80;
	[bflag:$0x0] =	sbarrier.arrive $0xFFFF  }
0x4e: {  	[spmem:s8] =	stream.indirect.scatter.add.f32 [tilespmem:s25], [sflag:$0x1], $0x1, s26, s24, $0xb8;
	[tilespmem:$0xF700] =	vst v63  }
0x4f: {  	_ =	swait.ge [sflag:s22], $0x80  }
0x50: {  	s26 =	simm.s32 $0x200;
	[sflag:s22] =	ssyncset.done $0x0  }
.LBB2_4:
0x51: {  	s28 =	sshra.s32 s26, $0x2;
	[sflag:s22] =	ssyncadd.s32 $0xFFFFFF80;
	p0 =	sne.s32 s26, $0x13800  }
0x52: {  	[spmem:s8] =	stream.indirect.scatter.add.f32 [tilespmem:s25], [sflag:$0x1], $0x1, s28, s24, $0xb8;
	[tilespmem:$0xF700] =	vst v63  }
.Ltmp2:
0x53: {  	_ = 	snop;
	(pc) =	sbr.rel @p0 .LBB2_4-.Ltmp2, $4  }
0x54: {  	_ = 	snop  }
0x55: {  	s26 =	sadd.s32 $0x200, s26  }
0x56: {  	_ =	swait.ge [sflag:s22], $0x80  }
0x57: {  	[sflag:s22] =	ssyncset.done $0x0  }
0x58: {  	[sflag:s22] =	ssyncadd.s32 $0xFFFFFF80  }
0x59: {  	s28 =	simm.s32 $0x9D00;
	s8 =	simm.s32 $0x1;
	[bflag:$0x0] =	sbarrier.arrive $0xFFFF  }
0x5a: {  	[tilespmem:s28], [sflag:$0x1] =	stream.linear.gather [spmem:s14], $0xA00, $0x38;
	[tilespmem:$0xF700] =	vst v63  }
0x5b: {  	_ =	swait.ge [sflag:s8], $0xA00  }
0x5c: {  	[sflag:s8] =	ssyncset.done $0x0  }
0x5d: {  	s29 =	simm.s32 $0x0;
	[sflag:s8] =	ssyncadd.s32 $0xFFFFF600  }
0x5e: {  	[hbm4b:s23+s29] =	stream.linear.scatter [tilespmem:s28], [sflag:$0x1], $0xA00, $0x38;
	[tilespmem:$0xF700] =	vst v63  }
0x5f: {  	_ =	swait.ge [sflag:s8], $0xA00  }
0x60: {  	[sflag:s8] =	ssyncset.done $0x0  }
0x61: {  	[sflag:s8] =	ssyncadd.s32 $0xFFFFF600  }
0x62: {  	[tilespmem:s28], [sflag:$0x1] =	stream.linear.gather [spmem:s13], $0xA00, $0x38;
	[tilespmem:$0xF700] =	vst v63  }
0x63: {  	_ =	swait.ge [sflag:s8], $0xA00  }
0x64: {  	[sflag:s8] =	ssyncset.done $0x0  }
0x65: {  	[sflag:s8] =	ssyncadd.s32 $0xFFFFF600  }
0x66: {  	[hbm4b:s21+s29] =	stream.linear.scatter [tilespmem:s28], [sflag:$0x1], $0xA00, $0x38;
	[tilespmem:$0xF700] =	vst v63  }
0x67: {  	_ =	swait.ge [sflag:s8], $0xA00  }
0x68: {  	[sflag:s8] =	ssyncset.done $0x0  }
0x69: {  	[sflag:s8] =	ssyncadd.s32 $0xFFFFF600  }
0x6a: {  	[tilespmem:s28], [sflag:$0x1] =	stream.linear.gather [spmem:s11], $0xA00, $0x38;
	[tilespmem:$0xF700] =	vst v63  }
0x6b: {  	_ =	swait.ge [sflag:s8], $0xA00  }
0x6c: {  	[sflag:s8] =	ssyncset.done $0x0  }
0x6d: {  	[sflag:s8] =	ssyncadd.s32 $0xFFFFF600  }
0x6e: {  	[hbm4b:s20+s29] =	stream.linear.scatter [tilespmem:s28], [sflag:$0x1], $0xA00, $0x38;
	[tilespmem:$0xF700] =	vst v63  }
0x6f: {  	_ =	swait.ge [sflag:s8], $0xA00  }
0x70: {  	[sflag:s8] =	ssyncset.done $0x0  }
0x71: {  	[sflag:s8] =	ssyncadd.s32 $0xFFFFF600  }
0x72: {  	[tilespmem:s28], [sflag:$0x1] =	stream.linear.gather [spmem:s10], $0xA00, $0x38;
	[tilespmem:$0xF700] =	vst v63  }
0x73: {  	_ =	swait.ge [sflag:s8], $0xA00  }
0x74: {  	[sflag:s8] =	ssyncset.done $0x0  }
0x75: {  	[sflag:s8] =	ssyncadd.s32 $0xFFFFF600  }
0x76: {  	[hbm4b:s19+s29] =	stream.linear.scatter [tilespmem:s28], [sflag:$0x1], $0xA00, $0x38;
	[tilespmem:$0xF700] =	vst v63  }
0x77: {  	_ =	swait.ge [sflag:s8], $0xA00  }
0x78: {  	[sflag:s8] =	ssyncset.done $0x0  }
0x79: {  	[sflag:s8] =	ssyncadd.s32 $0xFFFFF600  }
0x7a: {  	[tilespmem:s28], [sflag:$0x1] =	stream.linear.gather [spmem:s12], $0xA00, $0x38;
	[tilespmem:$0xF700] =	vst v63  }
0x7b: {  	_ =	swait.ge [sflag:s8], $0xA00  }
0x7c: {  	[sflag:s8] =	ssyncset.done $0x0  }
0x7d: {  	[sflag:s8] =	ssyncadd.s32 $0xFFFFF600  }
0x7e: {  	[hbm4b:s18+s29] =	stream.linear.scatter [tilespmem:s28], [sflag:$0x1], $0xA00, $0x38;
	[tilespmem:$0xF700] =	vst v63  }
0x7f: {  	_ =	swait.ge [sflag:s8], $0xA00  }
0x80: {  	[sflag:s8] =	ssyncset.done $0x0  }
0x81: {  	[sflag:s8] =	ssyncadd.s32 $0xFFFFF600  }
0x82: {  	[tilespmem:s28], [sflag:$0x1] =	stream.linear.gather [spmem:s9], $0xA00, $0x38;
	[tilespmem:$0xF700] =	vst v63  }
0x83: {  	_ =	swait.ge [sflag:s8], $0xA00  }
0x84: {  	[sflag:s8] =	ssyncset.done $0x0  }
0x85: {  	[sflag:s8] =	ssyncadd.s32 $0xFFFFF600  }
0x86: {  	[hbm4b:s17+s29] =	stream.linear.scatter [tilespmem:s28], [sflag:$0x1], $0xA00, $0x38;
	[tilespmem:$0xF700] =	vst v63  }
0x87: {  	_ =	swait.ge [sflag:s8], $0xA00  }
0x88: {  	[sflag:s8] =	ssyncset.done $0x0  }
0x89: {  	[sflag:s8] =	ssyncadd.s32 $0xFFFFF600  }
0x8a: {  	[tilespmem:s28], [sflag:$0x1] =	stream.linear.gather [spmem:s7], $0xA00, $0x38;
	[tilespmem:$0xF700] =	vst v63  }
0x8b: {  	_ =	swait.ge [sflag:s8], $0xA00  }
0x8c: {  	[sflag:s8] =	ssyncset.done $0x0  }
0x8d: {  	[sflag:s8] =	ssyncadd.s32 $0xFFFFF600  }
0x8e: {  	[hbm4b:s16+s29] =	stream.linear.scatter [tilespmem:s28], [sflag:$0x1], $0xA00, $0x38;
	[tilespmem:$0xF700] =	vst v63  }
0x8f: {  	_ =	swait.ge [sflag:s8], $0xA00  }
0x90: {  	[sflag:s8] =	ssyncset.done $0x0  }
0x91: {  	[sflag:s8] =	ssyncadd.s32 $0xFFFFF600  }
0x92: {  	[tilespmem:s28], [sflag:$0x1] =	stream.linear.gather [spmem:s6], $0xA00, $0x38;
	[tilespmem:$0xF700] =	vst v63  }
0x93: {  	_ =	swait.ge [sflag:s8], $0xA00  }
0x94: {  	[sflag:s8] =	ssyncset.done $0x0  }
0x95: {  	[sflag:s8] =	ssyncadd.s32 $0xFFFFF600  }
0x96: {  	[hbm4b:s15+s29] =	stream.linear.scatter [tilespmem:s28], [sflag:$0x1], $0xA00, $0x38;
	[tilespmem:$0xF700] =	vst v63  }
0x97: {  	_ =	swait.ge [sflag:s8], $0xA00  }
0x98: {  	[sflag:s8] =	ssyncset.done $0x0  }
0x99: {  	s30 =	simm.s32 $0x0;
	[sflag:s8] =	ssyncadd.s32 $0xFFFFF600  }
0x9a: {  	s31 =	simm.s32 $0x4E80;
	s6 =	simm.s32 $0x80;
	[bflag:$0x0] =	sbarrier.arrive $0xFFFF  }
0x9b: {  	[tilespmem:s31], [sflag:$0x1] =	stream.indirect.gather [hbm4b:s3+s6], $0x1, s30, s6, $0xb8;
	[tilespmem:$0xF700] =	vst v63  }
0x9c: {  	s7 =	simm.s32 $0x200;
	_ =	swait.ge [sflag:s8], $0x80  }
.LBB2_6:
0x9d: {  	s9 =	sshra.s32 s7, $0x2;
	[sflag:s8] =	ssyncset.done $0x0;
	p0 =	sne.s32 s7, $0x13800  }
.Ltmp3:
0x9e: {  	s10 =	sadd.s32 $0x4E80, s9;
	[sflag:s8] =	ssyncadd.s32 $0xFFFFFF80;
	(pc) =	sbr.rel @p0 .LBB2_6-.Ltmp3, $3  }
0x9f: {  	[tilespmem:s10], [sflag:$0x1] =	stream.indirect.gather [hbm4b:s3+s6], $0x1, s9, s6, $0xb8;
	[tilespmem:$0xF700] =	vst v63  }
0xa0: {  	s7 =	sadd.s32 $0x200, s7;
	_ =	sdelay $0x1  }
0xa1: {  	_ =	swait.ge [sflag:s8], $0x80  }
0xa2: {  	[sflag:s8] =	ssyncset.done $0x0  }
0xa3: {  	s2 =	sadd.s32 s5, s2;
	s3 =	simm.s32 $0x0;
	s6 =	simm.s32 $0x4E80  }
0xa4: {  	s5 =	simm.s32 $0x1;
	[sflag:s8] =	ssyncadd.s32 $0xFFFFFF80;
	s7 =	sadd.s32 $0x0, s2  }
0xa5: {  	[hbm4b:s7+s3] =	stream.linear.scatter [tilespmem:s6], [sflag:$0x1], $0x80, $0x38;
	[tilespmem:$0xF700] =	vst v63  }
0xa6: {  	_ =	swait.ge [sflag:s5], $0x80  }
0xa7: {  	s7 =	simm.s32 $0x10;
	[sflag:s5] =	ssyncset.done $0x0  }
.LBB2_8:
0xa8: {  	s8 =	sadd.s32 s7, s2  }
0xa9: {  	[sflag:s5] =	ssyncadd.s32 $0xFFFFFF80;
	s6 =	sadd.s32 $0x80, s6;
	p0 =	sne.s32 s7, $0x9B0  }
0xaa: {  	[hbm4b:s8+s3] =	stream.linear.scatter [tilespmem:s6], [sflag:$0x1], $0x80, $0x38;
	[tilespmem:$0xF700] =	vst v63  }
.Ltmp4:
0xab: {  	_ = 	snop;
	(pc) =	sbr.rel @p0 .LBB2_8-.Ltmp4, $4  }
0xac: {  	_ = 	snop  }
0xad: {  	s7 =	sadd.s32 $0x10, s7  }
0xae: {  	_ =	swait.ge [sflag:s5], $0x80  }
0xaf: {  	[sflag:s5] =	ssyncset.done $0x0  }
0xb0: {  	[sflag:s5] =	ssyncadd.s32 $0xFFFFFF80  }
0xb1: {  	s2 =	simm.s32 $0x0;
	s3 =	simm.s32 $0x9C80;
	s31 =	simm.s32 $0x1  }
0xb2: {  	[hbm4b:s4+s2] =	stream.linear.scatter [tilespmem:s3], [sflag:$0x1], $0x20, $0x38;
	[tilespmem:$0xF700] =	vst v63  }
0xb3: {  	_ =	swait.ge [sflag:s31], $0x20  }
0xb4: {  	[sflag:s31] =	ssyncset.done $0x0  }
0xb5: {  	[sflag:s31] =	ssyncadd.s32 $0xFFFFFFE0  }
.LBB2_10:
0xb6: {  	_ =	sfence.sel $0x180000  }
0xb7: {  	[bflag:$0x0] =	sbarrier.arrive $0xFFFF  }
0xb8: {  	p0 =	sne.s32 s1, $0x0;
	_ =	strace $0x90000053  }
0xb9: {  	s0 =	sadd.s32 @!p0 $0x100000, s0;
	[bflag:$0x2] =	sbarrier.arrive $0xFFFF  }
0xba: {  	[sflag:s0] =	ssyncadd.tile.s32 @!p0 $0x1;
	_ =	shalt  }
.Lfunc_end2:
_tile_overlayer_lowered:
.L_overlay_start_2:
0xbb: {  	(tag) =	ssettag $0x2  }
0xbc: {  	s0 =	rddreg [dreg:$0x0];
	s2 =	stileid.u32  }
0xbd: {  	s1 =	rddreg [dreg:$0x1];
	p0 =	sne.s32 s2, $0x0  }
0xbe: {  	s3 =	rddreg [dreg:$0x2];
	[bflag:$0x3] =	sbarrier.arrive $0xFFFF;
	s2 =	simm.s32 @!p0 $0x1C01  }
0xbf: {  	[timem:s3], [sflag:s2] =	dma.local @!p0 [hbm:s0], s1  }
0xc0: {  	s0 =	simm.s32 @!p0 $0x1  }
0xc1: {  	_ =	swait.ge @!p0 [sflag:s0], s1  }
0xc2: {  	s1 =	ssub.s32 @!p0 $0x0, s1;
	[sflag:s0] =	ssyncset.done @!p0 $0x0  }
0xc3: {  	[sflag:s0] =	ssyncadd.s32 @!p0 s1  }
0xc4: {  	[bflag:$0x3] =	sbarrier.arrive $0xFFFF  }
0xc5: {  	_ =	shalt  }

// kernel: kernel.18.cloned.1.call-start
scs
__scs_entry_jumppad:
0x0: {  	(pc) =	sbr.rel $0x88, $3  }
0x1: {  	(tag) =	ssettag $0x0;
	lr =	simm.s32 $0x1  }
0x2: {  	[smem:$0x3F95] =	sst lr;
	_ =	strace $0xD0000000  }
0x3: {  	_ = 	snop  }
0x4: {  	_ = 	snop  }
0x5: {  	_ = 	snop  }
0x6: {  	_ = 	snop  }
0x7: {  	_ = 	snop  }
__scs_overlays_trampoline_lowered:
0x8: {  	[smem:$0x3FA4] =	sst s0  }
0x9: {  	[smem:$0x3FA5] =	sst s1  }
0xa: {  	[smem:$0x3FA6] =	sst s2  }
0xb: {  	[smem:$0x3FA7] =	sst s3  }
0xc: {  	[smem:$0x3FA8] =	sst s4  }
0xd: {  	[smem:$0x3FA9] =	sst s5  }
0xe: {  	[smem:$0x3FAA] =	sst s6  }
0xf: {  	[smem:$0x3FAB] =	sst s7  }
0x10: {  	[smem:$0x3FAC] =	sst s8  }
0x11: {  	[smem:$0x3FAD] =	sst s9;
	s0 =	simm.s32 @!p0 $0x0  }
0x12: {  	s1 =	sld [smem:$0x3F93];
	s0 =	simm.s32 @p0 $0x1  }
0x13: {  	[smem:$0x3FAE] =	sst s0;
	s0 =	simm.s32 @!p1 $0x0  }
0x14: {  	s2 =	sld [smem:$0x3F92];
	s0 =	simm.s32 @p1 $0x1  }
0x15: {  	[smem:$0x3FAF] =	sst s0;
	s0 =	simm.s32 @!p2 $0x0  }
0x16: {  	s3 =	sld [smem:$0x3FDB];
	s0 =	simm.s32 @p2 $0x1  }
0x17: {  	s4 =	simm.s32 $0x1BF5;
	[smem:$0x3FB1] =	sst s0  }
0x18: {  	s0 =	sld [smem:$0x3F94];
	_ =	swait.ge [sflag:s4], $0x0  }
0x19: {  	s7 =	sld [smem:$0x3F95]  }
0x1a: {  	s8 =	sadd.s32 $0xFFFFE003, lr  }
0x1b: {  	s9 =	sadd.s32 $0xFFFFFEF7, lr;
	s5 =	simm.s32 $0xFFFFFFFF;
	p2 =	slt.u32 s8, $0xFFFFF086  }
0x1c: {  	p1 =	slt.u32 s9, $0xF7A;
	s5 =	simm.s32 @!p2 $0x0  }
0x1d: {  	s5 =	simm.s32 @p1 $0x1;
	p0 =	seq.s32 s7, s2  }
0x1e: {  	s7 =	smul.u32 @!p0 $0xF7A, s2;
	p2 =	seq.s32 @!p0 s5, $0x0  }
0x1f: {  	s9 =	smul.u32 $0xF7A, s1;
	s8 =	simm.s32 @!p0 $0x1BF5;
	p2 =	por !p2, p0  }
0x20: {  	[sflag:s8] =	ssyncset.s32 @!p0 $0xFFFFF086;
	s6 =	sadd.s32 @!p0 s3, s7;
	s7 =	simm.s32 @!p0 $0x108  }
0x21: {  	s3 =	sadd.s32 s3, s9;
	s6 =	sadd.s32 @!p0 $0x88, s6;
	s7 =	simm.s32 @p2 $0x1082  }
0x22: {  	[simem:s7], [sflag:s8] =	dma.local @!p0 [hbm:s6], $0xF7A  }
0x23: {  	s9 =	sor.u32 $0xD0000000, s2;
	s6 =	simm.s32 $0x108;
	_ =	swait.ge @!p0 [sflag:s8], $0x0  }
0x24: {  	s3 =	sadd.s32 $0x88, s3;
	s6 =	simm.s32 @!p1 $0x1082;
	[sflag:s4] =	ssyncset.s32 $0xFFFFF086  }
0x25: {  	[simem:s6], [sflag:s4] =	dma.local [hbm:s3], $0xF7A  }
0x26: {  	[smem:$0x3F95] =	sst s1;
	(tag) =	ssettag s2;
	_ =	strace s9  }
0x27: {  	s1 =	sld [smem:$0x3FA5]  }
0x28: {  	s2 =	sld [smem:$0x3FA6]  }
0x29: {  	s4 =	sld [smem:$0x3FA8]  }
0x2a: {  	p0 =	seq.s32 s5, $0x0;
	s5 =	sld [smem:$0x3FA9]  }
0x2b: {  	s6 =	sld [smem:$0x3FAA]  }
0x2c: {  	s7 =	sld [smem:$0x3FAB]  }
0x2d: {  	s3 =	simm.s32 $0x108;
	s8 =	sld [smem:$0x3FAC]  }
0x2e: {  	s3 =	simm.s32 @!p0 $0x1082;
	s9 =	sld [smem:$0x3FAD]  }
0x2f: {  	lr =	sadd.s32 s0, s3;
	s0 =	sld [smem:$0x3FA4]  }
0x30: {  	s3 =	sld [smem:$0x3FA7]  }
0x31: {  	[smem:$0x3FB0] =	sst s10  }
0x32: {  	s10 =	sld [smem:$0x3FAE];
	_ =	sdelay $0x3  }
0x33: {  	p0 =	seq.s32 s10, $0x1;
	s10 =	sld [smem:$0x3FB0];
	_ =	sdelay $0x3  }
0x34: {  	[smem:$0x3FB0] =	sst s10  }
0x35: {  	s10 =	sld [smem:$0x3FAF];
	_ =	sdelay $0x3  }
0x36: {  	p1 =	seq.s32 s10, $0x1;
	s10 =	sld [smem:$0x3FB0];
	_ =	sdelay $0x3  }
0x37: {  	[smem:$0x3FB0] =	sst s10  }
0x38: {  	s10 =	sld [smem:$0x3FB1]  }
0x39: {  	_ = 	snop;
	(pc) =	sbr.ind lr, $3  }
0x3a: {  	_ = 	snop  }
0x3b: {  	_ = 	snop  }
0x3c: {  	p2 =	seq.s32 s10, $0x1;
	s10 =	sld [smem:$0x3FB0]  }
0x3d: {  	_ =	shalt  }
0x3e: {  	_ =	shalt  }
0x3f: {  	_ =	shalt  }
0x40: {  	_ =	shalt  }
0x41: {  	_ =	shalt  }
0x42: {  	_ =	shalt  }
0x43: {  	_ =	shalt  }
0x44: {  	_ =	shalt  }
0x45: {  	_ =	shalt  }
0x46: {  	_ =	shalt  }
0x47: {  	_ =	shalt  }
0x48: {  	_ =	shalt  }
0x49: {  	_ =	shalt  }
0x4a: {  	_ =	shalt  }
0x4b: {  	_ =	shalt  }
0x4c: {  	_ =	shalt  }
0x4d: {  	_ =	shalt  }
0x4e: {  	_ =	shalt  }
0x4f: {  	_ =	shalt  }
0x50: {  	_ =	shalt  }
0x51: {  	_ =	shalt  }
0x52: {  	_ =	shalt  }
0x53: {  	_ =	shalt  }
0x54: {  	_ =	shalt  }
0x55: {  	_ =	shalt  }
0x56: {  	_ =	shalt  }
0x57: {  	_ =	shalt  }
0x58: {  	_ =	shalt  }
0x59: {  	_ =	shalt  }
0x5a: {  	_ =	shalt  }
0x5b: {  	_ =	shalt  }
0x5c: {  	_ =	shalt  }
0x5d: {  	_ =	shalt  }
0x5e: {  	_ =	shalt  }
0x5f: {  	_ =	shalt  }
0x60: {  	_ =	shalt  }
0x61: {  	_ =	shalt  }
0x62: {  	_ =	shalt  }
0x63: {  	_ =	shalt  }
0x64: {  	_ =	shalt  }
0x65: {  	_ =	shalt  }
0x66: {  	_ =	shalt  }
0x67: {  	_ =	shalt  }
0x68: {  	_ =	shalt  }
0x69: {  	_ =	shalt  }
0x6a: {  	_ =	shalt  }
0x6b: {  	_ =	shalt  }
0x6c: {  	_ =	shalt  }
0x6d: {  	_ =	shalt  }
0x6e: {  	_ =	shalt  }
0x6f: {  	_ =	shalt  }
0x70: {  	_ =	shalt  }
0x71: {  	_ =	shalt  }
0x72: {  	_ =	shalt  }
0x73: {  	_ =	shalt  }
0x74: {  	_ =	shalt  }
0x75: {  	_ =	shalt  }
0x76: {  	_ =	shalt  }
0x77: {  	_ =	shalt  }
0x78: {  	_ =	shalt  }
0x79: {  	_ =	shalt  }
0x7a: {  	_ =	shalt  }
0x7b: {  	_ =	shalt  }
0x7c: {  	_ =	shalt  }
0x7d: {  	_ =	shalt  }
0x7e: {  	_ =	shalt  }
0x7f: {  	_ =	shalt  }
0x80: {  	_ =	shalt  }
0x81: {  	_ =	shalt  }
0x82: {  	_ =	shalt  }
0x83: {  	_ =	shalt  }
0x84: {  	_ =	shalt  }
0x85: {  	_ =	shalt  }
0x86: {  	_ =	shalt  }
0x87: {  	_ =	shalt  }
.Lfunc_end0:
.L_simem_size_0:
called_computation.5_lowered:
.L_overlay_start_0:
0x88: {  	s2 =	sld [smem:$0x3FD9]  }
0x89: {  	s3 =	sld [smem:$0x3FFE];
	_ =	sdelay $0x1  }
0x8a: {  	s1 =	srdreg.scid  }
0x8b: {  	s0 =	sand.u32 $0x1, s1  }
0x8c: {  	s17 =	sshll.u32 s0, $0xA;
	s2 =	sadd.s32 s3, s2  }
0x8d: {  	s2 =	sadd.s32 s2, s17  }
0x8e: {  	[smem:$0x3FBC] =	sst s2  }
0x8f: {  	_ = 	snop  }
0x90: {  	s2 =	sld [smem:$0x3FD0];
	(tm) =	ssettm $0x1  }
0x91: {  	s18 =	sld [smem:$0x3FFB];
	_ =	sdelay $0x3  }
0x92: {  	_ =	strace s18  }
0x93: {  	s3 =	sld [smem:$0x3FFC];
	_ =	sdelay $0x3  }
0x94: {  	_ =	strace s3  }
0x95: {  	s3 =	sld [smem:$0x3FFD];
	_ =	sdelay $0x3  }
0x96: {  	_ =	strace s3  }
0x97: {  	_ =	strace $0x8FFFFFFF  }
0x98: {  	s19 =	sld [smem:$0x3FDB];
	_ =	sdelay $0x1  }
0x99: {  	s4 =	simm.s32 $_scs_section_size  }
0x9a: {  	s5 =	simm.s32 $_size__tile_overlayer_lowered;
	s6 =	simm.s32 $_tile_overlayer_lowered  }
0x9b: {  	s22 =	simm.s32 $0x1BFF;
	s21 =	sshll.u32 s6, $0x1;
	s3 =	sadd.s32 s4, s19  }
0x9c: {  	s7 =	simm.s32 $0x0;
	s20 =	sshll.u32 s5, $0x1;
	s5 =	sadd.s32 s21, s3  }
0x9d: {  	[timem:s7], [sflag:s22] =	dma.local [hbm:s5], s20  }
0x9e: {  	_ =	swait.ge [sflag:s22], s20  }
0x9f: {  	s4 =	ssub.s32 $0x0, s20;
	[sflag:s22] =	ssyncset.done $0x0  }
0xa0: {  	[sflag:s22] =	ssyncadd.s32 s4;
	_ =	sdelay $0x1  }
0xa1: {  	s23 =	simm.s32 $0x1B8B  }
0xa2: {  	_ =	swait.ge [sflag:s23], $0x1  }
0xa3: {  	[sflag:s23] =	ssyncset.done $0x0  }
0xa4: {  	s25 =	simm.s32 $0x1B8E;
	s24 =	sld [smem:$0x3FFE];
	[sflag:s23] =	ssyncadd.s32 $0xFFFFFFFF  }
0xa5: {  	s26 =	simm.s32 $execute0_lowered;
	[smem:$0x3FD2] =	sst s25  }
0xa6: {  	s5 =	sshll.u32 s26, $0x1;
	_ =	strace $0x80000055;
	[dreg:$0x1] =	wrdreg $0xFFFFFFFF  }
0xa7: {  	s28 =	simm.s32 $_size_execute0_lowered;
	s3 =	sadd.s32 s3, s5;
	[dreg:$0x0] =	wrdreg $0x0  }
0xa8: {  	s5 =	sshll.u32 s28, $0x1;
	[dreg:$0x2] =	wrdreg s3  }
0xa9: {  	[dreg:$0x3] =	wrdreg s5  }
0xaa: {  	[dreg:$0x4] =	wrdreg $0xC0  }
0xab: {  	_ =	task [dreg:s7], $0x5FFFF  }
0xac: {  	[dreg:$0x1] =	wrdreg $0xFFFFFFFF  }
0xad: {  	[dreg:$0x0] =	wrdreg $0x60  }
0xae: {  	[dreg:$0x2] =	wrdreg s24  }
0xaf: {  	[dreg:$0x3] =	wrdreg s2  }
0xb0: {  	[dreg:$0x4] =	wrdreg $0xF5800  }
0xb1: {  	[dreg:$0x5] =	wrdreg $0x9  }
0xb2: {  	_ =	task.clear_ibuf [dreg:s7], $0x6FFFF;
	_ =	strace $0x90000055  }
0xb3: {  	s29 =	simm.s32 $0x9;
	_ =	strace $0x80000057  }
0xb4: {  	_ =	swait.ge [sflag:s29], $0x1  }
0xb5: {  	[sflag:s29] =	ssyncadd.s32 $0xFFFFFFFF  }
0xb6: {  	_ =	strace $0x90000057  }
0xb7: {  	_ =	sfence  }
0xb8: {  	s30 =	sld [smem:$0x0];
	_ =	sdelay $0x2  }
0xb9: {  	s31 =	sshll.u32 s1, $0xD;
	s1 =	sshrl.u32 s1, $0x2  }
0xba: {  	s3 =	sand.u32 $0x4000, s31;
	s1 =	sadd.s32 s1, s30  }
0xbb: {  	s0 =	sor.u32 s3, s0;
	s1 =	sshll.u32 s1, $0x11  }
0xbc: {  	s0 =	sor.u32 s1, s0  }
0xbd: {  	s0 =	sadd.s32 $0x8F2B, s0  }
0xbe: {  	[sflag:s0] =	ssyncadd.remote.s32 $0x1  }
0xbf: {  	_ =	sfence.sel $0xFFFF  }
0xc0: {  	[dreg:$0x0] =	wrdreg $0xFFFFFFFF;
	(pc) =	sbr.abs _section_cstart, $3  }
0xc1: {  	[dreg:$0x1] =	wrdreg $0xFFFFFFFF  }
0xc2: {  	_ =	task.clear_ibuf [dreg:s7], $0x2FFFF;
	_ =	strace $0x9FFFFFFF  }
0xc3: {  	(tm) =	ssettm $0x7FFFFFFF  }
tec
execute0_lowered:
.L_overlay_start_1:
0x0: {  	(tag) =	ssettag $0x1  }
0x1: {  	s1 =	srdreg.scid  }
0x2: {  	s1 =	sand.u32 $0x1, s1  }
0x3: {  	p0 =	seq.s32 s1, $0x1  }
.Ltmp0:
0x4: {  	s4 =	rddreg [dreg:$0x0];
	(pc) =	sbr.rel @p0 .LBB2_14-.Ltmp0, $4  }
0x5: {  	s2 =	rddreg [dreg:$0x1]  }
0x6: {  	s8 =	rddreg [dreg:$0x2];
	s23 =	simm.s32 $0x0  }
0x7: {  	[smem:$0x7FF] =	sst s23  }
0x8: {  	s0 =	rddreg [dreg:$0x3];
	_ =	strace $0x80000056;
	s1 =	stileid.u32  }
0x9: {  	s3 =	simm.s32 $0xEB80;
	s24 =	simm.s32 $0x1  }
0xa: {  	[tilespmem:s3], [sflag:$0x1] =	stream.linear.gather [hbm4b:s2+s23], $0xA00, $0x38;
	[tilespmem:$0x14580] =	vst v63  }
0xb: {  	s15 =	smul.u32 $0x5000, s1;
	_ =	swait.ge [sflag:s24], $0xA00  }
0xc: {  	[sflag:s24] =	ssyncset.done $0x0  }
0xd: {  	s14 =	sadd.s32 s15, s8;
	[sflag:s24] =	ssyncadd.s32 $0xFFFFF600  }
0xe: {  	[spmem:s14] =	stream.linear.scatter [tilespmem:s3], [sflag:$0x1], $0xA00, $0x38;
	[tilespmem:$0x14580] =	vst v63  }
0xf: {  	_ =	swait.ge [sflag:s24], $0xA00  }
0x10: {  	s16 =	sor.u32 $0xA00, s15;
	[sflag:s24] =	ssyncset.done $0x0  }
0x11: {  	s13 =	sadd.s32 s16, s8;
	[sflag:s24] =	ssyncadd.s32 $0xFFFFF600  }
0x12: {  	[spmem:s13] =	stream.linear.scatter [tilespmem:s3], [sflag:$0x1], $0xA00, $0x38;
	[tilespmem:$0x14580] =	vst v63  }
0x13: {  	s29 =	sadd.s32 $0x4F7800, s4;
	_ =	swait.ge [sflag:s24], $0xA00  }
0x14: {  	s26 =	sadd.s32 $0x1C00, s4;
	s17 =	sadd.s32 $0x1400, s15;
	[sflag:s24] =	ssyncset.done $0x0  }
0x15: {  	s20 =	sadd.s32 $0x15A00, s4;
	s10 =	sadd.s32 s17, s8;
	[sflag:s24] =	ssyncadd.s32 $0xFFFFF600  }
0x16: {  	[spmem:s10] =	stream.linear.scatter [tilespmem:s3], [sflag:$0x1], $0xA00, $0x38;
	[tilespmem:$0x14580] =	vst v63  }
0x17: {  	s5 =	sadd.s32 $0xBA00, s4;
	s21 =	smul.u32 $0x4E20, s1;
	_ =	swait.ge [sflag:s24], $0xA00  }
0x18: {  	s19 =	stileid.u32;
	s18 =	sadd.s32 $0x1E00, s15;
	[sflag:s24] =	ssyncset.done $0x0  }
0x19: {  	s30 =	sadd.s32 $0x2800, s15;
	s11 =	sadd.s32 s18, s8;
	[sflag:s24] =	ssyncadd.s32 $0xFFFFF600  }
0x1a: {  	[spmem:s11] =	stream.linear.scatter [tilespmem:s3], [sflag:$0x1], $0xA00, $0x38;
	[tilespmem:$0x14580] =	vst v63  }
0x1b: {  	s31 =	sadd.s32 $0x3200, s15;
	s0 =	sadd.s32 $0x3C00, s15;
	_ =	swait.ge [sflag:s24], $0xA00  }
0x1c: {  	s4 =	sshrl.u32 s21, $0x3;
	s1 =	sadd.s32 $0x4600, s15;
	[sflag:s24] =	ssyncset.done $0x0  }
0x1d: {  	s22 =	sshrl.u32 s15, $0x3;
	s12 =	sadd.s32 s30, s8;
	[sflag:s24] =	ssyncadd.s32 $0xFFFFF600  }
0x1e: {  	[spmem:s12] =	stream.linear.scatter [tilespmem:s3], [sflag:$0x1], $0xA00, $0x38;
	[tilespmem:$0x14580] =	vst v63  }
0x1f: {  	s9 =	sadd.s32 s31, s8;
	s7 =	sadd.s32 s0, s8;
	_ =	swait.ge [sflag:s24], $0xA00  }
0x20: {  	s2 =	sadd.s32 $0x9C0, s4;
	s6 =	sadd.s32 s1, s8;
	[sflag:s24] =	ssyncset.done $0x0  }
0x21: {  	s22 =	sadd.s32 s5, s22;
	s15 =	sshrl.u32 s16, $0x3;
	[sflag:s24] =	ssyncadd.s32 $0xFFFFF600  }
0x22: {  	[spmem:s9] =	stream.linear.scatter [tilespmem:s3], [sflag:$0x1], $0xA00, $0x38;
	[tilespmem:$0x14580] =	vst v63  }
0x23: {  	s16 =	sshrl.u32 s17, $0x3;
	s17 =	sshrl.u32 s18, $0x3;
	_ =	swait.ge [sflag:s24], $0xA00  }
0x24: {  	s18 =	sshrl.u32 s30, $0x3;
	s4 =	smul.u32 $0x9C4, s19;
	[sflag:s24] =	ssyncset.done $0x0  }
0x25: {  	s0 =	sshrl.u32 s0, $0x3;
	s30 =	simm.s32 $0x10;
	[sflag:s24] =	ssyncadd.s32 $0xFFFFF600  }
0x26: {  	[spmem:s7] =	stream.linear.scatter [tilespmem:s3], [sflag:$0x1], $0xA00, $0x38;
	[tilespmem:$0x14580] =	vst v63  }
0x27: {  	s28 =	sadd.s32 s29, s2;
	s25 =	sadd.s32 s26, s2;
	_ =	swait.ge [sflag:s24], $0xA00  }
0x28: {  	s21 =	sadd.s32 s5, s15;
	s16 =	sadd.s32 s5, s16;
	[sflag:s24] =	ssyncset.done $0x0  }
0x29: {  	s15 =	sadd.s32 s5, s17;
	s18 =	sadd.s32 s5, s18;
	[sflag:s24] =	ssyncadd.s32 $0xFFFFF600  }
0x2a: {  	[spmem:s6] =	stream.linear.scatter [tilespmem:s3], [sflag:$0x1], $0xA00, $0x38;
	[tilespmem:$0x14580] =	vst v63  }
0x2b: {  	s17 =	sshrl.u32 s31, $0x3;
	s2 =	sadd.s32 s20, s2;
	_ =	swait.ge [sflag:s24], $0xA00  }
0x2c: {  	s31 =	simm.s32 $0x0;
	s29 =	sadd.s32 s4, s29;
	[sflag:s24] =	ssyncset.done $0x0  }
0x2d: {  	s19 =	sadd.s32 $0x0, s29;
	[dreg:$0x4] =	wrdreg s2;
	[sflag:s24] =	ssyncadd.s32 $0xFFFFF600  }
0x2e: {  	[tilespmem:s23], [sflag:$0x1] =	stream.linear.gather [hbm4b:s19+s23], $0x80, $0x38;
	[tilespmem:$0x14580] =	vst v63  }
0x2f: {  	s3 =	sadd.s32 s5, s0;
	s0 =	sshrl.u32 s1, $0x3;
	_ =	swait.ge [sflag:s24], $0x80  }
0x30: {  	s17 =	sadd.s32 s5, s17;
	s19 =	sadd.s32 s5, s0;
	[sflag:s24] =	ssyncset.done $0x0  }
.LBB2_2:
0x31: {  	s0 =	sadd.s32 s30, s29  }
0x32: {  	[sflag:s24] =	ssyncadd.s32 $0xFFFFFF80;
	s31 =	sadd.s32 $0x80, s31;
	p0 =	sne.s32 s30, $0x9B0  }
0x33: {  	[tilespmem:s31], [sflag:$0x1] =	stream.linear.gather [hbm4b:s0+s23], $0x80, $0x38;
	[tilespmem:$0x14580] =	vst v63  }
.Ltmp1:
0x34: {  	_ = 	snop;
	(pc) =	sbr.rel @p0 .LBB2_2-.Ltmp1, $4  }
0x35: {  	_ = 	snop  }
0x36: {  	s30 =	sadd.s32 $0x10, s30  }
0x37: {  	_ =	swait.ge [sflag:s24], $0x80  }
0x38: {  	[sflag:s24] =	ssyncset.done $0x0  }
0x39: {  	[sflag:s24] =	ssyncadd.s32 $0xFFFFFF80  }
0x3a: {  	s23 =	simm.s32 $0x0;
	s0 =	simm.s32 $0x4E00;
	s24 =	simm.s32 $0x1  }
0x3b: {  	[tilespmem:s0], [sflag:$0x1] =	stream.linear.gather [hbm4b:s28+s23], $0x20, $0x38;
	[tilespmem:$0x14580] =	vst v63  }
0x3c: {  	_ =	swait.ge [sflag:s24], $0x20  }
0x3d: {  	[sflag:s24] =	ssyncset.done $0x0  }
0x3e: {  	v0 =	vimm.s32 $0x4E200;
	[sflag:s24] =	ssyncadd.s32 $0xFFFFFFE0  }
0x3f: {  	[tilespmem:$0x4E20] =	vst v0  }
0x40: {  	[tilespmem:$0x4E30] =	vst v0  }
0x41: {  	[tilespmem:$0x4E40] =	vst v0  }
0x42: {  	[tilespmem:$0x4E50] =	vst v0  }
0x43: {  	s26 =	sadd.s32 s4, s26;
	[tilespmem:$0x4E60] =	vst v0  }
0x44: {  	s28 =	simm.s32 $0x4E80;
	s31 =	sadd.s32 $0x0, s26;
	[tilespmem:$0x4E70] =	vst v0  }
0x45: {  	[tilespmem:s28], [sflag:$0x1] =	stream.linear.gather [hbm4b:s31+s23], $0x80, $0x38;
	[tilespmem:$0x14580] =	vst v63  }
0x46: {  	_ =	swait.ge [sflag:s24], $0x80  }
0x47: {  	s29 =	simm.s32 $0x10;
	[sflag:s24] =	ssyncset.done $0x0  }
.LBB2_4:
0x48: {  	s0 =	sadd.s32 s29, s26  }
0x49: {  	[sflag:s24] =	ssyncadd.s32 $0xFFFFFF80;
	s28 =	sadd.s32 $0x80, s28;
	p0 =	sne.s32 s29, $0x9B0  }
0x4a: {  	[tilespmem:s28], [sflag:$0x1] =	stream.linear.gather [hbm4b:s0+s23], $0x80, $0x38;
	[tilespmem:$0x14580] =	vst v63  }
.Ltmp2:
0x4b: {  	_ = 	snop;
	(pc) =	sbr.rel @p0 .LBB2_4-.Ltmp2, $4  }
0x4c: {  	_ = 	snop  }
0x4d: {  	s29 =	sadd.s32 $0x10, s29  }
0x4e: {  	_ =	swait.ge [sflag:s24], $0x80  }
0x4f: {  	[sflag:s24] =	ssyncset.done $0x0  }
0x50: {  	[sflag:s24] =	ssyncadd.s32 $0xFFFFFF80  }
0x51: {  	s0 =	simm.s32 $0x0;
	s1 =	simm.s32 $0x9C80;
	s23 =	simm.s32 $0x1  }
0x52: {  	[tilespmem:s1], [sflag:$0x1] =	stream.linear.gather [hbm4b:s25+s0], $0x20, $0x38;
	[tilespmem:$0x14580] =	vst v63  }
0x53: {  	_ =	swait.ge [sflag:s23], $0x20  }
0x54: {  	[sflag:s23] =	ssyncset.done $0x0  }
0x55: {  	s24 =	simm.s32 $0x80;
	[sflag:s23] =	ssyncadd.s32 $0xFFFFFFE0  }
0x56: {  	s30 =	simm.s32 $0x0;
	s31 =	simm.s32 $0x4E80;
	[bflag:$0x0] =	sbarrier.arrive $0xFFFF  }
0x57: {  	[spmem:s8] =	stream.indirect.scatter.add.f32 [tilespmem:s31], [sflag:$0x1], $0x1, s30, s24, $0xb8;
	[tilespmem:$0x14580] =	vst v63  }
0x58: {  	s25 =	simm.s32 $0x200;
	_ =	swait.ge [sflag:s23], $0x80  }
.LBB2_6:
0x59: {  	s0 =	sshra.s32 s25, $0x2;
	[sflag:s23] =	ssyncset.done $0x0;
	p0 =	sne.s32 s25, $0x13800  }
.Ltmp3:
0x5a: {  	s1 =	sadd.s32 $0x4E80, s0;
	[sflag:s23] =	ssyncadd.s32 $0xFFFFFF80;
	(pc) =	sbr.rel @p0 .LBB2_6-.Ltmp3, $3  }
0x5b: {  	[spmem:s8] =	stream.indirect.scatter.add.f32 [tilespmem:s1], [sflag:$0x1], $0x1, s0, s24, $0xb8;
	[tilespmem:$0x14580] =	vst v63  }
0x5c: {  	s25 =	sadd.s32 $0x200, s25;
	_ =	sdelay $0x1  }
0x5d: {  	_ =	swait.ge [sflag:s23], $0x80  }
0x5e: {  	[sflag:s23] =	ssyncset.done $0x0  }
0x5f: {  	[sflag:s23] =	ssyncadd.s32 $0xFFFFFF80  }
0x60: {  	s30 =	simm.s32 $0xEB80;
	s8 =	simm.s32 $0x1;
	[bflag:$0x0] =	sbarrier.arrive $0xFFFF  }
0x61: {  	[tilespmem:s30], [sflag:$0x1] =	stream.linear.gather [spmem:s14], $0xA00, $0x38;
	[tilespmem:$0x14580] =	vst v63  }
0x62: {  	_ =	swait.ge [sflag:s8], $0xA00  }
0x63: {  	[sflag:s8] =	ssyncset.done $0x0  }
0x64: {  	s0 =	simm.s32 $0x0;
	[sflag:s8] =	ssyncadd.s32 $0xFFFFF600  }
0x65: {  	[hbm4b:s22+s0] =	stream.linear.scatter [tilespmem:s30], [sflag:$0x1], $0xA00, $0x38;
	[tilespmem:$0x14580] =	vst v63  }
0x66: {  	_ =	swait.ge [sflag:s8], $0xA00  }
0x67: {  	[sflag:s8] =	ssyncset.done $0x0  }
0x68: {  	[sflag:s8] =	ssyncadd.s32 $0xFFFFF600  }
0x69: {  	[tilespmem:s30], [sflag:$0x1] =	stream.linear.gather [spmem:s13], $0xA00, $0x38;
	[tilespmem:$0x14580] =	vst v63  }
0x6a: {  	_ =	swait.ge [sflag:s8], $0xA00  }
0x6b: {  	[sflag:s8] =	ssyncset.done $0x0  }
0x6c: {  	[sflag:s8] =	ssyncadd.s32 $0xFFFFF600  }
0x6d: {  	[hbm4b:s21+s0] =	stream.linear.scatter [tilespmem:s30], [sflag:$0x1], $0xA00, $0x38;
	[tilespmem:$0x14580] =	vst v63  }
0x6e: {  	_ =	swait.ge [sflag:s8], $0xA00  }
0x6f: {  	[sflag:s8] =	ssyncset.done $0x0  }
0x70: {  	[sflag:s8] =	ssyncadd.s32 $0xFFFFF600  }
0x71: {  	[tilespmem:s30], [sflag:$0x1] =	stream.linear.gather [spmem:s10], $0xA00, $0x38;
	[tilespmem:$0x14580] =	vst v63  }
0x72: {  	_ =	swait.ge [sflag:s8], $0xA00  }
0x73: {  	[sflag:s8] =	ssyncset.done $0x0  }
0x74: {  	[sflag:s8] =	ssyncadd.s32 $0xFFFFF600  }
0x75: {  	[hbm4b:s16+s0] =	stream.linear.scatter [tilespmem:s30], [sflag:$0x1], $0xA00, $0x38;
	[tilespmem:$0x14580] =	vst v63  }
0x76: {  	_ =	swait.ge [sflag:s8], $0xA00  }
0x77: {  	[sflag:s8] =	ssyncset.done $0x0  }
0x78: {  	[sflag:s8] =	ssyncadd.s32 $0xFFFFF600  }
0x79: {  	[tilespmem:s30], [sflag:$0x1] =	stream.linear.gather [spmem:s11], $0xA00, $0x38;
	[tilespmem:$0x14580] =	vst v63  }
0x7a: {  	_ =	swait.ge [sflag:s8], $0xA00  }
0x7b: {  	[sflag:s8] =	ssyncset.done $0x0  }
0x7c: {  	[sflag:s8] =	ssyncadd.s32 $0xFFFFF600  }
0x7d: {  	[hbm4b:s15+s0] =	stream.linear.scatter [tilespmem:s30], [sflag:$0x1], $0xA00, $0x38;
	[tilespmem:$0x14580] =	vst v63  }
0x7e: {  	_ =	swait.ge [sflag:s8], $0xA00  }
0x7f: {  	[sflag:s8] =	ssyncset.done $0x0  }
0x80: {  	[sflag:s8] =	ssyncadd.s32 $0xFFFFF600  }
0x81: {  	[tilespmem:s30], [sflag:$0x1] =	stream.linear.gather [spmem:s12], $0xA00, $0x38;
	[tilespmem:$0x14580] =	vst v63  }
0x82: {  	_ =	swait.ge [sflag:s8], $0xA00  }
0x83: {  	[sflag:s8] =	ssyncset.done $0x0  }
0x84: {  	[sflag:s8] =	ssyncadd.s32 $0xFFFFF600  }
0x85: {  	[hbm4b:s18+s0] =	stream.linear.scatter [tilespmem:s30], [sflag:$0x1], $0xA00, $0x38;
	[tilespmem:$0x14580] =	vst v63  }
0x86: {  	_ =	swait.ge [sflag:s8], $0xA00  }
0x87: {  	[sflag:s8] =	ssyncset.done $0x0  }
0x88: {  	[sflag:s8] =	ssyncadd.s32 $0xFFFFF600  }
0x89: {  	[tilespmem:s30], [sflag:$0x1] =	stream.linear.gather [spmem:s9], $0xA00, $0x38;
	[tilespmem:$0x14580] =	vst v63  }
0x8a: {  	_ =	swait.ge [sflag:s8], $0xA00  }
0x8b: {  	[sflag:s8] =	ssyncset.done $0x0  }
0x8c: {  	[sflag:s8] =	ssyncadd.s32 $0xFFFFF600  }
0x8d: {  	[hbm4b:s17+s0] =	stream.linear.scatter [tilespmem:s30], [sflag:$0x1], $0xA00, $0x38;
	[tilespmem:$0x14580] =	vst v63  }
0x8e: {  	_ =	swait.ge [sflag:s8], $0xA00  }
0x8f: {  	[sflag:s8] =	ssyncset.done $0x0  }
0x90: {  	[sflag:s8] =	ssyncadd.s32 $0xFFFFF600  }
0x91: {  	[tilespmem:s30], [sflag:$0x1] =	stream.linear.gather [spmem:s7], $0xA00, $0x38;
	[tilespmem:$0x14580] =	vst v63  }
0x92: {  	_ =	swait.ge [sflag:s8], $0xA00  }
0x93: {  	[sflag:s8] =	ssyncset.done $0x0  }
0x94: {  	[sflag:s8] =	ssyncadd.s32 $0xFFFFF600  }
0x95: {  	[hbm4b:s3+s0] =	stream.linear.scatter [tilespmem:s30], [sflag:$0x1], $0xA00, $0x38;
	[tilespmem:$0x14580] =	vst v63  }
0x96: {  	_ =	swait.ge [sflag:s8], $0xA00  }
0x97: {  	[sflag:s8] =	ssyncset.done $0x0  }
0x98: {  	[sflag:s8] =	ssyncadd.s32 $0xFFFFF600  }
0x99: {  	[tilespmem:s30], [sflag:$0x1] =	stream.linear.gather [spmem:s6], $0xA00, $0x38;
	[tilespmem:$0x14580] =	vst v63  }
0x9a: {  	_ =	swait.ge [sflag:s8], $0xA00  }
0x9b: {  	[sflag:s8] =	ssyncset.done $0x0  }
0x9c: {  	[sflag:s8] =	ssyncadd.s32 $0xFFFFF600  }
0x9d: {  	[hbm4b:s19+s0] =	stream.linear.scatter [tilespmem:s30], [sflag:$0x1], $0xA00, $0x38;
	[tilespmem:$0x14580] =	vst v63  }
0x9e: {  	_ =	swait.ge [sflag:s8], $0xA00  }
0x9f: {  	[sflag:s8] =	ssyncset.done $0x0  }
0xa0: {  	s31 =	simm.s32 $0x0;
	[sflag:s8] =	ssyncadd.s32 $0xFFFFF600  }
0xa1: {  	s1 =	simm.s32 $0x9D00;
	s6 =	simm.s32 $0x80;
	[bflag:$0x0] =	sbarrier.arrive $0xFFFF  }
0xa2: {  	[tilespmem:s1], [sflag:$0x1] =	stream.indirect.gather [hbm4b:s5+s6], $0x1, s31, s6, $0xb8;
	[tilespmem:$0x14580] =	vst v63  }
0xa3: {  	s7 =	simm.s32 $0x200;
	_ =	swait.ge [sflag:s8], $0x80  }
.LBB2_8:
0xa4: {  	s0 =	sshra.s32 s7, $0x2;
	[sflag:s8] =	ssyncset.done $0x0;
	p0 =	sne.s32 s7, $0x13800  }
.Ltmp4:
0xa5: {  	s1 =	sadd.s32 $0x9D00, s0;
	[sflag:s8] =	ssyncadd.s32 $0xFFFFFF80;
	(pc) =	sbr.rel @p0 .LBB2_8-.Ltmp4, $3  }
0xa6: {  	[tilespmem:s1], [sflag:$0x1] =	stream.indirect.gather [hbm4b:s5+s6], $0x1, s0, s6, $0xb8;
	[tilespmem:$0x14580] =	vst v63  }
0xa7: {  	s7 =	sadd.s32 $0x200, s7;
	_ =	sdelay $0x1  }
0xa8: {  	_ =	swait.ge [sflag:s8], $0x80  }
0xa9: {  	[sflag:s8] =	ssyncset.done $0x0  }
0xaa: {  	s5 =	simm.s32 $0x0;
	[sflag:s8] =	ssyncadd.s32 $0xFFFFFF80  }
0xab: {  	v4 =	vld [tilespmem:s5+$0x9D00]  }
0xac: {  	v5 =	vld [tilespmem:s5+$0x9D10]  }
0xad: {  	v0 =	vld [tilespmem:s5+$0x9D20]  }
0xae: {  	v1 =	vld [tilespmem:s5+$0x9D30]  }
0xaf: {  	v2 =	vld [tilespmem:s5+$0x9D40]  }
0xb0: {  	v3 =	vld [tilespmem:s5+$0x9D50];
	(erf) = vrcp.f32 v4  }
0xb1: {  	s6 =	simm.s32 $0x200;
	v4 =	vld [tilespmem:s5+$0x9D60];
	(erf) = vrcp.f32 v5  }
.LBB2_10:
0xb2: {  	p0 =	sne.s32 s6, $0x13800;
	v5 =	vld [tilespmem:s5+$0x9D70];
	(erf) = vrcp.f32 v0  }
0xb3: {  	(erf) = vrcp.f32 v1  }
0xb4: {  	(erf) = vrcp.f32 v2  }
0xb5: {  	v0 =	vld [tilespmem:s5+$0x4E80];
	(erf) = vrcp.f32 v3  }
0xb6: {  	v1 =	vld [tilespmem:s5+$0x4E90];
	(erf) = vrcp.f32 v4  }
0xb7: {  	v2 =	vld [tilespmem:s5+$0x4EA0];
	(erf) = vrcp.f32 v5  }
0xb8: {  	v3 =	vld [tilespmem:s5+$0x4EB0]  }
0xb9: {  	v4 =	vld [tilespmem:s5+$0x4EC0];
	v5 =	vpop (erf)  }
0xba: {  	v0 =	vmul.f32 v5, v0;
	v5 =	vld [tilespmem:s5+$0x4ED0];
	v6 =	vpop (erf)  }
0xbb: {  	v1 =	vmul.f32 v6, v1;
	v6 =	vld [tilespmem:s5+$0x4EE0];
	v7 =	vpop (erf)  }
0xbc: {  	s0 =	sshra.s32 s6, $0x2;
	[tilespmem:s5+$0x9D00] =	vst v0;
	v0 =	vmul.f32 v7, v2;
	v7 =	vld [tilespmem:s5+$0x4EF0];
	v2 =	vpop (erf)  }
0xbd: {  	v8 =	vld [tilespmem:s0+$0x9D00];
	[tilespmem:s5+$0x9D10] =	vst v1;
	v1 =	vmul.f32 v2, v3;
	v2 =	vpop (erf)  }
0xbe: {  	v9 =	vld [tilespmem:s0+$0x9D10];
	[tilespmem:s5+$0x9D20] =	vst v0;
	v2 =	vmul.f32 v2, v4;
	v3 =	vpop (erf)  }
.Ltmp5:
0xbf: {  	v0 =	vld [tilespmem:s0+$0x9D20];
	[tilespmem:s5+$0x9D30] =	vst v1;
	v3 =	vmul.f32 v3, v5;
	v4 =	vpop (erf);
	(pc) =	sbr.rel @p0 .LBB2_10-.Ltmp5, $4  }
0xc0: {  	v1 =	vld [tilespmem:s0+$0x9D30];
	[tilespmem:s5+$0x9D40] =	vst v2;
	v4 =	vmul.f32 v4, v6;
	v5 =	vpop (erf)  }
0xc1: {  	v2 =	vld [tilespmem:s0+$0x9D40];
	[tilespmem:s5+$0x9D50] =	vst v3;
	v5 =	vmul.f32 v5, v7  }
0xc2: {  	v3 =	vld [tilespmem:s0+$0x9D50];
	(erf) = vrcp.f32 v8;
	[tilespmem:s5+$0x9D60] =	vst v4  }
0xc3: {  	s6 =	sadd.s32 $0x200, s6;
	v4 =	vld [tilespmem:s0+$0x9D60];
	(erf) = vrcp.f32 v9;
	[tilespmem:s5+$0x9D70] =	vst v5;
	s5 =	smov.u32 s0  }
0xc4: {  	v5 =	vld [tilespmem:s5+$0x9D70];
	(erf) = vrcp.f32 v0  }
0xc5: {  	(erf) = vrcp.f32 v1  }
0xc6: {  	(erf) = vrcp.f32 v2  }
0xc7: {  	v44 =	vld [tilespmem:s5+$0x4E80];
	(erf) = vrcp.f32 v3  }
0xc8: {  	v45 =	vld [tilespmem:s5+$0x4E90];
	(erf) = vrcp.f32 v4  }
0xc9: {  	v46 =	vld [tilespmem:s5+$0x4EA0];
	(erf) = vrcp.f32 v5  }
0xca: {  	v47 =	vld [tilespmem:s5+$0x4EB0]  }
0xcb: {  	v48 =	vld [tilespmem:s5+$0x4EC0];
	v49 =	vpop (erf)  }
0xcc: {  	v50 =	vld [tilespmem:s5+$0x4ED0];
	v0 =	vmul.f32 v49, v44;
	v6 =	vpop (erf)  }
0xcd: {  	v7 =	vld [tilespmem:s5+$0x4EE0];
	v1 =	vmul.f32 v6, v45;
	v51 =	vpop (erf)  }
0xce: {  	v53 =	vld [tilespmem:s5+$0x4EF0];
	[tilespmem:s5+$0x9D00] =	vst v0;
	v52 =	vmul.f32 v51, v46;
	v54 =	vpop (erf)  }
0xcf: {  	[tilespmem:s5+$0x9D10] =	vst v1;
	v55 =	vmul.f32 v54, v47;
	v56 =	vpop (erf)  }
0xd0: {  	[tilespmem:s5+$0x9D20] =	vst v52;
	v57 =	vmul.f32 v56, v48;
	v58 =	vpop (erf)  }
0xd1: {  	[tilespmem:s5+$0x9D30] =	vst v55;
	v59 =	vmul.f32 v58, v50;
	v60 =	vpop (erf)  }
0xd2: {  	[tilespmem:s5+$0x9D40] =	vst v57;
	v61 =	vmul.f32 v60, v7;
	v62 =	vpop (erf)  }
0xd3: {  	[tilespmem:s5+$0x9D50] =	vst v59;
	v63 =	vmul.f32 v62, v53  }
0xd4: {  	s2 =	sadd.s32 s4, s20;
	s4 =	simm.s32 $0x0;
	[tilespmem:s5+$0x9D60] =	vst v61  }
0xd5: {  	s6 =	simm.s32 $0x9D00;
	s0 =	sadd.s32 $0x0, s2;
	[tilespmem:s5+$0x9D70] =	vst v63;
	s5 =	simm.s32 $0x1  }
0xd6: {  	[hbm4b:s0+s4] =	stream.linear.scatter [tilespmem:s6], [sflag:$0x1], $0x80, $0x38;
	[tilespmem:$0x14580] =	vst v63  }
0xd7: {  	_ =	swait.ge [sflag:s5], $0x80  }
0xd8: {  	s7 =	simm.s32 $0x10;
	[sflag:s5] =	ssyncset.done $0x0  }
.LBB2_12:
0xd9: {  	s0 =	sadd.s32 s7, s2  }
0xda: {  	[sflag:s5] =	ssyncadd.s32 $0xFFFFFF80;
	s6 =	sadd.s32 $0x80, s6;
	p0 =	sne.s32 s7, $0x9B0  }
0xdb: {  	[hbm4b:s0+s4] =	stream.linear.scatter [tilespmem:s6], [sflag:$0x1], $0x80, $0x38;
	[tilespmem:$0x14580] =	vst v63  }
.Ltmp6:
0xdc: {  	_ = 	snop;
	(pc) =	sbr.rel @p0 .LBB2_12-.Ltmp6, $4  }
0xdd: {  	_ = 	snop  }
0xde: {  	s7 =	sadd.s32 $0x10, s7  }
0xdf: {  	_ =	swait.ge [sflag:s5], $0x80  }
0xe0: {  	[sflag:s5] =	ssyncset.done $0x0  }
0xe1: {  	[sflag:s5] =	ssyncadd.s32 $0xFFFFFF80;
	s0 =	simm.s32 $0x0  }
0xe2: {  	s1 =	simm.s32 $0xEB00;
	s2 =	rddreg [dreg:$0x4];
	s31 =	simm.s32 $0x1  }
0xe3: {  	[hbm4b:s2+s0] =	stream.linear.scatter [tilespmem:s1], [sflag:$0x1], $0x20, $0x38;
	[tilespmem:$0x14580] =	vst v63  }
0xe4: {  	_ =	swait.ge [sflag:s31], $0x20  }
0xe5: {  	[sflag:s31] =	ssyncset.done $0x0  }
0xe6: {  	[sflag:s31] =	ssyncadd.s32 $0xFFFFFFE0  }
0xe7: {  	s1 =	stileid.u32;
	s0 =	rddreg [dreg:$0x3]  }
.LBB2_14:
0xe8: {  	_ =	sfence.sel $0x180000  }
0xe9: {  	[bflag:$0x0] =	sbarrier.arrive $0xFFFF  }
0xea: {  	p0 =	sne.s32 s1, $0x0;
	_ =	strace $0x90000056  }
0xeb: {  	s0 =	sadd.s32 @!p0 $0x100000, s0;
	[bflag:$0x2] =	sbarrier.arrive $0xFFFF  }
0xec: {  	[sflag:s0] =	ssyncadd.tile.s32 @!p0 $0x1;
	_ =	shalt  }
.Lfunc_end2:
_tile_overlayer_lowered:
.L_overlay_start_2:
0xed: {  	(tag) =	ssettag $0x2  }
0xee: {  	s0 =	rddreg [dreg:$0x0];
	s2 =	stileid.u32  }
0xef: {  	s1 =	rddreg [dreg:$0x1];
	p0 =	sne.s32 s2, $0x0  }
0xf0: {  	s3 =	rddreg [dreg:$0x2];
	[bflag:$0x3] =	sbarrier.arrive $0xFFFF;
	s2 =	simm.s32 @!p0 $0x1C01  }
0xf1: {  	[timem:s3], [sflag:s2] =	dma.local @!p0 [hbm:s0], s1  }
0xf2: {  	s0 =	simm.s32 @!p0 $0x1  }
0xf3: {  	_ =	swait.ge @!p0 [sflag:s0], s1  }
0xf4: {  	s1 =	ssub.s32 @!p0 $0x0, s1;
	[sflag:s0] =	ssyncset.done @!p0 $0x0  }
0xf5: {  	[sflag:s0] =	ssyncadd.s32 @!p0 s1  }
0xf6: {  	[bflag:$0x3] =	sbarrier.arrive $0xFFFF  }
0xf7: {  	_ =	shalt  }

// kernel: kernel.9.cloned.1.call-start
scs
__scs_entry_jumppad:
0x0: {  	(pc) =	sbr.rel $0x88, $3  }
0x1: {  	(tag) =	ssettag $0x0;
	lr =	simm.s32 $0x1  }
0x2: {  	[smem:$0x3F95] =	sst lr;
	_ =	strace $0xD0000000  }
0x3: {  	_ = 	snop  }
0x4: {  	_ = 	snop  }
0x5: {  	_ = 	snop  }
0x6: {  	_ = 	snop  }
0x7: {  	_ = 	snop  }
__scs_overlays_trampoline_lowered:
0x8: {  	[smem:$0x3FA4] =	sst s0  }
0x9: {  	[smem:$0x3FA5] =	sst s1  }
0xa: {  	[smem:$0x3FA6] =	sst s2  }
0xb: {  	[smem:$0x3FA7] =	sst s3  }
0xc: {  	[smem:$0x3FA8] =	sst s4  }
0xd: {  	[smem:$0x3FA9] =	sst s5  }
0xe: {  	[smem:$0x3FAA] =	sst s6  }
0xf: {  	[smem:$0x3FAB] =	sst s7  }
0x10: {  	[smem:$0x3FAC] =	sst s8  }
0x11: {  	[smem:$0x3FAD] =	sst s9;
	s0 =	simm.s32 @!p0 $0x0  }
0x12: {  	s1 =	sld [smem:$0x3F93];
	s0 =	simm.s32 @p0 $0x1  }
0x13: {  	[smem:$0x3FAE] =	sst s0;
	s0 =	simm.s32 @!p1 $0x0  }
0x14: {  	s2 =	sld [smem:$0x3F92];
	s0 =	simm.s32 @p1 $0x1  }
0x15: {  	[smem:$0x3FAF] =	sst s0;
	s0 =	simm.s32 @!p2 $0x0  }
0x16: {  	s3 =	sld [smem:$0x3FDB];
	s0 =	simm.s32 @p2 $0x1  }
0x17: {  	s4 =	simm.s32 $0x1BF5;
	[smem:$0x3FB1] =	sst s0  }
0x18: {  	s0 =	sld [smem:$0x3F94];
	_ =	swait.ge [sflag:s4], $0x0  }
0x19: {  	s7 =	sld [smem:$0x3F95]  }
0x1a: {  	s8 =	sadd.s32 $0xFFFFE003, lr  }
0x1b: {  	s9 =	sadd.s32 $0xFFFFFEF7, lr;
	s5 =	simm.s32 $0xFFFFFFFF;
	p2 =	slt.u32 s8, $0xFFFFF086  }
0x1c: {  	p1 =	slt.u32 s9, $0xF7A;
	s5 =	simm.s32 @!p2 $0x0  }
0x1d: {  	s5 =	simm.s32 @p1 $0x1;
	p0 =	seq.s32 s7, s2  }
0x1e: {  	s7 =	smul.u32 @!p0 $0xF7A, s2;
	p2 =	seq.s32 @!p0 s5, $0x0  }
0x1f: {  	s9 =	smul.u32 $0xF7A, s1;
	s8 =	simm.s32 @!p0 $0x1BF5;
	p2 =	por !p2, p0  }
0x20: {  	[sflag:s8] =	ssyncset.s32 @!p0 $0xFFFFF086;
	s6 =	sadd.s32 @!p0 s3, s7;
	s7 =	simm.s32 @!p0 $0x108  }
0x21: {  	s3 =	sadd.s32 s3, s9;
	s6 =	sadd.s32 @!p0 $0x88, s6;
	s7 =	simm.s32 @p2 $0x1082  }
0x22: {  	[simem:s7], [sflag:s8] =	dma.local @!p0 [hbm:s6], $0xF7A  }
0x23: {  	s9 =	sor.u32 $0xD0000000, s2;
	s6 =	simm.s32 $0x108;
	_ =	swait.ge @!p0 [sflag:s8], $0x0  }
0x24: {  	s3 =	sadd.s32 $0x88, s3;
	s6 =	simm.s32 @!p1 $0x1082;
	[sflag:s4] =	ssyncset.s32 $0xFFFFF086  }
0x25: {  	[simem:s6], [sflag:s4] =	dma.local [hbm:s3], $0xF7A  }
0x26: {  	[smem:$0x3F95] =	sst s1;
	(tag) =	ssettag s2;
	_ =	strace s9  }
0x27: {  	s1 =	sld [smem:$0x3FA5]  }
0x28: {  	s2 =	sld [smem:$0x3FA6]  }
0x29: {  	s4 =	sld [smem:$0x3FA8]  }
0x2a: {  	p0 =	seq.s32 s5, $0x0;
	s5 =	sld [smem:$0x3FA9]  }
0x2b: {  	s6 =	sld [smem:$0x3FAA]  }
0x2c: {  	s7 =	sld [smem:$0x3FAB]  }
0x2d: {  	s3 =	simm.s32 $0x108;
	s8 =	sld [smem:$0x3FAC]  }
0x2e: {  	s3 =	simm.s32 @!p0 $0x1082;
	s9 =	sld [smem:$0x3FAD]  }
0x2f: {  	lr =	sadd.s32 s0, s3;
	s0 =	sld [smem:$0x3FA4]  }
0x30: {  	s3 =	sld [smem:$0x3FA7]  }
0x31: {  	[smem:$0x3FB0] =	sst s10  }
0x32: {  	s10 =	sld [smem:$0x3FAE];
	_ =	sdelay $0x3  }
0x33: {  	p0 =	seq.s32 s10, $0x1;
	s10 =	sld [smem:$0x3FB0];
	_ =	sdelay $0x3  }
0x34: {  	[smem:$0x3FB0] =	sst s10  }
0x35: {  	s10 =	sld [smem:$0x3FAF];
	_ =	sdelay $0x3  }
0x36: {  	p1 =	seq.s32 s10, $0x1;
	s10 =	sld [smem:$0x3FB0];
	_ =	sdelay $0x3  }
0x37: {  	[smem:$0x3FB0] =	sst s10  }
0x38: {  	s10 =	sld [smem:$0x3FB1]  }
0x39: {  	_ = 	snop;
	(pc) =	sbr.ind lr, $3  }
0x3a: {  	_ = 	snop  }
0x3b: {  	_ = 	snop  }
0x3c: {  	p2 =	seq.s32 s10, $0x1;
	s10 =	sld [smem:$0x3FB0]  }
0x3d: {  	_ =	shalt  }
0x3e: {  	_ =	shalt  }
0x3f: {  	_ =	shalt  }
0x40: {  	_ =	shalt  }
0x41: {  	_ =	shalt  }
0x42: {  	_ =	shalt  }
0x43: {  	_ =	shalt  }
0x44: {  	_ =	shalt  }
0x45: {  	_ =	shalt  }
0x46: {  	_ =	shalt  }
0x47: {  	_ =	shalt  }
0x48: {  	_ =	shalt  }
0x49: {  	_ =	shalt  }
0x4a: {  	_ =	shalt  }
0x4b: {  	_ =	shalt  }
0x4c: {  	_ =	shalt  }
0x4d: {  	_ =	shalt  }
0x4e: {  	_ =	shalt  }
0x4f: {  	_ =	shalt  }
0x50: {  	_ =	shalt  }
0x51: {  	_ =	shalt  }
0x52: {  	_ =	shalt  }
0x53: {  	_ =	shalt  }
0x54: {  	_ =	shalt  }
0x55: {  	_ =	shalt  }
0x56: {  	_ =	shalt  }
0x57: {  	_ =	shalt  }
0x58: {  	_ =	shalt  }
0x59: {  	_ =	shalt  }
0x5a: {  	_ =	shalt  }
0x5b: {  	_ =	shalt  }
0x5c: {  	_ =	shalt  }
0x5d: {  	_ =	shalt  }
0x5e: {  	_ =	shalt  }
0x5f: {  	_ =	shalt  }
0x60: {  	_ =	shalt  }
0x61: {  	_ =	shalt  }
0x62: {  	_ =	shalt  }
0x63: {  	_ =	shalt  }
0x64: {  	_ =	shalt  }
0x65: {  	_ =	shalt  }
0x66: {  	_ =	shalt  }
0x67: {  	_ =	shalt  }
0x68: {  	_ =	shalt  }
0x69: {  	_ =	shalt  }
0x6a: {  	_ =	shalt  }
0x6b: {  	_ =	shalt  }
0x6c: {  	_ =	shalt  }
0x6d: {  	_ =	shalt  }
0x6e: {  	_ =	shalt  }
0x6f: {  	_ =	shalt  }
0x70: {  	_ =	shalt  }
0x71: {  	_ =	shalt  }
0x72: {  	_ =	shalt  }
0x73: {  	_ =	shalt  }
0x74: {  	_ =	shalt  }
0x75: {  	_ =	shalt  }
0x76: {  	_ =	shalt  }
0x77: {  	_ =	shalt  }
0x78: {  	_ =	shalt  }
0x79: {  	_ =	shalt  }
0x7a: {  	_ =	shalt  }
0x7b: {  	_ =	shalt  }
0x7c: {  	_ =	shalt  }
0x7d: {  	_ =	shalt  }
0x7e: {  	_ =	shalt  }
0x7f: {  	_ =	shalt  }
0x80: {  	_ =	shalt  }
0x81: {  	_ =	shalt  }
0x82: {  	_ =	shalt  }
0x83: {  	_ =	shalt  }
0x84: {  	_ =	shalt  }
0x85: {  	_ =	shalt  }
0x86: {  	_ =	shalt  }
0x87: {  	_ =	shalt  }
.Lfunc_end0:
.L_simem_size_0:
called_computation.2_lowered:
.L_overlay_start_0:
0x88: {  	s2 =	sld [smem:$0x3FD9]  }
0x89: {  	s3 =	sld [smem:$0x3FFE];
	_ =	sdelay $0x1  }
0x8a: {  	s1 =	srdreg.scid  }
0x8b: {  	s0 =	sand.u32 $0x1, s1  }
0x8c: {  	s16 =	sshll.u32 s0, $0xA;
	s2 =	sadd.s32 s3, s2  }
0x8d: {  	s2 =	sadd.s32 s2, s16  }
0x8e: {  	[smem:$0x3FBC] =	sst s2  }
0x8f: {  	_ = 	snop  }
0x90: {  	(tm) =	ssettm $0x1  }
0x91: {  	s17 =	sld [smem:$0x3FFB];
	_ =	sdelay $0x3  }
0x92: {  	_ =	strace s17  }
0x93: {  	s2 =	sld [smem:$0x3FFC];
	_ =	sdelay $0x3  }
0x94: {  	_ =	strace s2  }
0x95: {  	s2 =	sld [smem:$0x3FFD];
	_ =	sdelay $0x3  }
0x96: {  	_ =	strace s2  }
0x97: {  	_ =	strace $0x8FFFFFFF  }
0x98: {  	s18 =	sld [smem:$0x3FDB];
	_ =	sdelay $0x1  }
0x99: {  	s19 =	simm.s32 $_scs_section_size  }
0x9a: {  	s4 =	simm.s32 $_size__tile_overlayer_lowered;
	s5 =	simm.s32 $_tile_overlayer_lowered  }
0x9b: {  	s22 =	simm.s32 $0x1BFF;
	s21 =	sshll.u32 s5, $0x1;
	s2 =	sadd.s32 s19, s18  }
0x9c: {  	s6 =	simm.s32 $0x0;
	s20 =	sshll.u32 s4, $0x1;
	s4 =	sadd.s32 s21, s2  }
0x9d: {  	[timem:s6], [sflag:s22] =	dma.local [hbm:s4], s20  }
0x9e: {  	_ =	swait.ge [sflag:s22], s20  }
0x9f: {  	s3 =	ssub.s32 $0x0, s20;
	[sflag:s22] =	ssyncset.done $0x0  }
0xa0: {  	[sflag:s22] =	ssyncadd.s32 s3;
	_ =	sdelay $0x1  }
0xa1: {  	s23 =	simm.s32 $0x1B8B  }
0xa2: {  	_ =	swait.ge [sflag:s23], $0x1  }
0xa3: {  	[sflag:s23] =	ssyncset.done $0x0  }
0xa4: {  	s25 =	simm.s32 $0x1B8E;
	s24 =	sld [smem:$0x3FFE];
	[sflag:s23] =	ssyncadd.s32 $0xFFFFFFFF  }
0xa5: {  	s26 =	simm.s32 $execute0_lowered;
	[smem:$0x3FD2] =	sst s25  }
0xa6: {  	s4 =	sshll.u32 s26, $0x1;
	_ =	strace $0x80000046;
	[dreg:$0x1] =	wrdreg $0xFFFFFFFF  }
0xa7: {  	s28 =	simm.s32 $_size_execute0_lowered;
	s2 =	sadd.s32 s2, s4;
	[dreg:$0x0] =	wrdreg $0x0  }
0xa8: {  	s4 =	sshll.u32 s28, $0x1;
	[dreg:$0x2] =	wrdreg s2  }
0xa9: {  	[dreg:$0x3] =	wrdreg s4  }
0xaa: {  	[dreg:$0x4] =	wrdreg $0xC0  }
0xab: {  	_ =	task [dreg:s6], $0x5FFFF  }
0xac: {  	[dreg:$0x1] =	wrdreg $0xFFFFFFFF  }
0xad: {  	[dreg:$0x0] =	wrdreg $0x60  }
0xae: {  	[dreg:$0x2] =	wrdreg s24  }
0xaf: {  	[dreg:$0x3] =	wrdreg $0x9  }
0xb0: {  	_ =	task.clear_ibuf [dreg:s6], $0x4FFFF;
	_ =	strace $0x90000046  }
0xb1: {  	s29 =	simm.s32 $0x9;
	_ =	strace $0x80000048  }
0xb2: {  	_ =	swait.ge [sflag:s29], $0x1  }
0xb3: {  	[sflag:s29] =	ssyncadd.s32 $0xFFFFFFFF  }
0xb4: {  	_ =	strace $0x90000048  }
0xb5: {  	_ =	sfence  }
0xb6: {  	s30 =	sld [smem:$0x0];
	_ =	sdelay $0x2  }
0xb7: {  	s31 =	sshll.u32 s1, $0xD;
	s1 =	sshrl.u32 s1, $0x2  }
0xb8: {  	s3 =	sand.u32 $0x4000, s31;
	s1 =	sadd.s32 s1, s30  }
0xb9: {  	s0 =	sor.u32 s3, s0;
	s1 =	sshll.u32 s1, $0x11  }
0xba: {  	s0 =	sor.u32 s1, s0  }
0xbb: {  	s0 =	sadd.s32 $0x8F2B, s0  }
0xbc: {  	[sflag:s0] =	ssyncadd.remote.s32 $0x1  }
0xbd: {  	_ =	sfence.sel $0xFFFF  }
0xbe: {  	[dreg:$0x0] =	wrdreg $0xFFFFFFFF;
	(pc) =	sbr.abs _section_cstart, $3  }
0xbf: {  	[dreg:$0x1] =	wrdreg $0xFFFFFFFF  }
0xc0: {  	_ =	task.clear_ibuf [dreg:s6], $0x2FFFF;
	_ =	strace $0x9FFFFFFF  }
0xc1: {  	(tm) =	ssettm $0x7FFFFFFF  }
tec
execute0_lowered:
.L_overlay_start_1:
0x0: {  	(tag) =	ssettag $0x1  }
0x1: {  	s3 =	rddreg [dreg:$0x0]  }
0x2: {  	s0 =	rddreg [dreg:$0x1];
	s4 =	srdreg.scid  }
0x3: {  	s1 =	stileid.u32;
	s2 =	simm.s32 $0x0;
	s11 =	simm.s32 $0x4E80  }
0x4: {  	s12 =	simm.s32 $0x80;
	s13 =	simm.s32 $0x0;
	s4 =	sand.u32 $0x1, s4  }
0x5: {  	s5 =	sshll.u32 s1, $0x1;
	[smem:$0x7FF] =	sst s2;
	s6 =	smul.u32 $0x4E20, s1  }
0x6: {  	s7 =	sadd.s32 $0x4E3C00, s3;
	s5 =	sor.u32 s4, s5;
	s9 =	smul.u32 $0x2710, s4  }
0x7: {  	s8 =	sadd.s32 $0x4F7800, s3;
	s4 =	ssub.s32 $0x2, s4;
	s5 =	smul.u32 $0x2710, s5  }
0x8: {  	s3 =	sadd.s32 $0x501600, s3;
	_ =	strace $0x80000047;
	s10 =	sshrl.u32 s4, $0x1  }
0x9: {  	s6 =	sadd.s32 s9, s6;
	s30 =	ssub.s32 s4, s10;
	s5 =	sshrl.u32 s5, $0x3  }
0xa: {  	s9 =	simm.s32 $0x1;
	s10 =	simm.s32 $0x2700;
	s5 =	sadd.s32 $0x4E0, s5  }
0xb: {  	s31 =	sshrl.u32 s6, $0x3;
	s6 =	smax.u32 s30, $0x1;
	s4 =	sadd.s32 s7, s5  }
0xc: {  	v0 =	vimm.s32 $0x5F5E100;
	s5 =	sadd.s32 s8, s5;
	s7 =	sadd.s32 s31, s7;
	s8 =	sadd.s32 s31, s8  }
.LBB2_1:
0xd: {  	s14 =	sadd.s32 $0x0, s7  }
0xe: {  	[tilespmem:s2], [sflag:$0x1] =	stream.linear.gather [hbm4b:s14+s2], $0x80, $0x38;
	[tilespmem:$0x4F00] =	vst v63  }
0xf: {  	_ =	swait.ge [sflag:s9], $0x80  }
0x10: {  	s15 =	simm.s32 $0x0;
	s14 =	simm.s32 $0x10;
	[sflag:s9] =	ssyncset.done $0x0  }
.LBB2_2:
0x11: {  	s16 =	sadd.s32 s14, s7  }
0x12: {  	[sflag:s9] =	ssyncadd.s32 $0xFFFFFF80;
	s15 =	sadd.s32 $0x80, s15;
	p0 =	sne.s32 s14, $0x4D0  }
0x13: {  	[tilespmem:s15], [sflag:$0x1] =	stream.linear.gather [hbm4b:s16+s2], $0x80, $0x38;
	[tilespmem:$0x4F00] =	vst v63  }
.Ltmp0:
0x14: {  	_ = 	snop;
	(pc) =	sbr.rel @p0 .LBB2_2-.Ltmp0, $4  }
0x15: {  	_ = 	snop  }
0x16: {  	s14 =	sadd.s32 $0x10, s14  }
0x17: {  	_ =	swait.ge [sflag:s9], $0x80  }
0x18: {  	[sflag:s9] =	ssyncset.done $0x0  }
0x19: {  	[sflag:s9] =	ssyncadd.s32 $0xFFFFFF80;
	s14 =	simm.s32 $0x0  }
0x1a: {  	[tilespmem:s10], [sflag:$0x1] =	stream.linear.gather [hbm4b:s4+s14], $0x10, $0x38;
	[tilespmem:$0x4F00] =	vst v63  }
0x1b: {  	_ =	swait.ge [sflag:s9], $0x10  }
0x1c: {  	[sflag:s9] =	ssyncset.done $0x0  }
0x1d: {  	s15 =	sadd.s32 $0x0, s8;
	s14 =	simm.s32 $0x2780;
	[sflag:s9] =	ssyncadd.s32 $0xFFFFFFF0  }
0x1e: {  	[tilespmem:s14], [sflag:$0x1] =	stream.linear.gather [hbm4b:s15+s2], $0x80, $0x38;
	[tilespmem:$0x4F00] =	vst v63  }
0x1f: {  	_ =	swait.ge [sflag:s9], $0x80  }
0x20: {  	s15 =	simm.s32 $0x10;
	[sflag:s9] =	ssyncset.done $0x0  }
.LBB2_4:
0x21: {  	s16 =	sadd.s32 s15, s8  }
0x22: {  	[sflag:s9] =	ssyncadd.s32 $0xFFFFFF80;
	s14 =	sadd.s32 $0x80, s14;
	p0 =	sne.s32 s15, $0x4D0  }
0x23: {  	[tilespmem:s14], [sflag:$0x1] =	stream.linear.gather [hbm4b:s16+s2], $0x80, $0x38;
	[tilespmem:$0x4F00] =	vst v63  }
.Ltmp1:
0x24: {  	_ = 	snop;
	(pc) =	sbr.rel @p0 .LBB2_4-.Ltmp1, $4  }
0x25: {  	_ = 	snop  }
0x26: {  	s15 =	sadd.s32 $0x10, s15  }
0x27: {  	_ =	swait.ge [sflag:s9], $0x80  }
0x28: {  	[sflag:s9] =	ssyncset.done $0x0  }
0x29: {  	[sflag:s9] =	ssyncadd.s32 $0xFFFFFF80;
	s14 =	simm.s32 $0x0  }
0x2a: {  	[tilespmem:s11], [sflag:$0x1] =	stream.linear.gather [hbm4b:s5+s14], $0x10, $0x38;
	[tilespmem:$0x4F00] =	vst v63  }
0x2b: {  	_ =	swait.ge [sflag:s9], $0x10  }
0x2c: {  	[sflag:s9] =	ssyncset.done $0x0  }
0x2d: {  	[sflag:s9] =	ssyncadd.s32 $0xFFFFFFF0  }
0x2e: {  	[tilespmem:$0x2710] =	vst v0  }
0x2f: {  	[tilespmem:$0x2720] =	vst v0  }
0x30: {  	[tilespmem:$0x2730] =	vst v0  }
0x31: {  	[tilespmem:$0x2740] =	vst v0  }
0x32: {  	[tilespmem:$0x2750] =	vst v0  }
0x33: {  	[tilespmem:$0x2760] =	vst v0  }
0x34: {  	s31 =	simm.s32 $0x0;
	s15 =	simm.s32 $0x2780;
	[tilespmem:$0x2770] =	vst v0  }
0x35: {  	[hbm4b:s3+s12] =	stream.indirect.scatter [tilespmem:s15], [sflag:$0x1], $0x1, s31, s12, $0xb8;
	[tilespmem:$0x4F00] =	vst v63  }
0x36: {  	s14 =	simm.s32 $0x200;
	_ =	swait.ge [sflag:s9], $0x80  }
.LBB2_6:
0x37: {  	s15 =	sshra.s32 s14, $0x2;
	[sflag:s9] =	ssyncset.done $0x0;
	p0 =	sne.s32 s14, $0x9C00  }
.Ltmp2:
0x38: {  	s16 =	sadd.s32 $0x2780, s15;
	[sflag:s9] =	ssyncadd.s32 $0xFFFFFF80;
	(pc) =	sbr.rel @p0 .LBB2_6-.Ltmp2, $3  }
0x39: {  	[hbm4b:s3+s12] =	stream.indirect.scatter [tilespmem:s16], [sflag:$0x1], $0x1, s15, s12, $0xb8;
	[tilespmem:$0x4F00] =	vst v63  }
0x3a: {  	s14 =	sadd.s32 $0x200, s14;
	_ =	sdelay $0x1  }
0x3b: {  	_ =	swait.ge [sflag:s9], $0x80  }
0x3c: {  	s13 =	sadd.s32 $0x1, s13  }
0x3d: {  	p0 =	sne.s32 s13, s6  }
.Ltmp3:
0x3e: {  	_ = 	snop;
	(pc) =	sbr.rel @p0 .LBB2_1-.Ltmp3, $3  }
0x3f: {  	_ =	sdelay $0x1  }
0x40: {  	[sflag:s9] =	ssyncset.done $0x0  }
0x41: {  	[sflag:s9] =	ssyncadd.s32 $0xFFFFFF80  }
0x42: {  	_ =	sfence.sel $0x180000  }
0x43: {  	[bflag:$0x0] =	sbarrier.arrive $0xFFFF  }
0x44: {  	p0 =	sne.s32 s1, $0x0;
	_ =	strace $0x90000047  }
0x45: {  	s0 =	sadd.s32 @!p0 $0x100000, s0;
	[bflag:$0x2] =	sbarrier.arrive $0xFFFF  }
0x46: {  	[sflag:s0] =	ssyncadd.tile.s32 @!p0 $0x1;
	_ =	shalt  }
.Lfunc_end2:
_tile_overlayer_lowered:
.L_overlay_start_2:
0x47: {  	(tag) =	ssettag $0x2  }
0x48: {  	s0 =	rddreg [dreg:$0x0];
	s2 =	stileid.u32  }
0x49: {  	s1 =	rddreg [dreg:$0x1];
	p0 =	sne.s32 s2, $0x0  }
0x4a: {  	s3 =	rddreg [dreg:$0x2];
	[bflag:$0x3] =	sbarrier.arrive $0xFFFF;
	s2 =	simm.s32 @!p0 $0x1C01  }
0x4b: {  	[timem:s3], [sflag:s2] =	dma.local @!p0 [hbm:s0], s1  }
0x4c: {  	s0 =	simm.s32 @!p0 $0x1  }
0x4d: {  	_ =	swait.ge @!p0 [sflag:s0], s1  }
0x4e: {  	s1 =	ssub.s32 @!p0 $0x0, s1;
	[sflag:s0] =	ssyncset.done @!p0 $0x0  }
0x4f: {  	[sflag:s0] =	ssyncadd.s32 @!p0 s1  }
0x50: {  	[bflag:$0x3] =	sbarrier.arrive $0xFFFF  }
0x51: {  	_ =	shalt  }

// kernel: scatter_offload_async_start
scs
__scs_entry_jumppad:
0x0: {  	(pc) =	sbr.rel $0x88, $3  }
0x1: {  	(tag) =	ssettag $0x0;
	lr =	simm.s32 $0x1  }
0x2: {  	[smem:$0x3F95] =	sst lr;
	_ =	strace $0xD0000000  }
0x3: {  	_ = 	snop  }
0x4: {  	_ = 	snop  }
0x5: {  	_ = 	snop  }
0x6: {  	_ = 	snop  }
0x7: {  	_ = 	snop  }
__scs_overlays_trampoline_lowered:
0x8: {  	[smem:$0x3FA4] =	sst s0  }
0x9: {  	[smem:$0x3FA5] =	sst s1  }
0xa: {  	[smem:$0x3FA6] =	sst s2  }
0xb: {  	[smem:$0x3FA7] =	sst s3  }
0xc: {  	[smem:$0x3FA8] =	sst s4  }
0xd: {  	[smem:$0x3FA9] =	sst s5  }
0xe: {  	[smem:$0x3FAA] =	sst s6  }
0xf: {  	[smem:$0x3FAB] =	sst s7  }
0x10: {  	[smem:$0x3FAC] =	sst s8  }
0x11: {  	[smem:$0x3FAD] =	sst s9;
	s0 =	simm.s32 @!p0 $0x0  }
0x12: {  	s1 =	sld [smem:$0x3F93];
	s0 =	simm.s32 @p0 $0x1  }
0x13: {  	[smem:$0x3FAE] =	sst s0;
	s0 =	simm.s32 @!p1 $0x0  }
0x14: {  	s2 =	sld [smem:$0x3F92];
	s0 =	simm.s32 @p1 $0x1  }
0x15: {  	[smem:$0x3FAF] =	sst s0;
	s0 =	simm.s32 @!p2 $0x0  }
0x16: {  	s3 =	sld [smem:$0x3FDB];
	s0 =	simm.s32 @p2 $0x1  }
0x17: {  	s4 =	simm.s32 $0x1BF5;
	[smem:$0x3FB1] =	sst s0  }
0x18: {  	s0 =	sld [smem:$0x3F94];
	_ =	swait.ge [sflag:s4], $0x0  }
0x19: {  	s7 =	sld [smem:$0x3F95]  }
0x1a: {  	s8 =	sadd.s32 $0xFFFFE003, lr  }
0x1b: {  	s9 =	sadd.s32 $0xFFFFFEF7, lr;
	s5 =	simm.s32 $0xFFFFFFFF;
	p2 =	slt.u32 s8, $0xFFFFF086  }
0x1c: {  	p1 =	slt.u32 s9, $0xF7A;
	s5 =	simm.s32 @!p2 $0x0  }
0x1d: {  	s5 =	simm.s32 @p1 $0x1;
	p0 =	seq.s32 s7, s2  }
0x1e: {  	s7 =	smul.u32 @!p0 $0xF7A, s2;
	p2 =	seq.s32 @!p0 s5, $0x0  }
0x1f: {  	s9 =	smul.u32 $0xF7A, s1;
	s8 =	simm.s32 @!p0 $0x1BF5;
	p2 =	por !p2, p0  }
0x20: {  	[sflag:s8] =	ssyncset.s32 @!p0 $0xFFFFF086;
	s6 =	sadd.s32 @!p0 s3, s7;
	s7 =	simm.s32 @!p0 $0x108  }
0x21: {  	s3 =	sadd.s32 s3, s9;
	s6 =	sadd.s32 @!p0 $0x88, s6;
	s7 =	simm.s32 @p2 $0x1082  }
0x22: {  	[simem:s7], [sflag:s8] =	dma.local @!p0 [hbm:s6], $0xF7A  }
0x23: {  	s9 =	sor.u32 $0xD0000000, s2;
	s6 =	simm.s32 $0x108;
	_ =	swait.ge @!p0 [sflag:s8], $0x0  }
0x24: {  	s3 =	sadd.s32 $0x88, s3;
	s6 =	simm.s32 @!p1 $0x1082;
	[sflag:s4] =	ssyncset.s32 $0xFFFFF086  }
0x25: {  	[simem:s6], [sflag:s4] =	dma.local [hbm:s3], $0xF7A  }
0x26: {  	[smem:$0x3F95] =	sst s1;
	(tag) =	ssettag s2;
	_ =	strace s9  }
0x27: {  	s1 =	sld [smem:$0x3FA5]  }
0x28: {  	s2 =	sld [smem:$0x3FA6]  }
0x29: {  	s4 =	sld [smem:$0x3FA8]  }
0x2a: {  	p0 =	seq.s32 s5, $0x0;
	s5 =	sld [smem:$0x3FA9]  }
0x2b: {  	s6 =	sld [smem:$0x3FAA]  }
0x2c: {  	s7 =	sld [smem:$0x3FAB]  }
0x2d: {  	s3 =	simm.s32 $0x108;
	s8 =	sld [smem:$0x3FAC]  }
0x2e: {  	s3 =	simm.s32 @!p0 $0x1082;
	s9 =	sld [smem:$0x3FAD]  }
0x2f: {  	lr =	sadd.s32 s0, s3;
	s0 =	sld [smem:$0x3FA4]  }
0x30: {  	s3 =	sld [smem:$0x3FA7]  }
0x31: {  	[smem:$0x3FB0] =	sst s10  }
0x32: {  	s10 =	sld [smem:$0x3FAE];
	_ =	sdelay $0x3  }
0x33: {  	p0 =	seq.s32 s10, $0x1;
	s10 =	sld [smem:$0x3FB0];
	_ =	sdelay $0x3  }
0x34: {  	[smem:$0x3FB0] =	sst s10  }
0x35: {  	s10 =	sld [smem:$0x3FAF];
	_ =	sdelay $0x3  }
0x36: {  	p1 =	seq.s32 s10, $0x1;
	s10 =	sld [smem:$0x3FB0];
	_ =	sdelay $0x3  }
0x37: {  	[smem:$0x3FB0] =	sst s10  }
0x38: {  	s10 =	sld [smem:$0x3FB1]  }
0x39: {  	_ = 	snop;
	(pc) =	sbr.ind lr, $3  }
0x3a: {  	_ = 	snop  }
0x3b: {  	_ = 	snop  }
0x3c: {  	p2 =	seq.s32 s10, $0x1;
	s10 =	sld [smem:$0x3FB0]  }
0x3d: {  	_ =	shalt  }
0x3e: {  	_ =	shalt  }
0x3f: {  	_ =	shalt  }
0x40: {  	_ =	shalt  }
0x41: {  	_ =	shalt  }
0x42: {  	_ =	shalt  }
0x43: {  	_ =	shalt  }
0x44: {  	_ =	shalt  }
0x45: {  	_ =	shalt  }
0x46: {  	_ =	shalt  }
0x47: {  	_ =	shalt  }
0x48: {  	_ =	shalt  }
0x49: {  	_ =	shalt  }
0x4a: {  	_ =	shalt  }
0x4b: {  	_ =	shalt  }
0x4c: {  	_ =	shalt  }
0x4d: {  	_ =	shalt  }
0x4e: {  	_ =	shalt  }
0x4f: {  	_ =	shalt  }
0x50: {  	_ =	shalt  }
0x51: {  	_ =	shalt  }
0x52: {  	_ =	shalt  }
0x53: {  	_ =	shalt  }
0x54: {  	_ =	shalt  }
0x55: {  	_ =	shalt  }
0x56: {  	_ =	shalt  }
0x57: {  	_ =	shalt  }
0x58: {  	_ =	shalt  }
0x59: {  	_ =	shalt  }
0x5a: {  	_ =	shalt  }
0x5b: {  	_ =	shalt  }
0x5c: {  	_ =	shalt  }
0x5d: {  	_ =	shalt  }
0x5e: {  	_ =	shalt  }
0x5f: {  	_ =	shalt  }
0x60: {  	_ =	shalt  }
0x61: {  	_ =	shalt  }
0x62: {  	_ =	shalt  }
0x63: {  	_ =	shalt  }
0x64: {  	_ =	shalt  }
0x65: {  	_ =	shalt  }
0x66: {  	_ =	shalt  }
0x67: {  	_ =	shalt  }
0x68: {  	_ =	shalt  }
0x69: {  	_ =	shalt  }
0x6a: {  	_ =	shalt  }
0x6b: {  	_ =	shalt  }
0x6c: {  	_ =	shalt  }
0x6d: {  	_ =	shalt  }
0x6e: {  	_ =	shalt  }
0x6f: {  	_ =	shalt  }
0x70: {  	_ =	shalt  }
0x71: {  	_ =	shalt  }
0x72: {  	_ =	shalt  }
0x73: {  	_ =	shalt  }
0x74: {  	_ =	shalt  }
0x75: {  	_ =	shalt  }
0x76: {  	_ =	shalt  }
0x77: {  	_ =	shalt  }
0x78: {  	_ =	shalt  }
0x79: {  	_ =	shalt  }
0x7a: {  	_ =	shalt  }
0x7b: {  	_ =	shalt  }
0x7c: {  	_ =	shalt  }
0x7d: {  	_ =	shalt  }
0x7e: {  	_ =	shalt  }
0x7f: {  	_ =	shalt  }
0x80: {  	_ =	shalt  }
0x81: {  	_ =	shalt  }
0x82: {  	_ =	shalt  }
0x83: {  	_ =	shalt  }
0x84: {  	_ =	shalt  }
0x85: {  	_ =	shalt  }
0x86: {  	_ =	shalt  }
0x87: {  	_ =	shalt  }
.Lfunc_end0:
.L_simem_size_0:
called_computation_lowered:
.L_overlay_start_0:
0x88: {  	s2 =	sld [smem:$0x3FD9]  }
0x89: {  	s3 =	sld [smem:$0x3FFE];
	_ =	sdelay $0x1  }
0x8a: {  	s1 =	srdreg.scid  }
0x8b: {  	s0 =	sand.u32 $0x1, s1  }
0x8c: {  	s16 =	sshll.u32 s0, $0xA;
	s2 =	sadd.s32 s3, s2  }
0x8d: {  	s2 =	sadd.s32 s2, s16  }
0x8e: {  	[smem:$0x3FBC] =	sst s2  }
0x8f: {  	_ = 	snop  }
0x90: {  	s2 =	sld [smem:$0x3FC7];
	(tm) =	ssettm $0x1  }
0x91: {  	s17 =	sld [smem:$0x3FFB];
	_ =	sdelay $0x3  }
0x92: {  	_ =	strace s17  }
0x93: {  	s3 =	sld [smem:$0x3FFC];
	_ =	sdelay $0x3  }
0x94: {  	_ =	strace s3  }
0x95: {  	s3 =	sld [smem:$0x3FFD];
	_ =	sdelay $0x3  }
0x96: {  	_ =	strace s3  }
0x97: {  	_ =	strace $0x8FFFFFFF  }
0x98: {  	s18 =	sld [smem:$0x3FDB];
	_ =	sdelay $0x1  }
0x99: {  	s4 =	simm.s32 $_scs_section_size  }
0x9a: {  	s5 =	simm.s32 $_size__tile_overlayer_lowered;
	s6 =	simm.s32 $_tile_overlayer_lowered  }
0x9b: {  	s21 =	simm.s32 $0x1BFF;
	s20 =	sshll.u32 s6, $0x1;
	s3 =	sadd.s32 s4, s18  }
0x9c: {  	s7 =	simm.s32 $0x0;
	s19 =	sshll.u32 s5, $0x1;
	s5 =	sadd.s32 s20, s3  }
0x9d: {  	[timem:s7], [sflag:s21] =	dma.local [hbm:s5], s19  }
0x9e: {  	_ =	swait.ge [sflag:s21], s19  }
0x9f: {  	s4 =	ssub.s32 $0x0, s19;
	[sflag:s21] =	ssyncset.done $0x0  }
0xa0: {  	[sflag:s21] =	ssyncadd.s32 s4;
	_ =	sdelay $0x1  }
0xa1: {  	s22 =	simm.s32 $0x1B8B  }
0xa2: {  	_ =	swait.ge [sflag:s22], $0x1  }
0xa3: {  	[sflag:s22] =	ssyncset.done $0x0  }
0xa4: {  	s23 =	sld [smem:$0x3FFE];
	[sflag:s22] =	ssyncadd.s32 $0xFFFFFFFF  }
0xa5: {  	s25 =	simm.s32 $0x1B8E;
	s24 =	sld [smem:$0x0]  }
0xa6: {  	s26 =	simm.s32 $execute0_lowered;
	[smem:$0x3FD2] =	sst s25  }
0xa7: {  	s6 =	sshll.u32 s26, $0x1;
	_ =	strace $0x8000004C;
	[dreg:$0x1] =	wrdreg $0xFFFFFFFF  }
0xa8: {  	s28 =	simm.s32 $_size_execute0_lowered;
	s3 =	sadd.s32 s3, s6;
	[dreg:$0x0] =	wrdreg $0x0  }
0xa9: {  	s6 =	sshll.u32 s28, $0x1;
	[dreg:$0x2] =	wrdreg s3  }
0xaa: {  	[dreg:$0x3] =	wrdreg s6  }
0xab: {  	[dreg:$0x4] =	wrdreg $0xC0  }
0xac: {  	_ =	task [dreg:s7], $0x5FFFF  }
0xad: {  	[dreg:$0x1] =	wrdreg $0xFFFFFFFF  }
0xae: {  	[dreg:$0x0] =	wrdreg $0x60  }
0xaf: {  	[dreg:$0x2] =	wrdreg s23  }
0xb0: {  	[dreg:$0x3] =	wrdreg s2  }
0xb1: {  	[dreg:$0x4] =	wrdreg s1  }
0xb2: {  	[dreg:$0x5] =	wrdreg s24  }
0xb3: {  	[dreg:$0x6] =	wrdreg $0x9  }
0xb4: {  	_ =	task.clear_ibuf [dreg:s7], $0x7FFFF;
	_ =	strace $0x9000004C  }
0xb5: {  	s29 =	simm.s32 $0x9;
	_ =	strace $0x8000004E  }
0xb6: {  	_ =	swait.ge [sflag:s29], $0x1  }
0xb7: {  	[sflag:s29] =	ssyncadd.s32 $0xFFFFFFFF  }
0xb8: {  	_ =	strace $0x9000004E  }
0xb9: {  	_ =	sfence  }
0xba: {  	s30 =	sld [smem:$0x0];
	_ =	sdelay $0x2  }
0xbb: {  	s31 =	sshll.u32 s1, $0xD;
	s1 =	sshrl.u32 s1, $0x2  }
0xbc: {  	s3 =	sand.u32 $0x4000, s31;
	s1 =	sadd.s32 s1, s30  }
0xbd: {  	s0 =	sor.u32 s3, s0;
	s1 =	sshll.u32 s1, $0x11  }
0xbe: {  	s0 =	sor.u32 s1, s0  }
0xbf: {  	s0 =	sadd.s32 $0x8F2B, s0  }
0xc0: {  	[sflag:s0] =	ssyncadd.remote.s32 $0x1  }
0xc1: {  	_ =	sfence.sel $0xFFFF  }
0xc2: {  	[dreg:$0x0] =	wrdreg $0xFFFFFFFF;
	(pc) =	sbr.abs _section_cstart, $3  }
0xc3: {  	[dreg:$0x1] =	wrdreg $0xFFFFFFFF  }
0xc4: {  	_ =	task.clear_ibuf [dreg:s7], $0x2FFFF;
	_ =	strace $0x9FFFFFFF  }
0xc5: {  	(tm) =	ssettm $0x7FFFFFFF  }
tec
execute0_lowered:
.L_overlay_start_1:
0x0: {  	(tag) =	ssettag $0x1  }
0x1: {  	s2 =	rddreg [dreg:$0x0]  }
0x2: {  	s9 =	rddreg [dreg:$0x1]  }
0x3: {  	s3 =	rddreg [dreg:$0x2];
	_ =	strace $0x8000004D;
	s0 =	simm.s32 $0x1  }
0x4: {  	v0 =	vimm.s32 $0x0;
	[sflag:s0] =	ssyncpa.u1 $0x0;
	s0 =	simm.s32 $0x108  }
0x5: {  	[tilespmem:s0+$0x70] =	vst v0  }
0x6: {  	[tilespmem:s0+$0x60] =	vst v0  }
0x7: {  	[tilespmem:s0+$0x50] =	vst v0  }
0x8: {  	[tilespmem:s0+$0x40] =	vst v0  }
0x9: {  	[tilespmem:s0+$0x30] =	vst v0  }
0xa: {  	s1 =	sadd.s32 $0x50B400, s2;
	s15 =	sadd.s32 $0x4E3C00, s2;
	[tilespmem:s0+$0x20] =	vst v0  }
0xb: {  	s14 =	sadd.s32 $0x501600, s2;
	s5 =	sand.u32 $0x1, s3;
	s3 =	simm.s32 $0x40;
	[tilespmem:s0+$0x10] =	vst v0  }
.LBB2_1:
0xc: {  	s3 =	sadd.s32 $0x40, s3;
	[tilespmem:s0+$0x0] =	vst v0;
	s0 =	sadd.s32 $0x80, s0  }
0xd: {  	p0 =	slt.u32 s3, $0x3C40;
	[tilespmem:s0+$0x70] =	vst v0  }
0xe: {  	[tilespmem:s0+$0x60] =	vst v0  }
.Ltmp0:
0xf: {  	[tilespmem:s0+$0x50] =	vst v0;
	(pc) =	sbr.rel @p0 .LBB2_1-.Ltmp0, $4  }
0x10: {  	[tilespmem:s0+$0x40] =	vst v0  }
0x11: {  	[tilespmem:s0+$0x30] =	vst v0  }
0x12: {  	[tilespmem:s0+$0x20] =	vst v0  }
0x13: {  	[tilespmem:s0+$0x10] =	vst v0  }
0x14: {  	s6 =	stileid.u32  }
0x15: {  	s2 =	smul.u32 $0x29, s6  }
0x16: {  	s3 =	smin.u32 s6, $0xB  }
0x17: {  	s2 =	sadd.s32 s3, s2  }
0x18: {  	p0 =	slt.u32 s6, $0xB;
	s7 =	smul.u32 $0xF0, s2;
	s2 =	simm.s32 $0x2760  }
0x19: {  	s2 =	simm.s32 @!p0 $0x2670  }
0x1a: {  	s2 =	sadd.s32 s2, s7  }
0x1b: {  	s8 =	smin.u32 s2, $0x27100  }
0x1c: {  	s2 =	ssub.s32 s8, s7  }
0x1d: {  	p0 =	sgt.s32 s2, $0x0  }
0x1e: {  	s29 =	simm.s32 $0x2;
	s10 =	simm.s32 $0x9;
	s2 =	simm.s32 @!p0 $0x0  }
0x1f: {  	s4 =	simm.s32 $0xA;
	s11 =	simm.s32 $0xB;
	s28 =	smulhi.u32 $0x88888889, s2  }
0x20: {  	[dreg:$0x5] =	wrdreg s5;
	s31 =	smul.u32 $0x4E20, s5;
	s12 =	simm.s32 $0x1  }
0x21: {  	s22 =	simm.s32 $0x0;
	s18 =	simm.s32 $0xC;
	s30 =	sshrl.u32 s28, $0x7  }
0x22: {  	s20 =	simm.s32 $0x0;
	s21 =	simm.s32 $0x0;
	s3 =	smul.u32 $0xF0, s30  }
.Ltmp1:
0x23: {  	[tilespmem:s0+$0x0] =	vst v0;
	v0 =	vimm.s32 $0xFFFFFFFF;
	[sflag:s29] =	ssyncpa.u1 $0x0;
	s16 =	sshll.u32 s6, $0x8;
	(pc) =	sbr.rel .LBB2_3-.Ltmp1, $4  }
0x24: {  	[tilespmem:$0xF208] =	vst v0;
	[sflag:s10] =	ssyncpa.u1 $0x0;
	p0 =	sne.s32 s2, s3;
	s2 =	simm.s32 $0x1  }
0x25: {  	s14 =	sadd.s32 s31, s14;
	[sflag:s4] =	ssyncpa.u1 $0x0;
	s2 =	simm.s32 @!p0 $0x0  }
0x26: {  	s15 =	sadd.s32 s31, s15;
	[sflag:s11] =	ssyncpa.u1 $0x0;
	s13 =	sadd.s32 s2, s30  }
0x27: {  	v0 =	vlaneseq.u32;
	s19 =	smov.u32 s7;
	p0 =	por $0x0, $0x0;
	s17 =	sadd.s32 $0x1, s13  }
.LBB2_18:
0x28: {  	s0 =	sshrl.u32 s31, $0x2  }
.LBB2_20:
0x29: {  	_ =	swait.ge [sflag:s18], s0  }
0x2a: {  	s31 =	ssub.s32 $0x0, s0;
	v1 =	vmov s24;
	vm0 =	veq.s32 v0, $0x0;
	[sflag:s18] =	ssyncset.done $0x0  }
0x2b: {  	vm15 =	veq.s32 v0, $0x2;
	v1 =	vsel vm0, s30, v1;
	[sflag:s18] =	ssyncadd.s32 s31  }
0x2c: {  	v1 =	vsel vm15, s22, v1;
	[sflag:s18] =	ssyncpa.u1 $0x1  }
0x2d: {  	[tilespmem:$0xF208] =	vst v1  }
.LBB2_21:
0x2e: {  	s0 =	sadd.s32 $0xF0, s19  }
0x2f: {  	s2 =	smov.u32 s7;
	p1 =	slt.s32 s0, s8  }
0x30: {  	s2 =	smov.u32 @p1 s0;
	p1 =	sne.s32 s21, s17  }
.Ltmp2:
0x31: {  	_ = 	snop;
	(pc) =	sbr.rel @!p1 .LBB2_22-.Ltmp2, $3  }
0x32: {  	_ =	sdelay $0x1  }
0x33: {  	s22 =	smov.u32 s20;
	s31 =	sadd.s32 $0x1, s21;
	s20 =	smov.u32 s19  }
0x34: {  	p0 =	por !p0, !p0;
	s21 =	smov.u32 s31;
	s19 =	smov.u32 s2  }
.LBB2_3:
0x35: {  	p1 =	sge.u32 s21, s13  }
0x36: {  	s0 =	smulhi.u32 @!p1 $0xAAAAAAAB, s21  }
0x37: {  	s2 =	smov.u32 s19;
	p2 =	sgt.s32 @!p1 s19, $0x27010  }
0x38: {  	s3 =	sshra.s32 @!p1 s19, $0x1F;
	p2 =	por !p2, p1;
	s0 =	sshrl.u32 @!p1 s0, $0x1  }
0x39: {  	s3 =	sand.u32 @!p1 s3, s19;
	s2 =	simm.s32 @p2 $0x27010;
	s0 =	smul.u32 @!p1 $0x3, s0  }
0x3a: {  	s2 =	ssub.s32 @!p1 s2, s3  }
0x3b: {  	s2 =	sadd.s32 @!p1 $0xFFFD8FF0, s2;
	s0 =	ssub.s32 @!p1 s21, s0  }
0x3c: {  	s3 =	sshll.u32 @!p1 s2, $0x2;
	p2 =	sgt.s32 @!p1 s2, $0xEF;
	s0 =	smul.u32 @!p1 $0x3C0, s0  }
0x3d: {  	s4 =	sand.u32 @!p1 $0x7, s19;
	s2 =	ssub.s32 @!p1 $0x3C0, s3;
	p2 =	por !p2, p1  }
0x3e: {  	s3 =	sshrl.u32 @!p1 s19, $0x3;
	s2 =	sshrl.u32 @!p1 s2, $0x2;
	s0 =	sshrl.u32 @!p1 s0, $0x2  }
0x3f: {  	s3 =	sadd.s32 @!p1 s3, s14;
	s2 =	simm.s32 @!p2 $0x0;
	s0 =	sadd.s32 @!p1 $0x10248, s0  }
0x40: {  	[tilespmem:s0], [sflag:$0xA] =	stream.linear.gather @!p1 [hbm4b:s3+s4], s2, $0x38;
	[tilespmem:$0x1F6F8] =	vst v63  }
0x41: {  	s0 =	sadd.s32 $0xFFFFFFFF, s21  }
0x42: {  	p1 =	sge.u32 s0, s13  }
0x43: {  	p2 =	sgt.s32 @!p1 s20, $0x27010  }
0x44: {  	s2 =	smov.u32 s20;
	s3 =	sshra.s32 @!p1 s20, $0x1F;
	p2 =	por !p2, p1  }
0x45: {  	s3 =	sand.u32 @!p1 s3, s20;
	s2 =	simm.s32 @p2 $0x27010  }
0x46: {  	s2 =	ssub.s32 @!p1 s2, s3  }
0x47: {  	s2 =	sadd.s32 @!p1 $0xFFFD8FF0, s2  }
0x48: {  	s4 =	sand.u32 @!p1 $0x1, s0;
	s3 =	sshll.u32 @!p1 s2, $0x2  }
0x49: {  	p2 =	sgt.s32 @!p1 s2, $0xEF;
	s2 =	ssub.s32 @!p1 $0x3C0, s3;
	s3 =	smulhi.u32 @!p1 $0xAAAAAAAB, s0  }
0x4a: {  	s23 =	smul.u32 @!p1 $0x3C0, s4;
	p2 =	por !p2, p1;
	s2 =	sshrl.u32 @!p1 s2, $0x2  }
0x4b: {  	s5 =	simm.s32 @!p1 $0xA;
	s2 =	simm.s32 @!p2 $0x0;
	s3 =	sshrl.u32 @!p1 s3, $0x1  }
0x4c: {  	s23 =	sshrl.u32 @!p1 s23, $0x2;
	_ =	swait.ge @!p1 [sflag:s5], s2;
	s3 =	smul.u32 @!p1 $0x3, s3  }
0x4d: {  	s23 =	sadd.s32 @!p1 $0x10518, s23;
	s24 =	ssub.s32 @!p1 $0x0, s2;
	[sflag:s5] =	ssyncset.done @!p1 $0x0  }
0x4e: {  	[sflag:s5] =	ssyncadd.s32 @!p1 s24;
	s5 =	sshrl.u32 @!p1 s20, $0x3;
	s0 =	ssub.s32 @!p1 s0, s3  }
0x4f: {  	s24 =	sand.u32 @!p1 $0x7, s20;
	s5 =	sadd.s32 @!p1 s5, s15;
	s0 =	smul.u32 @!p1 $0x3C0, s0  }
0x50: {  	[tilespmem:s23], [sflag:$0xB] =	stream.linear.gather @!p1 [hbm4b:s5+s24], s2, $0x38;
	[tilespmem:$0x1F6F8] =	vst v63  }
0x51: {  	s3 =	ssub.s32 @!p1 $0x27100, s20;
	s2 =	smul.u32 @!p1 $0x1E000, s4  }
0x52: {  	p2 =	slt.s32 @!p1 s3, $0xF0  }
0x53: {  	p2 =	por !p2, p1;
	s0 =	sshrl.u32 @!p1 s0, $0x2;
	s2 =	sshrl.u32 @!p1 s2, $0x2  }
0x54: {  	s3 =	simm.s32 @p2 $0xF0;
	s0 =	sadd.s32 @!p1 $0x10248, s0;
	s2 =	sor.u32 @!p1 $0x106F8, s2  }
0x55: {  	[tilespmem:s2], [sflag:$0x9] =	stream.indirect.gather @!p1 [hbm4b:s9+s3], $0x80, s0, s3, $0xb8;
	[tilespmem:$0x1F6F8] =	vst v63  }
0x56: {  	p1 =	slt.u32 s21, $0x2  }
.Ltmp3:
0x57: {  	_ = 	snop;
	(pc) =	sbr.rel @p1 .LBB2_21-.Ltmp3, $1  }
0x58: {  	_ =	sdelay $0x3  }
0x59: {  	p1 =	sgt.s32 s22, $0x27010  }
0x5a: {  	s0 =	smov.u32 s22;
	s2 =	sshra.s32 s22, $0x1F;
	s3 =	ssub.s32 $0x27100, s22  }
0x5b: {  	s0 =	simm.s32 @!p1 $0x27010;
	s2 =	sand.u32 s2, s22;
	p1 =	slt.s32 s3, $0xF0  }
0x5c: {  	s0 =	ssub.s32 s0, s2;
	s3 =	simm.s32 @!p1 $0xF0  }
0x5d: {  	s0 =	sadd.s32 $0xFFFD8FF0, s0;
	s25 =	sshll.u32 s3, $0x7  }
0x5e: {  	s26 =	sshll.u32 s0, $0x2;
	s2 =	sand.u32 $0x3FFFFF80, s25  }
0x5f: {  	p1 =	sgt.s32 s0, $0xEF;
	s29 =	ssub.s32 $0x3C0, s26;
	_ =	swait.ge [sflag:s10], s2  }
0x60: {  	s2 =	ssub.s32 $0x0, s2;
	[sflag:s10] =	ssyncset.done $0x0;
	s0 =	sshrl.u32 s29, $0x2  }
0x61: {  	[sflag:s10] =	ssyncadd.s32 s2;
	s0 =	simm.s32 @p1 $0x0  }
0x62: {  	_ =	swait.ge [sflag:s11], s0  }
0x63: {  	s0 =	ssub.s32 $0x0, s0;
	[sflag:s11] =	ssyncset.done $0x0  }
0x64: {  	[sflag:s11] =	ssyncadd.s32 s0  }
0x65: {  	v1 =	vld [tilespmem:$0xF208];
	_ =	sdelay $0x4  }
0x66: {  	(v2sf) =	vpush v1, $0x0  }
0x67: {  	(v2sf) =	vpush v1, $0x1  }
0x68: {  	(v2sf) =	vpush v1, $0x2;
	_ =	sdelay $0x3  }
0x69: {  	s0 =	sadd.s32 $0xF0, s22  }
0x6a: {  	s2 =	ssub.s32 $0x4E200, s22;
	p1 =	slt.s32 s8, s0  }
0x6b: {  	s0 =	smov.u32 @p1 s8;
	p1 =	sgt.s32 s2, $0x0  }
0x6c: {  	s26 =	ssub.s32 s0, s22;
	s2 =	simm.s32 @!p1 $0x0  }
0x6d: {  	p1 =	slt.s32 s2, s26  }
0x6e: {  	s26 =	smov.u32 @p1 s2  }
0x6f: {  	s25 =	simm.s32 $0x1;
	p1 =	slt.s32 s26, $0x1  }
.Ltmp4:
0x70: {  	s25 =	simm.s32 @!p0 $0x0;
	(pc) =	sbr.rel @p1 .LBB2_8-.Ltmp4, $4  }
0x71: {  	s31 =	smul.u32 $0x3C0, s25  }
0x72: {  	s28 =	spop (v2sf)  }
0x73: {  	s0 =	sshrl.u32 s31, $0x2;
	s30 =	spop (v2sf)  }
0x74: {  	s23 =	sadd.s32 $0x10518, s0;
	s22 =	spop (v2sf)  }
0x75: {  	s0 =	smin.u32 s26, $0x10  }
0x76: {  	v1 =	vmov s0  }
0x77: {  	p2 =	sgt.s32 s26, $0x10;
	vm1 =	vgt.u32 v1, v0  }
.Ltmp5:
0x78: {  	_ = 	snop;
	(pc) =	sbr.rel @!p2 .LBB2_7-.Ltmp5, $2  }
0x79: {  	_ =	sdelay $0x2  }
0x7a: {  	s4 =	simm.s32 $0x10;
	s24 =	sadd.s32 $0xFFFFFFF0, s26;
	s0 =	smov.u32 s23;
	vm0 =	vmmov vm1  }
.LBB2_6:
0x7b: {  	s2 =	smin.u32 s24, $0x10;
	s4 =	sadd.s32 $0x10, s4;
	v1 =	vld.msk [tilespmem:s0+$0x0 ss:$0x1], vm1  }
0x7c: {  	v2 =	vmov s2;
	p2 =	slt.s32 s4, s26  }
0x7d: {  	vm1 =	vgt.u32 v2, v0  }
.Ltmp6:
0x7e: {  	(pc) =	sbr.rel @p2 .LBB2_6-.Ltmp6, $3  }
0x7f: {  	_ =	sdelay $0x1  }
0x80: {  	v1 =	vshll.u32 v1, $0x4  }
0x81: {  	s24 =	sadd.s32 $0xFFFFFFF0, s24;
	[tilespmem:s0+$0x0] =	vst.msk vm0, v1;
	s0 =	sadd.s32 $0x10, s0;
	vm0 =	vmmov vm1  }
.LBB2_7:
0x82: {  	_ =	sdelay $0x4  }
0x83: {  	v1 =	vld.msk [tilespmem:s0+$0x0 ss:$0x1], vm1;
	_ =	sdelay $0x4  }
0x84: {  	v1 =	vshll.u32 v1, $0x4  }
0x85: {  	[tilespmem:s0+$0x0] =	vst.msk vm0, v1  }
.LBB2_8:
0x86: {  	s0 =	sand.u32 $0x1, s21  }
0x87: {  	s0 =	smul.u32 $0xF0, s0  }
0x88: {  	p2 =	sne.s32 s30, $0xFFFFFFFF  }
0x89: {  	v1 =	vld.msk @!p2 [tilespmem:s0+$0x10518], $0x1;
	_ =	sdelay $0x4  }
0x8a: {  	(v2sf) =	vpush @!p2 v1, $0x0;
	_ =	sdelay $0xc  }
.Ltmp7:
0x8b: {  	_ = 	snop;
	(pc) =	sbr.rel @p1 .LBB2_19-.Ltmp7, $4  }
0x8c: {  	_ = 	snop  }
0x8d: {  	s29 =	spop @!p2 (v2sf)  }
0x8e: {  	s22 =	simm.s32 @!p2 $0x0;
	s24 =	smov.u32 s29  }
0x8f: {  	[sflag:s18] =	ssyncpa.u1 $0x0;
	s29 =	smov.u32 @p2 s28;
	s24 =	smov.u32 @p2 s30  }
0x90: {  	v1 =	vld.msk [tilespmem:s23+$0x0], $0x1;
	_ =	sdelay $0x4  }
0x91: {  	(v2sf) =	vpush v1, $0x0;
	_ =	sdelay $0xe  }
0x92: {  	s2 =	smul.u32 $0x1E000, s25;
	s0 =	spop (v2sf)  }
0x93: {  	s26 =	ssub.s32 $0x0, s26;
	p1 =	seq.s32 s29, s0  }
0x94: {  	s30 =	sadd.s32 $0x1, s26;
	s2 =	sshrl.u32 s2, $0x2;
	p2 =	sgt.s32 @!p1 s29, $0x0  }
0x95: {  	s25 =	sor.u32 $0x10738, s2;
	s2 =	smov.u32 s29;
	p2 =	por !p2, p1  }
0x96: {  	s2 =	simm.s32 @p2 $0x0;
	p2 =	seq.s32 s30, $0x0  }
.Ltmp8:
0x97: {  	_ = 	snop;
	(pc) =	sbr.rel @p2 .LBB2_11-.Ltmp8, $4  }
0x98: {  	_ = 	snop  }
0x99: {  	s28 =	simm.s32 $0x0;
	s31 =	sadd.s32 $0x1, s23;
	s2 =	smin.u32 @!p1 s2, $0x4E1FF0  }
0x9a: {  	s4 =	simm.s32 @!p1 $0x1;
	s5 =	simm.s32 @!p1 $0x7988;
	s3 =	sand.u32 @!p1 $0x7FFFF8, s2  }
0x9b: {  	s4 =	smov.u32 @p1 s28;
	s2 =	sand.u32 @!p1 $0x7, s2;
	s3 =	sadd.s32 @!p1 s1, s3  }
.LBB2_10:
0x9c: {  	s6 =	smov.u32 s4  }
0x9d: {  	[tilespmem:s5], [sflag:$0x2] =	stream.linear.gather @!p1 [hbm4b:s3+s2], $0x80, $0x38;
	[tilespmem:$0x1F6F8] =	vst v63  }
0x9e: {  	s30 =	sadd.s32 $0x1, s30;
	s2 =	smov.u32 s0;
	v1 =	vld.msk [tilespmem:s31+$0x0], $0x1  }
0x9f: {  	p2 =	seq.s32 s30, $0x0;
	_ =	sdelay $0x3  }
0xa0: {  	(v2sf) =	vpush v1, $0x0;
	_ =	sdelay $0xe  }
0xa1: {  	s0 =	spop (v2sf)  }
0xa2: {  	p1 =	seq.s32 s2, s0  }
0xa3: {  	p3 =	sgt.s32 @!p1 s2, $0x0;
	s3 =	sshll.u32 @!p1 s4, $0x9;
	s4 =	sadd.s32 @!p1 $0x1, s4  }
.Ltmp9:
0xa4: {  	p3 =	por !p3, p1;
	s3 =	sshra.s32 @!p1 s3, $0x2;
	(pc) =	sbr.rel @!p2 .LBB2_10-.Ltmp9, $4  }
0xa5: {  	s4 =	smov.u32 @p1 s6;
	s2 =	simm.s32 @p3 $0x0;
	s5 =	sadd.s32 @!p1 $0x7988, s3  }
0xa6: {  	s2 =	smin.u32 @!p1 s2, $0x4E1FF0  }
0xa7: {  	s3 =	sand.u32 @!p1 $0x7FFFF8, s2;
	s2 =	sand.u32 @!p1 $0x7, s2  }
0xa8: {  	s31 =	sadd.s32 $0x1, s31;
	s3 =	sadd.s32 @!p1 s1, s3  }
.LBB2_11:
0xa9: {  	[tilespmem:s5], [sflag:$0x2] =	stream.linear.gather @!p1 [hbm4b:s3+s2], $0x80, $0x38;
	[tilespmem:$0x1F6F8] =	vst v63  }
.Ltmp10:
0xaa: {  	s0 =	sshll.u32 s4, $0x7;
	(pc) =	sbr.rel .LBB2_12-.Ltmp10, $4  }
0xab: {  	s30 =	simm.s32 $0x2;
	s0 =	sand.u32 $0x3FFFFF80, s0  }
0xac: {  	_ =	swait.ge [sflag:s30], s0  }
0xad: {  	s0 =	ssub.s32 $0x0, s0;
	[sflag:s30] =	ssyncset.done $0x0  }
0xae: {  	s31 =	simm.s32 $0x0;
	[sflag:s30] =	ssyncadd.s32 s0  }
.LBB2_13:
0xaf: {  	v1 =	vld [tilespmem:s25+$0xFFFFFFC0];
	_ =	sdelay $0x3  }
0xb0: {  	s0 =	sshra.s32 s0, $0x2  }
0xb1: {  	[tilespmem:s0+$0x108] =	vst.add.f32.msk $0xffff, v1  }
0xb2: {  	v1 =	vld [tilespmem:s25+$0xFFFFFFD0];
	_ =	sdelay $0x4  }
0xb3: {  	[tilespmem:s0+$0x118] =	vst.add.f32.msk $0xffff, v1  }
0xb4: {  	v1 =	vld [tilespmem:s25+$0xFFFFFFE0];
	_ =	sdelay $0x4  }
0xb5: {  	[tilespmem:s0+$0x128] =	vst.add.f32.msk $0xffff, v1  }
0xb6: {  	v1 =	vld [tilespmem:s25+$0xFFFFFFF0];
	_ =	sdelay $0x4  }
0xb7: {  	[tilespmem:s0+$0x138] =	vst.add.f32.msk $0xffff, v1  }
0xb8: {  	v1 =	vld [tilespmem:s25+$0x0];
	_ =	sdelay $0x4  }
0xb9: {  	[tilespmem:s0+$0x148] =	vst.add.f32.msk $0xffff, v1  }
0xba: {  	v1 =	vld [tilespmem:s25+$0x10];
	_ =	sdelay $0x4  }
0xbb: {  	[tilespmem:s0+$0x158] =	vst.add.f32.msk $0xffff, v1  }
0xbc: {  	v1 =	vld [tilespmem:s25+$0x20];
	_ =	sdelay $0x4  }
0xbd: {  	[tilespmem:s0+$0x168] =	vst.add.f32.msk $0xffff, v1  }
0xbe: {  	v1 =	vld [tilespmem:s25+$0x30];
	_ =	sdelay $0x4  }
0xbf: {  	[tilespmem:s0+$0x178] =	vst.add.f32.msk $0xffff, v1  }
.LBB2_17:
0xc0: {  	s26 =	sadd.s32 $0x1, s26  }
0xc1: {  	p1 =	seq.s32 s26, $0x0  }
.Ltmp11:
0xc2: {  	_ = 	snop;
	(pc) =	sbr.rel @p1 .LBB2_18-.Ltmp11, $2  }
0xc3: {  	_ =	sdelay $0x2  }
0xc4: {  	s23 =	sadd.s32 $0x1, s23;
	s25 =	sadd.s32 $0x80, s25;
	s29 =	smov.u32 s30  }
.LBB2_12:
0xc5: {  	v1 =	vld.msk [tilespmem:s23+$0x0], $0x1;
	_ =	sdelay $0x4  }
0xc6: {  	(v2sf) =	vpush v1, $0x0;
	_ =	sdelay $0xe  }
0xc7: {  	s30 =	spop (v2sf)  }
0xc8: {  	p1 =	sne.s32 s29, s30  }
.Ltmp12:
0xc9: {  	_ = 	snop;
	(pc) =	sbr.rel @!p1 .LBB2_13-.Ltmp12, $2  }
0xca: {  	_ =	sdelay $0x2  }
0xcb: {  	s0 =	sshll.u32 s22, $0x9  }
0xcc: {  	p1 =	seq.s32 s29, s24  }
.Ltmp13:
0xcd: {  	_ = 	snop;
	(pc) =	sbr.rel @!p1 .LBB2_15-.Ltmp13, $1  }
0xce: {  	_ =	sdelay $0x3  }
0xcf: {  	s0 =	sshra.s32 s0, $0x2  }
.Ltmp14:
0xd0: {  	s0 =	sadd.s32 $0x108, s0;
	(pc) =	sbr.rel .LBB2_16-.Ltmp14, $4  }
0xd1: {  	[spmem:s16] =	stream.linear.scatter [tilespmem:s0], [sflag:$0x1], $0x80, $0x38;
	[tilespmem:$0x1F6F8] =	vst v63  }
0xd2: {  	_ =	swait.ge [sflag:s12], $0x80  }
0xd3: {  	[sflag:s12] =	ssyncset.done $0x0  }
0xd4: {  	[sflag:s12] =	ssyncadd.s32 $0xFFFFFF80  }
.LBB2_15:
0xd5: {  	s2 =	sshll.u32 s28, $0x9  }
0xd6: {  	s2 =	sshra.s32 s2, $0x2  }
0xd7: {  	v1 =	vld [tilespmem:s2+$0x7988];
	_ =	sdelay $0x3  }
0xd8: {  	s0 =	sshra.s32 s0, $0x2  }
0xd9: {  	[tilespmem:s0+$0x108] =	vst.add.f32.msk $0xffff, v1  }
0xda: {  	v1 =	vld [tilespmem:s2+$0x7998];
	_ =	sdelay $0x4  }
0xdb: {  	[tilespmem:s0+$0x118] =	vst.add.f32.msk $0xffff, v1  }
0xdc: {  	v1 =	vld [tilespmem:s2+$0x79A8];
	_ =	sdelay $0x4  }
0xdd: {  	[tilespmem:s0+$0x128] =	vst.add.f32.msk $0xffff, v1  }
0xde: {  	v1 =	vld [tilespmem:s2+$0x79B8];
	_ =	sdelay $0x4  }
0xdf: {  	[tilespmem:s0+$0x138] =	vst.add.f32.msk $0xffff, v1  }
0xe0: {  	v1 =	vld [tilespmem:s2+$0x79C8];
	_ =	sdelay $0x4  }
0xe1: {  	[tilespmem:s0+$0x148] =	vst.add.f32.msk $0xffff, v1  }
0xe2: {  	v1 =	vld [tilespmem:s2+$0x79D8];
	_ =	sdelay $0x4  }
0xe3: {  	[tilespmem:s0+$0x158] =	vst.add.f32.msk $0xffff, v1  }
0xe4: {  	v1 =	vld [tilespmem:s2+$0x79E8];
	_ =	sdelay $0x4  }
0xe5: {  	[tilespmem:s0+$0x168] =	vst.add.f32.msk $0xffff, v1  }
0xe6: {  	v1 =	vld [tilespmem:s2+$0x79F8];
	_ =	sdelay $0x2  }
0xe7: {  	p1 =	sgt.u32 s29, $0x4E1FF0  }
0xe8: {  	s2 =	sand.u32 @!p1 $0x7FFFF8, s29  }
0xe9: {  	s3 =	sadd.s32 $0x108, s0;
	[tilespmem:s0+$0x178] =	vst.add.f32.msk $0xffff, v1;
	s0 =	sadd.s32 @!p1 s1, s2;
	s2 =	sand.u32 @!p1 $0x7, s29  }
0xea: {  	[hbm4b:s0+s2] =	stream.linear.scatter @!p1 [tilespmem:s3], [sflag:$0xC], $0x80, $0x38;
	[tilespmem:$0x1F6F8] =	vst v63  }
0xeb: {  	s0 =	simm.s32 $0x0  }
0xec: {  	s0 =	simm.s32 @!p1 $0x200  }
0xed: {  	s31 =	sadd.s32 s0, s31  }
.LBB2_16:
0xee: {  	s0 =	sadd.s32 $0x1, s22  }
0xef: {  	s2 =	smulhi.u32 $0x88888889, s0;
	_ =	sdelay $0x1  }
0xf0: {  	v1 =	vld [tilespmem:s25+$0xFFFFFFC0];
	s2 =	sshrl.u32 s2, $0x7  }
0xf1: {  	s2 =	smul.u32 $0xF0, s2;
	_ =	sdelay $0x1  }
0xf2: {  	s22 =	ssub.s32 s0, s2  }
0xf3: {  	s0 =	sshll.u32 s22, $0x7  }
0xf4: {  	[tilespmem:s0+$0x108] =	vst v1  }
0xf5: {  	v1 =	vld [tilespmem:s25+$0xFFFFFFD0];
	_ =	sdelay $0x4  }
0xf6: {  	[tilespmem:s0+$0x118] =	vst v1  }
0xf7: {  	v1 =	vld [tilespmem:s25+$0xFFFFFFE0];
	_ =	sdelay $0x4  }
0xf8: {  	[tilespmem:s0+$0x128] =	vst v1  }
0xf9: {  	v1 =	vld [tilespmem:s25+$0xFFFFFFF0];
	_ =	sdelay $0x4  }
0xfa: {  	[tilespmem:s0+$0x138] =	vst v1  }
0xfb: {  	v1 =	vld [tilespmem:s25+$0x0];
	_ =	sdelay $0x4  }
0xfc: {  	[tilespmem:s0+$0x148] =	vst v1  }
0xfd: {  	v1 =	vld [tilespmem:s25+$0x10];
	_ =	sdelay $0x4  }
0xfe: {  	[tilespmem:s0+$0x158] =	vst v1  }
0xff: {  	v1 =	vld [tilespmem:s25+$0x20];
	_ =	sdelay $0x4  }
0x100: {  	[tilespmem:s0+$0x168] =	vst v1  }
0x101: {  	v1 =	vld [tilespmem:s25+$0x30]  }
.Ltmp15:
0x102: {  	_ = 	snop;
	(pc) =	sbr.rel .LBB2_17-.Ltmp15, $2  }
0x103: {  	_ =	sdelay $0x2  }
0x104: {  	s28 =	sadd.s32 $0x1, s28;
	[tilespmem:s0+$0x178] =	vst v1  }
.LBB2_19:
.Ltmp16:
0x105: {  	(pc) =	sbr.rel .LBB2_20-.Ltmp16, $4  }
0x106: {  	_ = 	snop  }
0x107: {  	s0 =	simm.s32 $0x2  }
0x108: {  	_ =	swait.ge [sflag:s0], $0x0  }
0x109: {  	s30 =	smov.u32 s29;
	[sflag:s0] =	ssyncset.done $0x0;
	s0 =	simm.s32 $0x0  }
.LBB2_22:
0x10a: {  	_ =	sfence.sel $0x180000  }
0x10b: {  	s0 =	simm.s32 $0x9;
	[bflag:$0x0] =	sbarrier.arrive $0xFFFF  }
0x10c: {  	s24 =	simm.s32 $0xA;
	[sflag:s0] =	ssyncpa.u1 $0x1  }
0x10d: {  	s25 =	simm.s32 $0xB;
	[sflag:s24] =	ssyncpa.u1 $0x1  }
0x10e: {  	s26 =	simm.s32 $0x2;
	[sflag:s25] =	ssyncpa.u1 $0x1  }
0x10f: {  	[sflag:s26] =	ssyncpa.u1 $0x1  }
0x110: {  	v0 =	vld [tilespmem:$0xF208];
	_ =	sdelay $0x4  }
0x111: {  	(v2sf) =	vpush v0, $0x0  }
0x112: {  	(v2sf) =	vpush v0, $0x1;
	_ =	sdelay $0x1  }
0x113: {  	(v2sf) =	vpush v0, $0x2;
	_ =	sdelay $0xb  }
0x114: {  	s0 =	spop (v2sf)  }
0x115: {  	s2 =	spop (v2sf)  }
0x116: {  	s3 =	smov.u32 s0;
	p0 =	sne.s32 s0, s2  }
0x117: {  	s4 =	spop (v2sf);
	s3 =	simm.s32 @!p0 $0xFFFFFFFF  }
0x118: {  	v2 =	vimm.s32 $0x1;
	v3 =	vlaneseq.u32;
	p0 =	seq.s32 s4, $0xFFFFFFFF;
	v1 =	vmov s3  }
0x119: {  	s16 =	stileid.u32;
	v0 =	vperm.xlane v0, v2;
	p1 =	sne.s32 @!p0 s0, s2;
	v1 =	vperm.xlane v1, v3  }
0x11a: {  	vm0 =	vcmask $0x3F04;
	s6 =	simm.s32 $0xF208;
	s0 =	simm.s32 @!p0 $0x1;
	p1 =	por !p1, p0  }
0x11b: {  	s3 =	sshll.u32 s16, $0x1;
	s2 =	sshll.u32 @!p0 s4, $0x9;
	s0 =	simm.s32 @p1 $0x0;
	v0 =	vsel vm0, v1, v0  }
0x11c: {  	s5 =	sor.u32 $0x1000, s3;
	s2 =	sshra.s32 @!p0 s2, $0x2;
	s0 =	sor.u32 @!p0 s0, s3;
	[tilespmem:$0xF208] =	vst v0  }
0x11d: {  	[spmem:s5] =	stream.linear.scatter [tilespmem:s6], [sflag:$0x1], $0x2, $0x38;
	[tilespmem:$0x1F6F8] =	vst v63  }
0x11e: {  	s2 =	sadd.s32 @!p0 $0x108, s2;
	s0 =	sshll.u32 @!p0 s0, $0x7  }
0x11f: {  	[spmem:s0] =	stream.linear.scatter @!p0 [tilespmem:s2], [sflag:$0x1], $0x80, $0x38;
	[tilespmem:$0x1F6F8] =	vst v63  }
0x120: {  	s0 =	simm.s32 @!p0 $0x82  }
0x121: {  	s28 =	simm.s32 $0x1;
	s0 =	simm.s32 @p0 $0x2  }
0x122: {  	_ =	swait.ge [sflag:s28], s0  }
0x123: {  	s0 =	ssub.s32 $0x0, s0;
	[sflag:s28] =	ssyncset.done $0x0  }
0x124: {  	p0 =	sne.s32 s16, $0x0;
	[sflag:s28] =	ssyncadd.s32 s0  }
.Ltmp17:
0x125: {  	_ =	sfence.stream.spmem;
	(pc) =	sbr.rel @p0 .LBB2_39-.Ltmp17, $4  }
0x126: {  	s29 =	simm.s32 $0x3;
	[bflag:$0x0] =	sbarrier.arrive $0xFFFF  }
0x127: {  	s30 =	simm.s32 $0x4;
	[sflag:s29] =	ssyncpa.u1 $0x1  }
0x128: {  	s31 =	simm.s32 $0x3C;
	[sflag:s30] =	ssyncpa.u1 $0x1  }
0x129: {  	s15 =	rddreg [dreg:$0x5];
	[sflag:s31] =	ssyncpa.u1 $0x1  }
0x12a: {  	_ =	sfence.stream.spmem;
	s0 =	simm.s32 $0x5  }
0x12b: {  	s2 =	simm.s32 $0x1000;
	s3 =	simm.s32 $0xF218;
	[sflag:s0] =	ssyncpa.u1 $0x0  }
0x12c: {  	[tilespmem:s3], [sflag:$0x5] =	stream.linear.gather [spmem:s2], $0x20, $0x38;
	[tilespmem:$0x1F6F8] =	vst v63  }
0x12d: {  	s26 =	simm.s32 $0x0;
	s28 =	simm.s32 $0xF238  }
0x12e: {  	[tilespmem:s28], [sflag:$0x5] =	stream.linear.gather [spmem:s26], $0x1000, $0x38;
	[tilespmem:$0x1F6F8] =	vst v63  }
0x12f: {  	_ =	swait.ge [sflag:s0], $0x1020  }
0x130: {  	[sflag:s0] =	ssyncset.done $0x0  }
0x131: {  	s29 =	simm.s32 $0x0;
	[sflag:s0] =	ssyncadd.s32 $0xFFFFEFE0  }
0x132: {  	v0 =	vld.msk [tilespmem:s29+$0xF218], $0x1;
	_ =	sdelay $0x1  }
0x133: {  	s30 =	simm.s32 $0x1  }
0x134: {  	v1 =	vld.msk [tilespmem:s30+$0xF218], $0x1;
	_ =	sdelay $0x1  }
0x135: {  	(v2sf) =	vpush v0, $0x0;
	_ =	sdelay $0x2  }
0x136: {  	(v2sf) =	vpush v1, $0x0;
	_ =	sdelay $0x2  }
0x137: {  	s31 =	simm.s32 $0x2  }
0x138: {  	v0 =	vld.msk [tilespmem:s31+$0xF218], $0x1;
	_ =	sdelay $0x2  }
0x139: {  	s4 =	simm.s32 $0xFFFFFFFF;
	s5 =	simm.s32 $0xFFFFFFFF;
	s0 =	simm.s32 $0xC  }
.LBB2_24:
0x13a: {  	s2 =	smov.u32 s5;
	s3 =	smov.u32 s4  }
0x13b: {  	s4 =	sshra.s32 s0, $0x2;
	p1 =	sne.s32 s0, $0x7C;
	s0 =	sadd.s32 $0x4, s0;
	(v2sf) =	vpush v0, $0x0  }
0x13c: {  	v0 =	vld.msk [tilespmem:s4+$0xF218], $0x1  }
.Ltmp18:
0x13d: {  	(pc) =	sbr.rel @p1 .LBB2_24-.Ltmp18, $4  }
0x13e: {  	s5 =	spop (v2sf)  }
0x13f: {  	p2 =	sne.s32 s3, $0xFFFFFFFF;
	s4 =	smov.u32 s5  }
0x140: {  	p3 =	seq.s32 s5, $0xFFFFFFFF;
	s4 =	smov.u32 @p2 s3  }
0x141: {  	s5 =	smov.u32 @p3 s2;
	s4 =	smov.u32 @p3 s3  }
0x142: {  	(v2sf) =	vpush v0, $0x0;
	_ =	sdelay $0x8  }
0x143: {  	s0 =	spop (v2sf)  }
0x144: {  	p1 =	sne.s32 s4, $0xFFFFFFFF;
	s2 =	smov.u32 s0  }
0x145: {  	s9 =	simm.s32 $0x6;
	p2 =	seq.s32 s0, $0xFFFFFFFF;
	s2 =	smov.u32 @p1 s4  }
0x146: {  	s6 =	simm.s32 $0x0;
	s2 =	smov.u32 @p2 s4;
	s3 =	spop (v2sf)  }
0x147: {  	s0 =	smov.u32 @p2 s5;
	p1 =	sne.s32 s2, $0xFFFFFFFF;
	s4 =	smov.u32 s3  }
.Ltmp19:
0x148: {  	p2 =	seq.s32 s3, $0xFFFFFFFF;
	s4 =	smov.u32 @p1 s2;
	(pc) =	sbr.rel .LBB2_26-.Ltmp19, $4  }
0x149: {  	s10 =	simm.s32 $0xF188;
	s4 =	smov.u32 @p2 s2;
	s7 =	spop (v2sf)  }
0x14a: {  	s11 =	simm.s32 $0x0;
	p1 =	sne.s32 s4, $0xFFFFFFFF;
	s8 =	smov.u32 s7  }
0x14b: {  	s3 =	smov.u32 @p2 s0;
	p2 =	seq.s32 s7, $0xFFFFFFFF;
	s8 =	smov.u32 @p1 s4  }
0x14c: {  	[sflag:s9] =	ssyncpa.u1 $0x0;
	s7 =	smov.u32 @p2 s3;
	s8 =	smov.u32 @p2 s4  }
.LBB2_32:
0x14d: {  	p1 =	sgt.u32 s12, $0x4E1FF0  }
0x14e: {  	p2 =	seq.s32 @!p1 s12, s8  }
0x14f: {  	p1 =	por p1, p2  }
0x150: {  	p2 =	sne.s32 @!p1 s12, s7  }
0x151: {  	p1 =	por p1, !p2  }
0x152: {  	s0 =	sshll.u32 @p1 s11, $0x9  }
0x153: {  	s0 =	sand.u32 @!p1 $0x7FFFF8, s12  }
0x154: {  	s2 =	sand.u32 @!p1 $0x7, s12;
	s0 =	sadd.s32 @!p1 s1, s0  }
0x155: {  	[tilespmem:s10], [sflag:$0x6] =	stream.linear.gather @!p1 [hbm4b:s0+s2], $0x80, $0x38;
	[tilespmem:$0x1F6F8] =	vst v63  }
0x156: {  	_ =	swait.ge @!p1 [sflag:s9], $0x80  }
0x157: {  	[sflag:s9] =	ssyncset.done @!p1 $0x0  }
0x158: {  	[sflag:s9] =	ssyncadd.s32 @!p1 $0xFFFFFF80  }
0x159: {  	v1 =	vld @!p1 [tilespmem:$0xF188];
	_ =	sdelay $0x2  }
0x15a: {  	s0 =	sshll.u32 @!p1 s11, $0x9  }
0x15b: {  	s2 =	sshrl.u32 @!p1 s0, $0x2  }
0x15c: {  	[tilespmem:s2+$0xF238] =	vst.add.f32.msk @!p1 $0xffff, v1  }
0x15d: {  	v1 =	vld @!p1 [tilespmem:$0xF198];
	_ =	sdelay $0x4  }
0x15e: {  	[tilespmem:s2+$0xF248] =	vst.add.f32.msk @!p1 $0xffff, v1  }
0x15f: {  	v1 =	vld @!p1 [tilespmem:$0xF1A8];
	_ =	sdelay $0x4  }
0x160: {  	[tilespmem:s2+$0xF258] =	vst.add.f32.msk @!p1 $0xffff, v1  }
0x161: {  	v1 =	vld @!p1 [tilespmem:$0xF1B8];
	_ =	sdelay $0x4  }
0x162: {  	[tilespmem:s2+$0xF268] =	vst.add.f32.msk @!p1 $0xffff, v1  }
0x163: {  	v1 =	vld @!p1 [tilespmem:$0xF1C8];
	_ =	sdelay $0x4  }
0x164: {  	[tilespmem:s2+$0xF278] =	vst.add.f32.msk @!p1 $0xffff, v1  }
0x165: {  	v1 =	vld @!p1 [tilespmem:$0xF1D8];
	_ =	sdelay $0x4  }
0x166: {  	[tilespmem:s2+$0xF288] =	vst.add.f32.msk @!p1 $0xffff, v1  }
0x167: {  	v1 =	vld @!p1 [tilespmem:$0xF1E8];
	_ =	sdelay $0x4  }
0x168: {  	[tilespmem:s2+$0xF298] =	vst.add.f32.msk @!p1 $0xffff, v1  }
0x169: {  	v1 =	vld @!p1 [tilespmem:$0xF1F8];
	_ =	sdelay $0x4  }
0x16a: {  	[tilespmem:s2+$0xF2A8] =	vst.add.f32.msk @!p1 $0xffff, v1  }
0x16b: {  	s0 =	sshrl.u32 s0, $0x2;
	[tilespmem:s6+$0xF218] =	vst.msk $0x1, v0  }
0x16c: {  	v0 =	vld [tilespmem:s0+$0xF238];
	_ =	sdelay $0x2  }
0x16d: {  	s31 =	sshll.u32 s6, $0x9  }
0x16e: {  	s2 =	sshra.s32 s31, $0x2  }
0x16f: {  	[tilespmem:s2+$0xF238] =	vst v0  }
0x170: {  	v0 =	vld [tilespmem:s0+$0xF248];
	_ =	sdelay $0x4  }
0x171: {  	[tilespmem:s2+$0xF248] =	vst v0  }
0x172: {  	v0 =	vld [tilespmem:s0+$0xF258];
	_ =	sdelay $0x4  }
0x173: {  	[tilespmem:s2+$0xF258] =	vst v0  }
0x174: {  	v0 =	vld [tilespmem:s0+$0xF268];
	_ =	sdelay $0x4  }
0x175: {  	[tilespmem:s2+$0xF268] =	vst v0  }
0x176: {  	v0 =	vld [tilespmem:s0+$0xF278];
	_ =	sdelay $0x4  }
0x177: {  	[tilespmem:s2+$0xF278] =	vst v0  }
0x178: {  	v0 =	vld [tilespmem:s0+$0xF288];
	_ =	sdelay $0x4  }
0x179: {  	[tilespmem:s2+$0xF288] =	vst v0  }
0x17a: {  	v0 =	vld [tilespmem:s0+$0xF298];
	_ =	sdelay $0x4  }
0x17b: {  	[tilespmem:s2+$0xF298] =	vst v0  }
0x17c: {  	v0 =	vld [tilespmem:s0+$0xF2A8];
	_ =	sdelay $0x4  }
0x17d: {  	s6 =	sadd.s32 $0x1, s6;
	[tilespmem:s2+$0xF2A8] =	vst v0  }
.LBB2_33:
0x17e: {  	s11 =	sadd.s32 $0x1, s11  }
0x17f: {  	p1 =	sne.s32 s11, $0x20  }
.Ltmp20:
0x180: {  	_ = 	snop;
	(pc) =	sbr.rel @!p1 .LBB2_34-.Ltmp20, $1  }
0x181: {  	_ =	sdelay $0x3  }
.LBB2_26:
0x182: {  	v0 =	vld.msk [tilespmem:s11+$0xF218], $0x1;
	_ =	sdelay $0x4  }
0x183: {  	(v2sf) =	vpush v0, $0x0;
	_ =	sdelay $0xe  }
0x184: {  	s12 =	spop (v2sf)  }
0x185: {  	p1 =	seq.s32 s12, $0xFFFFFFFF  }
.Ltmp21:
0x186: {  	_ = 	snop;
	(pc) =	sbr.rel @p1 .LBB2_33-.Ltmp21, $1  }
0x187: {  	_ =	sdelay $0x3  }
0x188: {  	p1 =	slt.s32 s6, $0x1  }
.Ltmp22:
0x189: {  	_ = 	snop;
	(pc) =	sbr.rel @p1 .LBB2_32-.Ltmp22, $1  }
0x18a: {  	_ =	sdelay $0x3  }
0x18b: {  	s13 =	simm.s32 $0xF218;
	p1 =	por $0x0, $0x0  }
0x18c: {  	v1 =	vld.msk @!p1 [tilespmem:s13+$0x0], $0x1;
	_ =	sdelay $0x4  }
0x18d: {  	(v2sf) =	vpush @!p1 v1, $0x0;
	_ =	sdelay $0xd  }
0x18e: {  	p3 =	sne.s32 s6, $0x1  }
.Ltmp23:
0x18f: {  	s0 =	spop @!p1 (v2sf);
	(pc) =	sbr.rel @!p3 .LBB2_30-.Ltmp23, $4  }
0x190: {  	p2 =	seq.s32 @!p1 s12, s0  }
0x191: {  	s14 =	simm.s32 $0x0;
	p2 =	por !p2, p1  }
0x192: {  	s2 =	simm.s32 $0xFFFFFFFF;
	s14 =	simm.s32 @p2 $0xFFFFFFFF  }
0x193: {  	s0 =	simm.s32 $0x1;
	s14 =	smov.u32 @p1 s2  }
.LBB2_29:
0x194: {  	s2 =	smov.u32 s14;
	p1 =	sne.s32 s14, $0xFFFFFFFF  }
0x195: {  	s13 =	sadd.s32 $0x1, s13;
	s14 =	smov.u32 s0;
	s0 =	sadd.s32 $0x1, s0  }
0x196: {  	p2 =	sne.s32 s6, s0;
	v1 =	vld.msk @!p1 [tilespmem:s13+$0x0], $0x1;
	_ =	sdelay $0x4  }
0x197: {  	(v2sf) =	vpush @!p1 v1, $0x0;
	_ =	sdelay $0xe  }
.Ltmp24:
0x198: {  	s3 =	spop @!p1 (v2sf);
	(pc) =	sbr.rel @p2 .LBB2_29-.Ltmp24, $4  }
0x199: {  	p3 =	seq.s32 @!p1 s12, s3  }
0x19a: {  	p3 =	por !p3, p1  }
0x19b: {  	s14 =	simm.s32 @p3 $0xFFFFFFFF  }
0x19c: {  	s14 =	smov.u32 @p1 s2  }
.LBB2_30:
0x19d: {  	p1 =	seq.s32 s14, $0xFFFFFFFF  }
.Ltmp25:
0x19e: {  	_ = 	snop;
	(pc) =	sbr.rel @p1 .LBB2_32-.Ltmp25, $1  }
0x19f: {  	_ =	sdelay $0x3  }
0x1a0: {  	s0 =	sshll.u32 s11, $0x7  }
0x1a1: {  	s0 =	sand.u32 $0x3FFFFF80, s0  }
0x1a2: {  	v0 =	vld [tilespmem:s0+$0xF238];
	_ =	sdelay $0x2  }
0x1a3: {  	s2 =	sshll.u32 s14, $0x9  }
0x1a4: {  	s2 =	sshra.s32 s2, $0x2  }
0x1a5: {  	[tilespmem:s2+$0xF238] =	vst.add.f32.msk $0xffff, v0  }
0x1a6: {  	v0 =	vld [tilespmem:s0+$0xF248];
	_ =	sdelay $0x4  }
0x1a7: {  	[tilespmem:s2+$0xF248] =	vst.add.f32.msk $0xffff, v0  }
0x1a8: {  	v0 =	vld [tilespmem:s0+$0xF258];
	_ =	sdelay $0x4  }
0x1a9: {  	[tilespmem:s2+$0xF258] =	vst.add.f32.msk $0xffff, v0  }
0x1aa: {  	v0 =	vld [tilespmem:s0+$0xF268];
	_ =	sdelay $0x4  }
0x1ab: {  	[tilespmem:s2+$0xF268] =	vst.add.f32.msk $0xffff, v0  }
0x1ac: {  	v0 =	vld [tilespmem:s0+$0xF278];
	_ =	sdelay $0x4  }
0x1ad: {  	[tilespmem:s2+$0xF278] =	vst.add.f32.msk $0xffff, v0  }
0x1ae: {  	v0 =	vld [tilespmem:s0+$0xF288];
	_ =	sdelay $0x4  }
0x1af: {  	[tilespmem:s2+$0xF288] =	vst.add.f32.msk $0xffff, v0  }
0x1b0: {  	v0 =	vld [tilespmem:s0+$0xF298];
	_ =	sdelay $0x4  }
0x1b1: {  	[tilespmem:s2+$0xF298] =	vst.add.f32.msk $0xffff, v0  }
0x1b2: {  	v0 =	vld [tilespmem:s0+$0xF2A8]  }
.Ltmp26:
0x1b3: {  	_ = 	snop;
	(pc) =	sbr.rel .LBB2_33-.Ltmp26, $2  }
0x1b4: {  	_ =	sdelay $0x2  }
0x1b5: {  	[tilespmem:s2+$0xF2A8] =	vst.add.f32.msk $0xffff, v0  }
.LBB2_34:
0x1b6: {  	s0 =	simm.s32 $0x6;
	p1 =	seq.s32 s6, $0x0  }
0x1b7: {  	[sflag:s0] =	ssyncpa.u1 $0x1;
	v0 =	vimm.s32 @p1 $0xFFFFFFFF  }
0x1b8: {  	s9 =	sadd.s32 $0xFFFFFFFF, s6;
	[tilespmem:$0x10238] =	vst @p1 v0  }
0x1b9: {  	v0 =	vld.msk @!p1 [tilespmem:s9+$0xF218], $0x1;
	_ =	sdelay $0x1  }
0x1ba: {  	v1 =	vld.msk @!p1 [tilespmem:$0xF218], $0x1;
	_ =	sdelay $0x2  }
0x1bb: {  	p2 =	seq.s32 @!p1 s9, $0x0;
	v0 =	vbroadcast @!p1 v0, $0x0  }
0x1bc: {  	vm0 =	vmmov @!p1 $0x1;
	p2 =	por !p2, p1  }
0x1bd: {  	v1 =	vnsel @!p1 vm0, $0xFFFFFFFF, v1;
	vm0 =	vcmask @!p1 $0x308;
	v0 =	vpsel !p2, $0xFFFFFFFF, v0  }
0x1be: {  	p2 =	sne.s32 @!p1 s8, s7;
	v0 =	vsel @!p1 vm0, v1, v0  }
0x1bf: {  	s0 =	simm.s32 @!p1 $0xF238;
	s2 =	simm.s32 @!p1 $0x0;
	p3 =	por !p2, p1;
	[tilespmem:$0x10238] =	vst @!p1 v0  }
0x1c0: {  	[spmem:s2] =	stream.linear.scatter @!p1 [tilespmem:s0], [sflag:$0x1], $0x80, $0x38;
	[tilespmem:$0x1F6F8] =	vst v63  }
0x1c1: {  	s0 =	sshll.u32 @!p3 s9, $0x9  }
0x1c2: {  	s0 =	sshra.s32 @!p3 s0, $0x2  }
0x1c3: {  	s2 =	simm.s32 @!p3 $0x80;
	s0 =	sadd.s32 @!p3 $0xF238, s0  }
0x1c4: {  	[spmem:s2] =	stream.linear.scatter @!p3 [tilespmem:s0], [sflag:$0x1], $0x80, $0x38;
	[tilespmem:$0x1F6F8] =	vst v63  }
0x1c5: {  	s0 =	simm.s32 @!p3 $0x1  }
0x1c6: {  	_ =	swait.ge @!p3 [sflag:s0], $0x100  }
0x1c7: {  	p1 =	por p2, p1;
	[sflag:s0] =	ssyncset.done @!p3 $0x0  }
0x1c8: {  	[sflag:s0] =	ssyncadd.s32 @!p3 $0xFFFFFF00;
	s0 =	simm.s32 @!p1 $0x1  }
0x1c9: {  	_ =	swait.ge @!p1 [sflag:s0], $0x80  }
0x1ca: {  	s29 =	simm.s32 $0x10238;
	[sflag:s0] =	ssyncset.done @!p1 $0x0  }
0x1cb: {  	s30 =	simm.s32 $0x1000;
	s31 =	simm.s32 $0x1;
	[sflag:s0] =	ssyncadd.s32 @!p1 $0xFFFFFF80  }
0x1cc: {  	[spmem:s30] =	stream.linear.scatter [tilespmem:s29], [sflag:$0x1], $0x10, $0x38;
	[tilespmem:$0x1F6F8] =	vst v63  }
0x1cd: {  	_ =	swait.ge [sflag:s31], $0x10  }
0x1ce: {  	[sflag:s31] =	ssyncset.done $0x0  }
0x1cf: {  	p1 =	seq.s32 s15, $0x0;
	s8 =	rddreg [dreg:$0x2];
	[sflag:s31] =	ssyncadd.s32 $0xFFFFFFF0  }
0x1d0: {  	s2 =	sshll.u32 @p1 s8, $0xE;
	s7 =	rddreg [dreg:$0x3]  }
0x1d1: {  	s0 =	sadd.s32 @p1 $0x15C3C, s2;
	s2 =	sshll.u32 @p1 s7, $0x11  }
0x1d2: {  	_ =	sfence.stream.spmem;
	s0 =	sor.u32 @p1 s2, s0  }
0x1d3: {  	[sflag:s0] =	ssyncadd.remote.s32 @p1 $0x1;
	s0 =	simm.s32 @p1 $0x4  }
0x1d4: {  	s3 =	simm.s32 @!p1 $0x3C;
	s2 =	sand.u32 $0xFFFFFFFE, s8;
	_ =	swait.ge @p1 [sflag:s0], $0x22  }
0x1d5: {  	s4 =	simm.s32 @!p1 $0x0;
	s2 =	sadd.s32 @!p1 $0x4, s2;
	[sflag:s0] =	ssyncset.done @p1 $0x0  }
0x1d6: {  	s5 =	simm.s32 @!p1 $0x100;
	[sflag:s0] =	ssyncadd.s32 @p1 $0xFFFFFFDE;
	s0 =	sshll.u32 @!p1 s2, $0x1A  }
0x1d7: {  	s2 =	sshll.u32 @!p1 s2, $0xD;
	s0 =	sor.u32 @!p1 s0, s7;
	_ =	swait.eq @!p1 [sflag:s3], $0x1  }
0x1d8: {  	s2 =	sor.u32 @!p1 $0x1C04, s2;
	s3 =	simm.s32 @!p1 $0x1C03;
	s0 =	sor.u32 @!p1 $0x80004000, s0  }
0x1d9: {  	[spmem:s5], [sflag:s2] =	dma.general @!p1 [spmem:s4], [sflag:s3], length:$0x20, [dreg:$0x0], stride_count:$0x0, ici_dest:s0, dma_misc:DstOpCode:WRITE  }
0x1da: {  	p2 =	slt.s32 s9, $0x2;
	s4 =	simm.s32 @!p1 $0x200;
	s5 =	simm.s32 @!p1 $0x202  }
0x1db: {  	[spmem:s5], [sflag:s2] =	dma.general @!p1 [spmem:s4], [sflag:s3], length:$0x2, [dreg:$0x0], stride_count:$0x0, ici_dest:s0, dma_misc:DstOpCode:WRITE  }
.Ltmp27:
0x1dc: {  	s0 =	simm.s32 @!p1 $0x3;
	(pc) =	sbr.rel @p2 .LBB2_38-.Ltmp27, $4  }
0x1dd: {  	s2 =	sshll.u32 @!p1 s8, $0xE;
	_ =	swait.ge @!p1 [sflag:s0], $0x22  }
0x1de: {  	s3 =	sshll.u32 @!p1 s7, $0x11;
	s2 =	sadd.s32 @!p1 $0x11C3C, s2;
	[sflag:s0] =	ssyncset.done @!p1 $0x0  }
0x1df: {  	[sflag:s0] =	ssyncadd.s32 @!p1 $0xFFFFFFDE;
	s0 =	sor.u32 @!p1 s3, s2  }
0x1e0: {  	[sflag:s0] =	ssyncadd.remote.s32 @!p1 $0xFFFFFFFF;
	s0 =	simm.s32 $0x0  }
0x1e1: {  	s0 =	simm.s32 $0xF219  }
0x1e2: {  	v0 =	vld.msk [tilespmem:s0+$0x0], $0x1;
	_ =	sdelay $0x4  }
0x1e3: {  	(v2sf) =	vpush v0, $0x0;
	_ =	sdelay $0xb  }
0x1e4: {  	s31 =	sadd.s32 $0xFFFFFFFE, s6  }
0x1e5: {  	s0 =	sadd.s32 $0xFFFFFFFF, s31  }
0x1e6: {  	p2 =	sne.s32 s0, $0x0  }
.Ltmp28:
0x1e7: {  	s2 =	spop (v2sf);
	(pc) =	sbr.rel @!p2 .LBB2_37-.Ltmp28, $4  }
0x1e8: {  	s4 =	simm.s32 $0xF2B8;
	s7 =	simm.s32 $0x0;
	p1 =	sgt.u32 s2, $0x4E1FF0  }
0x1e9: {  	s5 =	simm.s32 $0x0;
	s6 =	simm.s32 $0xF21A;
	s3 =	sand.u32 @!p1 $0x7FFFF8, s2  }
0x1ea: {  	s2 =	sand.u32 @!p1 $0x7, s2;
	s7 =	simm.s32 @!p1 $0x200;
	s3 =	sadd.s32 @!p1 s1, s3  }
0x1eb: {  	[hbm4b:s3+s2] =	stream.linear.scatter @!p1 [tilespmem:s4], [sflag:$0x5], $0x80, $0x38;
	[tilespmem:$0x1F6F8] =	vst v63  }
.LBB2_36:
0x1ec: {  	v0 =	vld.msk [tilespmem:s6+$0x0], $0x1;
	s0 =	sadd.s32 $0xFFFFFFFF, s0;
	s5 =	sadd.s32 s5, s7  }
0x1ed: {  	p1 =	sne.s32 s0, $0x0;
	_ =	sdelay $0x3  }
0x1ee: {  	(v2sf) =	vpush v0, $0x0;
	_ =	sdelay $0xe  }
.Ltmp29:
0x1ef: {  	s2 =	spop (v2sf);
	(pc) =	sbr.rel @p1 .LBB2_36-.Ltmp29, $4  }
0x1f0: {  	s7 =	simm.s32 $0x0;
	p2 =	sgt.u32 s2, $0x4E1FF0  }
0x1f1: {  	s4 =	sadd.s32 $0x80, s4;
	s7 =	simm.s32 @!p2 $0x200;
	s3 =	sand.u32 @!p2 $0x7FFFF8, s2  }
0x1f2: {  	s6 =	sadd.s32 $0x1, s6;
	s2 =	sand.u32 @!p2 $0x7, s2;
	s3 =	sadd.s32 @!p2 s1, s3  }
0x1f3: {  	[hbm4b:s3+s2] =	stream.linear.scatter @!p2 [tilespmem:s4], [sflag:$0x5], $0x80, $0x38;
	[tilespmem:$0x1F6F8] =	vst v63  }
.LBB2_37:
0x1f4: {  	s0 =	sadd.s32 s5, s7  }
0x1f5: {  	s0 =	sshrl.u32 s0, $0x2  }
.LBB2_38:
0x1f6: {  	s2 =	simm.s32 $0x5  }
0x1f7: {  	_ =	swait.ge [sflag:s2], s0  }
0x1f8: {  	s31 =	ssub.s32 $0x0, s0;
	[sflag:s2] =	ssyncset.done $0x0  }
0x1f9: {  	[sflag:s2] =	ssyncadd.s32 s31  }
0x1fa: {  	[sflag:s2] =	ssyncpa.u1 $0x1  }
.LBB2_39:
0x1fb: {  	s0 =	sor.u32 s15, s16  }
0x1fc: {  	p1 =	sne.s32 s0, $0x0  }
.Ltmp30:
0x1fd: {  	_ = 	snop;
	(pc) =	sbr.rel @p1 .LBB2_54-.Ltmp30, $3  }
0x1fe: {  	_ =	sdelay $0x1  }
0x1ff: {  	[bflag:$0x0] =	sbarrier.arrive $0xFFFF  }
0x200: {  	_ =	sfence  }
0x201: {  	s0 =	simm.s32 $0x7  }
0x202: {  	s2 =	simm.s32 $0x1000;
	s3 =	simm.s32 $0xF218;
	[sflag:s0] =	ssyncpa.u1 $0x0  }
0x203: {  	[tilespmem:s3], [sflag:$0x7] =	stream.linear.gather [spmem:s2], $0x20, $0x38;
	[tilespmem:$0x1F6F8] =	vst v63  }
0x204: {  	s30 =	simm.s32 $0xF238;
	s2 =	simm.s32 $0x0  }
0x205: {  	[tilespmem:s30], [sflag:$0x7] =	stream.linear.gather [spmem:s2], $0x1000, $0x38;
	[tilespmem:$0x1F6F8] =	vst v63  }
.Ltmp31:
0x206: {  	_ = 	snop;
	(pc) =	sbr.rel .LBB2_41-.Ltmp31, $4  }
0x207: {  	_ =	swait.ge [sflag:s0], $0x1020  }
0x208: {  	[sflag:s0] =	ssyncset.done $0x0  }
0x209: {  	s31 =	simm.s32 $0x8;
	[sflag:s0] =	ssyncadd.s32 $0xFFFFEFE0  }
0x20a: {  	s3 =	simm.s32 $0x0;
	[sflag:s31] =	ssyncpa.u1 $0x0  }
.LBB2_47:
0x20b: {  	p1 =	slt.u32 s4, $0x4E1FF1  }
0x20c: {  	s0 =	sand.u32 @p1 $0x7FFFF8, s4  }
0x20d: {  	s4 =	sand.u32 @p1 $0x7, s4;
	s5 =	simm.s32 @p1 $0xF188;
	s0 =	sadd.s32 @p1 s1, s0  }
0x20e: {  	[tilespmem:s5], [sflag:$0x8] =	stream.linear.gather @p1 [hbm4b:s0+s4], $0x80, $0x38;
	[tilespmem:$0x1F6F8] =	vst v63  }
0x20f: {  	s0 =	simm.s32 @p1 $0x8  }
0x210: {  	_ =	swait.ge @p1 [sflag:s0], $0x80  }
0x211: {  	[sflag:s0] =	ssyncset.done @p1 $0x0  }
0x212: {  	[sflag:s0] =	ssyncadd.s32 @p1 $0xFFFFFF80  }
0x213: {  	v1 =	vld @p1 [tilespmem:$0xF188];
	_ =	sdelay $0x2  }
0x214: {  	s0 =	sshll.u32 @p1 s3, $0x9  }
0x215: {  	s4 =	sshrl.u32 @p1 s0, $0x2  }
0x216: {  	[tilespmem:s4+$0xF238] =	vst.add.f32.msk @p1 $0xffff, v1  }
0x217: {  	v1 =	vld @p1 [tilespmem:$0xF198];
	_ =	sdelay $0x4  }
0x218: {  	[tilespmem:s4+$0xF248] =	vst.add.f32.msk @p1 $0xffff, v1  }
0x219: {  	v1 =	vld @p1 [tilespmem:$0xF1A8];
	_ =	sdelay $0x4  }
0x21a: {  	[tilespmem:s4+$0xF258] =	vst.add.f32.msk @p1 $0xffff, v1  }
0x21b: {  	v1 =	vld @p1 [tilespmem:$0xF1B8];
	_ =	sdelay $0x4  }
0x21c: {  	[tilespmem:s4+$0xF268] =	vst.add.f32.msk @p1 $0xffff, v1  }
0x21d: {  	v1 =	vld @p1 [tilespmem:$0xF1C8];
	_ =	sdelay $0x4  }
0x21e: {  	[tilespmem:s4+$0xF278] =	vst.add.f32.msk @p1 $0xffff, v1  }
0x21f: {  	v1 =	vld @p1 [tilespmem:$0xF1D8];
	_ =	sdelay $0x4  }
0x220: {  	[tilespmem:s4+$0xF288] =	vst.add.f32.msk @p1 $0xffff, v1  }
0x221: {  	v1 =	vld @p1 [tilespmem:$0xF1E8];
	_ =	sdelay $0x4  }
0x222: {  	[tilespmem:s4+$0xF298] =	vst.add.f32.msk @p1 $0xffff, v1  }
0x223: {  	v1 =	vld @p1 [tilespmem:$0xF1F8];
	_ =	sdelay $0x3  }
0x224: {  	s5 =	sshll.u32 @!p1 s3, $0x9  }
0x225: {  	s5 =	smov.u32 @p1 s0;
	[tilespmem:s4+$0xF2A8] =	vst.add.f32.msk @p1 $0xffff, v1  }
0x226: {  	s0 =	sshrl.u32 s5, $0x2;
	[tilespmem:s2+$0xF218] =	vst.msk $0x1, v0  }
0x227: {  	v0 =	vld [tilespmem:s0+$0xF238];
	_ =	sdelay $0x2  }
0x228: {  	s31 =	sshll.u32 s2, $0x9  }
0x229: {  	s4 =	sshra.s32 s31, $0x2  }
0x22a: {  	[tilespmem:s4+$0xF238] =	vst v0  }
0x22b: {  	v0 =	vld [tilespmem:s0+$0xF248];
	_ =	sdelay $0x4  }
0x22c: {  	[tilespmem:s4+$0xF248] =	vst v0  }
0x22d: {  	v0 =	vld [tilespmem:s0+$0xF258];
	_ =	sdelay $0x4  }
0x22e: {  	[tilespmem:s4+$0xF258] =	vst v0  }
0x22f: {  	v0 =	vld [tilespmem:s0+$0xF268];
	_ =	sdelay $0x4  }
0x230: {  	[tilespmem:s4+$0xF268] =	vst v0  }
0x231: {  	v0 =	vld [tilespmem:s0+$0xF278];
	_ =	sdelay $0x4  }
0x232: {  	[tilespmem:s4+$0xF278] =	vst v0  }
0x233: {  	v0 =	vld [tilespmem:s0+$0xF288];
	_ =	sdelay $0x4  }
0x234: {  	[tilespmem:s4+$0xF288] =	vst v0  }
0x235: {  	v0 =	vld [tilespmem:s0+$0xF298];
	_ =	sdelay $0x4  }
0x236: {  	[tilespmem:s4+$0xF298] =	vst v0  }
0x237: {  	v0 =	vld [tilespmem:s0+$0xF2A8];
	_ =	sdelay $0x4  }
0x238: {  	s2 =	sadd.s32 $0x1, s2;
	[tilespmem:s4+$0xF2A8] =	vst v0  }
.LBB2_48:
0x239: {  	s3 =	sadd.s32 $0x1, s3  }
0x23a: {  	p1 =	sne.s32 s3, $0x20  }
.Ltmp32:
0x23b: {  	_ = 	snop;
	(pc) =	sbr.rel @!p1 .LBB2_49-.Ltmp32, $1  }
0x23c: {  	_ =	sdelay $0x3  }
.LBB2_41:
0x23d: {  	v0 =	vld.msk [tilespmem:s3+$0xF218], $0x1;
	_ =	sdelay $0x4  }
0x23e: {  	(v2sf) =	vpush v0, $0x0;
	_ =	sdelay $0xe  }
0x23f: {  	s4 =	spop (v2sf)  }
0x240: {  	p1 =	seq.s32 s4, $0xFFFFFFFF  }
.Ltmp33:
0x241: {  	_ = 	snop;
	(pc) =	sbr.rel @p1 .LBB2_48-.Ltmp33, $1  }
0x242: {  	_ =	sdelay $0x3  }
0x243: {  	p1 =	slt.s32 s2, $0x1  }
.Ltmp34:
0x244: {  	_ = 	snop;
	(pc) =	sbr.rel @p1 .LBB2_47-.Ltmp34, $1  }
0x245: {  	_ =	sdelay $0x3  }
0x246: {  	s5 =	simm.s32 $0xF218;
	p1 =	por $0x0, $0x0  }
0x247: {  	v1 =	vld.msk @!p1 [tilespmem:s5+$0x0], $0x1;
	_ =	sdelay $0x4  }
0x248: {  	(v2sf) =	vpush @!p1 v1, $0x0;
	_ =	sdelay $0xd  }
0x249: {  	p3 =	sne.s32 s2, $0x1  }
.Ltmp35:
0x24a: {  	s0 =	spop @!p1 (v2sf);
	(pc) =	sbr.rel @!p3 .LBB2_45-.Ltmp35, $4  }
0x24b: {  	p2 =	seq.s32 @!p1 s4, s0  }
0x24c: {  	s6 =	simm.s32 $0x0;
	p2 =	por !p2, p1  }
0x24d: {  	s7 =	simm.s32 $0xFFFFFFFF;
	s6 =	simm.s32 @p2 $0xFFFFFFFF  }
0x24e: {  	s0 =	simm.s32 $0x1;
	s6 =	smov.u32 @p1 s7  }
.LBB2_44:
0x24f: {  	s7 =	smov.u32 s6;
	p1 =	sne.s32 s6, $0xFFFFFFFF  }
0x250: {  	s5 =	sadd.s32 $0x1, s5;
	s6 =	smov.u32 s0;
	s0 =	sadd.s32 $0x1, s0  }
0x251: {  	p2 =	sne.s32 s2, s0;
	v1 =	vld.msk @!p1 [tilespmem:s5+$0x0], $0x1;
	_ =	sdelay $0x4  }
0x252: {  	(v2sf) =	vpush @!p1 v1, $0x0;
	_ =	sdelay $0xe  }
.Ltmp36:
0x253: {  	s8 =	spop @!p1 (v2sf);
	(pc) =	sbr.rel @p2 .LBB2_44-.Ltmp36, $4  }
0x254: {  	p3 =	seq.s32 @!p1 s4, s8  }
0x255: {  	p3 =	por !p3, p1  }
0x256: {  	s6 =	simm.s32 @p3 $0xFFFFFFFF  }
0x257: {  	s6 =	smov.u32 @p1 s7  }
.LBB2_45:
0x258: {  	p1 =	seq.s32 s6, $0xFFFFFFFF  }
.Ltmp37:
0x259: {  	_ = 	snop;
	(pc) =	sbr.rel @p1 .LBB2_47-.Ltmp37, $1  }
0x25a: {  	_ =	sdelay $0x3  }
0x25b: {  	s0 =	sshll.u32 s3, $0x7  }
0x25c: {  	s0 =	sand.u32 $0x3FFFFF80, s0  }
0x25d: {  	v0 =	vld [tilespmem:s0+$0xF238];
	_ =	sdelay $0x2  }
0x25e: {  	s4 =	sshll.u32 s6, $0x9  }
0x25f: {  	s4 =	sshra.s32 s4, $0x2  }
0x260: {  	[tilespmem:s4+$0xF238] =	vst.add.f32.msk $0xffff, v0  }
0x261: {  	v0 =	vld [tilespmem:s0+$0xF248];
	_ =	sdelay $0x4  }
0x262: {  	[tilespmem:s4+$0xF248] =	vst.add.f32.msk $0xffff, v0  }
0x263: {  	v0 =	vld [tilespmem:s0+$0xF258];
	_ =	sdelay $0x4  }
0x264: {  	[tilespmem:s4+$0xF258] =	vst.add.f32.msk $0xffff, v0  }
0x265: {  	v0 =	vld [tilespmem:s0+$0xF268];
	_ =	sdelay $0x4  }
0x266: {  	[tilespmem:s4+$0xF268] =	vst.add.f32.msk $0xffff, v0  }
0x267: {  	v0 =	vld [tilespmem:s0+$0xF278];
	_ =	sdelay $0x4  }
0x268: {  	[tilespmem:s4+$0xF278] =	vst.add.f32.msk $0xffff, v0  }
0x269: {  	v0 =	vld [tilespmem:s0+$0xF288];
	_ =	sdelay $0x4  }
0x26a: {  	[tilespmem:s4+$0xF288] =	vst.add.f32.msk $0xffff, v0  }
0x26b: {  	v0 =	vld [tilespmem:s0+$0xF298];
	_ =	sdelay $0x4  }
0x26c: {  	[tilespmem:s4+$0xF298] =	vst.add.f32.msk $0xffff, v0  }
0x26d: {  	v0 =	vld [tilespmem:s0+$0xF2A8]  }
.Ltmp38:
0x26e: {  	_ = 	snop;
	(pc) =	sbr.rel .LBB2_48-.Ltmp38, $2  }
0x26f: {  	_ =	sdelay $0x2  }
0x270: {  	[tilespmem:s4+$0xF2A8] =	vst.add.f32.msk $0xffff, v0  }
.LBB2_49:
0x271: {  	p1 =	slt.s32 s2, $0x1  }
.Ltmp39:
0x272: {  	_ = 	snop;
	(pc) =	sbr.rel @p1 .LBB2_53-.Ltmp39, $3  }
0x273: {  	_ =	sdelay $0x1  }
0x274: {  	s0 =	simm.s32 $0x8  }
0x275: {  	s3 =	simm.s32 $0x0;
	[sflag:s0] =	ssyncpa.u1 $0x1  }
0x276: {  	s0 =	simm.s32 $0xF218  }
0x277: {  	v0 =	vld.msk [tilespmem:s0+$0x0], $0x1;
	_ =	sdelay $0x4  }
0x278: {  	(v2sf) =	vpush v0, $0x0;
	_ =	sdelay $0xe  }
0x279: {  	s0 =	sadd.s32 $0xFFFFFFFF, s2;
	s5 =	spop (v2sf)  }
0x27a: {  	p2 =	sne.s32 s0, $0x0;
	p1 =	sgt.u32 s5, $0x4E1FF0  }
.Ltmp40:
0x27b: {  	s6 =	sand.u32 @!p1 $0x7FFFF8, s5;
	(pc) =	sbr.rel @!p2 .LBB2_52-.Ltmp40, $4  }
0x27c: {  	s4 =	simm.s32 $0xF238;
	s5 =	sand.u32 @!p1 $0x7, s5;
	s2 =	sadd.s32 @!p1 s1, s6  }
0x27d: {  	[hbm4b:s2+s5] =	stream.linear.scatter @!p1 [tilespmem:s4], [sflag:$0x7], $0x80, $0x38;
	[tilespmem:$0x1F6F8] =	vst v63  }
0x27e: {  	s5 =	simm.s32 $0x0  }
0x27f: {  	s2 =	simm.s32 $0xF219;
	s5 =	simm.s32 @!p1 $0x200  }
.LBB2_51:
0x280: {  	v0 =	vld.msk [tilespmem:s2+$0x0], $0x1;
	s0 =	sadd.s32 $0xFFFFFFFF, s0;
	s3 =	sadd.s32 s3, s5  }
0x281: {  	p1 =	sne.s32 s0, $0x0;
	_ =	sdelay $0x3  }
0x282: {  	(v2sf) =	vpush v0, $0x0;
	_ =	sdelay $0xe  }
.Ltmp41:
0x283: {  	s6 =	spop (v2sf);
	(pc) =	sbr.rel @p1 .LBB2_51-.Ltmp41, $4  }
0x284: {  	s5 =	simm.s32 $0x0;
	p2 =	sgt.u32 s6, $0x4E1FF0  }
0x285: {  	s4 =	sadd.s32 $0x80, s4;
	s5 =	simm.s32 @!p2 $0x200;
	s7 =	sand.u32 @!p2 $0x7FFFF8, s6  }
0x286: {  	s2 =	sadd.s32 $0x1, s2;
	s6 =	sand.u32 @!p2 $0x7, s6;
	s7 =	sadd.s32 @!p2 s1, s7  }
0x287: {  	[hbm4b:s7+s6] =	stream.linear.scatter @!p2 [tilespmem:s4], [sflag:$0x7], $0x80, $0x38;
	[tilespmem:$0x1F6F8] =	vst v63  }
.LBB2_52:
0x288: {  	s0 =	sadd.s32 s3, s5  }
0x289: {  	s3 =	sshrl.u32 s0, $0x2  }
.LBB2_53:
0x28a: {  	s0 =	simm.s32 $0x7  }
0x28b: {  	_ =	swait.ge [sflag:s0], s3  }
0x28c: {  	s1 =	ssub.s32 $0x0, s3;
	[sflag:s0] =	ssyncset.done $0x0  }
0x28d: {  	[sflag:s0] =	ssyncadd.s32 s1  }
0x28e: {  	[sflag:s0] =	ssyncpa.u1 $0x1  }
.LBB2_54:
0x28f: {  	_ =	sfence;
	s0 =	simm.s32 $0x1  }
0x290: {  	[sflag:s0] =	ssyncpa.u1 $0x1  }
0x291: {  	_ =	strace $0x9000004D  }
0x292: {  	[bflag:$0x2] =	sbarrier.arrive $0xFFFF  }
0x293: {  	s0 =	rddreg [dreg:$0x4]  }
0x294: {  	s0 =	sadd.s32 @!p0 $0x100000, s0  }
0x295: {  	[sflag:s0] =	ssyncadd.tile.s32 @!p0 $0x1;
	_ =	shalt  }
.Lfunc_end2:
_tile_overlayer_lowered:
.L_overlay_start_2:
0x296: {  	(tag) =	ssettag $0x2  }
0x297: {  	s0 =	rddreg [dreg:$0x0];
	s2 =	stileid.u32  }
0x298: {  	s1 =	rddreg [dreg:$0x1];
	p0 =	sne.s32 s2, $0x0  }
0x299: {  	s3 =	rddreg [dreg:$0x2];
	[bflag:$0x3] =	sbarrier.arrive $0xFFFF;
	s2 =	simm.s32 @!p0 $0x1C01  }
0x29a: {  	[timem:s3], [sflag:s2] =	dma.local @!p0 [hbm:s0], s1  }
0x29b: {  	s0 =	simm.s32 @!p0 $0x1  }
0x29c: {  	_ =	swait.ge @!p0 [sflag:s0], s1  }
0x29d: {  	s1 =	ssub.s32 @!p0 $0x0, s1;
	[sflag:s0] =	ssyncset.done @!p0 $0x0  }
0x29e: {  	[sflag:s0] =	ssyncadd.s32 @!p0 s1  }
0x29f: {  	[bflag:$0x3] =	sbarrier.arrive $0xFFFF  }
0x2a0: {  	_ =	shalt  }

</sc_bundles>
